<compile_context>
chip_gen: v7x
topology: tpu7x:2x2x1
jax: 0.10.2.dev20260603
libtpu: 0.0.44.dev20260713+nightly
codegen_flags: <defaults>
</compile_context>

<pallas_src>
import functools

import jax
import jax.numpy as jnp
from jax import lax
from jax.experimental import pallas as pl
from jax.experimental.pallas import tpu as pltpu
from jax.experimental.pallas import tpu_sc as plsc

B, C, H, W = 8, 3, 512, 512
N = 600
GH = GW = 31
NLANE = 128
NT = 5
NTILES = 32
TH = 544
TCP = 5
CHUNK = 64
NROWS_TBL = B * C * 2 * TCP * TH * 2
NUNITS = NT * B * C
YROWS = C * GH * GW
YCOLS = NT * B * NLANE

_BC_STRIDE = 2 * TCP * TH * 2


def _table_body(img_ref, out_ref):
    img = img_ref[0]
    p = jnp.pad(img, ((1, 1), (1, 1)))
    a = ((p[0:513, 0:513] + p[0:513, 1:514]) + p[1:514, 0:513]) + p[1:514, 1:514]
    s = 0.25 * a
    s0 = jnp.pad(s, ((15, 16), (15, 112)))
    s1 = jnp.pad(s, ((15, 16), (47, 80)))
    for t in range(TCP):
        out_ref[0, 0, t] = s0[:, t * 128:(t + 1) * 128]
        out_ref[0, 1, t] = s1[:, t * 128:(t + 1) * 128]


def _build_table(images):
    imgs = images.reshape(B * C, H, W)
    tab = pl.pallas_call(
        _table_body,
        grid=(B * C,),
        in_specs=[pl.BlockSpec((1, H, W), lambda i: (i, 0, 0))],
        out_specs=pl.BlockSpec((1, 2, TCP, TH, 128), lambda i: (i, 0, 0, 0, 0)),
        out_shape=jax.ShapeDtypeStruct((B * C, 2, TCP, TH, 128), jnp.float32),
    )(imgs)
    return tab.reshape(NROWS_TBL, CHUNK)


def _sc_body(table_hbm, psp_hbm, pp_hbm, out_hbm, sp_v, p_v, idx0_v, idx1_v,
             idx2_v, stage0_v, stage1_v, stage2_v, ost0_v, ost1_v, ost2_v,
             sem_g0, sem_g1, sem_g2, sem_o0, sem_o1, sem_o2, sem_p):
    wid = lax.axis_index("s") * 2 + lax.axis_index("c")
    idx_b = (idx0_v, idx1_v, idx2_v)
    stage_b = (stage0_v, stage1_v, stage2_v)
    ost_b = (ost0_v, ost1_v, ost2_v)
    sem_gb = (sem_g0, sem_g1, sem_g2)
    sem_ob = (sem_o0, sem_o1, sem_o2)

    def unit_body(k, _):
        u = wid + NTILES * k

        @pl.when(u < NUNITS)
        def _():
            pair = (u * 43691) >> 17
            c = u - pair * 3
            t = pair >> 3
            b = pair - (t << 3)
            col0 = t * (B * NLANE) + b * NLANE
            cterm = c * _BC_STRIDE

            cp_sp = pltpu.async_copy(psp_hbm.at[pair], sp_v, sem_p)
            cp_p = pltpu.async_copy(pp_hbm.at[pair], p_v, sem_p)
            cp_sp.wait()
            cp_p.wait()

            def build_idx(i, par):
                for v in range(NLANE // 16):
                    idx_b[par][pl.ds(16 * v, 16)] = (
                        sp_v[pl.ds(16 * v, 16)] + (cterm + i * 2)
                    )

            def start_gather(par):
                return pltpu.async_copy(
                    table_hbm.at[idx_b[par]], stage_b[par], sem_gb[par]
                )

            def extract(par):
                @plsc.parallel_loop(0, GW, unroll=4)
                def j_body(j):
                    for v in range(NLANE // 16):
                        rowv = lax.iota(jnp.int32, 16) + (16 * v)
                        colv = p_v[pl.ds(16 * v, 16)] + j
                        vec = plsc.load_gather(stage_b[par], [rowv, colv])
                        ost_b[par][j, pl.ds(16 * v, 16)] = vec

            def start_out(i, par):
                r0 = (c * GH + i) * GW
                return pltpu.async_copy(
                    ost_b[par],
                    out_hbm.at[pl.ds(r0, GW), pl.ds(col0, NLANE)],
                    sem_ob[par],
                )

            def wait_gather(par):
                pltpu.make_async_copy(
                    table_hbm.at[idx_b[par]], stage_b[par], sem_gb[par]
                ).wait()

            def wait_out(i, par):
                r0 = (c * GH + i) * GW
                pltpu.make_async_copy(
                    ost_b[par],
                    out_hbm.at[pl.ds(r0, GW), pl.ds(col0, NLANE)],
                    sem_ob[par],
                ).wait()

            build_idx(0, 0)
            start_gather(0)
            build_idx(1, 1)
            start_gather(1)

            def triple_body(i3, _):
                i0 = 3 * i3
                for s in range(3):
                    i = i0 + s
                    q = s
                    qn = (s + 2) % 3

                    @pl.when(i + 2 <= GH - 1)
                    def _():
                        build_idx(i + 2, qn)
                        start_gather(qn)

                    wait_gather(q)

                    @pl.when(i3 >= 1)
                    def _():
                        wait_out(i - 3, q)

                    extract(q)
                    start_out(i, q)
                return 0

            lax.fori_loop(0, GH // 3, triple_body, 0)
            wait_gather(0)
            wait_out(GH - 4, 0)
            extract(0)
            start_out(GH - 1, 0)
            wait_out(GH - 3, 1)
            wait_out(GH - 2, 2)
            wait_out(GH - 1, 0)

        return 0

    lax.fori_loop(0, (NUNITS + NTILES - 1) // NTILES, unit_body, 0)


def _sc_gather(table, psp, pp):
    mesh = plsc.VectorSubcoreMesh(core_axis_name="c", subcore_axis_name="s")
    fn = functools.partial(
        pl.kernel,
        out_type=jax.ShapeDtypeStruct((YROWS, YCOLS), jnp.float32),
        mesh=mesh,
        scratch_types=[
            pltpu.VMEM((NLANE,), jnp.int32),
            pltpu.VMEM((NLANE,), jnp.int32),
            pltpu.VMEM((NLANE,), jnp.int32),
            pltpu.VMEM((NLANE,), jnp.int32),
            pltpu.VMEM((NLANE,), jnp.int32),
            pltpu.VMEM((NLANE, CHUNK), jnp.float32),
            pltpu.VMEM((NLANE, CHUNK), jnp.float32),
            pltpu.VMEM((NLANE, CHUNK), jnp.float32),
            pltpu.VMEM((GW, NLANE), jnp.float32),
            pltpu.VMEM((GW, NLANE), jnp.float32),
            pltpu.VMEM((GW, NLANE), jnp.float32),
            pltpu.SemaphoreType.DMA,
            pltpu.SemaphoreType.DMA,
            pltpu.SemaphoreType.DMA,
            pltpu.SemaphoreType.DMA,
            pltpu.SemaphoreType.DMA,
            pltpu.SemaphoreType.DMA,
            pltpu.SemaphoreType.DMA,
        ],
        compiler_params=pltpu.CompilerParams(
            use_tc_tiling_on_sc=False, needs_layout_passes=False
        ),
    )(_sc_body)
    return fn(table, psp, pp)


def kernel(images, anc_bases):
    xy = anc_bases[:, :, :2]
    cen = (xy + xy) // 2.0
    cxi = cen[..., 0].astype(jnp.int32)
    cyi = cen[..., 1].astype(jnp.int32)
    selv = ((cxi & 63) >= 34).astype(jnp.int32)
    u = cxi + 32 * selv
    c64 = u >> 6
    p = u & 63
    tch = c64 >> 1
    h = c64 & 1
    bidx = jnp.arange(B, dtype=jnp.int32)[:, None]
    sp = (bidx * (C * _BC_STRIDE) + selv * (TCP * TH * 2)
          + tch * (TH * 2) + cyi * 2 + h)
    psp = jnp.pad(sp, ((0, 0), (0, NT * NLANE - N))).reshape(
        B, NT, NLANE).transpose(1, 0, 2).reshape(NT * B, NLANE)
    pp = jnp.pad(p, ((0, 0), (0, NT * NLANE - N))).reshape(
        B, NT, NLANE).transpose(1, 0, 2).reshape(NT * B, NLANE)

    table = _build_table(images)
    out2d = _sc_gather(table, psp, pp)
    y = out2d.reshape(C, GH, GW, NT, B, NLANE)
    rois = y.transpose(4, 3, 5, 0, 1, 2).reshape(B, NT * NLANE, C, GH, GW)[:, :N]
    return (rois, anc_bases[:, :, :2])

# --- scband reference (transcript-rebuilt; emitter-appended) ---
"""Pipeline reference for scband-corner-proposal-11330123726922 (READ-ONLY COPY).

The authoritative reference and input builder live on the scoring server;
editing this copy changes nothing except your own understanding.
"""

import jax, jax.numpy as jnp
import numpy as np

GLIMPSE_H = 31
GLIMPSE_W = 31


def _grid_sample_zeros(inp, grid):
    # inp: [B, C, H, W]; grid: [B, N, h, w, 2] normalized coords in [-1, 1],
    # bilinear, align_corners=False, padding_mode='zeros' (matches torch grid_sample).
    B, C, H, W = inp.shape
    gx = grid[..., 0]
    gy = grid[..., 1]
    ix = ((gx + 1.0) * W - 1.0) / 2.0
    iy = ((gy + 1.0) * H - 1.0) / 2.0
    ix0 = jnp.floor(ix)
    iy0 = jnp.floor(iy)
    ix1 = ix0 + 1.0
    iy1 = iy0 + 1.0
    wx1 = ix - ix0
    wx0 = 1.0 - wx1
    wy1 = iy - iy0
    wy0 = 1.0 - wy1
    bidx = jnp.arange(B).reshape(B, 1, 1, 1)

    def gather(iyf, ixf):
        valid = (ixf >= 0) & (ixf <= W - 1) & (iyf >= 0) & (iyf <= H - 1)
        iyc = jnp.clip(iyf.astype(jnp.int32), 0, H - 1)
        ixc = jnp.clip(ixf.astype(jnp.int32), 0, W - 1)
        vals = inp[bidx, :, iyc, ixc]  # [B, N, h, w, C]
        return vals * valid[..., None].astype(inp.dtype)

    out = (gather(iy0, ix0) * (wy0 * wx0)[..., None]
           + gather(iy0, ix1) * (wy0 * wx1)[..., None]
           + gather(iy1, ix0) * (wy1 * wx0)[..., None]
           + gather(iy1, ix1) * (wy1 * wx1)[..., None])
    return jnp.moveaxis(out, -1, 2)  # [B, N, C, h, w]


def _extract_glimpses(images, offsets, h, w):
    # images: [B, C, H, W]; offsets: [B, N, 2] pixel-space centers (x, y)
    Wd = images.shape[-1]
    Hd = images.shape[-2]
    xs = jnp.arange(0, w, dtype=images.dtype) - (w - 1) / 2.0
    ys = jnp.arange(0, h, dtype=images.dtype) - (h - 1) / 2.0
    vy, vx = jnp.meshgrid(ys, xs, indexing='ij')
    grid = jnp.stack([vx, vy], axis=-1)  # [h, w, 2]
    og = offsets[:, :, None, None, :] + grid[None, None, ...]  # [B, N, h, w, 2]
    denom = jnp.array([Wd / 2.0, Hd / 2.0], dtype=images.dtype)
    og = (og - denom) / denom
    return _grid_sample_zeros(images, og)


def setup_inputs(seed: int = 0) -> dict:
    key = jax.random.key(seed)
    k1, k2 = jax.random.split(key)
    images = jax.random.normal(k1, (8, 3, 512, 512), dtype=jnp.float32)
    anc_bases = jax.random.randint(k2, (8, 600, 4), 0, 512).astype(jnp.float32)
    return {"images": images, "anc_bases": anc_bases}


def reference(images, anc_bases):
    # Inference path of CornerProposal.forward (targets=None):
    # anc_centers = (xy + xy) // 2  (note: module uses [:, :, :2] twice, faithful here)
    anc_centers = (anc_bases[:, :, :2] + anc_bases[:, :, :2]) // 2
    rois = _extract_glimpses(images, anc_centers, GLIMPSE_H, GLIMPSE_W)
    # Torch returns (rois, None, None, anc_bases[:, :, :2]); Nones dropped here.
    return (rois, anc_bases[:, :, :2])

if __name__ == "__main__":
    import jax
    _d = setup_inputs()
    print(jax.jit(kernel)(*tuple(_d.values())))

</pallas_src>

<mosaic_0001>
#map = affine_map<(d0, d1) -> (0, 0)>
module attributes {stable_mosaic.version = 14 : i64} {
  func.func @_sc_body(%arg0: i32, %arg1: i32, %arg2: memref<261120x64xf32, #tpu.memory_space<hbm>>, %arg3: memref<40x128xi32, #tpu.memory_space<hbm>>, %arg4: memref<40x128xi32, #tpu.memory_space<hbm>>, %arg5: memref<2883x5120xf32, #tpu.memory_space<hbm>>, %arg6: memref<128xi32, #tpu.memory_space<vmem>>, %arg7: memref<128xi32, #tpu.memory_space<vmem>>, %arg8: memref<128xi32, #tpu.memory_space<vmem>>, %arg9: memref<128xi32, #tpu.memory_space<vmem>>, %arg10: memref<128xi32, #tpu.memory_space<vmem>>, %arg11: memref<128x64xf32, #tpu.memory_space<vmem>>, %arg12: memref<128x64xf32, #tpu.memory_space<vmem>>, %arg13: memref<128x64xf32, #tpu.memory_space<vmem>>, %arg14: memref<31x128xf32, #tpu.memory_space<vmem>>, %arg15: memref<31x128xf32, #tpu.memory_space<vmem>>, %arg16: memref<31x128xf32, #tpu.memory_space<vmem>>, %arg17: memref<!tpu.dma_semaphore, #tpu.memory_space<semaphore_mem>>, %arg18: memref<!tpu.dma_semaphore, #tpu.memory_space<semaphore_mem>>, %arg19: memref<!tpu.dma_semaphore, #tpu.memory_space<semaphore_mem>>, %arg20: memref<!tpu.dma_semaphore, #tpu.memory_space<semaphore_mem>>, %arg21: memref<!tpu.dma_semaphore, #tpu.memory_space<semaphore_mem>>, %arg22: memref<!tpu.dma_semaphore, #tpu.memory_space<semaphore_mem>>, %arg23: memref<!tpu.dma_semaphore, #tpu.memory_space<semaphore_mem>>) attributes {dimension_semantics = [#tpu.dimension_semantics<core_parallel>, #tpu.dimension_semantics<subcore_parallel>], iteration_bounds = array<i64: 2, 16>, scalar_prefetch = 0 : i64, scratch_operands = 18 : i64, tpu.core_type = #tpu.core_type<sc_vector_subcore>, window_params = [{transform_indices = #map}, {transform_indices = #map}, {transform_indices = #map}, {transform_indices = #map}]} {
    %mul3A = arith.constant 2 : i32
    %mul3A_0 = arith.muli %arg1, %mul3A : i32
    %add3A = arith.addi %mul3A_0, %arg0 : i32
    %scan3A = arith.constant 0 : i32
    %scan3A_1 = arith.constant 0 : i32
    %scan3A_2 = arith.constant 4 : i32
    %scan3A_3 = arith.addi %scan3A_1, %scan3A_2 : i32
    %scan3A_4 = arith.constant 1 : i32
    %scan3A_5 = scf.for %scan3A_7 = %scan3A_1 to %scan3A_3 step %scan3A_4 iter_args(%scan3A_8 = %scan3A) -> (i32)  : i32 {
      %mul3A_9 = arith.constant 32 : i32
      %mul3A_10 = arith.muli %mul3A_9, %scan3A_7 : i32
      %add3A_11 = arith.addi %add3A, %mul3A_10 : i32
      %lt3A = arith.constant 120 : i32
      %lt3A_12 = arith.cmpi slt, %add3A_11, %lt3A : i32
      %convert_element_type3A = arith.extui %lt3A_12 : i1 to i32
      %cond3A = arith.constant 0 : i32
      %cond3A_13 = arith.cmpi ne, %convert_element_type3A, %cond3A : i32
      scf.if %cond3A_13 {
        %mul3A_15 = arith.constant 43691 : i32
        %mul3A_16 = arith.muli %add3A_11, %mul3A_15 : i32
        %shift_right_arithmetic3A = arith.constant 17 : i32
        %shift_right_arithmetic3A_17 = arith.shrsi %mul3A_16, %shift_right_arithmetic3A : i32
        %mul3A_18 = arith.constant 3 : i32
        %mul3A_19 = arith.muli %shift_right_arithmetic3A_17, %mul3A_18 : i32
        %sub3A = arith.subi %add3A_11, %mul3A_19 : i32
        %shift_right_arithmetic3A_20 = arith.constant 3 : i32
        %shift_right_arithmetic3A_21 = arith.shrsi %shift_right_arithmetic3A_17, %shift_right_arithmetic3A_20 : i32
        %shift_left3A = arith.constant 3 : i32
        %shift_left3A_22 = arith.shli %shift_right_arithmetic3A_21, %shift_left3A : i32
        %sub3A_23 = arith.subi %shift_right_arithmetic3A_17, %shift_left3A_22 : i32
        %mul3A_24 = arith.constant 1024 : i32
        %mul3A_25 = arith.muli %shift_right_arithmetic3A_21, %mul3A_24 : i32
        %mul3A_26 = arith.constant 128 : i32
        %mul3A_27 = arith.muli %sub3A_23, %mul3A_26 : i32
        %add3A_28 = arith.addi %mul3A_25, %mul3A_27 : i32
        %mul3A_29 = arith.constant 10880 : i32
        %mul3A_30 = arith.muli %sub3A, %mul3A_29 : i32
        %dma_start3A = arith.constant 0 : i32
        %dma_start3A_31 = tpu.memref_slice %arg3[%shift_right_arithmetic3A_17, %dma_start3A] : memref<40x128xi32, #tpu.memory_space<hbm>> -> memref<1x128xi32, #tpu.memory_space<hbm>>
        %dma_start3A_32 = tpu.memref_squeeze %dma_start3A_31 : memref<1x128xi32, #tpu.memory_space<hbm>> -> memref<128xi32, #tpu.memory_space<hbm>>
        %dma_start3A_33 = arith.constant 0 : i32
        %dma_start3A_34 = tpu.memref_slice %arg3[%shift_right_arithmetic3A_17, %dma_start3A_33] : memref<40x128xi32, #tpu.memory_space<hbm>> -> memref<1x128xi32, #tpu.memory_space<hbm>>
        %dma_start3A_35 = tpu.memref_squeeze %dma_start3A_34 : memref<1x128xi32, #tpu.memory_space<hbm>> -> memref<128xi32, #tpu.memory_space<hbm>>
        tpu.enqueue_dma source(%dma_start3A_35 : memref<128xi32, #tpu.memory_space<hbm>>) target(%arg6 : memref<128xi32, #tpu.memory_space<vmem>>) target_semaphore(%arg23 : memref<!tpu.dma_semaphore, #tpu.memory_space<semaphore_mem>>)
        %dma_start3A_36 = arith.constant 0 : i32
        %dma_start3A_37 = tpu.memref_slice %arg4[%shift_right_arithmetic3A_17, %dma_start3A_36] : memref<40x128xi32, #tpu.memory_space<hbm>> -> memref<1x128xi32, #tpu.memory_space<hbm>>
        %dma_start3A_38 = tpu.memref_squeeze %dma_start3A_37 : memref<1x128xi32, #tpu.memory_space<hbm>> -> memref<128xi32, #tpu.memory_space<hbm>>
        %dma_start3A_39 = arith.constant 0 : i32
        %dma_start3A_40 = tpu.memref_slice %arg4[%shift_right_arithmetic3A_17, %dma_start3A_39] : memref<40x128xi32, #tpu.memory_space<hbm>> -> memref<1x128xi32, #tpu.memory_space<hbm>>
        %dma_start3A_41 = tpu.memref_squeeze %dma_start3A_40 : memref<1x128xi32, #tpu.memory_space<hbm>> -> memref<128xi32, #tpu.memory_space<hbm>>
        tpu.enqueue_dma source(%dma_start3A_41 : memref<128xi32, #tpu.memory_space<hbm>>) target(%arg7 : memref<128xi32, #tpu.memory_space<vmem>>) target_semaphore(%arg23 : memref<!tpu.dma_semaphore, #tpu.memory_space<semaphore_mem>>)
        %dma_wait3A = arith.constant 0 : i32
        %dma_wait3A_42 = tpu.memref_slice %arg3[%shift_right_arithmetic3A_17, %dma_wait3A] : memref<40x128xi32, #tpu.memory_space<hbm>> -> memref<1x128xi32, #tpu.memory_space<hbm>>
        %dma_wait3A_43 = tpu.memref_squeeze %dma_wait3A_42 : memref<1x128xi32, #tpu.memory_space<hbm>> -> memref<128xi32, #tpu.memory_space<hbm>>
        %dma_wait3A_44 = arith.constant 0 : i32
        %dma_wait3A_45 = tpu.memref_slice %arg3[%shift_right_arithmetic3A_17, %dma_wait3A_44] : memref<40x128xi32, #tpu.memory_space<hbm>> -> memref<1x128xi32, #tpu.memory_space<hbm>>
        %dma_wait3A_46 = tpu.memref_squeeze %dma_wait3A_45 : memref<1x128xi32, #tpu.memory_space<hbm>> -> memref<128xi32, #tpu.memory_space<hbm>>
        tpu.wait_dma2 semaphore(%arg23 : memref<!tpu.dma_semaphore, #tpu.memory_space<semaphore_mem>>) src(%dma_wait3A_46 : memref<128xi32, #tpu.memory_space<hbm>>) dst(%arg6 : memref<128xi32, #tpu.memory_space<vmem>>)
        %dma_wait3A_47 = arith.constant 0 : i32
        %dma_wait3A_48 = tpu.memref_slice %arg4[%shift_right_arithmetic3A_17, %dma_wait3A_47] : memref<40x128xi32, #tpu.memory_space<hbm>> -> memref<1x128xi32, #tpu.memory_space<hbm>>
        %dma_wait3A_49 = tpu.memref_squeeze %dma_wait3A_48 : memref<1x128xi32, #tpu.memory_space<hbm>> -> memref<128xi32, #tpu.memory_space<hbm>>
        %dma_wait3A_50 = arith.constant 0 : i32
        %dma_wait3A_51 = tpu.memref_slice %arg4[%shift_right_arithmetic3A_17, %dma_wait3A_50] : memref<40x128xi32, #tpu.memory_space<hbm>> -> memref<1x128xi32, #tpu.memory_space<hbm>>
        %dma_wait3A_52 = tpu.memref_squeeze %dma_wait3A_51 : memref<1x128xi32, #tpu.memory_space<hbm>> -> memref<128xi32, #tpu.memory_space<hbm>>
        tpu.wait_dma2 semaphore(%arg23 : memref<!tpu.dma_semaphore, #tpu.memory_space<semaphore_mem>>) src(%dma_wait3A_52 : memref<128xi32, #tpu.memory_space<hbm>>) dst(%arg7 : memref<128xi32, #tpu.memory_space<vmem>>)
        %get3A = arith.constant 0 : index
        %get3A_53 = tpu.vector_load %arg6[%get3A] {strides = array<i32>} : memref<128xi32, #tpu.memory_space<vmem>>, vector<16xi32>,
        %add3A_54 = arith.constant 0 : i32
        %add3A_55 = arith.addi %mul3A_30, %add3A_54 : i32
        %add3A_56 = vector.broadcast %add3A_55 : i32 to vector<16xi32>
        %add3A_57 = arith.addi %get3A_53, %add3A_56 : vector<16xi32>
        %swap3A = arith.constant 0 : index
        %swap3A_58 = tpu.vector_load %arg8[%swap3A] {strides = array<i32>} : memref<128xi32, #tpu.memory_space<vmem>>, vector<16xi32>,
        tpu.vector_store %arg8[%swap3A], %add3A_57 {strides = array<i32>} : memref<128xi32, #tpu.memory_space<vmem>>, vector<16xi32>,
        %get3A_59 = arith.constant 16 : index
        %get3A_60 = tpu.vector_load %arg6[%get3A_59] {strides = array<i32>} : memref<128xi32, #tpu.memory_space<vmem>>, vector<16xi32>,
        %add3A_61 = arith.constant 0 : i32
        %add3A_62 = arith.addi %mul3A_30, %add3A_61 : i32
        %add3A_63 = vector.broadcast %add3A_62 : i32 to vector<16xi32>
        %add3A_64 = arith.addi %get3A_60, %add3A_63 : vector<16xi32>
        %swap3A_65 = arith.constant 16 : index
        %swap3A_66 = tpu.vector_load %arg8[%swap3A_65] {strides = array<i32>} : memref<128xi32, #tpu.memory_space<vmem>>, vector<16xi32>,
        tpu.vector_store %arg8[%swap3A_65], %add3A_64 {strides = array<i32>} : memref<128xi32, #tpu.memory_space<vmem>>, vector<16xi32>,
        %get3A_67 = arith.constant 32 : index
        %get3A_68 = tpu.vector_load %arg6[%get3A_67] {strides = array<i32>} : memref<128xi32, #tpu.memory_space<vmem>>, vector<16xi32>,
        %add3A_69 = arith.constant 0 : i32
        %add3A_70 = arith.addi %mul3A_30, %add3A_69 : i32
        %add3A_71 = vector.broadcast %add3A_70 : i32 to vector<16xi32>
        %add3A_72 = arith.addi %get3A_68, %add3A_71 : vector<16xi32>
        %swap3A_73 = arith.constant 32 : index
        %swap3A_74 = tpu.vector_load %arg8[%swap3A_73] {strides = array<i32>} : memref<128xi32, #tpu.memory_space<vmem>>, vector<16xi32>,
        tpu.vector_store %arg8[%swap3A_73], %add3A_72 {strides = array<i32>} : memref<128xi32, #tpu.memory_space<vmem>>, vector<16xi32>,
        %get3A_75 = arith.constant 48 : index
        %get3A_76 = tpu.vector_load %arg6[%get3A_75] {strides = array<i32>} : memref<128xi32, #tpu.memory_space<vmem>>, vector<16xi32>,
        %add3A_77 = arith.constant 0 : i32
        %add3A_78 = arith.addi %mul3A_30, %add3A_77 : i32
        %add3A_79 = vector.broadcast %add3A_78 : i32 to vector<16xi32>
        %add3A_80 = arith.addi %get3A_76, %add3A_79 : vector<16xi32>
        %swap3A_81 = arith.constant 48 : index
        %swap3A_82 = tpu.vector_load %arg8[%swap3A_81] {strides = array<i32>} : memref<128xi32, #tpu.memory_space<vmem>>, vector<16xi32>,
        tpu.vector_store %arg8[%swap3A_81], %add3A_80 {strides = array<i32>} : memref<128xi32, #tpu.memory_space<vmem>>, vector<16xi32>,
        %get3A_83 = arith.constant 64 : index
        %get3A_84 = tpu.vector_load %arg6[%get3A_83] {strides = array<i32>} : memref<128xi32, #tpu.memory_space<vmem>>, vector<16xi32>,
        %add3A_85 = arith.constant 0 : i32
        %add3A_86 = arith.addi %mul3A_30, %add3A_85 : i32
        %add3A_87 = vector.broadcast %add3A_86 : i32 to vector<16xi32>
        %add3A_88 = arith.addi %get3A_84, %add3A_87 : vector<16xi32>
        %swap3A_89 = arith.constant 64 : index
        %swap3A_90 = tpu.vector_load %arg8[%swap3A_89] {strides = array<i32>} : memref<128xi32, #tpu.memory_space<vmem>>, vector<16xi32>,
        tpu.vector_store %arg8[%swap3A_89], %add3A_88 {strides = array<i32>} : memref<128xi32, #tpu.memory_space<vmem>>, vector<16xi32>,
        %get3A_91 = arith.constant 80 : index
        %get3A_92 = tpu.vector_load %arg6[%get3A_91] {strides = array<i32>} : memref<128xi32, #tpu.memory_space<vmem>>, vector<16xi32>,
        %add3A_93 = arith.constant 0 : i32
        %add3A_94 = arith.addi %mul3A_30, %add3A_93 : i32
        %add3A_95 = vector.broadcast %add3A_94 : i32 to vector<16xi32>
        %add3A_96 = arith.addi %get3A_92, %add3A_95 : vector<16xi32>
        %swap3A_97 = arith.constant 80 : index
        %swap3A_98 = tpu.vector_load %arg8[%swap3A_97] {strides = array<i32>} : memref<128xi32, #tpu.memory_space<vmem>>, vector<16xi32>,
        tpu.vector_store %arg8[%swap3A_97], %add3A_96 {strides = array<i32>} : memref<128xi32, #tpu.memory_space<vmem>>, vector<16xi32>,
        %get3A_99 = arith.constant 96 : index
        %get3A_100 = tpu.vector_load %arg6[%get3A_99] {strides = array<i32>} : memref<128xi32, #tpu.memory_space<vmem>>, vector<16xi32>,
        %add3A_101 = arith.constant 0 : i32
        %add3A_102 = arith.addi %mul3A_30, %add3A_101 : i32
        %add3A_103 = vector.broadcast %add3A_102 : i32 to vector<16xi32>
        %add3A_104 = arith.addi %get3A_100, %add3A_103 : vector<16xi32>
        %swap3A_105 = arith.constant 96 : index
        %swap3A_106 = tpu.vector_load %arg8[%swap3A_105] {strides = array<i32>} : memref<128xi32, #tpu.memory_space<vmem>>, vector<16xi32>,
        tpu.vector_store %arg8[%swap3A_105], %add3A_104 {strides = array<i32>} : memref<128xi32, #tpu.memory_space<vmem>>, vector<16xi32>,
        %get3A_107 = arith.constant 112 : index
        %get3A_108 = tpu.vector_load %arg6[%get3A_107] {strides = array<i32>} : memref<128xi32, #tpu.memory_space<vmem>>, vector<16xi32>,
        %add3A_109 = arith.constant 0 : i32
        %add3A_110 = arith.addi %mul3A_30, %add3A_109 : i32
        %add3A_111 = vector.broadcast %add3A_110 : i32 to vector<16xi32>
        %add3A_112 = arith.addi %get3A_108, %add3A_111 : vector<16xi32>
        %swap3A_113 = arith.constant 112 : index
        %swap3A_114 = tpu.vector_load %arg8[%swap3A_113] {strides = array<i32>} : memref<128xi32, #tpu.memory_space<vmem>>, vector<16xi32>,
        tpu.vector_store %arg8[%swap3A_113], %add3A_112 {strides = array<i32>} : memref<128xi32, #tpu.memory_space<vmem>>, vector<16xi32>,
        %dma_start3A_115 = arith.constant 0 : i32
        %dma_start3A_116 = arith.constant 0 : i32
        %dma_start3A_117 = tpu.memref_slice %arg2[%dma_start3A_115, %dma_start3A_116] : memref<261120x64xf32, #tpu.memory_space<hbm>> -> memref<261120x64xf32, #tpu.memory_space<hbm>>
        tpu.enqueue_indirect_dma source(%dma_start3A_117 : memref<261120x64xf32, #tpu.memory_space<hbm>>) target(%arg11 : memref<128x64xf32, #tpu.memory_space<vmem>>) offsets(%arg8 : memref<128xi32, #tpu.memory_space<vmem>>) semaphore(%arg17 : memref<!tpu.dma_semaphore, #tpu.memory_space<semaphore_mem>>)
        %get3A_118 = arith.constant 0 : index
        %get3A_119 = tpu.vector_load %arg6[%get3A_118] {strides = array<i32>} : memref<128xi32, #tpu.memory_space<vmem>>, vector<16xi32>,
        %add3A_120 = arith.constant 2 : i32
        %add3A_121 = arith.addi %mul3A_30, %add3A_120 : i32
        %add3A_122 = vector.broadcast %add3A_121 : i32 to vector<16xi32>
        %add3A_123 = arith.addi %get3A_119, %add3A_122 : vector<16xi32>
        %swap3A_124 = arith.constant 0 : index
        %swap3A_125 = tpu.vector_load %arg9[%swap3A_124] {strides = array<i32>} : memref<128xi32, #tpu.memory_space<vmem>>, vector<16xi32>,
        tpu.vector_store %arg9[%swap3A_124], %add3A_123 {strides = array<i32>} : memref<128xi32, #tpu.memory_space<vmem>>, vector<16xi32>,
        %get3A_126 = arith.constant 16 : index
        %get3A_127 = tpu.vector_load %arg6[%get3A_126] {strides = array<i32>} : memref<128xi32, #tpu.memory_space<vmem>>, vector<16xi32>,
        %add3A_128 = arith.constant 2 : i32
        %add3A_129 = arith.addi %mul3A_30, %add3A_128 : i32
        %add3A_130 = vector.broadcast %add3A_129 : i32 to vector<16xi32>
        %add3A_131 = arith.addi %get3A_127, %add3A_130 : vector<16xi32>
        %swap3A_132 = arith.constant 16 : index
        %swap3A_133 = tpu.vector_load %arg9[%swap3A_132] {strides = array<i32>} : memref<128xi32, #tpu.memory_space<vmem>>, vector<16xi32>,
        tpu.vector_store %arg9[%swap3A_132], %add3A_131 {strides = array<i32>} : memref<128xi32, #tpu.memory_space<vmem>>, vector<16xi32>,
        %get3A_134 = arith.constant 32 : index
        %get3A_135 = tpu.vector_load %arg6[%get3A_134] {strides = array<i32>} : memref<128xi32, #tpu.memory_space<vmem>>, vector<16xi32>,
        %add3A_136 = arith.constant 2 : i32
        %add3A_137 = arith.addi %mul3A_30, %add3A_136 : i32
        %add3A_138 = vector.broadcast %add3A_137 : i32 to vector<16xi32>
        %add3A_139 = arith.addi %get3A_135, %add3A_138 : vector<16xi32>
        %swap3A_140 = arith.constant 32 : index
        %swap3A_141 = tpu.vector_load %arg9[%swap3A_140] {strides = array<i32>} : memref<128xi32, #tpu.memory_space<vmem>>, vector<16xi32>,
        tpu.vector_store %arg9[%swap3A_140], %add3A_139 {strides = array<i32>} : memref<128xi32, #tpu.memory_space<vmem>>, vector<16xi32>,
        %get3A_142 = arith.constant 48 : index
        %get3A_143 = tpu.vector_load %arg6[%get3A_142] {strides = array<i32>} : memref<128xi32, #tpu.memory_space<vmem>>, vector<16xi32>,
        %add3A_144 = arith.constant 2 : i32
        %add3A_145 = arith.addi %mul3A_30, %add3A_144 : i32
        %add3A_146 = vector.broadcast %add3A_145 : i32 to vector<16xi32>
        %add3A_147 = arith.addi %get3A_143, %add3A_146 : vector<16xi32>
        %swap3A_148 = arith.constant 48 : index
        %swap3A_149 = tpu.vector_load %arg9[%swap3A_148] {strides = array<i32>} : memref<128xi32, #tpu.memory_space<vmem>>, vector<16xi32>,
        tpu.vector_store %arg9[%swap3A_148], %add3A_147 {strides = array<i32>} : memref<128xi32, #tpu.memory_space<vmem>>, vector<16xi32>,
        %get3A_150 = arith.constant 64 : index
        %get3A_151 = tpu.vector_load %arg6[%get3A_150] {strides = array<i32>} : memref<128xi32, #tpu.memory_space<vmem>>, vector<16xi32>,
        %add3A_152 = arith.constant 2 : i32
        %add3A_153 = arith.addi %mul3A_30, %add3A_152 : i32
        %add3A_154 = vector.broadcast %add3A_153 : i32 to vector<16xi32>
        %add3A_155 = arith.addi %get3A_151, %add3A_154 : vector<16xi32>
        %swap3A_156 = arith.constant 64 : index
        %swap3A_157 = tpu.vector_load %arg9[%swap3A_156] {strides = array<i32>} : memref<128xi32, #tpu.memory_space<vmem>>, vector<16xi32>,
        tpu.vector_store %arg9[%swap3A_156], %add3A_155 {strides = array<i32>} : memref<128xi32, #tpu.memory_space<vmem>>, vector<16xi32>,
        %get3A_158 = arith.constant 80 : index
        %get3A_159 = tpu.vector_load %arg6[%get3A_158] {strides = array<i32>} : memref<128xi32, #tpu.memory_space<vmem>>, vector<16xi32>,
        %add3A_160 = arith.constant 2 : i32
        %add3A_161 = arith.addi %mul3A_30, %add3A_160 : i32
        %add3A_162 = vector.broadcast %add3A_161 : i32 to vector<16xi32>
        %add3A_163 = arith.addi %get3A_159, %add3A_162 : vector<16xi32>
        %swap3A_164 = arith.constant 80 : index
        %swap3A_165 = tpu.vector_load %arg9[%swap3A_164] {strides = array<i32>} : memref<128xi32, #tpu.memory_space<vmem>>, vector<16xi32>,
        tpu.vector_store %arg9[%swap3A_164], %add3A_163 {strides = array<i32>} : memref<128xi32, #tpu.memory_space<vmem>>, vector<16xi32>,
        %get3A_166 = arith.constant 96 : index
        %get3A_167 = tpu.vector_load %arg6[%get3A_166] {strides = array<i32>} : memref<128xi32, #tpu.memory_space<vmem>>, vector<16xi32>,
        %add3A_168 = arith.constant 2 : i32
        %add3A_169 = arith.addi %mul3A_30, %add3A_168 : i32
        %add3A_170 = vector.broadcast %add3A_169 : i32 to vector<16xi32>
        %add3A_171 = arith.addi %get3A_167, %add3A_170 : vector<16xi32>
        %swap3A_172 = arith.constant 96 : index
        %swap3A_173 = tpu.vector_load %arg9[%swap3A_172] {strides = array<i32>} : memref<128xi32, #tpu.memory_space<vmem>>, vector<16xi32>,
        tpu.vector_store %arg9[%swap3A_172], %add3A_171 {strides = array<i32>} : memref<128xi32, #tpu.memory_space<vmem>>, vector<16xi32>,
        %get3A_174 = arith.constant 112 : index
        %get3A_175 = tpu.vector_load %arg6[%get3A_174] {strides = array<i32>} : memref<128xi32, #tpu.memory_space<vmem>>, vector<16xi32>,
        %add3A_176 = arith.constant 2 : i32
        %add3A_177 = arith.addi %mul3A_30, %add3A_176 : i32
        %add3A_178 = vector.broadcast %add3A_177 : i32 to vector<16xi32>
        %add3A_179 = arith.addi %get3A_175, %add3A_178 : vector<16xi32>
        %swap3A_180 = arith.constant 112 : index
        %swap3A_181 = tpu.vector_load %arg9[%swap3A_180] {strides = array<i32>} : memref<128xi32, #tpu.memory_space<vmem>>, vector<16xi32>,
        tpu.vector_store %arg9[%swap3A_180], %add3A_179 {strides = array<i32>} : memref<128xi32, #tpu.memory_space<vmem>>, vector<16xi32>,
        %dma_start3A_182 = arith.constant 0 : i32
        %dma_start3A_183 = arith.constant 0 : i32
        %dma_start3A_184 = tpu.memref_slice %arg2[%dma_start3A_182, %dma_start3A_183] : memref<261120x64xf32, #tpu.memory_space<hbm>> -> memref<261120x64xf32, #tpu.memory_space<hbm>>
        tpu.enqueue_indirect_dma source(%dma_start3A_184 : memref<261120x64xf32, #tpu.memory_space<hbm>>) target(%arg12 : memref<128x64xf32, #tpu.memory_space<vmem>>) offsets(%arg9 : memref<128xi32, #tpu.memory_space<vmem>>) semaphore(%arg18 : memref<!tpu.dma_semaphore, #tpu.memory_space<semaphore_mem>>)
        %scan3A_185 = arith.constant 0 : i32
        %scan3A_186 = arith.constant 0 : i32
        %scan3A_187 = arith.constant 10 : i32
        %scan3A_188 = arith.addi %scan3A_186, %scan3A_187 : i32
        %scan3A_189 = arith.constant 1 : i32
        %scan3A_190 = scf.for %scan3A_237 = %scan3A_186 to %scan3A_188 step %scan3A_189 iter_args(%scan3A_238 = %scan3A_185) -> (i32)  : i32 {
          %mul3A_239 = arith.constant 3 : i32
          %mul3A_240 = arith.muli %mul3A_239, %scan3A_237 : i32
          %add3A_241 = arith.constant 0 : i32
          %add3A_242 = arith.addi %mul3A_240, %add3A_241 : i32
          %add3A_243 = arith.constant 2 : i32
          %add3A_244 = arith.addi %add3A_242, %add3A_243 : i32
          %le3A = arith.constant 30 : i32
          %le3A_245 = arith.cmpi sle, %add3A_244, %le3A : i32
          %convert_element_type3A_246 = arith.extui %le3A_245 : i1 to i32
          %cond3A_247 = arith.constant 0 : i32
          %cond3A_248 = arith.cmpi ne, %convert_element_type3A_246, %cond3A_247 : i32
          scf.if %cond3A_248 {
            %add3A_321 = arith.constant 2 : i32
            %add3A_322 = arith.addi %add3A_242, %add3A_321 : i32
            %get3A_323 = arith.constant 0 : index
            %get3A_324 = tpu.vector_load %arg6[%get3A_323] {strides = array<i32>} : memref<128xi32, #tpu.memory_space<vmem>>, vector<16xi32>,
            %mul3A_325 = arith.constant 2 : i32
            %mul3A_326 = arith.muli %add3A_322, %mul3A_325 : i32
            %add3A_327 = arith.addi %mul3A_30, %mul3A_326 : i32
            %add3A_328 = vector.broadcast %add3A_327 : i32 to vector<16xi32>
            %add3A_329 = arith.addi %get3A_324, %add3A_328 : vector<16xi32>
            %swap3A_330 = arith.constant 0 : index
            %swap3A_331 = tpu.vector_load %arg10[%swap3A_330] {strides = array<i32>} : memref<128xi32, #tpu.memory_space<vmem>>, vector<16xi32>,
            tpu.vector_store %arg10[%swap3A_330], %add3A_329 {strides = array<i32>} : memref<128xi32, #tpu.memory_space<vmem>>, vector<16xi32>,
            %get3A_332 = arith.constant 16 : index
            %get3A_333 = tpu.vector_load %arg6[%get3A_332] {strides = array<i32>} : memref<128xi32, #tpu.memory_space<vmem>>, vector<16xi32>,
            %mul3A_334 = arith.constant 2 : i32
            %mul3A_335 = arith.muli %add3A_322, %mul3A_334 : i32
            %add3A_336 = arith.addi %mul3A_30, %mul3A_335 : i32
            %add3A_337 = vector.broadcast %add3A_336 : i32 to vector<16xi32>
            %add3A_338 = arith.addi %get3A_333, %add3A_337 : vector<16xi32>
            %swap3A_339 = arith.constant 16 : index
            %swap3A_340 = tpu.vector_load %arg10[%swap3A_339] {strides = array<i32>} : memref<128xi32, #tpu.memory_space<vmem>>, vector<16xi32>,
            tpu.vector_store %arg10[%swap3A_339], %add3A_338 {strides = array<i32>} : memref<128xi32, #tpu.memory_space<vmem>>, vector<16xi32>,
            %get3A_341 = arith.constant 32 : index
            %get3A_342 = tpu.vector_load %arg6[%get3A_341] {strides = array<i32>} : memref<128xi32, #tpu.memory_space<vmem>>, vector<16xi32>,
            %mul3A_343 = arith.constant 2 : i32
            %mul3A_344 = arith.muli %add3A_322, %mul3A_343 : i32
            %add3A_345 = arith.addi %mul3A_30, %mul3A_344 : i32
            %add3A_346 = vector.broadcast %add3A_345 : i32 to vector<16xi32>
            %add3A_347 = arith.addi %get3A_342, %add3A_346 : vector<16xi32>
            %swap3A_348 = arith.constant 32 : index
            %swap3A_349 = tpu.vector_load %arg10[%swap3A_348] {strides = array<i32>} : memref<128xi32, #tpu.memory_space<vmem>>, vector<16xi32>,
            tpu.vector_store %arg10[%swap3A_348], %add3A_347 {strides = array<i32>} : memref<128xi32, #tpu.memory_space<vmem>>, vector<16xi32>,
            %get3A_350 = arith.constant 48 : index
            %get3A_351 = tpu.vector_load %arg6[%get3A_350] {strides = array<i32>} : memref<128xi32, #tpu.memory_space<vmem>>, vector<16xi32>,
            %mul3A_352 = arith.constant 2 : i32
            %mul3A_353 = arith.muli %add3A_322, %mul3A_352 : i32
            %add3A_354 = arith.addi %mul3A_30, %mul3A_353 : i32
            %add3A_355 = vector.broadcast %add3A_354 : i32 to vector<16xi32>
            %add3A_356 = arith.addi %get3A_351, %add3A_355 : vector<16xi32>
            %swap3A_357 = arith.constant 48 : index
            %swap3A_358 = tpu.vector_load %arg10[%swap3A_357] {strides = array<i32>} : memref<128xi32, #tpu.memory_space<vmem>>, vector<16xi32>,
            tpu.vector_store %arg10[%swap3A_357], %add3A_356 {strides = array<i32>} : memref<128xi32, #tpu.memory_space<vmem>>, vector<16xi32>,
            %get3A_359 = arith.constant 64 : index
            %get3A_360 = tpu.vector_load %arg6[%get3A_359] {strides = array<i32>} : memref<128xi32, #tpu.memory_space<vmem>>, vector<16xi32>,
            %mul3A_361 = arith.constant 2 : i32
            %mul3A_362 = arith.muli %add3A_322, %mul3A_361 : i32
            %add3A_363 = arith.addi %mul3A_30, %mul3A_362 : i32
            %add3A_364 = vector.broadcast %add3A_363 : i32 to vector<16xi32>
            %add3A_365 = arith.addi %get3A_360, %add3A_364 : vector<16xi32>
            %swap3A_366 = arith.constant 64 : index
            %swap3A_367 = tpu.vector_load %arg10[%swap3A_366] {strides = array<i32>} : memref<128xi32, #tpu.memory_space<vmem>>, vector<16xi32>,
            tpu.vector_store %arg10[%swap3A_366], %add3A_365 {strides = array<i32>} : memref<128xi32, #tpu.memory_space<vmem>>, vector<16xi32>,
            %get3A_368 = arith.constant 80 : index
            %get3A_369 = tpu.vector_load %arg6[%get3A_368] {strides = array<i32>} : memref<128xi32, #tpu.memory_space<vmem>>, vector<16xi32>,
            %mul3A_370 = arith.constant 2 : i32
            %mul3A_371 = arith.muli %add3A_322, %mul3A_370 : i32
            %add3A_372 = arith.addi %mul3A_30, %mul3A_371 : i32
            %add3A_373 = vector.broadcast %add3A_372 : i32 to vector<16xi32>
            %add3A_374 = arith.addi %get3A_369, %add3A_373 : vector<16xi32>
            %swap3A_375 = arith.constant 80 : index
            %swap3A_376 = tpu.vector_load %arg10[%swap3A_375] {strides = array<i32>} : memref<128xi32, #tpu.memory_space<vmem>>, vector<16xi32>,
            tpu.vector_store %arg10[%swap3A_375], %add3A_374 {strides = array<i32>} : memref<128xi32, #tpu.memory_space<vmem>>, vector<16xi32>,
            %get3A_377 = arith.constant 96 : index
            %get3A_378 = tpu.vector_load %arg6[%get3A_377] {strides = array<i32>} : memref<128xi32, #tpu.memory_space<vmem>>, vector<16xi32>,
            %mul3A_379 = arith.constant 2 : i32
            %mul3A_380 = arith.muli %add3A_322, %mul3A_379 : i32
            %add3A_381 = arith.addi %mul3A_30, %mul3A_380 : i32
            %add3A_382 = vector.broadcast %add3A_381 : i32 to vector<16xi32>
            %add3A_383 = arith.addi %get3A_378, %add3A_382 : vector<16xi32>
            %swap3A_384 = arith.constant 96 : index
            %swap3A_385 = tpu.vector_load %arg10[%swap3A_384] {strides = array<i32>} : memref<128xi32, #tpu.memory_space<vmem>>, vector<16xi32>,
            tpu.vector_store %arg10[%swap3A_384], %add3A_383 {strides = array<i32>} : memref<128xi32, #tpu.memory_space<vmem>>, vector<16xi32>,
            %get3A_386 = arith.constant 112 : index
            %get3A_387 = tpu.vector_load %arg6[%get3A_386] {strides = array<i32>} : memref<128xi32, #tpu.memory_space<vmem>>, vector<16xi32>,
            %mul3A_388 = arith.constant 2 : i32
            %mul3A_389 = arith.muli %add3A_322, %mul3A_388 : i32
            %add3A_390 = arith.addi %mul3A_30, %mul3A_389 : i32
            %add3A_391 = vector.broadcast %add3A_390 : i32 to vector<16xi32>
            %add3A_392 = arith.addi %get3A_387, %add3A_391 : vector<16xi32>
            %swap3A_393 = arith.constant 112 : index
            %swap3A_394 = tpu.vector_load %arg10[%swap3A_393] {strides = array<i32>} : memref<128xi32, #tpu.memory_space<vmem>>, vector<16xi32>,
            tpu.vector_store %arg10[%swap3A_393], %add3A_392 {strides = array<i32>} : memref<128xi32, #tpu.memory_space<vmem>>, vector<16xi32>,
            %dma_start3A_395 = arith.constant 0 : i32
            %dma_start3A_396 = arith.constant 0 : i32
            %dma_start3A_397 = tpu.memref_slice %arg2[%dma_start3A_395, %dma_start3A_396] : memref<261120x64xf32, #tpu.memory_space<hbm>> -> memref<261120x64xf32, #tpu.memory_space<hbm>>
            tpu.enqueue_indirect_dma source(%dma_start3A_397 : memref<261120x64xf32, #tpu.memory_space<hbm>>) target(%arg13 : memref<128x64xf32, #tpu.memory_space<vmem>>) offsets(%arg10 : memref<128xi32, #tpu.memory_space<vmem>>) semaphore(%arg19 : memref<!tpu.dma_semaphore, #tpu.memory_space<semaphore_mem>>)
          } else {
          }
          %dma_wait3A_249 = arith.constant 0 : i32
          %dma_wait3A_250 = arith.constant 0 : i32
          %dma_wait3A_251 = tpu.memref_slice %arg2[%dma_wait3A_249, %dma_wait3A_250] : memref<261120x64xf32, #tpu.memory_space<hbm>> -> memref<261120x64xf32, #tpu.memory_space<hbm>>
          tpu.wait_indirect_dma semaphore(%arg17 : memref<!tpu.dma_semaphore, #tpu.memory_space<semaphore_mem>>) src(%dma_wait3A_251 : memref<261120x64xf32, #tpu.memory_space<hbm>>) dst(%arg11 : memref<128x64xf32, #tpu.memory_space<vmem>>)
          %ge3A = arith.constant 1 : i32
          %ge3A_252 = arith.cmpi sge, %scan3A_237, %ge3A : i32
          %convert_element_type3A_253 = arith.extui %ge3A_252 : i1 to i32
          %cond3A_254 = arith.constant 0 : i32
          %cond3A_255 = arith.cmpi ne, %convert_element_type3A_253, %cond3A_254 : i32
          scf.if %cond3A_255 {
            %sub3A_321 = arith.constant 3 : i32
            %sub3A_322 = arith.subi %add3A_242, %sub3A_321 : i32
            %mul3A_323 = arith.constant 31 : i32
            %mul3A_324 = arith.muli %sub3A, %mul3A_323 : i32
            %add3A_325 = arith.addi %mul3A_324, %sub3A_322 : i32
            %mul3A_326 = arith.constant 31 : i32
            %mul3A_327 = arith.muli %add3A_325, %mul3A_326 : i32
            %dma_wait3A_328 = tpu.memref_slice %arg5[%mul3A_327, %add3A_28] : memref<2883x5120xf32, #tpu.memory_space<hbm>> -> memref<31x128xf32, #tpu.memory_space<hbm>>
            %dma_wait3A_329 = tpu.memref_slice %arg5[%mul3A_327, %add3A_28] : memref<2883x5120xf32, #tpu.memory_space<hbm>> -> memref<31x128xf32, #tpu.memory_space<hbm>>
            tpu.wait_dma2 semaphore(%arg20 : memref<!tpu.dma_semaphore, #tpu.memory_space<semaphore_mem>>) src(%arg14 : memref<31x128xf32, #tpu.memory_space<vmem>>) dst(%dma_wait3A_329 : memref<31x128xf32, #tpu.memory_space<hbm>>)
          } else {
          }
          %parallel_loop3A_256 = arith.constant 0 : i32
          %parallel_loop3A_257 = arith.constant 31 : i32
          %parallel_loop3A_258 = arith.constant 1 : i32
          scf.for %parallel_loop3A_321 = %parallel_loop3A_256 to %parallel_loop3A_257 step %parallel_loop3A_258  : i32 {
            %parallel_loop3A_322 = tpu.iota {dimensions = array<i32: 0>} : vector<16xi32>
            %parallel_loop3A_323 = arith.constant 0 : i32
            %parallel_loop3A_324 = vector.broadcast %parallel_loop3A_323 : i32 to vector<16xi32>
            %parallel_loop3A_325 = arith.addi %parallel_loop3A_322, %parallel_loop3A_324 : vector<16xi32>
            %parallel_loop3A_326 = arith.constant 0 : index
            %parallel_loop3A_327 = tpu.vector_load %arg7[%parallel_loop3A_326] {strides = array<i32>} : memref<128xi32, #tpu.memory_space<vmem>>, vector<16xi32>,
            %parallel_loop3A_328 = vector.broadcast %parallel_loop3A_321 : i32 to vector<16xi32>
            %parallel_loop3A_329 = arith.addi %parallel_loop3A_327, %parallel_loop3A_328 : vector<16xi32>
            %parallel_loop3A_330 = tpu.vector_load_idx %arg11[%parallel_loop3A_325, %parallel_loop3A_329] : memref<128x64xf32, #tpu.memory_space<vmem>>[vector<16xi32>, vector<16xi32>], vector<16xf32>,
            %parallel_loop3A_331 = arith.index_cast %parallel_loop3A_321 : i32 to index
            %parallel_loop3A_332 = arith.constant 0 : index
            %parallel_loop3A_333 = tpu.vector_load %arg14[%parallel_loop3A_331, %parallel_loop3A_332] {strides = array<i32>} : memref<31x128xf32, #tpu.memory_space<vmem>>, vector<16xf32>,
            tpu.vector_store %arg14[%parallel_loop3A_331, %parallel_loop3A_332], %parallel_loop3A_330 {strides = array<i32>} : memref<31x128xf32, #tpu.memory_space<vmem>>, vector<16xf32>,
            %parallel_loop3A_334 = tpu.iota {dimensions = array<i32: 0>} : vector<16xi32>
            %parallel_loop3A_335 = arith.constant 16 : i32
            %parallel_loop3A_336 = vector.broadcast %parallel_loop3A_335 : i32 to vector<16xi32>
            %parallel_loop3A_337 = arith.addi %parallel_loop3A_334, %parallel_loop3A_336 : vector<16xi32>
            %parallel_loop3A_338 = arith.constant 16 : index
            %parallel_loop3A_339 = tpu.vector_load %arg7[%parallel_loop3A_338] {strides = array<i32>} : memref<128xi32, #tpu.memory_space<vmem>>, vector<16xi32>,
            %parallel_loop3A_340 = vector.broadcast %parallel_loop3A_321 : i32 to vector<16xi32>
            %parallel_loop3A_341 = arith.addi %parallel_loop3A_339, %parallel_loop3A_340 : vector<16xi32>
            %parallel_loop3A_342 = tpu.vector_load_idx %arg11[%parallel_loop3A_337, %parallel_loop3A_341] : memref<128x64xf32, #tpu.memory_space<vmem>>[vector<16xi32>, vector<16xi32>], vector<16xf32>,
            %parallel_loop3A_343 = arith.index_cast %parallel_loop3A_321 : i32 to index
            %parallel_loop3A_344 = arith.constant 16 : index
            %parallel_loop3A_345 = tpu.vector_load %arg14[%parallel_loop3A_343, %parallel_loop3A_344] {strides = array<i32>} : memref<31x128xf32, #tpu.memory_space<vmem>>, vector<16xf32>,
            tpu.vector_store %arg14[%parallel_loop3A_343, %parallel_loop3A_344], %parallel_loop3A_342 {strides = array<i32>} : memref<31x128xf32, #tpu.memory_space<vmem>>, vector<16xf32>,
            %parallel_loop3A_346 = tpu.iota {dimensions = array<i32: 0>} : vector<16xi32>
            %parallel_loop3A_347 = arith.constant 32 : i32
            %parallel_loop3A_348 = vector.broadcast %parallel_loop3A_347 : i32 to vector<16xi32>
            %parallel_loop3A_349 = arith.addi %parallel_loop3A_346, %parallel_loop3A_348 : vector<16xi32>
            %parallel_loop3A_350 = arith.constant 32 : index
            %parallel_loop3A_351 = tpu.vector_load %arg7[%parallel_loop3A_350] {strides = array<i32>} : memref<128xi32, #tpu.memory_space<vmem>>, vector<16xi32>,
            %parallel_loop3A_352 = vector.broadcast %parallel_loop3A_321 : i32 to vector<16xi32>
            %parallel_loop3A_353 = arith.addi %parallel_loop3A_351, %parallel_loop3A_352 : vector<16xi32>
            %parallel_loop3A_354 = tpu.vector_load_idx %arg11[%parallel_loop3A_349, %parallel_loop3A_353] : memref<128x64xf32, #tpu.memory_space<vmem>>[vector<16xi32>, vector<16xi32>], vector<16xf32>,
            %parallel_loop3A_355 = arith.index_cast %parallel_loop3A_321 : i32 to index
            %parallel_loop3A_356 = arith.constant 32 : index
            %parallel_loop3A_357 = tpu.vector_load %arg14[%parallel_loop3A_355, %parallel_loop3A_356] {strides = array<i32>} : memref<31x128xf32, #tpu.memory_space<vmem>>, vector<16xf32>,
            tpu.vector_store %arg14[%parallel_loop3A_355, %parallel_loop3A_356], %parallel_loop3A_354 {strides = array<i32>} : memref<31x128xf32, #tpu.memory_space<vmem>>, vector<16xf32>,
            %parallel_loop3A_358 = tpu.iota {dimensions = array<i32: 0>} : vector<16xi32>
            %parallel_loop3A_359 = arith.constant 48 : i32
            %parallel_loop3A_360 = vector.broadcast %parallel_loop3A_359 : i32 to vector<16xi32>
            %parallel_loop3A_361 = arith.addi %parallel_loop3A_358, %parallel_loop3A_360 : vector<16xi32>
            %parallel_loop3A_362 = arith.constant 48 : index
            %parallel_loop3A_363 = tpu.vector_load %arg7[%parallel_loop3A_362] {strides = array<i32>} : memref<128xi32, #tpu.memory_space<vmem>>, vector<16xi32>,
            %parallel_loop3A_364 = vector.broadcast %parallel_loop3A_321 : i32 to vector<16xi32>
            %parallel_loop3A_365 = arith.addi %parallel_loop3A_363, %parallel_loop3A_364 : vector<16xi32>
            %parallel_loop3A_366 = tpu.vector_load_idx %arg11[%parallel_loop3A_361, %parallel_loop3A_365] : memref<128x64xf32, #tpu.memory_space<vmem>>[vector<16xi32>, vector<16xi32>], vector<16xf32>,
            %parallel_loop3A_367 = arith.index_cast %parallel_loop3A_321 : i32 to index
            %parallel_loop3A_368 = arith.constant 48 : index
            %parallel_loop3A_369 = tpu.vector_load %arg14[%parallel_loop3A_367, %parallel_loop3A_368] {strides = array<i32>} : memref<31x128xf32, #tpu.memory_space<vmem>>, vector<16xf32>,
            tpu.vector_store %arg14[%parallel_loop3A_367, %parallel_loop3A_368], %parallel_loop3A_366 {strides = array<i32>} : memref<31x128xf32, #tpu.memory_space<vmem>>, vector<16xf32>,
            %parallel_loop3A_370 = tpu.iota {dimensions = array<i32: 0>} : vector<16xi32>
            %parallel_loop3A_371 = arith.constant 64 : i32
            %parallel_loop3A_372 = vector.broadcast %parallel_loop3A_371 : i32 to vector<16xi32>
            %parallel_loop3A_373 = arith.addi %parallel_loop3A_370, %parallel_loop3A_372 : vector<16xi32>
            %parallel_loop3A_374 = arith.constant 64 : index
            %parallel_loop3A_375 = tpu.vector_load %arg7[%parallel_loop3A_374] {strides = array<i32>} : memref<128xi32, #tpu.memory_space<vmem>>, vector<16xi32>,
            %parallel_loop3A_376 = vector.broadcast %parallel_loop3A_321 : i32 to vector<16xi32>
            %parallel_loop3A_377 = arith.addi %parallel_loop3A_375, %parallel_loop3A_376 : vector<16xi32>
            %parallel_loop3A_378 = tpu.vector_load_idx %arg11[%parallel_loop3A_373, %parallel_loop3A_377] : memref<128x64xf32, #tpu.memory_space<vmem>>[vector<16xi32>, vector<16xi32>], vector<16xf32>,
            %parallel_loop3A_379 = arith.index_cast %parallel_loop3A_321 : i32 to index
            %parallel_loop3A_380 = arith.constant 64 : index
            %parallel_loop3A_381 = tpu.vector_load %arg14[%parallel_loop3A_379, %parallel_loop3A_380] {strides = array<i32>} : memref<31x128xf32, #tpu.memory_space<vmem>>, vector<16xf32>,
            tpu.vector_store %arg14[%parallel_loop3A_379, %parallel_loop3A_380], %parallel_loop3A_378 {strides = array<i32>} : memref<31x128xf32, #tpu.memory_space<vmem>>, vector<16xf32>,
            %parallel_loop3A_382 = tpu.iota {dimensions = array<i32: 0>} : vector<16xi32>
            %parallel_loop3A_383 = arith.constant 80 : i32
            %parallel_loop3A_384 = vector.broadcast %parallel_loop3A_383 : i32 to vector<16xi32>
            %parallel_loop3A_385 = arith.addi %parallel_loop3A_382, %parallel_loop3A_384 : vector<16xi32>
            %parallel_loop3A_386 = arith.constant 80 : index
            %parallel_loop3A_387 = tpu.vector_load %arg7[%parallel_loop3A_386] {strides = array<i32>} : memref<128xi32, #tpu.memory_space<vmem>>, vector<16xi32>,
            %parallel_loop3A_388 = vector.broadcast %parallel_loop3A_321 : i32 to vector<16xi32>
            %parallel_loop3A_389 = arith.addi %parallel_loop3A_387, %parallel_loop3A_388 : vector<16xi32>
            %parallel_loop3A_390 = tpu.vector_load_idx %arg11[%parallel_loop3A_385, %parallel_loop3A_389] : memref<128x64xf32, #tpu.memory_space<vmem>>[vector<16xi32>, vector<16xi32>], vector<16xf32>,
            %parallel_loop3A_391 = arith.index_cast %parallel_loop3A_321 : i32 to index
            %parallel_loop3A_392 = arith.constant 80 : index
            %parallel_loop3A_393 = tpu.vector_load %arg14[%parallel_loop3A_391, %parallel_loop3A_392] {strides = array<i32>} : memref<31x128xf32, #tpu.memory_space<vmem>>, vector<16xf32>,
            tpu.vector_store %arg14[%parallel_loop3A_391, %parallel_loop3A_392], %parallel_loop3A_390 {strides = array<i32>} : memref<31x128xf32, #tpu.memory_space<vmem>>, vector<16xf32>,
            %parallel_loop3A_394 = tpu.iota {dimensions = array<i32: 0>} : vector<16xi32>
            %parallel_loop3A_395 = arith.constant 96 : i32
            %parallel_loop3A_396 = vector.broadcast %parallel_loop3A_395 : i32 to vector<16xi32>
            %parallel_loop3A_397 = arith.addi %parallel_loop3A_394, %parallel_loop3A_396 : vector<16xi32>
            %parallel_loop3A_398 = arith.constant 96 : index
            %parallel_loop3A_399 = tpu.vector_load %arg7[%parallel_loop3A_398] {strides = array<i32>} : memref<128xi32, #tpu.memory_space<vmem>>, vector<16xi32>,
            %parallel_loop3A_400 = vector.broadcast %parallel_loop3A_321 : i32 to vector<16xi32>
            %parallel_loop3A_401 = arith.addi %parallel_loop3A_399, %parallel_loop3A_400 : vector<16xi32>
            %parallel_loop3A_402 = tpu.vector_load_idx %arg11[%parallel_loop3A_397, %parallel_loop3A_401] : memref<128x64xf32, #tpu.memory_space<vmem>>[vector<16xi32>, vector<16xi32>], vector<16xf32>,
            %parallel_loop3A_403 = arith.index_cast %parallel_loop3A_321 : i32 to index
            %parallel_loop3A_404 = arith.constant 96 : index
            %parallel_loop3A_405 = tpu.vector_load %arg14[%parallel_loop3A_403, %parallel_loop3A_404] {strides = array<i32>} : memref<31x128xf32, #tpu.memory_space<vmem>>, vector<16xf32>,
            tpu.vector_store %arg14[%parallel_loop3A_403, %parallel_loop3A_404], %parallel_loop3A_402 {strides = array<i32>} : memref<31x128xf32, #tpu.memory_space<vmem>>, vector<16xf32>,
            %parallel_loop3A_406 = tpu.iota {dimensions = array<i32: 0>} : vector<16xi32>
            %parallel_loop3A_407 = arith.constant 112 : i32
            %parallel_loop3A_408 = vector.broadcast %parallel_loop3A_407 : i32 to vector<16xi32>
            %parallel_loop3A_409 = arith.addi %parallel_loop3A_406, %parallel_loop3A_408 : vector<16xi32>
            %parallel_loop3A_410 = arith.constant 112 : index
            %parallel_loop3A_411 = tpu.vector_load %arg7[%parallel_loop3A_410] {strides = array<i32>} : memref<128xi32, #tpu.memory_space<vmem>>, vector<16xi32>,
            %parallel_loop3A_412 = vector.broadcast %parallel_loop3A_321 : i32 to vector<16xi32>
            %parallel_loop3A_413 = arith.addi %parallel_loop3A_411, %parallel_loop3A_412 : vector<16xi32>
            %parallel_loop3A_414 = tpu.vector_load_idx %arg11[%parallel_loop3A_409, %parallel_loop3A_413] : memref<128x64xf32, #tpu.memory_space<vmem>>[vector<16xi32>, vector<16xi32>], vector<16xf32>,
            %parallel_loop3A_415 = arith.index_cast %parallel_loop3A_321 : i32 to index
            %parallel_loop3A_416 = arith.constant 112 : index
            %parallel_loop3A_417 = tpu.vector_load %arg14[%parallel_loop3A_415, %parallel_loop3A_416] {strides = array<i32>} : memref<31x128xf32, #tpu.memory_space<vmem>>, vector<16xf32>,
            tpu.vector_store %arg14[%parallel_loop3A_415, %parallel_loop3A_416], %parallel_loop3A_414 {strides = array<i32>} : memref<31x128xf32, #tpu.memory_space<vmem>>, vector<16xf32>,
          } {sc.loop_unroll_factor = 4 : i64, sc.parallel_access}
          %mul3A_259 = arith.constant 31 : i32
          %mul3A_260 = arith.muli %sub3A, %mul3A_259 : i32
          %add3A_261 = arith.addi %mul3A_260, %add3A_242 : i32
          %mul3A_262 = arith.constant 31 : i32
          %mul3A_263 = arith.muli %add3A_261, %mul3A_262 : i32
          %dma_start3A_264 = tpu.memref_slice %arg5[%mul3A_263, %add3A_28] : memref<2883x5120xf32, #tpu.memory_space<hbm>> -> memref<31x128xf32, #tpu.memory_space<hbm>>
          %dma_start3A_265 = tpu.memref_slice %arg5[%mul3A_263, %add3A_28] : memref<2883x5120xf32, #tpu.memory_space<hbm>> -> memref<31x128xf32, #tpu.memory_space<hbm>>
          tpu.enqueue_dma source(%arg14 : memref<31x128xf32, #tpu.memory_space<vmem>>) target(%dma_start3A_265 : memref<31x128xf32, #tpu.memory_space<hbm>>) target_semaphore(%arg20 : memref<!tpu.dma_semaphore, #tpu.memory_space<semaphore_mem>>)
          %add3A_266 = arith.constant 1 : i32
          %add3A_267 = arith.addi %mul3A_240, %add3A_266 : i32
          %add3A_268 = arith.constant 2 : i32
          %add3A_269 = arith.addi %add3A_267, %add3A_268 : i32
          %le3A_270 = arith.constant 30 : i32
          %le3A_271 = arith.cmpi sle, %add3A_269, %le3A_270 : i32
          %convert_element_type3A_272 = arith.extui %le3A_271 : i1 to i32
          %cond3A_273 = arith.constant 0 : i32
          %cond3A_274 = arith.cmpi ne, %convert_element_type3A_272, %cond3A_273 : i32
          scf.if %cond3A_274 {
            %add3A_321 = arith.constant 2 : i32
            %add3A_322 = arith.addi %add3A_267, %add3A_321 : i32
            %get3A_323 = arith.constant 0 : index
            %get3A_324 = tpu.vector_load %arg6[%get3A_323] {strides = array<i32>} : memref<128xi32, #tpu.memory_space<vmem>>, vector<16xi32>,
            %mul3A_325 = arith.constant 2 : i32
            %mul3A_326 = arith.muli %add3A_322, %mul3A_325 : i32
            %add3A_327 = arith.addi %mul3A_30, %mul3A_326 : i32
            %add3A_328 = vector.broadcast %add3A_327 : i32 to vector<16xi32>
            %add3A_329 = arith.addi %get3A_324, %add3A_328 : vector<16xi32>
            %swap3A_330 = arith.constant 0 : index
            %swap3A_331 = tpu.vector_load %arg8[%swap3A_330] {strides = array<i32>} : memref<128xi32, #tpu.memory_space<vmem>>, vector<16xi32>,
            tpu.vector_store %arg8[%swap3A_330], %add3A_329 {strides = array<i32>} : memref<128xi32, #tpu.memory_space<vmem>>, vector<16xi32>,
            %get3A_332 = arith.constant 16 : index
            %get3A_333 = tpu.vector_load %arg6[%get3A_332] {strides = array<i32>} : memref<128xi32, #tpu.memory_space<vmem>>, vector<16xi32>,
            %mul3A_334 = arith.constant 2 : i32
            %mul3A_335 = arith.muli %add3A_322, %mul3A_334 : i32
            %add3A_336 = arith.addi %mul3A_30, %mul3A_335 : i32
            %add3A_337 = vector.broadcast %add3A_336 : i32 to vector<16xi32>
            %add3A_338 = arith.addi %get3A_333, %add3A_337 : vector<16xi32>
            %swap3A_339 = arith.constant 16 : index
            %swap3A_340 = tpu.vector_load %arg8[%swap3A_339] {strides = array<i32>} : memref<128xi32, #tpu.memory_space<vmem>>, vector<16xi32>,
            tpu.vector_store %arg8[%swap3A_339], %add3A_338 {strides = array<i32>} : memref<128xi32, #tpu.memory_space<vmem>>, vector<16xi32>,
            %get3A_341 = arith.constant 32 : index
            %get3A_342 = tpu.vector_load %arg6[%get3A_341] {strides = array<i32>} : memref<128xi32, #tpu.memory_space<vmem>>, vector<16xi32>,
            %mul3A_343 = arith.constant 2 : i32
            %mul3A_344 = arith.muli %add3A_322, %mul3A_343 : i32
            %add3A_345 = arith.addi %mul3A_30, %mul3A_344 : i32
            %add3A_346 = vector.broadcast %add3A_345 : i32 to vector<16xi32>
            %add3A_347 = arith.addi %get3A_342, %add3A_346 : vector<16xi32>
            %swap3A_348 = arith.constant 32 : index
            %swap3A_349 = tpu.vector_load %arg8[%swap3A_348] {strides = array<i32>} : memref<128xi32, #tpu.memory_space<vmem>>, vector<16xi32>,
            tpu.vector_store %arg8[%swap3A_348], %add3A_347 {strides = array<i32>} : memref<128xi32, #tpu.memory_space<vmem>>, vector<16xi32>,
            %get3A_350 = arith.constant 48 : index
            %get3A_351 = tpu.vector_load %arg6[%get3A_350] {strides = array<i32>} : memref<128xi32, #tpu.memory_space<vmem>>, vector<16xi32>,
            %mul3A_352 = arith.constant 2 : i32
            %mul3A_353 = arith.muli %add3A_322, %mul3A_352 : i32
            %add3A_354 = arith.addi %mul3A_30, %mul3A_353 : i32
            %add3A_355 = vector.broadcast %add3A_354 : i32 to vector<16xi32>
            %add3A_356 = arith.addi %get3A_351, %add3A_355 : vector<16xi32>
            %swap3A_357 = arith.constant 48 : index
            %swap3A_358 = tpu.vector_load %arg8[%swap3A_357] {strides = array<i32>} : memref<128xi32, #tpu.memory_space<vmem>>, vector<16xi32>,
            tpu.vector_store %arg8[%swap3A_357], %add3A_356 {strides = array<i32>} : memref<128xi32, #tpu.memory_space<vmem>>, vector<16xi32>,
            %get3A_359 = arith.constant 64 : index
            %get3A_360 = tpu.vector_load %arg6[%get3A_359] {strides = array<i32>} : memref<128xi32, #tpu.memory_space<vmem>>, vector<16xi32>,
            %mul3A_361 = arith.constant 2 : i32
            %mul3A_362 = arith.muli %add3A_322, %mul3A_361 : i32
            %add3A_363 = arith.addi %mul3A_30, %mul3A_362 : i32
            %add3A_364 = vector.broadcast %add3A_363 : i32 to vector<16xi32>
            %add3A_365 = arith.addi %get3A_360, %add3A_364 : vector<16xi32>
            %swap3A_366 = arith.constant 64 : index
            %swap3A_367 = tpu.vector_load %arg8[%swap3A_366] {strides = array<i32>} : memref<128xi32, #tpu.memory_space<vmem>>, vector<16xi32>,
            tpu.vector_store %arg8[%swap3A_366], %add3A_365 {strides = array<i32>} : memref<128xi32, #tpu.memory_space<vmem>>, vector<16xi32>,
            %get3A_368 = arith.constant 80 : index
            %get3A_369 = tpu.vector_load %arg6[%get3A_368] {strides = array<i32>} : memref<128xi32, #tpu.memory_space<vmem>>, vector<16xi32>,
            %mul3A_370 = arith.constant 2 : i32
            %mul3A_371 = arith.muli %add3A_322, %mul3A_370 : i32
            %add3A_372 = arith.addi %mul3A_30, %mul3A_371 : i32
            %add3A_373 = vector.broadcast %add3A_372 : i32 to vector<16xi32>
            %add3A_374 = arith.addi %get3A_369, %add3A_373 : vector<16xi32>
            %swap3A_375 = arith.constant 80 : index
            %swap3A_376 = tpu.vector_load %arg8[%swap3A_375] {strides = array<i32>} : memref<128xi32, #tpu.memory_space<vmem>>, vector<16xi32>,
            tpu.vector_store %arg8[%swap3A_375], %add3A_374 {strides = array<i32>} : memref<128xi32, #tpu.memory_space<vmem>>, vector<16xi32>,
            %get3A_377 = arith.constant 96 : index
            %get3A_378 = tpu.vector_load %arg6[%get3A_377] {strides = array<i32>} : memref<128xi32, #tpu.memory_space<vmem>>, vector<16xi32>,
            %mul3A_379 = arith.constant 2 : i32
            %mul3A_380 = arith.muli %add3A_322, %mul3A_379 : i32
            %add3A_381 = arith.addi %mul3A_30, %mul3A_380 : i32
            %add3A_382 = vector.broadcast %add3A_381 : i32 to vector<16xi32>
            %add3A_383 = arith.addi %get3A_378, %add3A_382 : vector<16xi32>
            %swap3A_384 = arith.constant 96 : index
            %swap3A_385 = tpu.vector_load %arg8[%swap3A_384] {strides = array<i32>} : memref<128xi32, #tpu.memory_space<vmem>>, vector<16xi32>,
            tpu.vector_store %arg8[%swap3A_384], %add3A_383 {strides = array<i32>} : memref<128xi32, #tpu.memory_space<vmem>>, vector<16xi32>,
            %get3A_386 = arith.constant 112 : index
            %get3A_387 = tpu.vector_load %arg6[%get3A_386] {strides = array<i32>} : memref<128xi32, #tpu.memory_space<vmem>>, vector<16xi32>,
            %mul3A_388 = arith.constant 2 : i32
            %mul3A_389 = arith.muli %add3A_322, %mul3A_388 : i32
            %add3A_390 = arith.addi %mul3A_30, %mul3A_389 : i32
            %add3A_391 = vector.broadcast %add3A_390 : i32 to vector<16xi32>
            %add3A_392 = arith.addi %get3A_387, %add3A_391 : vector<16xi32>
            %swap3A_393 = arith.constant 112 : index
            %swap3A_394 = tpu.vector_load %arg8[%swap3A_393] {strides = array<i32>} : memref<128xi32, #tpu.memory_space<vmem>>, vector<16xi32>,
            tpu.vector_store %arg8[%swap3A_393], %add3A_392 {strides = array<i32>} : memref<128xi32, #tpu.memory_space<vmem>>, vector<16xi32>,
            %dma_start3A_395 = arith.constant 0 : i32
            %dma_start3A_396 = arith.constant 0 : i32
            %dma_start3A_397 = tpu.memref_slice %arg2[%dma_start3A_395, %dma_start3A_396] : memref<261120x64xf32, #tpu.memory_space<hbm>> -> memref<261120x64xf32, #tpu.memory_space<hbm>>
            tpu.enqueue_indirect_dma source(%dma_start3A_397 : memref<261120x64xf32, #tpu.memory_space<hbm>>) target(%arg11 : memref<128x64xf32, #tpu.memory_space<vmem>>) offsets(%arg8 : memref<128xi32, #tpu.memory_space<vmem>>) semaphore(%arg17 : memref<!tpu.dma_semaphore, #tpu.memory_space<semaphore_mem>>)
          } else {
          }
          %dma_wait3A_275 = arith.constant 0 : i32
          %dma_wait3A_276 = arith.constant 0 : i32
          %dma_wait3A_277 = tpu.memref_slice %arg2[%dma_wait3A_275, %dma_wait3A_276] : memref<261120x64xf32, #tpu.memory_space<hbm>> -> memref<261120x64xf32, #tpu.memory_space<hbm>>
          tpu.wait_indirect_dma semaphore(%arg18 : memref<!tpu.dma_semaphore, #tpu.memory_space<semaphore_mem>>) src(%dma_wait3A_277 : memref<261120x64xf32, #tpu.memory_space<hbm>>) dst(%arg12 : memref<128x64xf32, #tpu.memory_space<vmem>>)
          %ge3A_278 = arith.constant 1 : i32
          %ge3A_279 = arith.cmpi sge, %scan3A_237, %ge3A_278 : i32
          %convert_element_type3A_280 = arith.extui %ge3A_279 : i1 to i32
          %cond3A_281 = arith.constant 0 : i32
          %cond3A_282 = arith.cmpi ne, %convert_element_type3A_280, %cond3A_281 : i32
          scf.if %cond3A_282 {
            %sub3A_321 = arith.constant 3 : i32
            %sub3A_322 = arith.subi %add3A_267, %sub3A_321 : i32
            %mul3A_323 = arith.constant 31 : i32
            %mul3A_324 = arith.muli %sub3A, %mul3A_323 : i32
            %add3A_325 = arith.addi %mul3A_324, %sub3A_322 : i32
            %mul3A_326 = arith.constant 31 : i32
            %mul3A_327 = arith.muli %add3A_325, %mul3A_326 : i32
            %dma_wait3A_328 = tpu.memref_slice %arg5[%mul3A_327, %add3A_28] : memref<2883x5120xf32, #tpu.memory_space<hbm>> -> memref<31x128xf32, #tpu.memory_space<hbm>>
            %dma_wait3A_329 = tpu.memref_slice %arg5[%mul3A_327, %add3A_28] : memref<2883x5120xf32, #tpu.memory_space<hbm>> -> memref<31x128xf32, #tpu.memory_space<hbm>>
            tpu.wait_dma2 semaphore(%arg21 : memref<!tpu.dma_semaphore, #tpu.memory_space<semaphore_mem>>) src(%arg15 : memref<31x128xf32, #tpu.memory_space<vmem>>) dst(%dma_wait3A_329 : memref<31x128xf32, #tpu.memory_space<hbm>>)
          } else {
          }
          %parallel_loop3A_283 = arith.constant 0 : i32
          %parallel_loop3A_284 = arith.constant 31 : i32
          %parallel_loop3A_285 = arith.constant 1 : i32
          scf.for %parallel_loop3A_321 = %parallel_loop3A_283 to %parallel_loop3A_284 step %parallel_loop3A_285  : i32 {
            %parallel_loop3A_322 = tpu.iota {dimensions = array<i32: 0>} : vector<16xi32>
            %parallel_loop3A_323 = arith.constant 0 : i32
            %parallel_loop3A_324 = vector.broadcast %parallel_loop3A_323 : i32 to vector<16xi32>
            %parallel_loop3A_325 = arith.addi %parallel_loop3A_322, %parallel_loop3A_324 : vector<16xi32>
            %parallel_loop3A_326 = arith.constant 0 : index
            %parallel_loop3A_327 = tpu.vector_load %arg7[%parallel_loop3A_326] {strides = array<i32>} : memref<128xi32, #tpu.memory_space<vmem>>, vector<16xi32>,
            %parallel_loop3A_328 = vector.broadcast %parallel_loop3A_321 : i32 to vector<16xi32>
            %parallel_loop3A_329 = arith.addi %parallel_loop3A_327, %parallel_loop3A_328 : vector<16xi32>
            %parallel_loop3A_330 = tpu.vector_load_idx %arg12[%parallel_loop3A_325, %parallel_loop3A_329] : memref<128x64xf32, #tpu.memory_space<vmem>>[vector<16xi32>, vector<16xi32>], vector<16xf32>,
            %parallel_loop3A_331 = arith.index_cast %parallel_loop3A_321 : i32 to index
            %parallel_loop3A_332 = arith.constant 0 : index
            %parallel_loop3A_333 = tpu.vector_load %arg15[%parallel_loop3A_331, %parallel_loop3A_332] {strides = array<i32>} : memref<31x128xf32, #tpu.memory_space<vmem>>, vector<16xf32>,
            tpu.vector_store %arg15[%parallel_loop3A_331, %parallel_loop3A_332], %parallel_loop3A_330 {strides = array<i32>} : memref<31x128xf32, #tpu.memory_space<vmem>>, vector<16xf32>,
            %parallel_loop3A_334 = tpu.iota {dimensions = array<i32: 0>} : vector<16xi32>
            %parallel_loop3A_335 = arith.constant 16 : i32
            %parallel_loop3A_336 = vector.broadcast %parallel_loop3A_335 : i32 to vector<16xi32>
            %parallel_loop3A_337 = arith.addi %parallel_loop3A_334, %parallel_loop3A_336 : vector<16xi32>
            %parallel_loop3A_338 = arith.constant 16 : index
            %parallel_loop3A_339 = tpu.vector_load %arg7[%parallel_loop3A_338] {strides = array<i32>} : memref<128xi32, #tpu.memory_space<vmem>>, vector<16xi32>,
            %parallel_loop3A_340 = vector.broadcast %parallel_loop3A_321 : i32 to vector<16xi32>
            %parallel_loop3A_341 = arith.addi %parallel_loop3A_339, %parallel_loop3A_340 : vector<16xi32>
            %parallel_loop3A_342 = tpu.vector_load_idx %arg12[%parallel_loop3A_337, %parallel_loop3A_341] : memref<128x64xf32, #tpu.memory_space<vmem>>[vector<16xi32>, vector<16xi32>], vector<16xf32>,
            %parallel_loop3A_343 = arith.index_cast %parallel_loop3A_321 : i32 to index
            %parallel_loop3A_344 = arith.constant 16 : index
            %parallel_loop3A_345 = tpu.vector_load %arg15[%parallel_loop3A_343, %parallel_loop3A_344] {strides = array<i32>} : memref<31x128xf32, #tpu.memory_space<vmem>>, vector<16xf32>,
            tpu.vector_store %arg15[%parallel_loop3A_343, %parallel_loop3A_344], %parallel_loop3A_342 {strides = array<i32>} : memref<31x128xf32, #tpu.memory_space<vmem>>, vector<16xf32>,
            %parallel_loop3A_346 = tpu.iota {dimensions = array<i32: 0>} : vector<16xi32>
            %parallel_loop3A_347 = arith.constant 32 : i32
            %parallel_loop3A_348 = vector.broadcast %parallel_loop3A_347 : i32 to vector<16xi32>
            %parallel_loop3A_349 = arith.addi %parallel_loop3A_346, %parallel_loop3A_348 : vector<16xi32>
            %parallel_loop3A_350 = arith.constant 32 : index
            %parallel_loop3A_351 = tpu.vector_load %arg7[%parallel_loop3A_350] {strides = array<i32>} : memref<128xi32, #tpu.memory_space<vmem>>, vector<16xi32>,
            %parallel_loop3A_352 = vector.broadcast %parallel_loop3A_321 : i32 to vector<16xi32>
            %parallel_loop3A_353 = arith.addi %parallel_loop3A_351, %parallel_loop3A_352 : vector<16xi32>
            %parallel_loop3A_354 = tpu.vector_load_idx %arg12[%parallel_loop3A_349, %parallel_loop3A_353] : memref<128x64xf32, #tpu.memory_space<vmem>>[vector<16xi32>, vector<16xi32>], vector<16xf32>,
            %parallel_loop3A_355 = arith.index_cast %parallel_loop3A_321 : i32 to index
            %parallel_loop3A_356 = arith.constant 32 : index
            %parallel_loop3A_357 = tpu.vector_load %arg15[%parallel_loop3A_355, %parallel_loop3A_356] {strides = array<i32>} : memref<31x128xf32, #tpu.memory_space<vmem>>, vector<16xf32>,
            tpu.vector_store %arg15[%parallel_loop3A_355, %parallel_loop3A_356], %parallel_loop3A_354 {strides = array<i32>} : memref<31x128xf32, #tpu.memory_space<vmem>>, vector<16xf32>,
            %parallel_loop3A_358 = tpu.iota {dimensions = array<i32: 0>} : vector<16xi32>
            %parallel_loop3A_359 = arith.constant 48 : i32
            %parallel_loop3A_360 = vector.broadcast %parallel_loop3A_359 : i32 to vector<16xi32>
            %parallel_loop3A_361 = arith.addi %parallel_loop3A_358, %parallel_loop3A_360 : vector<16xi32>
            %parallel_loop3A_362 = arith.constant 48 : index
            %parallel_loop3A_363 = tpu.vector_load %arg7[%parallel_loop3A_362] {strides = array<i32>} : memref<128xi32, #tpu.memory_space<vmem>>, vector<16xi32>,
            %parallel_loop3A_364 = vector.broadcast %parallel_loop3A_321 : i32 to vector<16xi32>
            %parallel_loop3A_365 = arith.addi %parallel_loop3A_363, %parallel_loop3A_364 : vector<16xi32>
            %parallel_loop3A_366 = tpu.vector_load_idx %arg12[%parallel_loop3A_361, %parallel_loop3A_365] : memref<128x64xf32, #tpu.memory_space<vmem>>[vector<16xi32>, vector<16xi32>], vector<16xf32>,
            %parallel_loop3A_367 = arith.index_cast %parallel_loop3A_321 : i32 to index
            %parallel_loop3A_368 = arith.constant 48 : index
            %parallel_loop3A_369 = tpu.vector_load %arg15[%parallel_loop3A_367, %parallel_loop3A_368] {strides = array<i32>} : memref<31x128xf32, #tpu.memory_space<vmem>>, vector<16xf32>,
            tpu.vector_store %arg15[%parallel_loop3A_367, %parallel_loop3A_368], %parallel_loop3A_366 {strides = array<i32>} : memref<31x128xf32, #tpu.memory_space<vmem>>, vector<16xf32>,
            %parallel_loop3A_370 = tpu.iota {dimensions = array<i32: 0>} : vector<16xi32>
            %parallel_loop3A_371 = arith.constant 64 : i32
            %parallel_loop3A_372 = vector.broadcast %parallel_loop3A_371 : i32 to vector<16xi32>
            %parallel_loop3A_373 = arith.addi %parallel_loop3A_370, %parallel_loop3A_372 : vector<16xi32>
            %parallel_loop3A_374 = arith.constant 64 : index
            %parallel_loop3A_375 = tpu.vector_load %arg7[%parallel_loop3A_374] {strides = array<i32>} : memref<128xi32, #tpu.memory_space<vmem>>, vector<16xi32>,
            %parallel_loop3A_376 = vector.broadcast %parallel_loop3A_321 : i32 to vector<16xi32>
            %parallel_loop3A_377 = arith.addi %parallel_loop3A_375, %parallel_loop3A_376 : vector<16xi32>
            %parallel_loop3A_378 = tpu.vector_load_idx %arg12[%parallel_loop3A_373, %parallel_loop3A_377] : memref<128x64xf32, #tpu.memory_space<vmem>>[vector<16xi32>, vector<16xi32>], vector<16xf32>,
            %parallel_loop3A_379 = arith.index_cast %parallel_loop3A_321 : i32 to index
            %parallel_loop3A_380 = arith.constant 64 : index
            %parallel_loop3A_381 = tpu.vector_load %arg15[%parallel_loop3A_379, %parallel_loop3A_380] {strides = array<i32>} : memref<31x128xf32, #tpu.memory_space<vmem>>, vector<16xf32>,
            tpu.vector_store %arg15[%parallel_loop3A_379, %parallel_loop3A_380], %parallel_loop3A_378 {strides = array<i32>} : memref<31x128xf32, #tpu.memory_space<vmem>>, vector<16xf32>,
            %parallel_loop3A_382 = tpu.iota {dimensions = array<i32: 0>} : vector<16xi32>
            %parallel_loop3A_383 = arith.constant 80 : i32
            %parallel_loop3A_384 = vector.broadcast %parallel_loop3A_383 : i32 to vector<16xi32>
            %parallel_loop3A_385 = arith.addi %parallel_loop3A_382, %parallel_loop3A_384 : vector<16xi32>
            %parallel_loop3A_386 = arith.constant 80 : index
            %parallel_loop3A_387 = tpu.vector_load %arg7[%parallel_loop3A_386] {strides = array<i32>} : memref<128xi32, #tpu.memory_space<vmem>>, vector<16xi32>,
            %parallel_loop3A_388 = vector.broadcast %parallel_loop3A_321 : i32 to vector<16xi32>
            %parallel_loop3A_389 = arith.addi %parallel_loop3A_387, %parallel_loop3A_388 : vector<16xi32>
            %parallel_loop3A_390 = tpu.vector_load_idx %arg12[%parallel_loop3A_385, %parallel_loop3A_389] : memref<128x64xf32, #tpu.memory_space<vmem>>[vector<16xi32>, vector<16xi32>], vector<16xf32>,
            %parallel_loop3A_391 = arith.index_cast %parallel_loop3A_321 : i32 to index
            %parallel_loop3A_392 = arith.constant 80 : index
            %parallel_loop3A_393 = tpu.vector_load %arg15[%parallel_loop3A_391, %parallel_loop3A_392] {strides = array<i32>} : memref<31x128xf32, #tpu.memory_space<vmem>>, vector<16xf32>,
            tpu.vector_store %arg15[%parallel_loop3A_391, %parallel_loop3A_392], %parallel_loop3A_390 {strides = array<i32>} : memref<31x128xf32, #tpu.memory_space<vmem>>, vector<16xf32>,
            %parallel_loop3A_394 = tpu.iota {dimensions = array<i32: 0>} : vector<16xi32>
            %parallel_loop3A_395 = arith.constant 96 : i32
            %parallel_loop3A_396 = vector.broadcast %parallel_loop3A_395 : i32 to vector<16xi32>
            %parallel_loop3A_397 = arith.addi %parallel_loop3A_394, %parallel_loop3A_396 : vector<16xi32>
            %parallel_loop3A_398 = arith.constant 96 : index
            %parallel_loop3A_399 = tpu.vector_load %arg7[%parallel_loop3A_398] {strides = array<i32>} : memref<128xi32, #tpu.memory_space<vmem>>, vector<16xi32>,
            %parallel_loop3A_400 = vector.broadcast %parallel_loop3A_321 : i32 to vector<16xi32>
            %parallel_loop3A_401 = arith.addi %parallel_loop3A_399, %parallel_loop3A_400 : vector<16xi32>
            %parallel_loop3A_402 = tpu.vector_load_idx %arg12[%parallel_loop3A_397, %parallel_loop3A_401] : memref<128x64xf32, #tpu.memory_space<vmem>>[vector<16xi32>, vector<16xi32>], vector<16xf32>,
            %parallel_loop3A_403 = arith.index_cast %parallel_loop3A_321 : i32 to index
            %parallel_loop3A_404 = arith.constant 96 : index
            %parallel_loop3A_405 = tpu.vector_load %arg15[%parallel_loop3A_403, %parallel_loop3A_404] {strides = array<i32>} : memref<31x128xf32, #tpu.memory_space<vmem>>, vector<16xf32>,
            tpu.vector_store %arg15[%parallel_loop3A_403, %parallel_loop3A_404], %parallel_loop3A_402 {strides = array<i32>} : memref<31x128xf32, #tpu.memory_space<vmem>>, vector<16xf32>,
            %parallel_loop3A_406 = tpu.iota {dimensions = array<i32: 0>} : vector<16xi32>
            %parallel_loop3A_407 = arith.constant 112 : i32
            %parallel_loop3A_408 = vector.broadcast %parallel_loop3A_407 : i32 to vector<16xi32>
            %parallel_loop3A_409 = arith.addi %parallel_loop3A_406, %parallel_loop3A_408 : vector<16xi32>
            %parallel_loop3A_410 = arith.constant 112 : index
            %parallel_loop3A_411 = tpu.vector_load %arg7[%parallel_loop3A_410] {strides = array<i32>} : memref<128xi32, #tpu.memory_space<vmem>>, vector<16xi32>,
            %parallel_loop3A_412 = vector.broadcast %parallel_loop3A_321 : i32 to vector<16xi32>
            %parallel_loop3A_413 = arith.addi %parallel_loop3A_411, %parallel_loop3A_412 : vector<16xi32>
            %parallel_loop3A_414 = tpu.vector_load_idx %arg12[%parallel_loop3A_409, %parallel_loop3A_413] : memref<128x64xf32, #tpu.memory_space<vmem>>[vector<16xi32>, vector<16xi32>], vector<16xf32>,
            %parallel_loop3A_415 = arith.index_cast %parallel_loop3A_321 : i32 to index
            %parallel_loop3A_416 = arith.constant 112 : index
            %parallel_loop3A_417 = tpu.vector_load %arg15[%parallel_loop3A_415, %parallel_loop3A_416] {strides = array<i32>} : memref<31x128xf32, #tpu.memory_space<vmem>>, vector<16xf32>,
            tpu.vector_store %arg15[%parallel_loop3A_415, %parallel_loop3A_416], %parallel_loop3A_414 {strides = array<i32>} : memref<31x128xf32, #tpu.memory_space<vmem>>, vector<16xf32>,
          } {sc.loop_unroll_factor = 4 : i64, sc.parallel_access}
          %mul3A_286 = arith.constant 31 : i32
          %mul3A_287 = arith.muli %sub3A, %mul3A_286 : i32
          %add3A_288 = arith.addi %mul3A_287, %add3A_267 : i32
          %mul3A_289 = arith.constant 31 : i32
          %mul3A_290 = arith.muli %add3A_288, %mul3A_289 : i32
          %dma_start3A_291 = tpu.memref_slice %arg5[%mul3A_290, %add3A_28] : memref<2883x5120xf32, #tpu.memory_space<hbm>> -> memref<31x128xf32, #tpu.memory_space<hbm>>
          %dma_start3A_292 = tpu.memref_slice %arg5[%mul3A_290, %add3A_28] : memref<2883x5120xf32, #tpu.memory_space<hbm>> -> memref<31x128xf32, #tpu.memory_space<hbm>>
          tpu.enqueue_dma source(%arg15 : memref<31x128xf32, #tpu.memory_space<vmem>>) target(%dma_start3A_292 : memref<31x128xf32, #tpu.memory_space<hbm>>) target_semaphore(%arg21 : memref<!tpu.dma_semaphore, #tpu.memory_space<semaphore_mem>>)
          %add3A_293 = arith.constant 2 : i32
          %add3A_294 = arith.addi %mul3A_240, %add3A_293 : i32
          %add3A_295 = arith.constant 2 : i32
          %add3A_296 = arith.addi %add3A_294, %add3A_295 : i32
          %le3A_297 = arith.constant 30 : i32
          %le3A_298 = arith.cmpi sle, %add3A_296, %le3A_297 : i32
          %convert_element_type3A_299 = arith.extui %le3A_298 : i1 to i32
          %cond3A_300 = arith.constant 0 : i32
          %cond3A_301 = arith.cmpi ne, %convert_element_type3A_299, %cond3A_300 : i32
          scf.if %cond3A_301 {
            %add3A_321 = arith.constant 2 : i32
            %add3A_322 = arith.addi %add3A_294, %add3A_321 : i32
            %get3A_323 = arith.constant 0 : index
            %get3A_324 = tpu.vector_load %arg6[%get3A_323] {strides = array<i32>} : memref<128xi32, #tpu.memory_space<vmem>>, vector<16xi32>,
            %mul3A_325 = arith.constant 2 : i32
            %mul3A_326 = arith.muli %add3A_322, %mul3A_325 : i32
            %add3A_327 = arith.addi %mul3A_30, %mul3A_326 : i32
            %add3A_328 = vector.broadcast %add3A_327 : i32 to vector<16xi32>
            %add3A_329 = arith.addi %get3A_324, %add3A_328 : vector<16xi32>
            %swap3A_330 = arith.constant 0 : index
            %swap3A_331 = tpu.vector_load %arg9[%swap3A_330] {strides = array<i32>} : memref<128xi32, #tpu.memory_space<vmem>>, vector<16xi32>,
            tpu.vector_store %arg9[%swap3A_330], %add3A_329 {strides = array<i32>} : memref<128xi32, #tpu.memory_space<vmem>>, vector<16xi32>,
            %get3A_332 = arith.constant 16 : index
            %get3A_333 = tpu.vector_load %arg6[%get3A_332] {strides = array<i32>} : memref<128xi32, #tpu.memory_space<vmem>>, vector<16xi32>,
            %mul3A_334 = arith.constant 2 : i32
            %mul3A_335 = arith.muli %add3A_322, %mul3A_334 : i32
            %add3A_336 = arith.addi %mul3A_30, %mul3A_335 : i32
            %add3A_337 = vector.broadcast %add3A_336 : i32 to vector<16xi32>
            %add3A_338 = arith.addi %get3A_333, %add3A_337 : vector<16xi32>
            %swap3A_339 = arith.constant 16 : index
            %swap3A_340 = tpu.vector_load %arg9[%swap3A_339] {strides = array<i32>} : memref<128xi32, #tpu.memory_space<vmem>>, vector<16xi32>,
            tpu.vector_store %arg9[%swap3A_339], %add3A_338 {strides = array<i32>} : memref<128xi32, #tpu.memory_space<vmem>>, vector<16xi32>,
            %get3A_341 = arith.constant 32 : index
            %get3A_342 = tpu.vector_load %arg6[%get3A_341] {strides = array<i32>} : memref<128xi32, #tpu.memory_space<vmem>>, vector<16xi32>,
            %mul3A_343 = arith.constant 2 : i32
            %mul3A_344 = arith.muli %add3A_322, %mul3A_343 : i32
            %add3A_345 = arith.addi %mul3A_30, %mul3A_344 : i32
            %add3A_346 = vector.broadcast %add3A_345 : i32 to vector<16xi32>
            %add3A_347 = arith.addi %get3A_342, %add3A_346 : vector<16xi32>
            %swap3A_348 = arith.constant 32 : index
            %swap3A_349 = tpu.vector_load %arg9[%swap3A_348] {strides = array<i32>} : memref<128xi32, #tpu.memory_space<vmem>>, vector<16xi32>,
            tpu.vector_store %arg9[%swap3A_348], %add3A_347 {strides = array<i32>} : memref<128xi32, #tpu.memory_space<vmem>>, vector<16xi32>,
            %get3A_350 = arith.constant 48 : index
            %get3A_351 = tpu.vector_load %arg6[%get3A_350] {strides = array<i32>} : memref<128xi32, #tpu.memory_space<vmem>>, vector<16xi32>,
            %mul3A_352 = arith.constant 2 : i32
            %mul3A_353 = arith.muli %add3A_322, %mul3A_352 : i32
            %add3A_354 = arith.addi %mul3A_30, %mul3A_353 : i32
            %add3A_355 = vector.broadcast %add3A_354 : i32 to vector<16xi32>
            %add3A_356 = arith.addi %get3A_351, %add3A_355 : vector<16xi32>
            %swap3A_357 = arith.constant 48 : index
            %swap3A_358 = tpu.vector_load %arg9[%swap3A_357] {strides = array<i32>} : memref<128xi32, #tpu.memory_space<vmem>>, vector<16xi32>,
            tpu.vector_store %arg9[%swap3A_357], %add3A_356 {strides = array<i32>} : memref<128xi32, #tpu.memory_space<vmem>>, vector<16xi32>,
            %get3A_359 = arith.constant 64 : index
            %get3A_360 = tpu.vector_load %arg6[%get3A_359] {strides = array<i32>} : memref<128xi32, #tpu.memory_space<vmem>>, vector<16xi32>,
            %mul3A_361 = arith.constant 2 : i32
            %mul3A_362 = arith.muli %add3A_322, %mul3A_361 : i32
            %add3A_363 = arith.addi %mul3A_30, %mul3A_362 : i32
            %add3A_364 = vector.broadcast %add3A_363 : i32 to vector<16xi32>
            %add3A_365 = arith.addi %get3A_360, %add3A_364 : vector<16xi32>
            %swap3A_366 = arith.constant 64 : index
            %swap3A_367 = tpu.vector_load %arg9[%swap3A_366] {strides = array<i32>} : memref<128xi32, #tpu.memory_space<vmem>>, vector<16xi32>,
            tpu.vector_store %arg9[%swap3A_366], %add3A_365 {strides = array<i32>} : memref<128xi32, #tpu.memory_space<vmem>>, vector<16xi32>,
            %get3A_368 = arith.constant 80 : index
            %get3A_369 = tpu.vector_load %arg6[%get3A_368] {strides = array<i32>} : memref<128xi32, #tpu.memory_space<vmem>>, vector<16xi32>,
            %mul3A_370 = arith.constant 2 : i32
            %mul3A_371 = arith.muli %add3A_322, %mul3A_370 : i32
            %add3A_372 = arith.addi %mul3A_30, %mul3A_371 : i32
            %add3A_373 = vector.broadcast %add3A_372 : i32 to vector<16xi32>
            %add3A_374 = arith.addi %get3A_369, %add3A_373 : vector<16xi32>
            %swap3A_375 = arith.constant 80 : index
            %swap3A_376 = tpu.vector_load %arg9[%swap3A_375] {strides = array<i32>} : memref<128xi32, #tpu.memory_space<vmem>>, vector<16xi32>,
            tpu.vector_store %arg9[%swap3A_375], %add3A_374 {strides = array<i32>} : memref<128xi32, #tpu.memory_space<vmem>>, vector<16xi32>,
            %get3A_377 = arith.constant 96 : index
            %get3A_378 = tpu.vector_load %arg6[%get3A_377] {strides = array<i32>} : memref<128xi32, #tpu.memory_space<vmem>>, vector<16xi32>,
            %mul3A_379 = arith.constant 2 : i32
            %mul3A_380 = arith.muli %add3A_322, %mul3A_379 : i32
            %add3A_381 = arith.addi %mul3A_30, %mul3A_380 : i32
            %add3A_382 = vector.broadcast %add3A_381 : i32 to vector<16xi32>
            %add3A_383 = arith.addi %get3A_378, %add3A_382 : vector<16xi32>
            %swap3A_384 = arith.constant 96 : index
            %swap3A_385 = tpu.vector_load %arg9[%swap3A_384] {strides = array<i32>} : memref<128xi32, #tpu.memory_space<vmem>>, vector<16xi32>,
            tpu.vector_store %arg9[%swap3A_384], %add3A_383 {strides = array<i32>} : memref<128xi32, #tpu.memory_space<vmem>>, vector<16xi32>,
            %get3A_386 = arith.constant 112 : index
            %get3A_387 = tpu.vector_load %arg6[%get3A_386] {strides = array<i32>} : memref<128xi32, #tpu.memory_space<vmem>>, vector<16xi32>,
            %mul3A_388 = arith.constant 2 : i32
            %mul3A_389 = arith.muli %add3A_322, %mul3A_388 : i32
            %add3A_390 = arith.addi %mul3A_30, %mul3A_389 : i32
            %add3A_391 = vector.broadcast %add3A_390 : i32 to vector<16xi32>
            %add3A_392 = arith.addi %get3A_387, %add3A_391 : vector<16xi32>
            %swap3A_393 = arith.constant 112 : index
            %swap3A_394 = tpu.vector_load %arg9[%swap3A_393] {strides = array<i32>} : memref<128xi32, #tpu.memory_space<vmem>>, vector<16xi32>,
            tpu.vector_store %arg9[%swap3A_393], %add3A_392 {strides = array<i32>} : memref<128xi32, #tpu.memory_space<vmem>>, vector<16xi32>,
            %dma_start3A_395 = arith.constant 0 : i32
            %dma_start3A_396 = arith.constant 0 : i32
            %dma_start3A_397 = tpu.memref_slice %arg2[%dma_start3A_395, %dma_start3A_396] : memref<261120x64xf32, #tpu.memory_space<hbm>> -> memref<261120x64xf32, #tpu.memory_space<hbm>>
            tpu.enqueue_indirect_dma source(%dma_start3A_397 : memref<261120x64xf32, #tpu.memory_space<hbm>>) target(%arg12 : memref<128x64xf32, #tpu.memory_space<vmem>>) offsets(%arg9 : memref<128xi32, #tpu.memory_space<vmem>>) semaphore(%arg18 : memref<!tpu.dma_semaphore, #tpu.memory_space<semaphore_mem>>)
          } else {
          }
          %dma_wait3A_302 = arith.constant 0 : i32
          %dma_wait3A_303 = arith.constant 0 : i32
          %dma_wait3A_304 = tpu.memref_slice %arg2[%dma_wait3A_302, %dma_wait3A_303] : memref<261120x64xf32, #tpu.memory_space<hbm>> -> memref<261120x64xf32, #tpu.memory_space<hbm>>
          tpu.wait_indirect_dma semaphore(%arg19 : memref<!tpu.dma_semaphore, #tpu.memory_space<semaphore_mem>>) src(%dma_wait3A_304 : memref<261120x64xf32, #tpu.memory_space<hbm>>) dst(%arg13 : memref<128x64xf32, #tpu.memory_space<vmem>>)
          %ge3A_305 = arith.constant 1 : i32
          %ge3A_306 = arith.cmpi sge, %scan3A_237, %ge3A_305 : i32
          %convert_element_type3A_307 = arith.extui %ge3A_306 : i1 to i32
          %cond3A_308 = arith.constant 0 : i32
          %cond3A_309 = arith.cmpi ne, %convert_element_type3A_307, %cond3A_308 : i32
          scf.if %cond3A_309 {
            %sub3A_321 = arith.constant 3 : i32
            %sub3A_322 = arith.subi %add3A_294, %sub3A_321 : i32
            %mul3A_323 = arith.constant 31 : i32
            %mul3A_324 = arith.muli %sub3A, %mul3A_323 : i32
            %add3A_325 = arith.addi %mul3A_324, %sub3A_322 : i32
            %mul3A_326 = arith.constant 31 : i32
            %mul3A_327 = arith.muli %add3A_325, %mul3A_326 : i32
            %dma_wait3A_328 = tpu.memref_slice %arg5[%mul3A_327, %add3A_28] : memref<2883x5120xf32, #tpu.memory_space<hbm>> -> memref<31x128xf32, #tpu.memory_space<hbm>>
            %dma_wait3A_329 = tpu.memref_slice %arg5[%mul3A_327, %add3A_28] : memref<2883x5120xf32, #tpu.memory_space<hbm>> -> memref<31x128xf32, #tpu.memory_space<hbm>>
            tpu.wait_dma2 semaphore(%arg22 : memref<!tpu.dma_semaphore, #tpu.memory_space<semaphore_mem>>) src(%arg16 : memref<31x128xf32, #tpu.memory_space<vmem>>) dst(%dma_wait3A_329 : memref<31x128xf32, #tpu.memory_space<hbm>>)
          } else {
          }
          %parallel_loop3A_310 = arith.constant 0 : i32
          %parallel_loop3A_311 = arith.constant 31 : i32
          %parallel_loop3A_312 = arith.constant 1 : i32
          scf.for %parallel_loop3A_321 = %parallel_loop3A_310 to %parallel_loop3A_311 step %parallel_loop3A_312  : i32 {
            %parallel_loop3A_322 = tpu.iota {dimensions = array<i32: 0>} : vector<16xi32>
            %parallel_loop3A_323 = arith.constant 0 : i32
            %parallel_loop3A_324 = vector.broadcast %parallel_loop3A_323 : i32 to vector<16xi32>
            %parallel_loop3A_325 = arith.addi %parallel_loop3A_322, %parallel_loop3A_324 : vector<16xi32>
            %parallel_loop3A_326 = arith.constant 0 : index
            %parallel_loop3A_327 = tpu.vector_load %arg7[%parallel_loop3A_326] {strides = array<i32>} : memref<128xi32, #tpu.memory_space<vmem>>, vector<16xi32>,
            %parallel_loop3A_328 = vector.broadcast %parallel_loop3A_321 : i32 to vector<16xi32>
            %parallel_loop3A_329 = arith.addi %parallel_loop3A_327, %parallel_loop3A_328 : vector<16xi32>
            %parallel_loop3A_330 = tpu.vector_load_idx %arg13[%parallel_loop3A_325, %parallel_loop3A_329] : memref<128x64xf32, #tpu.memory_space<vmem>>[vector<16xi32>, vector<16xi32>], vector<16xf32>,
            %parallel_loop3A_331 = arith.index_cast %parallel_loop3A_321 : i32 to index
            %parallel_loop3A_332 = arith.constant 0 : index
            %parallel_loop3A_333 = tpu.vector_load %arg16[%parallel_loop3A_331, %parallel_loop3A_332] {strides = array<i32>} : memref<31x128xf32, #tpu.memory_space<vmem>>, vector<16xf32>,
            tpu.vector_store %arg16[%parallel_loop3A_331, %parallel_loop3A_332], %parallel_loop3A_330 {strides = array<i32>} : memref<31x128xf32, #tpu.memory_space<vmem>>, vector<16xf32>,
            %parallel_loop3A_334 = tpu.iota {dimensions = array<i32: 0>} : vector<16xi32>
            %parallel_loop3A_335 = arith.constant 16 : i32
            %parallel_loop3A_336 = vector.broadcast %parallel_loop3A_335 : i32 to vector<16xi32>
            %parallel_loop3A_337 = arith.addi %parallel_loop3A_334, %parallel_loop3A_336 : vector<16xi32>
            %parallel_loop3A_338 = arith.constant 16 : index
            %parallel_loop3A_339 = tpu.vector_load %arg7[%parallel_loop3A_338] {strides = array<i32>} : memref<128xi32, #tpu.memory_space<vmem>>, vector<16xi32>,
            %parallel_loop3A_340 = vector.broadcast %parallel_loop3A_321 : i32 to vector<16xi32>
            %parallel_loop3A_341 = arith.addi %parallel_loop3A_339, %parallel_loop3A_340 : vector<16xi32>
            %parallel_loop3A_342 = tpu.vector_load_idx %arg13[%parallel_loop3A_337, %parallel_loop3A_341] : memref<128x64xf32, #tpu.memory_space<vmem>>[vector<16xi32>, vector<16xi32>], vector<16xf32>,
            %parallel_loop3A_343 = arith.index_cast %parallel_loop3A_321 : i32 to index
            %parallel_loop3A_344 = arith.constant 16 : index
            %parallel_loop3A_345 = tpu.vector_load %arg16[%parallel_loop3A_343, %parallel_loop3A_344] {strides = array<i32>} : memref<31x128xf32, #tpu.memory_space<vmem>>, vector<16xf32>,
            tpu.vector_store %arg16[%parallel_loop3A_343, %parallel_loop3A_344], %parallel_loop3A_342 {strides = array<i32>} : memref<31x128xf32, #tpu.memory_space<vmem>>, vector<16xf32>,
            %parallel_loop3A_346 = tpu.iota {dimensions = array<i32: 0>} : vector<16xi32>
            %parallel_loop3A_347 = arith.constant 32 : i32
            %parallel_loop3A_348 = vector.broadcast %parallel_loop3A_347 : i32 to vector<16xi32>
            %parallel_loop3A_349 = arith.addi %parallel_loop3A_346, %parallel_loop3A_348 : vector<16xi32>
            %parallel_loop3A_350 = arith.constant 32 : index
            %parallel_loop3A_351 = tpu.vector_load %arg7[%parallel_loop3A_350] {strides = array<i32>} : memref<128xi32, #tpu.memory_space<vmem>>, vector<16xi32>,
            %parallel_loop3A_352 = vector.broadcast %parallel_loop3A_321 : i32 to vector<16xi32>
            %parallel_loop3A_353 = arith.addi %parallel_loop3A_351, %parallel_loop3A_352 : vector<16xi32>
            %parallel_loop3A_354 = tpu.vector_load_idx %arg13[%parallel_loop3A_349, %parallel_loop3A_353] : memref<128x64xf32, #tpu.memory_space<vmem>>[vector<16xi32>, vector<16xi32>], vector<16xf32>,
            %parallel_loop3A_355 = arith.index_cast %parallel_loop3A_321 : i32 to index
            %parallel_loop3A_356 = arith.constant 32 : index
            %parallel_loop3A_357 = tpu.vector_load %arg16[%parallel_loop3A_355, %parallel_loop3A_356] {strides = array<i32>} : memref<31x128xf32, #tpu.memory_space<vmem>>, vector<16xf32>,
            tpu.vector_store %arg16[%parallel_loop3A_355, %parallel_loop3A_356], %parallel_loop3A_354 {strides = array<i32>} : memref<31x128xf32, #tpu.memory_space<vmem>>, vector<16xf32>,
            %parallel_loop3A_358 = tpu.iota {dimensions = array<i32: 0>} : vector<16xi32>
            %parallel_loop3A_359 = arith.constant 48 : i32
            %parallel_loop3A_360 = vector.broadcast %parallel_loop3A_359 : i32 to vector<16xi32>
            %parallel_loop3A_361 = arith.addi %parallel_loop3A_358, %parallel_loop3A_360 : vector<16xi32>
            %parallel_loop3A_362 = arith.constant 48 : index
            %parallel_loop3A_363 = tpu.vector_load %arg7[%parallel_loop3A_362] {strides = array<i32>} : memref<128xi32, #tpu.memory_space<vmem>>, vector<16xi32>,
            %parallel_loop3A_364 = vector.broadcast %parallel_loop3A_321 : i32 to vector<16xi32>
            %parallel_loop3A_365 = arith.addi %parallel_loop3A_363, %parallel_loop3A_364 : vector<16xi32>
            %parallel_loop3A_366 = tpu.vector_load_idx %arg13[%parallel_loop3A_361, %parallel_loop3A_365] : memref<128x64xf32, #tpu.memory_space<vmem>>[vector<16xi32>, vector<16xi32>], vector<16xf32>,
            %parallel_loop3A_367 = arith.index_cast %parallel_loop3A_321 : i32 to index
            %parallel_loop3A_368 = arith.constant 48 : index
            %parallel_loop3A_369 = tpu.vector_load %arg16[%parallel_loop3A_367, %parallel_loop3A_368] {strides = array<i32>} : memref<31x128xf32, #tpu.memory_space<vmem>>, vector<16xf32>,
            tpu.vector_store %arg16[%parallel_loop3A_367, %parallel_loop3A_368], %parallel_loop3A_366 {strides = array<i32>} : memref<31x128xf32, #tpu.memory_space<vmem>>, vector<16xf32>,
            %parallel_loop3A_370 = tpu.iota {dimensions = array<i32: 0>} : vector<16xi32>
            %parallel_loop3A_371 = arith.constant 64 : i32
            %parallel_loop3A_372 = vector.broadcast %parallel_loop3A_371 : i32 to vector<16xi32>
            %parallel_loop3A_373 = arith.addi %parallel_loop3A_370, %parallel_loop3A_372 : vector<16xi32>
            %parallel_loop3A_374 = arith.constant 64 : index
            %parallel_loop3A_375 = tpu.vector_load %arg7[%parallel_loop3A_374] {strides = array<i32>} : memref<128xi32, #tpu.memory_space<vmem>>, vector<16xi32>,
            %parallel_loop3A_376 = vector.broadcast %parallel_loop3A_321 : i32 to vector<16xi32>
            %parallel_loop3A_377 = arith.addi %parallel_loop3A_375, %parallel_loop3A_376 : vector<16xi32>
            %parallel_loop3A_378 = tpu.vector_load_idx %arg13[%parallel_loop3A_373, %parallel_loop3A_377] : memref<128x64xf32, #tpu.memory_space<vmem>>[vector<16xi32>, vector<16xi32>], vector<16xf32>,
            %parallel_loop3A_379 = arith.index_cast %parallel_loop3A_321 : i32 to index
            %parallel_loop3A_380 = arith.constant 64 : index
            %parallel_loop3A_381 = tpu.vector_load %arg16[%parallel_loop3A_379, %parallel_loop3A_380] {strides = array<i32>} : memref<31x128xf32, #tpu.memory_space<vmem>>, vector<16xf32>,
            tpu.vector_store %arg16[%parallel_loop3A_379, %parallel_loop3A_380], %parallel_loop3A_378 {strides = array<i32>} : memref<31x128xf32, #tpu.memory_space<vmem>>, vector<16xf32>,
            %parallel_loop3A_382 = tpu.iota {dimensions = array<i32: 0>} : vector<16xi32>
            %parallel_loop3A_383 = arith.constant 80 : i32
            %parallel_loop3A_384 = vector.broadcast %parallel_loop3A_383 : i32 to vector<16xi32>
            %parallel_loop3A_385 = arith.addi %parallel_loop3A_382, %parallel_loop3A_384 : vector<16xi32>
            %parallel_loop3A_386 = arith.constant 80 : index
            %parallel_loop3A_387 = tpu.vector_load %arg7[%parallel_loop3A_386] {strides = array<i32>} : memref<128xi32, #tpu.memory_space<vmem>>, vector<16xi32>,
            %parallel_loop3A_388 = vector.broadcast %parallel_loop3A_321 : i32 to vector<16xi32>
            %parallel_loop3A_389 = arith.addi %parallel_loop3A_387, %parallel_loop3A_388 : vector<16xi32>
            %parallel_loop3A_390 = tpu.vector_load_idx %arg13[%parallel_loop3A_385, %parallel_loop3A_389] : memref<128x64xf32, #tpu.memory_space<vmem>>[vector<16xi32>, vector<16xi32>], vector<16xf32>,
            %parallel_loop3A_391 = arith.index_cast %parallel_loop3A_321 : i32 to index
            %parallel_loop3A_392 = arith.constant 80 : index
            %parallel_loop3A_393 = tpu.vector_load %arg16[%parallel_loop3A_391, %parallel_loop3A_392] {strides = array<i32>} : memref<31x128xf32, #tpu.memory_space<vmem>>, vector<16xf32>,
            tpu.vector_store %arg16[%parallel_loop3A_391, %parallel_loop3A_392], %parallel_loop3A_390 {strides = array<i32>} : memref<31x128xf32, #tpu.memory_space<vmem>>, vector<16xf32>,
            %parallel_loop3A_394 = tpu.iota {dimensions = array<i32: 0>} : vector<16xi32>
            %parallel_loop3A_395 = arith.constant 96 : i32
            %parallel_loop3A_396 = vector.broadcast %parallel_loop3A_395 : i32 to vector<16xi32>
            %parallel_loop3A_397 = arith.addi %parallel_loop3A_394, %parallel_loop3A_396 : vector<16xi32>
            %parallel_loop3A_398 = arith.constant 96 : index
            %parallel_loop3A_399 = tpu.vector_load %arg7[%parallel_loop3A_398] {strides = array<i32>} : memref<128xi32, #tpu.memory_space<vmem>>, vector<16xi32>,
            %parallel_loop3A_400 = vector.broadcast %parallel_loop3A_321 : i32 to vector<16xi32>
            %parallel_loop3A_401 = arith.addi %parallel_loop3A_399, %parallel_loop3A_400 : vector<16xi32>
            %parallel_loop3A_402 = tpu.vector_load_idx %arg13[%parallel_loop3A_397, %parallel_loop3A_401] : memref<128x64xf32, #tpu.memory_space<vmem>>[vector<16xi32>, vector<16xi32>], vector<16xf32>,
            %parallel_loop3A_403 = arith.index_cast %parallel_loop3A_321 : i32 to index
            %parallel_loop3A_404 = arith.constant 96 : index
            %parallel_loop3A_405 = tpu.vector_load %arg16[%parallel_loop3A_403, %parallel_loop3A_404] {strides = array<i32>} : memref<31x128xf32, #tpu.memory_space<vmem>>, vector<16xf32>,
            tpu.vector_store %arg16[%parallel_loop3A_403, %parallel_loop3A_404], %parallel_loop3A_402 {strides = array<i32>} : memref<31x128xf32, #tpu.memory_space<vmem>>, vector<16xf32>,
            %parallel_loop3A_406 = tpu.iota {dimensions = array<i32: 0>} : vector<16xi32>
            %parallel_loop3A_407 = arith.constant 112 : i32
            %parallel_loop3A_408 = vector.broadcast %parallel_loop3A_407 : i32 to vector<16xi32>
            %parallel_loop3A_409 = arith.addi %parallel_loop3A_406, %parallel_loop3A_408 : vector<16xi32>
            %parallel_loop3A_410 = arith.constant 112 : index
            %parallel_loop3A_411 = tpu.vector_load %arg7[%parallel_loop3A_410] {strides = array<i32>} : memref<128xi32, #tpu.memory_space<vmem>>, vector<16xi32>,
            %parallel_loop3A_412 = vector.broadcast %parallel_loop3A_321 : i32 to vector<16xi32>
            %parallel_loop3A_413 = arith.addi %parallel_loop3A_411, %parallel_loop3A_412 : vector<16xi32>
            %parallel_loop3A_414 = tpu.vector_load_idx %arg13[%parallel_loop3A_409, %parallel_loop3A_413] : memref<128x64xf32, #tpu.memory_space<vmem>>[vector<16xi32>, vector<16xi32>], vector<16xf32>,
            %parallel_loop3A_415 = arith.index_cast %parallel_loop3A_321 : i32 to index
            %parallel_loop3A_416 = arith.constant 112 : index
            %parallel_loop3A_417 = tpu.vector_load %arg16[%parallel_loop3A_415, %parallel_loop3A_416] {strides = array<i32>} : memref<31x128xf32, #tpu.memory_space<vmem>>, vector<16xf32>,
            tpu.vector_store %arg16[%parallel_loop3A_415, %parallel_loop3A_416], %parallel_loop3A_414 {strides = array<i32>} : memref<31x128xf32, #tpu.memory_space<vmem>>, vector<16xf32>,
          } {sc.loop_unroll_factor = 4 : i64, sc.parallel_access}
          %mul3A_313 = arith.constant 31 : i32
          %mul3A_314 = arith.muli %sub3A, %mul3A_313 : i32
          %add3A_315 = arith.addi %mul3A_314, %add3A_294 : i32
          %mul3A_316 = arith.constant 31 : i32
          %mul3A_317 = arith.muli %add3A_315, %mul3A_316 : i32
          %dma_start3A_318 = tpu.memref_slice %arg5[%mul3A_317, %add3A_28] : memref<2883x5120xf32, #tpu.memory_space<hbm>> -> memref<31x128xf32, #tpu.memory_space<hbm>>
          %dma_start3A_319 = tpu.memref_slice %arg5[%mul3A_317, %add3A_28] : memref<2883x5120xf32, #tpu.memory_space<hbm>> -> memref<31x128xf32, #tpu.memory_space<hbm>>
          tpu.enqueue_dma source(%arg16 : memref<31x128xf32, #tpu.memory_space<vmem>>) target(%dma_start3A_319 : memref<31x128xf32, #tpu.memory_space<hbm>>) target_semaphore(%arg22 : memref<!tpu.dma_semaphore, #tpu.memory_space<semaphore_mem>>)
          %scan3A_320 = arith.constant 0 : i32
          scf.yield %scan3A_320 : i32
        }
        %scan3A_191 = arith.constant 10 : i32
        %dma_wait3A_192 = arith.constant 0 : i32
        %dma_wait3A_193 = arith.constant 0 : i32
        %dma_wait3A_194 = tpu.memref_slice %arg2[%dma_wait3A_192, %dma_wait3A_193] : memref<261120x64xf32, #tpu.memory_space<hbm>> -> memref<261120x64xf32, #tpu.memory_space<hbm>>
        tpu.wait_indirect_dma semaphore(%arg17 : memref<!tpu.dma_semaphore, #tpu.memory_space<semaphore_mem>>) src(%dma_wait3A_194 : memref<261120x64xf32, #tpu.memory_space<hbm>>) dst(%arg11 : memref<128x64xf32, #tpu.memory_space<vmem>>)
        %mul3A_195 = arith.constant 31 : i32
        %mul3A_196 = arith.muli %sub3A, %mul3A_195 : i32
        %add3A_197 = arith.constant 27 : i32
        %add3A_198 = arith.addi %mul3A_196, %add3A_197 : i32
        %mul3A_199 = arith.constant 31 : i32
        %mul3A_200 = arith.muli %add3A_198, %mul3A_199 : i32
        %dma_wait3A_201 = tpu.memref_slice %arg5[%mul3A_200, %add3A_28] : memref<2883x5120xf32, #tpu.memory_space<hbm>> -> memref<31x128xf32, #tpu.memory_space<hbm>>
        %dma_wait3A_202 = tpu.memref_slice %arg5[%mul3A_200, %add3A_28] : memref<2883x5120xf32, #tpu.memory_space<hbm>> -> memref<31x128xf32, #tpu.memory_space<hbm>>
        tpu.wait_dma2 semaphore(%arg20 : memref<!tpu.dma_semaphore, #tpu.memory_space<semaphore_mem>>) src(%arg14 : memref<31x128xf32, #tpu.memory_space<vmem>>) dst(%dma_wait3A_202 : memref<31x128xf32, #tpu.memory_space<hbm>>)
        %parallel_loop3A = arith.constant 0 : i32
        %parallel_loop3A_203 = arith.constant 31 : i32
        %parallel_loop3A_204 = arith.constant 1 : i32
        scf.for %parallel_loop3A_237 = %parallel_loop3A to %parallel_loop3A_203 step %parallel_loop3A_204  : i32 {
          %parallel_loop3A_238 = tpu.iota {dimensions = array<i32: 0>} : vector<16xi32>
          %parallel_loop3A_239 = arith.constant 0 : i32
          %parallel_loop3A_240 = vector.broadcast %parallel_loop3A_239 : i32 to vector<16xi32>
          %parallel_loop3A_241 = arith.addi %parallel_loop3A_238, %parallel_loop3A_240 : vector<16xi32>
          %parallel_loop3A_242 = arith.constant 0 : index
          %parallel_loop3A_243 = tpu.vector_load %arg7[%parallel_loop3A_242] {strides = array<i32>} : memref<128xi32, #tpu.memory_space<vmem>>, vector<16xi32>,
          %parallel_loop3A_244 = vector.broadcast %parallel_loop3A_237 : i32 to vector<16xi32>
          %parallel_loop3A_245 = arith.addi %parallel_loop3A_243, %parallel_loop3A_244 : vector<16xi32>
          %parallel_loop3A_246 = tpu.vector_load_idx %arg11[%parallel_loop3A_241, %parallel_loop3A_245] : memref<128x64xf32, #tpu.memory_space<vmem>>[vector<16xi32>, vector<16xi32>], vector<16xf32>,
          %parallel_loop3A_247 = arith.index_cast %parallel_loop3A_237 : i32 to index
          %parallel_loop3A_248 = arith.constant 0 : index
          %parallel_loop3A_249 = tpu.vector_load %arg14[%parallel_loop3A_247, %parallel_loop3A_248] {strides = array<i32>} : memref<31x128xf32, #tpu.memory_space<vmem>>, vector<16xf32>,
          tpu.vector_store %arg14[%parallel_loop3A_247, %parallel_loop3A_248], %parallel_loop3A_246 {strides = array<i32>} : memref<31x128xf32, #tpu.memory_space<vmem>>, vector<16xf32>,
          %parallel_loop3A_250 = tpu.iota {dimensions = array<i32: 0>} : vector<16xi32>
          %parallel_loop3A_251 = arith.constant 16 : i32
          %parallel_loop3A_252 = vector.broadcast %parallel_loop3A_251 : i32 to vector<16xi32>
          %parallel_loop3A_253 = arith.addi %parallel_loop3A_250, %parallel_loop3A_252 : vector<16xi32>
          %parallel_loop3A_254 = arith.constant 16 : index
          %parallel_loop3A_255 = tpu.vector_load %arg7[%parallel_loop3A_254] {strides = array<i32>} : memref<128xi32, #tpu.memory_space<vmem>>, vector<16xi32>,
          %parallel_loop3A_256 = vector.broadcast %parallel_loop3A_237 : i32 to vector<16xi32>
          %parallel_loop3A_257 = arith.addi %parallel_loop3A_255, %parallel_loop3A_256 : vector<16xi32>
          %parallel_loop3A_258 = tpu.vector_load_idx %arg11[%parallel_loop3A_253, %parallel_loop3A_257] : memref<128x64xf32, #tpu.memory_space<vmem>>[vector<16xi32>, vector<16xi32>], vector<16xf32>,
          %parallel_loop3A_259 = arith.index_cast %parallel_loop3A_237 : i32 to index
          %parallel_loop3A_260 = arith.constant 16 : index
          %parallel_loop3A_261 = tpu.vector_load %arg14[%parallel_loop3A_259, %parallel_loop3A_260] {strides = array<i32>} : memref<31x128xf32, #tpu.memory_space<vmem>>, vector<16xf32>,
          tpu.vector_store %arg14[%parallel_loop3A_259, %parallel_loop3A_260], %parallel_loop3A_258 {strides = array<i32>} : memref<31x128xf32, #tpu.memory_space<vmem>>, vector<16xf32>,
          %parallel_loop3A_262 = tpu.iota {dimensions = array<i32: 0>} : vector<16xi32>
          %parallel_loop3A_263 = arith.constant 32 : i32
          %parallel_loop3A_264 = vector.broadcast %parallel_loop3A_263 : i32 to vector<16xi32>
          %parallel_loop3A_265 = arith.addi %parallel_loop3A_262, %parallel_loop3A_264 : vector<16xi32>
          %parallel_loop3A_266 = arith.constant 32 : index
          %parallel_loop3A_267 = tpu.vector_load %arg7[%parallel_loop3A_266] {strides = array<i32>} : memref<128xi32, #tpu.memory_space<vmem>>, vector<16xi32>,
          %parallel_loop3A_268 = vector.broadcast %parallel_loop3A_237 : i32 to vector<16xi32>
          %parallel_loop3A_269 = arith.addi %parallel_loop3A_267, %parallel_loop3A_268 : vector<16xi32>
          %parallel_loop3A_270 = tpu.vector_load_idx %arg11[%parallel_loop3A_265, %parallel_loop3A_269] : memref<128x64xf32, #tpu.memory_space<vmem>>[vector<16xi32>, vector<16xi32>], vector<16xf32>,
          %parallel_loop3A_271 = arith.index_cast %parallel_loop3A_237 : i32 to index
          %parallel_loop3A_272 = arith.constant 32 : index
          %parallel_loop3A_273 = tpu.vector_load %arg14[%parallel_loop3A_271, %parallel_loop3A_272] {strides = array<i32>} : memref<31x128xf32, #tpu.memory_space<vmem>>, vector<16xf32>,
          tpu.vector_store %arg14[%parallel_loop3A_271, %parallel_loop3A_272], %parallel_loop3A_270 {strides = array<i32>} : memref<31x128xf32, #tpu.memory_space<vmem>>, vector<16xf32>,
          %parallel_loop3A_274 = tpu.iota {dimensions = array<i32: 0>} : vector<16xi32>
          %parallel_loop3A_275 = arith.constant 48 : i32
          %parallel_loop3A_276 = vector.broadcast %parallel_loop3A_275 : i32 to vector<16xi32>
          %parallel_loop3A_277 = arith.addi %parallel_loop3A_274, %parallel_loop3A_276 : vector<16xi32>
          %parallel_loop3A_278 = arith.constant 48 : index
          %parallel_loop3A_279 = tpu.vector_load %arg7[%parallel_loop3A_278] {strides = array<i32>} : memref<128xi32, #tpu.memory_space<vmem>>, vector<16xi32>,
          %parallel_loop3A_280 = vector.broadcast %parallel_loop3A_237 : i32 to vector<16xi32>
          %parallel_loop3A_281 = arith.addi %parallel_loop3A_279, %parallel_loop3A_280 : vector<16xi32>
          %parallel_loop3A_282 = tpu.vector_load_idx %arg11[%parallel_loop3A_277, %parallel_loop3A_281] : memref<128x64xf32, #tpu.memory_space<vmem>>[vector<16xi32>, vector<16xi32>], vector<16xf32>,
          %parallel_loop3A_283 = arith.index_cast %parallel_loop3A_237 : i32 to index
          %parallel_loop3A_284 = arith.constant 48 : index
          %parallel_loop3A_285 = tpu.vector_load %arg14[%parallel_loop3A_283, %parallel_loop3A_284] {strides = array<i32>} : memref<31x128xf32, #tpu.memory_space<vmem>>, vector<16xf32>,
          tpu.vector_store %arg14[%parallel_loop3A_283, %parallel_loop3A_284], %parallel_loop3A_282 {strides = array<i32>} : memref<31x128xf32, #tpu.memory_space<vmem>>, vector<16xf32>,
          %parallel_loop3A_286 = tpu.iota {dimensions = array<i32: 0>} : vector<16xi32>
          %parallel_loop3A_287 = arith.constant 64 : i32
          %parallel_loop3A_288 = vector.broadcast %parallel_loop3A_287 : i32 to vector<16xi32>
          %parallel_loop3A_289 = arith.addi %parallel_loop3A_286, %parallel_loop3A_288 : vector<16xi32>
          %parallel_loop3A_290 = arith.constant 64 : index
          %parallel_loop3A_291 = tpu.vector_load %arg7[%parallel_loop3A_290] {strides = array<i32>} : memref<128xi32, #tpu.memory_space<vmem>>, vector<16xi32>,
          %parallel_loop3A_292 = vector.broadcast %parallel_loop3A_237 : i32 to vector<16xi32>
          %parallel_loop3A_293 = arith.addi %parallel_loop3A_291, %parallel_loop3A_292 : vector<16xi32>
          %parallel_loop3A_294 = tpu.vector_load_idx %arg11[%parallel_loop3A_289, %parallel_loop3A_293] : memref<128x64xf32, #tpu.memory_space<vmem>>[vector<16xi32>, vector<16xi32>], vector<16xf32>,
          %parallel_loop3A_295 = arith.index_cast %parallel_loop3A_237 : i32 to index
          %parallel_loop3A_296 = arith.constant 64 : index
          %parallel_loop3A_297 = tpu.vector_load %arg14[%parallel_loop3A_295, %parallel_loop3A_296] {strides = array<i32>} : memref<31x128xf32, #tpu.memory_space<vmem>>, vector<16xf32>,
          tpu.vector_store %arg14[%parallel_loop3A_295, %parallel_loop3A_296], %parallel_loop3A_294 {strides = array<i32>} : memref<31x128xf32, #tpu.memory_space<vmem>>, vector<16xf32>,
          %parallel_loop3A_298 = tpu.iota {dimensions = array<i32: 0>} : vector<16xi32>
          %parallel_loop3A_299 = arith.constant 80 : i32
          %parallel_loop3A_300 = vector.broadcast %parallel_loop3A_299 : i32 to vector<16xi32>
          %parallel_loop3A_301 = arith.addi %parallel_loop3A_298, %parallel_loop3A_300 : vector<16xi32>
          %parallel_loop3A_302 = arith.constant 80 : index
          %parallel_loop3A_303 = tpu.vector_load %arg7[%parallel_loop3A_302] {strides = array<i32>} : memref<128xi32, #tpu.memory_space<vmem>>, vector<16xi32>,
          %parallel_loop3A_304 = vector.broadcast %parallel_loop3A_237 : i32 to vector<16xi32>
          %parallel_loop3A_305 = arith.addi %parallel_loop3A_303, %parallel_loop3A_304 : vector<16xi32>
          %parallel_loop3A_306 = tpu.vector_load_idx %arg11[%parallel_loop3A_301, %parallel_loop3A_305] : memref<128x64xf32, #tpu.memory_space<vmem>>[vector<16xi32>, vector<16xi32>], vector<16xf32>,
          %parallel_loop3A_307 = arith.index_cast %parallel_loop3A_237 : i32 to index
          %parallel_loop3A_308 = arith.constant 80 : index
          %parallel_loop3A_309 = tpu.vector_load %arg14[%parallel_loop3A_307, %parallel_loop3A_308] {strides = array<i32>} : memref<31x128xf32, #tpu.memory_space<vmem>>, vector<16xf32>,
          tpu.vector_store %arg14[%parallel_loop3A_307, %parallel_loop3A_308], %parallel_loop3A_306 {strides = array<i32>} : memref<31x128xf32, #tpu.memory_space<vmem>>, vector<16xf32>,
          %parallel_loop3A_310 = tpu.iota {dimensions = array<i32: 0>} : vector<16xi32>
          %parallel_loop3A_311 = arith.constant 96 : i32
          %parallel_loop3A_312 = vector.broadcast %parallel_loop3A_311 : i32 to vector<16xi32>
          %parallel_loop3A_313 = arith.addi %parallel_loop3A_310, %parallel_loop3A_312 : vector<16xi32>
          %parallel_loop3A_314 = arith.constant 96 : index
          %parallel_loop3A_315 = tpu.vector_load %arg7[%parallel_loop3A_314] {strides = array<i32>} : memref<128xi32, #tpu.memory_space<vmem>>, vector<16xi32>,
          %parallel_loop3A_316 = vector.broadcast %parallel_loop3A_237 : i32 to vector<16xi32>
          %parallel_loop3A_317 = arith.addi %parallel_loop3A_315, %parallel_loop3A_316 : vector<16xi32>
          %parallel_loop3A_318 = tpu.vector_load_idx %arg11[%parallel_loop3A_313, %parallel_loop3A_317] : memref<128x64xf32, #tpu.memory_space<vmem>>[vector<16xi32>, vector<16xi32>], vector<16xf32>,
          %parallel_loop3A_319 = arith.index_cast %parallel_loop3A_237 : i32 to index
          %parallel_loop3A_320 = arith.constant 96 : index
          %parallel_loop3A_321 = tpu.vector_load %arg14[%parallel_loop3A_319, %parallel_loop3A_320] {strides = array<i32>} : memref<31x128xf32, #tpu.memory_space<vmem>>, vector<16xf32>,
          tpu.vector_store %arg14[%parallel_loop3A_319, %parallel_loop3A_320], %parallel_loop3A_318 {strides = array<i32>} : memref<31x128xf32, #tpu.memory_space<vmem>>, vector<16xf32>,
          %parallel_loop3A_322 = tpu.iota {dimensions = array<i32: 0>} : vector<16xi32>
          %parallel_loop3A_323 = arith.constant 112 : i32
          %parallel_loop3A_324 = vector.broadcast %parallel_loop3A_323 : i32 to vector<16xi32>
          %parallel_loop3A_325 = arith.addi %parallel_loop3A_322, %parallel_loop3A_324 : vector<16xi32>
          %parallel_loop3A_326 = arith.constant 112 : index
          %parallel_loop3A_327 = tpu.vector_load %arg7[%parallel_loop3A_326] {strides = array<i32>} : memref<128xi32, #tpu.memory_space<vmem>>, vector<16xi32>,
          %parallel_loop3A_328 = vector.broadcast %parallel_loop3A_237 : i32 to vector<16xi32>
          %parallel_loop3A_329 = arith.addi %parallel_loop3A_327, %parallel_loop3A_328 : vector<16xi32>
          %parallel_loop3A_330 = tpu.vector_load_idx %arg11[%parallel_loop3A_325, %parallel_loop3A_329] : memref<128x64xf32, #tpu.memory_space<vmem>>[vector<16xi32>, vector<16xi32>], vector<16xf32>,
          %parallel_loop3A_331 = arith.index_cast %parallel_loop3A_237 : i32 to index
          %parallel_loop3A_332 = arith.constant 112 : index
          %parallel_loop3A_333 = tpu.vector_load %arg14[%parallel_loop3A_331, %parallel_loop3A_332] {strides = array<i32>} : memref<31x128xf32, #tpu.memory_space<vmem>>, vector<16xf32>,
          tpu.vector_store %arg14[%parallel_loop3A_331, %parallel_loop3A_332], %parallel_loop3A_330 {strides = array<i32>} : memref<31x128xf32, #tpu.memory_space<vmem>>, vector<16xf32>,
        } {sc.loop_unroll_factor = 4 : i64, sc.parallel_access}
        %mul3A_205 = arith.constant 31 : i32
        %mul3A_206 = arith.muli %sub3A, %mul3A_205 : i32
        %add3A_207 = arith.constant 30 : i32
        %add3A_208 = arith.addi %mul3A_206, %add3A_207 : i32
        %mul3A_209 = arith.constant 31 : i32
        %mul3A_210 = arith.muli %add3A_208, %mul3A_209 : i32
        %dma_start3A_211 = tpu.memref_slice %arg5[%mul3A_210, %add3A_28] : memref<2883x5120xf32, #tpu.memory_space<hbm>> -> memref<31x128xf32, #tpu.memory_space<hbm>>
        %dma_start3A_212 = tpu.memref_slice %arg5[%mul3A_210, %add3A_28] : memref<2883x5120xf32, #tpu.memory_space<hbm>> -> memref<31x128xf32, #tpu.memory_space<hbm>>
        tpu.enqueue_dma source(%arg14 : memref<31x128xf32, #tpu.memory_space<vmem>>) target(%dma_start3A_212 : memref<31x128xf32, #tpu.memory_space<hbm>>) target_semaphore(%arg20 : memref<!tpu.dma_semaphore, #tpu.memory_space<semaphore_mem>>)
        %mul3A_213 = arith.constant 31 : i32
        %mul3A_214 = arith.muli %sub3A, %mul3A_213 : i32
        %add3A_215 = arith.constant 28 : i32
        %add3A_216 = arith.addi %mul3A_214, %add3A_215 : i32
        %mul3A_217 = arith.constant 31 : i32
        %mul3A_218 = arith.muli %add3A_216, %mul3A_217 : i32
        %dma_wait3A_219 = tpu.memref_slice %arg5[%mul3A_218, %add3A_28] : memref<2883x5120xf32, #tpu.memory_space<hbm>> -> memref<31x128xf32, #tpu.memory_space<hbm>>
        %dma_wait3A_220 = tpu.memref_slice %arg5[%mul3A_218, %add3A_28] : memref<2883x5120xf32, #tpu.memory_space<hbm>> -> memref<31x128xf32, #tpu.memory_space<hbm>>
        tpu.wait_dma2 semaphore(%arg21 : memref<!tpu.dma_semaphore, #tpu.memory_space<semaphore_mem>>) src(%arg15 : memref<31x128xf32, #tpu.memory_space<vmem>>) dst(%dma_wait3A_220 : memref<31x128xf32, #tpu.memory_space<hbm>>)
        %mul3A_221 = arith.constant 31 : i32
        %mul3A_222 = arith.muli %sub3A, %mul3A_221 : i32
        %add3A_223 = arith.constant 29 : i32
        %add3A_224 = arith.addi %mul3A_222, %add3A_223 : i32
        %mul3A_225 = arith.constant 31 : i32
        %mul3A_226 = arith.muli %add3A_224, %mul3A_225 : i32
        %dma_wait3A_227 = tpu.memref_slice %arg5[%mul3A_226, %add3A_28] : memref<2883x5120xf32, #tpu.memory_space<hbm>> -> memref<31x128xf32, #tpu.memory_space<hbm>>
        %dma_wait3A_228 = tpu.memref_slice %arg5[%mul3A_226, %add3A_28] : memref<2883x5120xf32, #tpu.memory_space<hbm>> -> memref<31x128xf32, #tpu.memory_space<hbm>>
        tpu.wait_dma2 semaphore(%arg22 : memref<!tpu.dma_semaphore, #tpu.memory_space<semaphore_mem>>) src(%arg16 : memref<31x128xf32, #tpu.memory_space<vmem>>) dst(%dma_wait3A_228 : memref<31x128xf32, #tpu.memory_space<hbm>>)
        %mul3A_229 = arith.constant 31 : i32
        %mul3A_230 = arith.muli %sub3A, %mul3A_229 : i32
        %add3A_231 = arith.constant 30 : i32
        %add3A_232 = arith.addi %mul3A_230, %add3A_231 : i32
        %mul3A_233 = arith.constant 31 : i32
        %mul3A_234 = arith.muli %add3A_232, %mul3A_233 : i32
        %dma_wait3A_235 = tpu.memref_slice %arg5[%mul3A_234, %add3A_28] : memref<2883x5120xf32, #tpu.memory_space<hbm>> -> memref<31x128xf32, #tpu.memory_space<hbm>>
        %dma_wait3A_236 = tpu.memref_slice %arg5[%mul3A_234, %add3A_28] : memref<2883x5120xf32, #tpu.memory_space<hbm>> -> memref<31x128xf32, #tpu.memory_space<hbm>>
        tpu.wait_dma2 semaphore(%arg20 : memref<!tpu.dma_semaphore, #tpu.memory_space<semaphore_mem>>) src(%arg14 : memref<31x128xf32, #tpu.memory_space<vmem>>) dst(%dma_wait3A_236 : memref<31x128xf32, #tpu.memory_space<hbm>>)
      } else {
      }
      %scan3A_14 = arith.constant 0 : i32
      scf.yield %scan3A_14 : i32
    }
    %scan3A_6 = arith.constant 4 : i32
    return
  }
}

module attributes {stable_mosaic.version = 14 : i64} {
  func.func @_table_body(%arg0: i32, %arg1: memref<1x512x512xf32, #tpu.memory_space<vmem>>, %arg2: memref<1x2x5x544x128xf32, #tpu.memory_space<vmem>>) attributes {dimension_semantics = [#tpu.dimension_semantics<arbitrary>], iteration_bounds = array<i64: 24>, scalar_prefetch = 0 : i64, scratch_operands = 0 : i64, tpu.core_type = #tpu.core_type<tc>, window_params = [{transform_indices = @transform_0, window_bounds = array<i64: 1, 512, 512>}, {transform_indices = @transform_1, window_bounds = array<i64: 1, 2, 5, 544, 128>}]} {
    %get3A = arith.constant 0 : index
    %get3A_0 = arith.constant 0 : index
    %get3A_1 = arith.constant 0 : index
    %get3A_2 = vector.load %arg1[%get3A, %get3A_0, %get3A_1] : memref<1x512x512xf32, #tpu.memory_space<vmem>>, vector<1x512x512xf32>
    %get3A_3 = vector.shape_cast %get3A_2 : vector<1x512x512xf32> to vector<512x512xf32>
    %jit3A = arith.constant 0 : i32
    %convert_element_type3A = arith.sitofp %jit3A : i32 to f32
    %pad3A = vector.broadcast %convert_element_type3A : f32 to vector<1x512xf32>
    %pad3A_4 = tpu.concatenate %pad3A, %get3A_3 in 0 : vector<1x512xf32>, vector<512x512xf32> -> vector<513x512xf32>
    %pad3A_5 = vector.broadcast %convert_element_type3A : f32 to vector<1x512xf32>
    %pad3A_6 = tpu.concatenate %pad3A_4, %pad3A_5 in 0 : vector<513x512xf32>, vector<1x512xf32> -> vector<514x512xf32>
    %pad3A_7 = vector.broadcast %convert_element_type3A : f32 to vector<514x1xf32>
    %pad3A_8 = tpu.concatenate %pad3A_7, %pad3A_6 in 1 : vector<514x1xf32>, vector<514x512xf32> -> vector<514x513xf32>
    %pad3A_9 = vector.broadcast %convert_element_type3A : f32 to vector<514x1xf32>
    %pad3A_10 = tpu.concatenate %pad3A_8, %pad3A_9 in 1 : vector<514x513xf32>, vector<514x1xf32> -> vector<514x514xf32>
    %slice3A = vector.extract_strided_slice %pad3A_10 {offsets = [0, 0], sizes = [513, 513], strides = [1, 1]} : vector<514x514xf32> to vector<513x513xf32>
    %slice3A_11 = vector.extract_strided_slice %pad3A_10 {offsets = [0, 1], sizes = [513, 513], strides = [1, 1]} : vector<514x514xf32> to vector<513x513xf32>
    %add3A = arith.addf %slice3A, %slice3A_11 : vector<513x513xf32>
    %slice3A_12 = vector.extract_strided_slice %pad3A_10 {offsets = [1, 0], sizes = [513, 513], strides = [1, 1]} : vector<514x514xf32> to vector<513x513xf32>
    %add3A_13 = arith.addf %add3A, %slice3A_12 : vector<513x513xf32>
    %slice3A_14 = vector.extract_strided_slice %pad3A_10 {offsets = [1, 1], sizes = [513, 513], strides = [1, 1]} : vector<514x514xf32> to vector<513x513xf32>
    %add3A_15 = arith.addf %add3A_13, %slice3A_14 : vector<513x513xf32>
    %mul3A = arith.constant 2.500000e-01 : f32
    %mul3A_16 = vector.broadcast %mul3A : f32 to vector<513x513xf32>
    %mul3A_17 = arith.mulf %mul3A_16, %add3A_15 : vector<513x513xf32>
    %jit3A_18 = arith.constant 0 : i32
    %convert_element_type3A_19 = arith.sitofp %jit3A_18 : i32 to f32
    %pad3A_20 = vector.broadcast %convert_element_type3A_19 : f32 to vector<15x513xf32>
    %pad3A_21 = tpu.concatenate %pad3A_20, %mul3A_17 in 0 : vector<15x513xf32>, vector<513x513xf32> -> vector<528x513xf32>
    %pad3A_22 = vector.broadcast %convert_element_type3A_19 : f32 to vector<16x513xf32>
    %pad3A_23 = tpu.concatenate %pad3A_21, %pad3A_22 in 0 : vector<528x513xf32>, vector<16x513xf32> -> vector<544x513xf32>
    %pad3A_24 = vector.broadcast %convert_element_type3A_19 : f32 to vector<544x15xf32>
    %pad3A_25 = tpu.concatenate %pad3A_24, %pad3A_23 in 1 : vector<544x15xf32>, vector<544x513xf32> -> vector<544x528xf32>
    %pad3A_26 = vector.broadcast %convert_element_type3A_19 : f32 to vector<544x112xf32>
    %pad3A_27 = tpu.concatenate %pad3A_25, %pad3A_26 in 1 : vector<544x528xf32>, vector<544x112xf32> -> vector<544x640xf32>
    %jit3A_28 = arith.constant 0 : i32
    %convert_element_type3A_29 = arith.sitofp %jit3A_28 : i32 to f32
    %pad3A_30 = vector.broadcast %convert_element_type3A_29 : f32 to vector<15x513xf32>
    %pad3A_31 = tpu.concatenate %pad3A_30, %mul3A_17 in 0 : vector<15x513xf32>, vector<513x513xf32> -> vector<528x513xf32>
    %pad3A_32 = vector.broadcast %convert_element_type3A_29 : f32 to vector<16x513xf32>
    %pad3A_33 = tpu.concatenate %pad3A_31, %pad3A_32 in 0 : vector<528x513xf32>, vector<16x513xf32> -> vector<544x513xf32>
    %pad3A_34 = vector.broadcast %convert_element_type3A_29 : f32 to vector<544x47xf32>
    %pad3A_35 = tpu.concatenate %pad3A_34, %pad3A_33 in 1 : vector<544x47xf32>, vector<544x513xf32> -> vector<544x560xf32>
    %pad3A_36 = vector.broadcast %convert_element_type3A_29 : f32 to vector<544x80xf32>
    %pad3A_37 = tpu.concatenate %pad3A_35, %pad3A_36 in 1 : vector<544x560xf32>, vector<544x80xf32> -> vector<544x640xf32>
    %slice3A_38 = vector.extract_strided_slice %pad3A_27 {offsets = [0, 0], sizes = [544, 128], strides = [1, 1]} : vector<544x640xf32> to vector<544x128xf32>
    %swap3A = arith.constant 0 : index
    %swap3A_39 = arith.constant 0 : index
    %swap3A_40 = arith.constant 0 : index
    %swap3A_41 = arith.constant 0 : index
    %swap3A_42 = arith.constant 0 : index
    %swap3A_43 = vector.load %arg2[%swap3A, %swap3A_39, %swap3A_40, %swap3A_41, %swap3A_42] : memref<1x2x5x544x128xf32, #tpu.memory_space<vmem>>, vector<1x1x1x544x128xf32>
    %swap3A_44 = vector.shape_cast %swap3A_43 : vector<1x1x1x544x128xf32> to vector<544x128xf32>
    %swap3A_45 = vector.shape_cast %slice3A_38 : vector<544x128xf32> to vector<1x1x1x544x128xf32>
    tpu.vector_store %arg2[%swap3A, %swap3A_39, %swap3A_40, %swap3A_41, %swap3A_42], %swap3A_45 {strides = array<i32>} : memref<1x2x5x544x128xf32, #tpu.memory_space<vmem>>, vector<1x1x1x544x128xf32>,
    %slice3A_46 = vector.extract_strided_slice %pad3A_37 {offsets = [0, 0], sizes = [544, 128], strides = [1, 1]} : vector<544x640xf32> to vector<544x128xf32>
    %swap3A_47 = arith.constant 0 : index
    %swap3A_48 = arith.constant 1 : index
    %swap3A_49 = arith.constant 0 : index
    %swap3A_50 = arith.constant 0 : index
    %swap3A_51 = arith.constant 0 : index
    %swap3A_52 = vector.load %arg2[%swap3A_47, %swap3A_48, %swap3A_49, %swap3A_50, %swap3A_51] : memref<1x2x5x544x128xf32, #tpu.memory_space<vmem>>, vector<1x1x1x544x128xf32>
    %swap3A_53 = vector.shape_cast %swap3A_52 : vector<1x1x1x544x128xf32> to vector<544x128xf32>
    %swap3A_54 = vector.shape_cast %slice3A_46 : vector<544x128xf32> to vector<1x1x1x544x128xf32>
    tpu.vector_store %arg2[%swap3A_47, %swap3A_48, %swap3A_49, %swap3A_50, %swap3A_51], %swap3A_54 {strides = array<i32>} : memref<1x2x5x544x128xf32, #tpu.memory_space<vmem>>, vector<1x1x1x544x128xf32>,
    %slice3A_55 = vector.extract_strided_slice %pad3A_27 {offsets = [0, 128], sizes = [544, 128], strides = [1, 1]} : vector<544x640xf32> to vector<544x128xf32>
    %swap3A_56 = arith.constant 0 : index
    %swap3A_57 = arith.constant 0 : index
    %swap3A_58 = arith.constant 1 : index
    %swap3A_59 = arith.constant 0 : index
    %swap3A_60 = arith.constant 0 : index
    %swap3A_61 = vector.load %arg2[%swap3A_56, %swap3A_57, %swap3A_58, %swap3A_59, %swap3A_60] : memref<1x2x5x544x128xf32, #tpu.memory_space<vmem>>, vector<1x1x1x544x128xf32>
    %swap3A_62 = vector.shape_cast %swap3A_61 : vector<1x1x1x544x128xf32> to vector<544x128xf32>
    %swap3A_63 = vector.shape_cast %slice3A_55 : vector<544x128xf32> to vector<1x1x1x544x128xf32>
    tpu.vector_store %arg2[%swap3A_56, %swap3A_57, %swap3A_58, %swap3A_59, %swap3A_60], %swap3A_63 {strides = array<i32>} : memref<1x2x5x544x128xf32, #tpu.memory_space<vmem>>, vector<1x1x1x544x128xf32>,
    %slice3A_64 = vector.extract_strided_slice %pad3A_37 {offsets = [0, 128], sizes = [544, 128], strides = [1, 1]} : vector<544x640xf32> to vector<544x128xf32>
    %swap3A_65 = arith.constant 0 : index
    %swap3A_66 = arith.constant 1 : index
    %swap3A_67 = arith.constant 1 : index
    %swap3A_68 = arith.constant 0 : index
    %swap3A_69 = arith.constant 0 : index
    %swap3A_70 = vector.load %arg2[%swap3A_65, %swap3A_66, %swap3A_67, %swap3A_68, %swap3A_69] : memref<1x2x5x544x128xf32, #tpu.memory_space<vmem>>, vector<1x1x1x544x128xf32>
    %swap3A_71 = vector.shape_cast %swap3A_70 : vector<1x1x1x544x128xf32> to vector<544x128xf32>
    %swap3A_72 = vector.shape_cast %slice3A_64 : vector<544x128xf32> to vector<1x1x1x544x128xf32>
    tpu.vector_store %arg2[%swap3A_65, %swap3A_66, %swap3A_67, %swap3A_68, %swap3A_69], %swap3A_72 {strides = array<i32>} : memref<1x2x5x544x128xf32, #tpu.memory_space<vmem>>, vector<1x1x1x544x128xf32>,
    %slice3A_73 = vector.extract_strided_slice %pad3A_27 {offsets = [0, 256], sizes = [544, 128], strides = [1, 1]} : vector<544x640xf32> to vector<544x128xf32>
    %swap3A_74 = arith.constant 0 : index
    %swap3A_75 = arith.constant 0 : index
    %swap3A_76 = arith.constant 2 : index
    %swap3A_77 = arith.constant 0 : index
    %swap3A_78 = arith.constant 0 : index
    %swap3A_79 = vector.load %arg2[%swap3A_74, %swap3A_75, %swap3A_76, %swap3A_77, %swap3A_78] : memref<1x2x5x544x128xf32, #tpu.memory_space<vmem>>, vector<1x1x1x544x128xf32>
    %swap3A_80 = vector.shape_cast %swap3A_79 : vector<1x1x1x544x128xf32> to vector<544x128xf32>
    %swap3A_81 = vector.shape_cast %slice3A_73 : vector<544x128xf32> to vector<1x1x1x544x128xf32>
    tpu.vector_store %arg2[%swap3A_74, %swap3A_75, %swap3A_76, %swap3A_77, %swap3A_78], %swap3A_81 {strides = array<i32>} : memref<1x2x5x544x128xf32, #tpu.memory_space<vmem>>, vector<1x1x1x544x128xf32>,
    %slice3A_82 = vector.extract_strided_slice %pad3A_37 {offsets = [0, 256], sizes = [544, 128], strides = [1, 1]} : vector<544x640xf32> to vector<544x128xf32>
    %swap3A_83 = arith.constant 0 : index
    %swap3A_84 = arith.constant 1 : index
    %swap3A_85 = arith.constant 2 : index
    %swap3A_86 = arith.constant 0 : index
    %swap3A_87 = arith.constant 0 : index
    %swap3A_88 = vector.load %arg2[%swap3A_83, %swap3A_84, %swap3A_85, %swap3A_86, %swap3A_87] : memref<1x2x5x544x128xf32, #tpu.memory_space<vmem>>, vector<1x1x1x544x128xf32>
    %swap3A_89 = vector.shape_cast %swap3A_88 : vector<1x1x1x544x128xf32> to vector<544x128xf32>
    %swap3A_90 = vector.shape_cast %slice3A_82 : vector<544x128xf32> to vector<1x1x1x544x128xf32>
    tpu.vector_store %arg2[%swap3A_83, %swap3A_84, %swap3A_85, %swap3A_86, %swap3A_87], %swap3A_90 {strides = array<i32>} : memref<1x2x5x544x128xf32, #tpu.memory_space<vmem>>, vector<1x1x1x544x128xf32>,
    %slice3A_91 = vector.extract_strided_slice %pad3A_27 {offsets = [0, 384], sizes = [544, 128], strides = [1, 1]} : vector<544x640xf32> to vector<544x128xf32>
    %swap3A_92 = arith.constant 0 : index
    %swap3A_93 = arith.constant 0 : index
    %swap3A_94 = arith.constant 3 : index
    %swap3A_95 = arith.constant 0 : index
    %swap3A_96 = arith.constant 0 : index
    %swap3A_97 = vector.load %arg2[%swap3A_92, %swap3A_93, %swap3A_94, %swap3A_95, %swap3A_96] : memref<1x2x5x544x128xf32, #tpu.memory_space<vmem>>, vector<1x1x1x544x128xf32>
    %swap3A_98 = vector.shape_cast %swap3A_97 : vector<1x1x1x544x128xf32> to vector<544x128xf32>
    %swap3A_99 = vector.shape_cast %slice3A_91 : vector<544x128xf32> to vector<1x1x1x544x128xf32>
    tpu.vector_store %arg2[%swap3A_92, %swap3A_93, %swap3A_94, %swap3A_95, %swap3A_96], %swap3A_99 {strides = array<i32>} : memref<1x2x5x544x128xf32, #tpu.memory_space<vmem>>, vector<1x1x1x544x128xf32>,
    %slice3A_100 = vector.extract_strided_slice %pad3A_37 {offsets = [0, 384], sizes = [544, 128], strides = [1, 1]} : vector<544x640xf32> to vector<544x128xf32>
    %swap3A_101 = arith.constant 0 : index
    %swap3A_102 = arith.constant 1 : index
    %swap3A_103 = arith.constant 3 : index
    %swap3A_104 = arith.constant 0 : index
    %swap3A_105 = arith.constant 0 : index
    %swap3A_106 = vector.load %arg2[%swap3A_101, %swap3A_102, %swap3A_103, %swap3A_104, %swap3A_105] : memref<1x2x5x544x128xf32, #tpu.memory_space<vmem>>, vector<1x1x1x544x128xf32>
    %swap3A_107 = vector.shape_cast %swap3A_106 : vector<1x1x1x544x128xf32> to vector<544x128xf32>
    %swap3A_108 = vector.shape_cast %slice3A_100 : vector<544x128xf32> to vector<1x1x1x544x128xf32>
    tpu.vector_store %arg2[%swap3A_101, %swap3A_102, %swap3A_103, %swap3A_104, %swap3A_105], %swap3A_108 {strides = array<i32>} : memref<1x2x5x544x128xf32, #tpu.memory_space<vmem>>, vector<1x1x1x544x128xf32>,
    %slice3A_109 = vector.extract_strided_slice %pad3A_27 {offsets = [0, 512], sizes = [544, 128], strides = [1, 1]} : vector<544x640xf32> to vector<544x128xf32>
    %swap3A_110 = arith.constant 0 : index
    %swap3A_111 = arith.constant 0 : index
    %swap3A_112 = arith.constant 4 : index
    %swap3A_113 = arith.constant 0 : index
    %swap3A_114 = arith.constant 0 : index
    %swap3A_115 = vector.load %arg2[%swap3A_110, %swap3A_111, %swap3A_112, %swap3A_113, %swap3A_114] : memref<1x2x5x544x128xf32, #tpu.memory_space<vmem>>, vector<1x1x1x544x128xf32>
    %swap3A_116 = vector.shape_cast %swap3A_115 : vector<1x1x1x544x128xf32> to vector<544x128xf32>
    %swap3A_117 = vector.shape_cast %slice3A_109 : vector<544x128xf32> to vector<1x1x1x544x128xf32>
    tpu.vector_store %arg2[%swap3A_110, %swap3A_111, %swap3A_112, %swap3A_113, %swap3A_114], %swap3A_117 {strides = array<i32>} : memref<1x2x5x544x128xf32, #tpu.memory_space<vmem>>, vector<1x1x1x544x128xf32>,
    %slice3A_118 = vector.extract_strided_slice %pad3A_37 {offsets = [0, 512], sizes = [544, 128], strides = [1, 1]} : vector<544x640xf32> to vector<544x128xf32>
    %swap3A_119 = arith.constant 0 : index
    %swap3A_120 = arith.constant 1 : index
    %swap3A_121 = arith.constant 4 : index
    %swap3A_122 = arith.constant 0 : index
    %swap3A_123 = arith.constant 0 : index
    %swap3A_124 = vector.load %arg2[%swap3A_119, %swap3A_120, %swap3A_121, %swap3A_122, %swap3A_123] : memref<1x2x5x544x128xf32, #tpu.memory_space<vmem>>, vector<1x1x1x544x128xf32>
    %swap3A_125 = vector.shape_cast %swap3A_124 : vector<1x1x1x544x128xf32> to vector<544x128xf32>
    %swap3A_126 = vector.shape_cast %slice3A_118 : vector<544x128xf32> to vector<1x1x1x544x128xf32>
    tpu.vector_store %arg2[%swap3A_119, %swap3A_120, %swap3A_121, %swap3A_122, %swap3A_123], %swap3A_126 {strides = array<i32>} : memref<1x2x5x544x128xf32, #tpu.memory_space<vmem>>, vector<1x1x1x544x128xf32>,
    return
  }
  func.func @transform_0(%arg0: i32) -> (i32, i32, i32) {
    %c0_i32 = arith.constant 0 : i32
    %c0_i32_0 = arith.constant 0 : i32
    %c0_i32_1 = arith.constant 0 : i32
    return %arg0, %c0_i32, %c0_i32_0 : i32, i32, i32
  }
  func.func @transform_1(%arg0: i32) -> (i32, i32, i32, i32, i32) {
    %c0_i32 = arith.constant 0 : i32
    %c0_i32_0 = arith.constant 0 : i32
    %c0_i32_1 = arith.constant 0 : i32
    %c0_i32_2 = arith.constant 0 : i32
    %c0_i32_3 = arith.constant 0 : i32
    return %arg0, %c0_i32, %c0_i32_0, %c0_i32_1, %c0_i32_2 : i32, i32, i32, i32, i32
  }
}

</mosaic_0001>

<sc_bundles>
// kernel: kernel.4.cloned.1.call-start
scs
__scs_entry_jumppad:
0x0: {  	(pc) =	sbr.rel $0x88, $3  }
0x1: {  	(tag) =	ssettag $0x0;
	lr =	simm.s32 $0x1  }
0x2: {  	[smem:$0x3F9F] =	sst lr;
	_ =	strace $0xD0000000  }
0x3: {  	_ = 	snop  }
0x4: {  	_ = 	snop  }
0x5: {  	_ = 	snop  }
0x6: {  	_ = 	snop  }
0x7: {  	_ = 	snop  }
__scs_overlays_trampoline_lowered:
0x8: {  	[smem:$0x3FAE] =	sst s0  }
0x9: {  	[smem:$0x3FAF] =	sst s1  }
0xa: {  	[smem:$0x3FB0] =	sst s2  }
0xb: {  	[smem:$0x3FB1] =	sst s3  }
0xc: {  	[smem:$0x3FB2] =	sst s4  }
0xd: {  	[smem:$0x3FB3] =	sst s5  }
0xe: {  	[smem:$0x3FB4] =	sst s6  }
0xf: {  	[smem:$0x3FB5] =	sst s7  }
0x10: {  	[smem:$0x3FB6] =	sst s8  }
0x11: {  	[smem:$0x3FB7] =	sst s9;
	s0 =	simm.s32 @!p0 $0x0  }
0x12: {  	s1 =	sld [smem:$0x3F9D];
	s0 =	simm.s32 @p0 $0x1  }
0x13: {  	[smem:$0x3FB8] =	sst s0;
	s0 =	simm.s32 @!p1 $0x0  }
0x14: {  	s2 =	sld [smem:$0x3F9C];
	s0 =	simm.s32 @p1 $0x1  }
0x15: {  	[smem:$0x3FB9] =	sst s0;
	s0 =	simm.s32 @!p2 $0x0  }
0x16: {  	s3 =	sld [smem:$0x3FDB];
	s0 =	simm.s32 @p2 $0x1  }
0x17: {  	s4 =	simm.s32 $0x1BF5;
	[smem:$0x3FBB] =	sst s0  }
0x18: {  	s0 =	sld [smem:$0x3F9E];
	_ =	swait.ge [sflag:s4], $0x0  }
0x19: {  	s7 =	sld [smem:$0x3F9F]  }
0x1a: {  	s8 =	sadd.s32 $0xFFFFE003, lr  }
0x1b: {  	s9 =	sadd.s32 $0xFFFFFEF7, lr;
	s5 =	simm.s32 $0xFFFFFFFF;
	p2 =	slt.u32 s8, $0xFFFFF086  }
0x1c: {  	p1 =	slt.u32 s9, $0xF7A;
	s5 =	simm.s32 @!p2 $0x0  }
0x1d: {  	s5 =	simm.s32 @p1 $0x1;
	p0 =	seq.s32 s7, s2  }
0x1e: {  	s7 =	smul.u32 @!p0 $0xF7A, s2;
	p2 =	seq.s32 @!p0 s5, $0x0  }
0x1f: {  	s9 =	smul.u32 $0xF7A, s1;
	s8 =	simm.s32 @!p0 $0x1BF5;
	p2 =	por !p2, p0  }
0x20: {  	[sflag:s8] =	ssyncset.s32 @!p0 $0xFFFFF086;
	s6 =	sadd.s32 @!p0 s3, s7;
	s7 =	simm.s32 @!p0 $0x108  }
0x21: {  	s3 =	sadd.s32 s3, s9;
	s6 =	sadd.s32 @!p0 $0x88, s6;
	s7 =	simm.s32 @p2 $0x1082  }
0x22: {  	[simem:s7], [sflag:s8] =	dma.local @!p0 [hbm:s6], $0xF7A  }
0x23: {  	s9 =	sor.u32 $0xD0000000, s2;
	s6 =	simm.s32 $0x108;
	_ =	swait.ge @!p0 [sflag:s8], $0x0  }
0x24: {  	s3 =	sadd.s32 $0x88, s3;
	s6 =	simm.s32 @!p1 $0x1082;
	[sflag:s4] =	ssyncset.s32 $0xFFFFF086  }
0x25: {  	[simem:s6], [sflag:s4] =	dma.local [hbm:s3], $0xF7A  }
0x26: {  	[smem:$0x3F9F] =	sst s1;
	(tag) =	ssettag s2;
	_ =	strace s9  }
0x27: {  	s1 =	sld [smem:$0x3FAF]  }
0x28: {  	s2 =	sld [smem:$0x3FB0]  }
0x29: {  	s4 =	sld [smem:$0x3FB2]  }
0x2a: {  	p0 =	seq.s32 s5, $0x0;
	s5 =	sld [smem:$0x3FB3]  }
0x2b: {  	s6 =	sld [smem:$0x3FB4]  }
0x2c: {  	s7 =	sld [smem:$0x3FB5]  }
0x2d: {  	s3 =	simm.s32 $0x108;
	s8 =	sld [smem:$0x3FB6]  }
0x2e: {  	s3 =	simm.s32 @!p0 $0x1082;
	s9 =	sld [smem:$0x3FB7]  }
0x2f: {  	lr =	sadd.s32 s0, s3;
	s0 =	sld [smem:$0x3FAE]  }
0x30: {  	s3 =	sld [smem:$0x3FB1]  }
0x31: {  	[smem:$0x3FBA] =	sst s10  }
0x32: {  	s10 =	sld [smem:$0x3FB8];
	_ =	sdelay $0x3  }
0x33: {  	p0 =	seq.s32 s10, $0x1;
	s10 =	sld [smem:$0x3FBA];
	_ =	sdelay $0x3  }
0x34: {  	[smem:$0x3FBA] =	sst s10  }
0x35: {  	s10 =	sld [smem:$0x3FB9];
	_ =	sdelay $0x3  }
0x36: {  	p1 =	seq.s32 s10, $0x1;
	s10 =	sld [smem:$0x3FBA];
	_ =	sdelay $0x3  }
0x37: {  	[smem:$0x3FBA] =	sst s10  }
0x38: {  	s10 =	sld [smem:$0x3FBB]  }
0x39: {  	_ = 	snop;
	(pc) =	sbr.ind lr, $3  }
0x3a: {  	_ = 	snop  }
0x3b: {  	_ = 	snop  }
0x3c: {  	p2 =	seq.s32 s10, $0x1;
	s10 =	sld [smem:$0x3FBA]  }
0x3d: {  	_ =	shalt  }
0x3e: {  	_ =	shalt  }
0x3f: {  	_ =	shalt  }
0x40: {  	_ =	shalt  }
0x41: {  	_ =	shalt  }
0x42: {  	_ =	shalt  }
0x43: {  	_ =	shalt  }
0x44: {  	_ =	shalt  }
0x45: {  	_ =	shalt  }
0x46: {  	_ =	shalt  }
0x47: {  	_ =	shalt  }
0x48: {  	_ =	shalt  }
0x49: {  	_ =	shalt  }
0x4a: {  	_ =	shalt  }
0x4b: {  	_ =	shalt  }
0x4c: {  	_ =	shalt  }
0x4d: {  	_ =	shalt  }
0x4e: {  	_ =	shalt  }
0x4f: {  	_ =	shalt  }
0x50: {  	_ =	shalt  }
0x51: {  	_ =	shalt  }
0x52: {  	_ =	shalt  }
0x53: {  	_ =	shalt  }
0x54: {  	_ =	shalt  }
0x55: {  	_ =	shalt  }
0x56: {  	_ =	shalt  }
0x57: {  	_ =	shalt  }
0x58: {  	_ =	shalt  }
0x59: {  	_ =	shalt  }
0x5a: {  	_ =	shalt  }
0x5b: {  	_ =	shalt  }
0x5c: {  	_ =	shalt  }
0x5d: {  	_ =	shalt  }
0x5e: {  	_ =	shalt  }
0x5f: {  	_ =	shalt  }
0x60: {  	_ =	shalt  }
0x61: {  	_ =	shalt  }
0x62: {  	_ =	shalt  }
0x63: {  	_ =	shalt  }
0x64: {  	_ =	shalt  }
0x65: {  	_ =	shalt  }
0x66: {  	_ =	shalt  }
0x67: {  	_ =	shalt  }
0x68: {  	_ =	shalt  }
0x69: {  	_ =	shalt  }
0x6a: {  	_ =	shalt  }
0x6b: {  	_ =	shalt  }
0x6c: {  	_ =	shalt  }
0x6d: {  	_ =	shalt  }
0x6e: {  	_ =	shalt  }
0x6f: {  	_ =	shalt  }
0x70: {  	_ =	shalt  }
0x71: {  	_ =	shalt  }
0x72: {  	_ =	shalt  }
0x73: {  	_ =	shalt  }
0x74: {  	_ =	shalt  }
0x75: {  	_ =	shalt  }
0x76: {  	_ =	shalt  }
0x77: {  	_ =	shalt  }
0x78: {  	_ =	shalt  }
0x79: {  	_ =	shalt  }
0x7a: {  	_ =	shalt  }
0x7b: {  	_ =	shalt  }
0x7c: {  	_ =	shalt  }
0x7d: {  	_ =	shalt  }
0x7e: {  	_ =	shalt  }
0x7f: {  	_ =	shalt  }
0x80: {  	_ =	shalt  }
0x81: {  	_ =	shalt  }
0x82: {  	_ =	shalt  }
0x83: {  	_ =	shalt  }
0x84: {  	_ =	shalt  }
0x85: {  	_ =	shalt  }
0x86: {  	_ =	shalt  }
0x87: {  	_ =	shalt  }
.Lfunc_end0:
.L_simem_size_0:
called_computation_lowered:
.L_overlay_start_0:
0x88: {  	s2 =	sld [smem:$0x3FD9]  }
0x89: {  	s3 =	sld [smem:$0x3FFE];
	_ =	sdelay $0x1  }
0x8a: {  	s1 =	srdreg.scid  }
0x8b: {  	s0 =	sand.u32 $0x1, s1  }
0x8c: {  	s14 =	sshll.u32 s0, $0xA;
	s2 =	sadd.s32 s3, s2  }
0x8d: {  	s2 =	sadd.s32 s2, s14  }
0x8e: {  	[smem:$0x3FC6] =	sst s2  }
0x8f: {  	_ = 	snop  }
0x90: {  	s2 =	sld [smem:$0x3FD0];
	_ =	sdelay $0x2  }
0x91: {  	s15 =	simm.s32 $0xA;
	s4 =	simm.s32 $0x10  }
0x92: {  	[smem:s4], [sflag:s15] =	dma.local [hbm:s2], $0x1  }
0x93: {  	_ =	swait.eq [sflag:s15], $0x1  }
0x94: {  	[sflag:s15] =	ssyncset.done $0x0  }
0x95: {  	[sflag:s15] =	ssyncadd.s32 $0xFFFFFFFF  }
0x96: {  	s16 =	sld [smem:$0x10];
	(tm) =	ssettm $0x1  }
0x97: {  	s17 =	sld [smem:$0x3FFB];
	_ =	sdelay $0x3  }
0x98: {  	_ =	strace s17  }
0x99: {  	s3 =	sld [smem:$0x3FFC];
	_ =	sdelay $0x3  }
0x9a: {  	_ =	strace s3  }
0x9b: {  	s3 =	sld [smem:$0x3FFD];
	_ =	sdelay $0x3  }
0x9c: {  	_ =	strace s3  }
0x9d: {  	_ =	strace $0x8FFFFFFF  }
0x9e: {  	s18 =	sld [smem:$0x3FDB];
	_ =	sdelay $0x1  }
0x9f: {  	s19 =	simm.s32 $_scs_section_size  }
0xa0: {  	s5 =	simm.s32 $_size__tile_overlayer_lowered;
	s6 =	simm.s32 $_tile_overlayer_lowered  }
0xa1: {  	s22 =	simm.s32 $0x1BFF;
	s21 =	sshll.u32 s6, $0x1;
	s3 =	sadd.s32 s19, s18  }
0xa2: {  	s7 =	simm.s32 $0x0;
	s20 =	sshll.u32 s5, $0x1;
	s5 =	sadd.s32 s21, s3  }
0xa3: {  	[timem:s7], [sflag:s22] =	dma.local [hbm:s5], s20  }
0xa4: {  	_ =	swait.ge [sflag:s22], s20  }
0xa5: {  	s4 =	ssub.s32 $0x0, s20;
	[sflag:s22] =	ssyncset.done $0x0  }
0xa6: {  	[sflag:s22] =	ssyncadd.s32 s4;
	_ =	sdelay $0x1  }
0xa7: {  	s23 =	simm.s32 $0x1B8B  }
0xa8: {  	_ =	swait.ge [sflag:s23], $0x1  }
0xa9: {  	[sflag:s23] =	ssyncset.done $0x0  }
0xaa: {  	s25 =	simm.s32 $0x1B8E;
	s24 =	sld [smem:$0x3FFE];
	[sflag:s23] =	ssyncadd.s32 $0xFFFFFFFF  }
0xab: {  	s26 =	simm.s32 $execute0_lowered;
	[smem:$0x3FD2] =	sst s25  }
0xac: {  	s5 =	sshll.u32 s26, $0x1;
	_ =	strace $0x80000046;
	[dreg:$0x1] =	wrdreg $0xFFFFFFFF  }
0xad: {  	s28 =	simm.s32 $_size_execute0_lowered;
	s3 =	sadd.s32 s3, s5;
	[dreg:$0x0] =	wrdreg $0x0  }
0xae: {  	s5 =	sshll.u32 s28, $0x1;
	[dreg:$0x2] =	wrdreg s3  }
0xaf: {  	[dreg:$0x3] =	wrdreg s5  }
0xb0: {  	[dreg:$0x4] =	wrdreg $0xC0  }
0xb1: {  	_ =	task [dreg:s7], $0x5FFFF  }
0xb2: {  	[dreg:$0x1] =	wrdreg $0xFFFFFFFF  }
0xb3: {  	[dreg:$0x0] =	wrdreg $0x60  }
0xb4: {  	[dreg:$0x2] =	wrdreg s24  }
0xb5: {  	[dreg:$0x3] =	wrdreg s16  }
0xb6: {  	[dreg:$0x4] =	wrdreg $0x9  }
0xb7: {  	_ =	task.clear_ibuf [dreg:s7], $0x5FFFF;
	_ =	strace $0x90000046  }
0xb8: {  	s29 =	simm.s32 $0x9;
	_ =	strace $0x80000048  }
0xb9: {  	_ =	swait.ge [sflag:s29], $0x1  }
0xba: {  	[sflag:s29] =	ssyncadd.s32 $0xFFFFFFFF  }
0xbb: {  	_ =	strace $0x90000048  }
0xbc: {  	_ =	sfence  }
0xbd: {  	s30 =	sld [smem:$0x0];
	_ =	sdelay $0x2  }
0xbe: {  	s31 =	sshll.u32 s1, $0xD;
	s1 =	sshrl.u32 s1, $0x2  }
0xbf: {  	s3 =	sand.u32 $0x4000, s31;
	s1 =	sadd.s32 s1, s30  }
0xc0: {  	s0 =	sor.u32 s3, s0;
	s1 =	sshll.u32 s1, $0x11  }
0xc1: {  	s0 =	sor.u32 s1, s0  }
0xc2: {  	s0 =	sadd.s32 $0x8F2B, s0  }
0xc3: {  	[sflag:s0] =	ssyncadd.remote.s32 $0x1  }
0xc4: {  	_ =	sfence.sel $0xFFFF  }
0xc5: {  	[dreg:$0x0] =	wrdreg $0xFFFFFFFF;
	(pc) =	sbr.abs _section_cstart, $3  }
0xc6: {  	[dreg:$0x1] =	wrdreg $0xFFFFFFFF  }
0xc7: {  	_ =	task.clear_ibuf [dreg:s7], $0x2FFFF;
	_ =	strace $0x9FFFFFFF  }
0xc8: {  	(tm) =	ssettm $0x7FFFFFFF  }
0xc9: {  	_ =	shalt  }
tec
execute0_lowered:
.L_overlay_start_1:
0x0: {  	(tag) =	ssettag $0x1  }
0x1: {  	s0 =	rddreg [dreg:$0x0];
	s1 =	srdreg.scid  }
0x2: {  	s2 =	simm.s32 $0x0;
	s25 =	simm.s32 $0x0;
	s30 =	stileid.u32  }
0x3: {  	s10 =	simm.s32 $0x80;
	s13 =	simm.s32 $0x280;
	[dreg:$0x3] =	wrdreg s25  }
0x4: {  	s15 =	simm.s32 $0x2280;
	s3 =	sand.u32 $0x1, s1;
	[smem:$0x7FF] =	sst s2  }
0x5: {  	v0 =	vlaneseq.u32;
	s5 =	sadd.s32 $0x1000, s0;
	s29 =	sadd.s32 $0xC00, s0;
	s0 =	sadd.s32 $0x800, s0  }
.Ltmp0:
0x6: {  	v0 =	vmul.u32 $0x40, v0;
	[dreg:$0x4] =	wrdreg s3;
	s26 =	ssub.s32 $0x2, s3;
	(pc) =	sbr.rel .LBB2_1-.Ltmp0, $4  }
0x7: {  	_ =	strace $0x80000047;
	s28 =	sshrl.u32 s26, $0x1;
	[dreg:$0x5] =	wrdreg s29  }
0x8: {  	s2 =	sshll.u32 s30, $0x1;
	[dreg:$0x6] =	wrdreg s0;
	v1 =	vor.u32 $0x400, v0;
	s1 =	ssub.s32 s26, s28  }
0x9: {  	s17 =	simm.s32 $0x4280;
	v2 =	vor.u32 $0x800, v0;
	v3 =	vor.u32 $0xC00, v0;
	v4 =	vor.u32 $0x1000, v0;
	[dreg:$0x7] =	wrdreg s2;
	s31 =	smax.u32 s1, $0x1  }
0xa: {  	s18 =	simm.s32 $0x1;
	s19 =	simm.s32 $0x1400;
	v5 =	vor.u32 $0x1400, v0;
	v6 =	vor.u32 $0x1800, v0;
	v7 =	vor.u32 $0x1C00, v0;
	[dreg:$0x8] =	wrdreg s31  }
.LBB2_27:
0xb: {  	s0 =	rddreg [dreg:$0x3]  }
0xc: {  	s1 =	rddreg [dreg:$0x8];
	s0 =	sadd.s32 $0x1, s0  }
0xd: {  	p0 =	sne.s32 s0, s1  }
.Ltmp1:
0xe: {  	_ = 	snop;
	(pc) =	sbr.rel @!p0 .LBB2_28-.Ltmp1, $2  }
0xf: {  	_ =	sdelay $0x2  }
0x10: {  	[dreg:$0x3] =	wrdreg s0  }
.LBB2_1:
.Ltmp2:
0x11: {  	(pc) =	sbr.rel .LBB2_2-.Ltmp2, $2  }
0x12: {  	_ =	sdelay $0x2  }
0x13: {  	s1 =	simm.s32 $0x0  }
.LBB2_26:
0x14: {  	s1 =	sadd.s32 $0x1, s1  }
0x15: {  	p0 =	sne.s32 s1, $0x4  }
.Ltmp3:
0x16: {  	_ = 	snop;
	(pc) =	sbr.rel @!p0 .LBB2_27-.Ltmp3, $1  }
0x17: {  	_ =	sdelay $0x3  }
.LBB2_2:
0x18: {  	s0 =	sshll.u32 s1, $0x5  }
0x19: {  	s0 =	sor.u32 s2, s0  }
0x1a: {  	p0 =	sgt.u32 s0, $0x77  }
.Ltmp4:
0x1b: {  	_ = 	snop;
	(pc) =	sbr.rel @p0 .LBB2_26-.Ltmp4, $1  }
0x1c: {  	_ =	sdelay $0x3  }
0x1d: {  	s14 =	rddreg [dreg:$0x4]  }
0x1e: {  	s2 =	sor.u32 s14, s0  }
0x1f: {  	s0 =	smul.u32 $0xAAAB, s2;
	_ =	sdelay $0x1  }
0x20: {  	s16 =	sshrl.u32 s0, $0x11  }
0x21: {  	s20 =	rddreg [dreg:$0x5];
	s3 =	sshll.u32 s16, $0x4  }
0x22: {  	s21 =	rddreg [dreg:$0x6];
	s0 =	simm.s32 $0x0;
	s4 =	sadd.s32 s20, s3  }
0x23: {  	[tilespmem:s0], [sflag:$0x7] =	stream.linear.gather [hbm4b:s4+s0], $0x80, $0x38;
	[tilespmem:$0x9100] =	vst v63  }
0x24: {  	[dreg:$0x9] =	wrdreg s1;
	s22 =	simm.s32 $0x7;
	s3 =	sadd.s32 s21, s3  }
0x25: {  	[tilespmem:s10], [sflag:$0x7] =	stream.linear.gather [hbm4b:s3+s0], $0x80, $0x38;
	[tilespmem:$0x9100] =	vst v63  }
0x26: {  	_ =	swait.ge [sflag:s22], $0x80  }
0x27: {  	[sflag:s22] =	ssyncset.done $0x0  }
0x28: {  	[sflag:s22] =	ssyncadd.s32 $0xFFFFFF80  }
0x29: {  	_ =	swait.ge [sflag:s22], $0x80  }
0x2a: {  	[sflag:s22] =	ssyncset.done $0x0  }
0x2b: {  	[sflag:s22] =	ssyncadd.s32 $0xFFFFFF80  }
0x2c: {  	s23 =	smul.u32 $0xFFFFFFFD, s16;
	v8 =	vld [tilespmem:$0x0]  }
0x2d: {  	v9 =	vld [tilespmem:$0x10]  }
0x2e: {  	s3 =	sadd.s32 s2, s23;
	v10 =	vld [tilespmem:$0x20]  }
0x2f: {  	s4 =	smul.u32 $0x2A80, s3;
	v11 =	vld [tilespmem:$0x30]  }
0x30: {  	v12 =	vld [tilespmem:$0x40]  }
0x31: {  	v13 =	vld [tilespmem:$0x50];
	v8 =	vadd.s32 s4, v8  }
0x32: {  	v55 =	vld [tilespmem:$0x60];
	[tilespmem:$0x100] =	vst v8;
	v8 =	vadd.s32 s4, v9  }
0x33: {  	v56 =	vld [tilespmem:$0x70];
	[tilespmem:$0x110] =	vst v8;
	v8 =	vadd.s32 s4, v10  }
0x34: {  	[tilespmem:$0x120] =	vst v8;
	v8 =	vadd.s32 s4, v11  }
0x35: {  	[tilespmem:$0x130] =	vst v8;
	v8 =	vadd.s32 s4, v12  }
0x36: {  	[tilespmem:$0x140] =	vst v8;
	v8 =	vadd.s32 s4, v13  }
0x37: {  	[tilespmem:$0x150] =	vst v8;
	v8 =	vadd.s32 s4, v55  }
0x38: {  	[tilespmem:$0x160] =	vst v8;
	v8 =	vadd.s32 s4, v56  }
0x39: {  	s24 =	simm.s32 $0x100;
	[tilespmem:$0x170] =	vst v8  }
0x3a: {  	[tilespmem:s13], [sflag:$0x1] =	stream.indirect.gather [hbm4b:s5+s10], $0x40, s24, s10, $0xb8;
	[tilespmem:$0x9100] =	vst v63  }
0x3b: {  	v8 =	vld [tilespmem:$0x0]  }
0x3c: {  	v57 =	vld [tilespmem:$0x10]  }
0x3d: {  	v58 =	vld [tilespmem:$0x20]  }
0x3e: {  	v59 =	vld [tilespmem:$0x30]  }
0x3f: {  	s25 =	sor.u32 $0x2, s4;
	v60 =	vld [tilespmem:$0x40]  }
0x40: {  	v61 =	vld [tilespmem:$0x50];
	v8 =	vadd.s32 s25, v8  }
0x41: {  	v62 =	vld [tilespmem:$0x60];
	[tilespmem:$0x180] =	vst v8;
	v8 =	vadd.s32 s25, v57  }
0x42: {  	v63 =	vld [tilespmem:$0x70];
	[tilespmem:$0x190] =	vst v8;
	v8 =	vadd.s32 s25, v58  }
0x43: {  	[tilespmem:$0x1A0] =	vst v8;
	v8 =	vadd.s32 s25, v59  }
0x44: {  	s9 =	smul.u32 $0x1F, s3;
	[tilespmem:$0x1B0] =	vst v8;
	v8 =	vadd.s32 s25, v60  }
0x45: {  	s28 =	sor.u32 $0x6, s4;
	[dreg:$0xa] =	wrdreg s3;
	[tilespmem:$0x1C0] =	vst v8;
	v8 =	vadd.s32 s25, v61  }
0x46: {  	s29 =	sadd.s32 $0x1, s9;
	[dreg:$0xb] =	wrdreg s28;
	[tilespmem:$0x1D0] =	vst v8;
	v8 =	vadd.s32 s25, v62  }
0x47: {  	s26 =	simm.s32 $0x180;
	s30 =	sor.u32 $0x8, s4;
	[dreg:$0xc] =	wrdreg s29;
	[tilespmem:$0x1E0] =	vst v8;
	v8 =	vadd.s32 s25, v63  }
0x48: {  	s7 =	simm.s32 $0x0;
	s31 =	sshll.u32 s16, $0x7;
	[dreg:$0xd] =	wrdreg s30;
	[tilespmem:$0x1F0] =	vst v8  }
0x49: {  	[tilespmem:s15], [sflag:$0x2] =	stream.indirect.gather [hbm4b:s5+s10], $0x40, s26, s10, $0xb8;
	[tilespmem:$0x9100] =	vst v63  }
.LBB2_4:
0x4a: {  	s8 =	smul.u32 $0x3, s7;
	v8 =	vld [tilespmem:$0x0]  }
0x4b: {  	v9 =	vld [tilespmem:$0x10]  }
0x4c: {  	v10 =	vld [tilespmem:$0x20];
	s28 =	sadd.s32 $0x2, s8  }
0x4d: {  	v11 =	vld [tilespmem:$0x30];
	s1 =	sshll.u32 s28, $0x1  }
0x4e: {  	v12 =	vld [tilespmem:$0x40];
	s1 =	sadd.s32 s4, s1  }
0x4f: {  	v13 =	vld [tilespmem:$0x50];
	v8 =	vadd.s32 s1, v8  }
0x50: {  	[tilespmem:$0x200] =	vst v8;
	v8 =	vadd.s32 s1, v9;
	v9 =	vld [tilespmem:$0x60]  }
0x51: {  	[tilespmem:$0x210] =	vst v8;
	v8 =	vadd.s32 s1, v10;
	v10 =	vld [tilespmem:$0x70]  }
0x52: {  	[tilespmem:$0x220] =	vst v8;
	v8 =	vadd.s32 s1, v11  }
0x53: {  	[tilespmem:$0x230] =	vst v8;
	v8 =	vadd.s32 s1, v12  }
0x54: {  	[tilespmem:$0x240] =	vst v8;
	v8 =	vadd.s32 s1, v13  }
0x55: {  	[tilespmem:$0x250] =	vst v8;
	v8 =	vadd.s32 s1, v9  }
0x56: {  	[tilespmem:$0x260] =	vst v8;
	v8 =	vadd.s32 s1, v10  }
0x57: {  	s23 =	simm.s32 $0x200;
	[tilespmem:$0x270] =	vst v8  }
0x58: {  	[tilespmem:s17], [sflag:$0x3] =	stream.indirect.gather [hbm4b:s5+s10], $0x40, s23, s10, $0xb8;
	[tilespmem:$0x9100] =	vst v63  }
0x59: {  	_ =	swait.ge [sflag:s18], $0x2000  }
0x5a: {  	p0 =	seq.s32 s7, $0x0;
	[sflag:s18] =	ssyncset.done $0x0  }
0x5b: {  	s1 =	simm.s32 @!p0 $0x4;
	[sflag:s18] =	ssyncadd.s32 $0xFFFFE000  }
0x5c: {  	_ =	swait.ge @!p0 [sflag:s1], $0xF80  }
0x5d: {  	[sflag:s1] =	ssyncset.done @!p0 $0x0  }
0x5e: {  	[sflag:s1] =	ssyncadd.s32 @!p0 $0xFFFFF080  }
0x5f: {  	v8 =	vld [tilespmem:$0x80];
	_ =	sdelay $0x3  }
0x60: {  	s24 =	simm.s32 $0x3  }
0x61: {  	v9 =	vadd.s32 s24, v8  }
0x62: {  	v9 =	vadd.s32 v0, v9;
	_ =	sdelay $0x1  }
0x63: {  	v10 =	vadd.s32 s0, v8  }
0x64: {  	s6 =	simm.s32 $0x1;
	v10 =	vadd.s32 v0, v10  }
0x65: {  	v11 =	vadd.s32 s6, v8  }
0x66: {  	s2 =	simm.s32 $0x2;
	v11 =	vadd.s32 v0, v11;
	v9 =	vld.idx.msk [tilespmem:v9+s13+$0x0], $0xffff  }
0x67: {  	v8 =	vadd.s32 s2, v8  }
0x68: {  	v8 =	vadd.s32 v0, v8  }
0x69: {  	v10 =	vld.idx.msk [tilespmem:v10+s13+$0x0], $0xffff  }
0x6a: {  	s11 =	simm.s32 $0x6380  }
0x6b: {  	v11 =	vld.idx.msk [tilespmem:v11+s13+$0x0], $0xffff;
	[tilespmem:s11+$0x80] =	vst v9  }
0x6c: {  	v9 =	vld [tilespmem:$0x90]  }
0x6d: {  	v8 =	vld.idx.msk [tilespmem:v8+s13+$0x0], $0xffff  }
0x6e: {  	[tilespmem:s11+$0xFFFFFF00] =	vst v10  }
0x6f: {  	v10 =	vld [tilespmem:$0x90]  }
0x70: {  	[tilespmem:s11+$0xFFFFFF80] =	vst v11  }
0x71: {  	v11 =	vld [tilespmem:$0x90];
	v9 =	vadd.s32 s24, v9  }
0x72: {  	[tilespmem:s11+$0x0] =	vst v8;
	v8 =	vadd.s32 v1, v9;
	_ =	sdelay $0x1  }
0x73: {  	v10 =	vadd.s32 s0, v10;
	v9 =	vld [tilespmem:$0x90]  }
0x74: {  	v10 =	vadd.s32 v1, v10  }
0x75: {  	v11 =	vadd.s32 s6, v11  }
0x76: {  	v11 =	vadd.s32 v1, v11;
	v8 =	vld.idx.msk [tilespmem:v8+s13+$0x0], $0xffff;
	_ =	sdelay $0x1  }
0x77: {  	v9 =	vadd.s32 s2, v9  }
0x78: {  	v10 =	vld.idx.msk [tilespmem:v10+s13+$0x0], $0xffff;
	v9 =	vadd.s32 v1, v9;
	_ =	sdelay $0x1  }
0x79: {  	v11 =	vld.idx.msk [tilespmem:v11+s13+$0x0], $0xffff;
	[tilespmem:s11+$0x90] =	vst v8  }
0x7a: {  	v8 =	vld [tilespmem:$0xA0];
	_ =	sdelay $0x1  }
0x7b: {  	[tilespmem:s11+$0xFFFFFF10] =	vst v10;
	v9 =	vld.idx.msk [tilespmem:v9+s13+$0x0], $0xffff  }
0x7c: {  	v10 =	vld [tilespmem:$0xA0]  }
0x7d: {  	[tilespmem:s11+$0xFFFFFF90] =	vst v11  }
0x7e: {  	v11 =	vld [tilespmem:$0xA0];
	v8 =	vadd.s32 s24, v8  }
0x7f: {  	v8 =	vadd.s32 v2, v8  }
0x80: {  	[tilespmem:s11+$0x10] =	vst v9  }
0x81: {  	v10 =	vadd.s32 s0, v10;
	v9 =	vld [tilespmem:$0xA0]  }
0x82: {  	v10 =	vadd.s32 v2, v10  }
0x83: {  	v11 =	vadd.s32 s6, v11  }
0x84: {  	v11 =	vadd.s32 v2, v11;
	v8 =	vld.idx.msk [tilespmem:v8+s13+$0x0], $0xffff;
	_ =	sdelay $0x1  }
0x85: {  	v9 =	vadd.s32 s2, v9  }
0x86: {  	v10 =	vld.idx.msk [tilespmem:v10+s13+$0x0], $0xffff;
	v9 =	vadd.s32 v2, v9;
	_ =	sdelay $0x1  }
0x87: {  	v11 =	vld.idx.msk [tilespmem:v11+s13+$0x0], $0xffff;
	[tilespmem:s11+$0xA0] =	vst v8  }
0x88: {  	v8 =	vld [tilespmem:$0xB0]  }
0x89: {  	v12 =	vld [tilespmem:$0x80]  }
0x8a: {  	[tilespmem:s11+$0xFFFFFF20] =	vst v10;
	v9 =	vld.idx.msk [tilespmem:v9+s13+$0x0], $0xffff  }
0x8b: {  	v10 =	vld [tilespmem:$0xB0]  }
0x8c: {  	[tilespmem:s11+$0xFFFFFFA0] =	vst v11  }
0x8d: {  	s16 =	simm.s32 $0x4;
	v11 =	vld [tilespmem:$0xB0];
	v8 =	vadd.s32 s24, v8  }
0x8e: {  	s3 =	simm.s32 $0x7;
	v14 =	vadd.s32 s16, v12;
	v8 =	vadd.s32 v3, v8  }
0x8f: {  	v13 =	vadd.s32 s3, v12;
	v14 =	vadd.s32 v0, v14  }
0x90: {  	s14 =	simm.s32 $0x5;
	v13 =	vadd.s32 v0, v13;
	[tilespmem:s11+$0x20] =	vst v9;
	v10 =	vadd.s32 s0, v10  }
0x91: {  	v15 =	vadd.s32 s14, v12;
	v9 =	vld [tilespmem:$0xB0];
	v10 =	vadd.s32 v3, v10  }
0x92: {  	v15 =	vadd.s32 v0, v15;
	v11 =	vadd.s32 s6, v11  }
0x93: {  	v11 =	vadd.s32 v3, v11;
	v8 =	vld.idx.msk [tilespmem:v8+s13+$0x0], $0xffff  }
0x94: {  	s30 =	simm.s32 $0x6;
	v14 =	vld.idx.msk [tilespmem:v14+s13+$0x0], $0xffff  }
0x95: {  	v12 =	vadd.s32 s30, v12;
	v13 =	vld.idx.msk [tilespmem:v13+s13+$0x0], $0xffff  }
0x96: {  	v12 =	vadd.s32 v0, v12;
	v9 =	vadd.s32 s2, v9;
	v10 =	vld.idx.msk [tilespmem:v10+s13+$0x0], $0xffff  }
0x97: {  	v15 =	vld.idx.msk [tilespmem:v15+s13+$0x0], $0xffff;
	v9 =	vadd.s32 v3, v9  }
0x98: {  	s26 =	simm.s32 $0x6580;
	v11 =	vld.idx.msk [tilespmem:v11+s13+$0x0], $0xffff;
	[tilespmem:s11+$0xB0] =	vst v8  }
0x99: {  	[tilespmem:s26+$0xFFFFFF00] =	vst v14;
	v8 =	vld [tilespmem:$0xC0]  }
0x9a: {  	v14 =	vld [tilespmem:$0x90]  }
0x9b: {  	[tilespmem:s11+$0xFFFFFF30] =	vst v10;
	v10 =	vld.idx.msk [tilespmem:v12+s13+$0x0], $0xffff  }
0x9c: {  	v9 =	vld.idx.msk [tilespmem:v9+s13+$0x0], $0xffff  }
0x9d: {  	[tilespmem:s26+$0x80] =	vst v13;
	v12 =	vld [tilespmem:$0xC0]  }
0x9e: {  	[tilespmem:s11+$0xFFFFFFB0] =	vst v11;
	v11 =	vld [tilespmem:$0x90];
	v8 =	vadd.s32 s24, v8  }
0x9f: {  	[tilespmem:s26+$0xFFFFFF80] =	vst v15;
	v8 =	vadd.s32 v4, v8  }
0xa0: {  	v15 =	vld [tilespmem:$0x90]  }
0xa1: {  	v14 =	vadd.s32 s16, v14  }
0xa2: {  	v14 =	vadd.s32 v1, v14;
	v12 =	vadd.s32 s0, v12;
	[tilespmem:s11+$0x30] =	vst v9  }
0xa3: {  	v9 =	vadd.s32 s3, v11;
	v11 =	vadd.s32 v4, v12;
	v12 =	vld [tilespmem:$0xC0]  }
0xa4: {  	v9 =	vadd.s32 v1, v9;
	v8 =	vld.idx.msk [tilespmem:v8+s13+$0x0], $0xffff  }
0xa5: {  	v15 =	vadd.s32 s14, v15;
	v13 =	vld [tilespmem:$0xC0]  }
0xa6: {  	v15 =	vadd.s32 v1, v15  }
0xa7: {  	v14 =	vld.idx.msk [tilespmem:v14+s13+$0x0], $0xffff;
	[tilespmem:s26+$0x0] =	vst v10  }
0xa8: {  	v10 =	vld [tilespmem:$0x90]  }
0xa9: {  	v9 =	vld.idx.msk [tilespmem:v9+s13+$0x0], $0xffff;
	v12 =	vadd.s32 s2, v12;
	[tilespmem:s11+$0xC0] =	vst v8  }
0xaa: {  	v13 =	vadd.s32 s6, v13;
	v8 =	vadd.s32 v4, v12;
	v12 =	vld [tilespmem:$0xD0]  }
0xab: {  	v15 =	vld.idx.msk [tilespmem:v15+s13+$0x0], $0xffff;
	v13 =	vadd.s32 v4, v13  }
0xac: {  	v11 =	vld.idx.msk [tilespmem:v11+s13+$0x0], $0xffff  }
0xad: {  	v16 =	vld [tilespmem:$0x80];
	[tilespmem:s26+$0xFFFFFF10] =	vst v14;
	v10 =	vadd.s32 s30, v10  }
0xae: {  	v14 =	vld [tilespmem:$0xA0];
	v10 =	vadd.s32 v1, v10  }
0xaf: {  	[tilespmem:s26+$0x90] =	vst v9;
	v9 =	vadd.s32 s24, v12  }
0xb0: {  	[tilespmem:s26+$0xFFFFFF90] =	vst v15;
	v13 =	vld.idx.msk [tilespmem:v13+s13+$0x0], $0xffff;
	v9 =	vadd.s32 v5, v9  }
0xb1: {  	s12 =	simm.s32 $0x8;
	[tilespmem:s11+$0xFFFFFF40] =	vst v11;
	v11 =	vld [tilespmem:$0xA0]  }
0xb2: {  	v18 =	vadd.s32 s12, v16;
	v15 =	vld [tilespmem:$0xA0]  }
0xb3: {  	v18 =	vadd.s32 v0, v18;
	v14 =	vadd.s32 s16, v14;
	v10 =	vld.idx.msk [tilespmem:v10+s13+$0x0], $0xffff  }
0xb4: {  	v14 =	vadd.s32 v2, v14;
	v12 =	vld [tilespmem:$0xD0]  }
0xb5: {  	[tilespmem:s11+$0xFFFFFFC0] =	vst v13;
	v9 =	vld.idx.msk [tilespmem:v9+s13+$0x0], $0xffff  }
0xb6: {  	v13 =	vld [tilespmem:$0xD0];
	v11 =	vadd.s32 s3, v11  }
0xb7: {  	v8 =	vld.idx.msk [tilespmem:v8+s13+$0x0], $0xffff;
	v11 =	vadd.s32 v2, v11  }
0xb8: {  	v18 =	vld.idx.msk [tilespmem:v18+s13+$0x0], $0xffff  }
0xb9: {  	v14 =	vld.idx.msk [tilespmem:v14+s13+$0x0], $0xffff;
	[tilespmem:s26+$0x10] =	vst v10  }
0xba: {  	v10 =	vld [tilespmem:$0xA0];
	v12 =	vadd.s32 s0, v12;
	[tilespmem:s11+$0xD0] =	vst v9  }
0xbb: {  	v9 =	vadd.s32 v5, v12;
	v12 =	vadd.s32 s6, v13;
	v13 =	vld [tilespmem:$0xE0]  }
0xbc: {  	v15 =	vadd.s32 s14, v15;
	[tilespmem:s11+$0x40] =	vst v8;
	v11 =	vld.idx.msk [tilespmem:v11+s13+$0x0], $0xffff;
	v12 =	vadd.s32 v5, v12  }
0xbd: {  	v8 =	vadd.s32 v2, v15;
	v15 =	vld [tilespmem:$0xD0]  }
0xbe: {  	s22 =	simm.s32 $0x6780  }
0xbf: {  	[tilespmem:s22+$0xFFFFFF00] =	vst v18  }
0xc0: {  	v18 =	vld [tilespmem:$0x90];
	v13 =	vadd.s32 s24, v13  }
0xc1: {  	v10 =	vadd.s32 s30, v10;
	[tilespmem:s26+$0xA0] =	vst v11;
	v11 =	vld.idx.msk [tilespmem:v12+s13+$0x0], $0xffff;
	v12 =	vadd.s32 v6, v13  }
0xc2: {  	s20 =	simm.s32 $0x9;
	[tilespmem:s26+$0xFFFFFF20] =	vst v14;
	v10 =	vadd.s32 v2, v10;
	v13 =	vadd.s32 s2, v15;
	v15 =	vld [tilespmem:$0xB0]  }
0xc3: {  	v19 =	vadd.s32 s20, v16;
	v14 =	vld [tilespmem:$0xB0];
	v13 =	vadd.s32 v5, v13  }
0xc4: {  	v19 =	vadd.s32 v0, v19;
	v8 =	vld.idx.msk [tilespmem:v8+s13+$0x0], $0xffff  }
0xc5: {  	v9 =	vld.idx.msk [tilespmem:v9+s13+$0x0], $0xffff  }
0xc6: {  	v12 =	vld.idx.msk [tilespmem:v12+s13+$0x0], $0xffff  }
0xc7: {  	v10 =	vld.idx.msk [tilespmem:v10+s13+$0x0], $0xffff;
	v15 =	vadd.s32 s3, v15  }
0xc8: {  	v13 =	vld.idx.msk [tilespmem:v13+s13+$0x0], $0xffff;
	v15 =	vadd.s32 v3, v15  }
0xc9: {  	v19 =	vld.idx.msk [tilespmem:v19+s13+$0x0], $0xffff;
	[tilespmem:s26+$0xFFFFFFA0] =	vst v8  }
0xca: {  	v18 =	vadd.s32 s12, v18;
	v8 =	vld [tilespmem:$0xB0];
	[tilespmem:s11+$0xFFFFFF50] =	vst v9  }
0xcb: {  	s25 =	simm.s32 $0xB;
	v18 =	vadd.s32 v1, v18;
	v9 =	vadd.s32 s16, v14;
	[tilespmem:s11+$0xE0] =	vst v12  }
0xcc: {  	[tilespmem:s26+$0x20] =	vst v10;
	v9 =	vadd.s32 v3, v9;
	v12 =	vadd.s32 s25, v16;
	v17 =	vld [tilespmem:$0xF0]  }
0xcd: {  	[tilespmem:s11+$0x50] =	vst v13;
	v13 =	vld.idx.msk [tilespmem:v15+s13+$0x0], $0xffff;
	v12 =	vadd.s32 v0, v12  }
0xce: {  	[tilespmem:s22+$0xFFFFFF80] =	vst v19;
	v10 =	vld [tilespmem:$0xB0]  }
0xcf: {  	s29 =	simm.s32 $0xA;
	v19 =	vld [tilespmem:$0x90];
	v8 =	vadd.s32 s14, v8  }
0xd0: {  	v18 =	vld.idx.msk [tilespmem:v18+s13+$0x0], $0xffff;
	v8 =	vadd.s32 v3, v8;
	v16 =	vadd.s32 s29, v16  }
0xd1: {  	v9 =	vld.idx.msk [tilespmem:v9+s13+$0x0], $0xffff;
	v16 =	vadd.s32 v0, v16  }
0xd2: {  	v17 =	vadd.s32 s24, v17;
	v12 =	vld.idx.msk [tilespmem:v12+s13+$0x0], $0xffff;
	[tilespmem:s26+$0xB0] =	vst v13  }
0xd3: {  	v10 =	vadd.s32 s30, v10;
	v13 =	vadd.s32 v7, v17;
	v17 =	vld [tilespmem:$0xC0]  }
0xd4: {  	[tilespmem:s11+$0xFFFFFFD0] =	vst v11;
	v11 =	vld [tilespmem:$0xE0];
	v10 =	vadd.s32 v3, v10  }
0xd5: {  	v19 =	vadd.s32 s20, v19;
	v8 =	vld.idx.msk [tilespmem:v8+s13+$0x0], $0xffff  }
0xd6: {  	v19 =	vadd.s32 v1, v19;
	[tilespmem:s26+$0xFFFFFF30] =	vst v9;
	v16 =	vld.idx.msk [tilespmem:v16+s13+$0x0], $0xffff  }
0xd7: {  	[tilespmem:s22+$0x80] =	vst v12;
	v12 =	vld [tilespmem:$0xC0]  }
0xd8: {  	v9 =	vld.idx.msk [tilespmem:v13+s13+$0x0], $0xffff;
	v13 =	vadd.s32 s3, v17  }
0xd9: {  	v10 =	vld.idx.msk [tilespmem:v10+s13+$0x0], $0xffff;
	v13 =	vadd.s32 v4, v13  }
0xda: {  	[tilespmem:s26+$0xFFFFFFB0] =	vst v8;
	v8 =	vld [tilespmem:$0x90]  }
0xdb: {  	v19 =	vld.idx.msk [tilespmem:v19+s13+$0x0], $0xffff  }
0xdc: {  	v14 =	vld [tilespmem:$0xE0];
	v11 =	vadd.s32 s0, v11;
	[tilespmem:s22+$0x0] =	vst v16  }
0xdd: {  	v11 =	vadd.s32 v6, v11;
	v16 =	vld [tilespmem:$0x90];
	v12 =	vadd.s32 s16, v12  }
0xde: {  	[tilespmem:s26+$0x30] =	vst v10;
	v10 =	vadd.s32 v4, v12;
	v12 =	vld.idx.msk [tilespmem:v13+s13+$0x0], $0xffff  }
0xdf: {  	[tilespmem:s22+$0xFFFFFF10] =	vst v18;
	v8 =	vadd.s32 s25, v8;
	v13 =	vld [tilespmem:$0xC0]  }
0xe0: {  	v18 =	vld [tilespmem:$0xA0];
	v8 =	vadd.s32 v1, v8  }
0xe1: {  	v15 =	vld [tilespmem:$0xE0]  }
0xe2: {  	v14 =	vadd.s32 s6, v14;
	v11 =	vld.idx.msk [tilespmem:v11+s13+$0x0], $0xffff  }
0xe3: {  	v14 =	vadd.s32 v6, v14;
	v17 =	vld [tilespmem:$0xC0];
	v16 =	vadd.s32 s29, v16  }
0xe4: {  	v16 =	vadd.s32 v1, v16;
	v10 =	vld.idx.msk [tilespmem:v10+s13+$0x0], $0xffff;
	v13 =	vadd.s32 s30, v13  }
0xe5: {  	v8 =	vld.idx.msk [tilespmem:v8+s13+$0x0], $0xffff;
	[tilespmem:s26+$0xC0] =	vst v12;
	v12 =	vadd.s32 v4, v13  }
0xe6: {  	[tilespmem:s22+$0xFFFFFF90] =	vst v19;
	v13 =	vld [tilespmem:$0xD0]  }
0xe7: {  	v19 =	vld [tilespmem:$0xA0];
	v15 =	vadd.s32 s2, v15  }
0xe8: {  	v14 =	vld.idx.msk [tilespmem:v14+s13+$0x0], $0xffff;
	v15 =	vadd.s32 v6, v15;
	v17 =	vadd.s32 s14, v17  }
0xe9: {  	[tilespmem:s11+$0xFFFFFF60] =	vst v11;
	v17 =	vadd.s32 v4, v17;
	v16 =	vld.idx.msk [tilespmem:v16+s13+$0x0], $0xffff  }
0xea: {  	[tilespmem:s22+$0x90] =	vst v8;
	v8 =	vld.idx.msk [tilespmem:v12+s13+$0x0], $0xffff  }
0xeb: {  	[tilespmem:s26+$0xFFFFFF40] =	vst v10;
	v12 =	vadd.s32 s3, v13;
	v10 =	vld [tilespmem:$0xA0]  }
0xec: {  	v11 =	vadd.s32 s12, v18;
	v18 =	vld [tilespmem:$0xF0];
	v12 =	vadd.s32 v5, v12  }
0xed: {  	[tilespmem:s11+$0xFFFFFFE0] =	vst v14;
	v11 =	vadd.s32 v2, v11;
	v14 =	vadd.s32 s20, v19;
	v15 =	vld.idx.msk [tilespmem:v15+s13+$0x0], $0xffff  }
0xee: {  	v14 =	vadd.s32 v2, v14;
	v17 =	vld.idx.msk [tilespmem:v17+s13+$0x0], $0xffff  }
0xef: {  	[tilespmem:s22+$0x10] =	vst v16;
	v13 =	vld [tilespmem:$0xD0]  }
0xf0: {  	v16 =	vld [tilespmem:$0xA0];
	v10 =	vadd.s32 s25, v10  }
0xf1: {  	[tilespmem:s26+$0x40] =	vst v8;
	v12 =	vld.idx.msk [tilespmem:v12+s13+$0x0], $0xffff;
	v8 =	vadd.s32 v2, v10  }
0xf2: {  	v11 =	vld.idx.msk [tilespmem:v11+s13+$0x0], $0xffff  }
0xf3: {  	v14 =	vld.idx.msk [tilespmem:v14+s13+$0x0], $0xffff;
	[tilespmem:s26+$0xFFFFFFC0] =	vst v17  }
0xf4: {  	v10 =	vld [tilespmem:$0xD0]  }
0xf5: {  	[tilespmem:s11+$0x60] =	vst v15;
	v15 =	vadd.s32 s29, v16;
	v17 =	vld [tilespmem:$0xD0]  }
0xf6: {  	v13 =	vadd.s32 s16, v13;
	v15 =	vadd.s32 v2, v15;
	v8 =	vld.idx.msk [tilespmem:v8+s13+$0x0], $0xffff;
	[tilespmem:s26+$0xD0] =	vst v12  }
0xf7: {  	v13 =	vadd.s32 v5, v13;
	v12 =	vld [tilespmem:$0xE0]  }
0xf8: {  	v19 =	vld [tilespmem:$0xF0];
	[tilespmem:s22+$0xFFFFFF20] =	vst v11  }
0xf9: {  	v22 =	vld [tilespmem:$0xB0];
	v10 =	vadd.s32 s14, v10  }
0xfa: {  	v16 =	vld [tilespmem:$0xF0];
	v17 =	vadd.s32 s30, v17;
	v10 =	vadd.s32 v5, v10  }
0xfb: {  	v15 =	vld.idx.msk [tilespmem:v15+s13+$0x0], $0xffff;
	v17 =	vadd.s32 v5, v17  }
0xfc: {  	v13 =	vld.idx.msk [tilespmem:v13+s13+$0x0], $0xffff;
	[tilespmem:s22+$0xA0] =	vst v8;
	v8 =	vadd.s32 s3, v12  }
0xfd: {  	[tilespmem:s22+$0xFFFFFFA0] =	vst v14;
	v21 =	vld [tilespmem:$0xB0];
	v8 =	vadd.s32 v6, v8  }
0xfe: {  	v23 =	vld [tilespmem:$0xB0]  }
0xff: {  	v20 =	vld.idx.msk [tilespmem:v10+s13+$0x0], $0xffff  }
0x100: {  	[tilespmem:s22+$0x20] =	vst v15;
	v17 =	vld.idx.msk [tilespmem:v17+s13+$0x0], $0xffff  }
0x101: {  	v14 =	vld [tilespmem:$0xB0];
	v10 =	vadd.s32 s0, v18  }
0x102: {  	[tilespmem:s26+$0xFFFFFF50] =	vst v13;
	v12 =	vadd.s32 s6, v16;
	v13 =	vadd.s32 s25, v21;
	v11 =	vld.idx.msk [tilespmem:v8+s13+$0x0], $0xffff;
	v8 =	vadd.s32 v7, v10  }
0x103: {  	[tilespmem:s11+$0xF0] =	vst v9;
	v9 =	vadd.s32 v7, v12;
	v12 =	vld [tilespmem:$0xE0];
	v16 =	vadd.s32 v3, v13  }
0x104: {  	v15 =	vadd.s32 s12, v22;
	v18 =	vld [tilespmem:$0x80];
	[tilespmem:s26+$0xFFFFFFD0] =	vst v20;
	v10 =	vadd.s32 s2, v19  }
0x105: {  	s1 =	simm.s32 $0x10;
	s24 =	simm.s32 $0xC;
	v15 =	vadd.s32 v3, v15;
	[tilespmem:s26+$0x50] =	vst v17;
	v17 =	vadd.s32 s20, v23;
	v13 =	vld [tilespmem:$0xE0];
	v10 =	vadd.s32 v7, v10  }
.LBB2_5:
0x106: {  	p1 =	slt.u32 s1, $0x18;
	v17 =	vadd.s32 v3, v17;
	v14 =	vadd.s32 s29, v14;
	v19 =	vld [tilespmem:$0xE0]  }
0x107: {  	v14 =	vadd.s32 v3, v14;
	v8 =	vld.idx.msk [tilespmem:v8+s13+$0x0], $0xffff  }
0x108: {  	s2 =	sadd.s32 $0x1, s24;
	s21 =	sadd.s32 $0x3, s24;
	v16 =	vld.idx.msk [tilespmem:v16+s13+$0x0], $0xffff;
	v12 =	vadd.s32 s16, v12;
	[tilespmem:s26+$0xE0] =	vst v11  }
0x109: {  	s6 =	sadd.s32 $0x2, s24;
	v11 =	vadd.s32 s24, v18;
	v20 =	vadd.s32 s2, v18;
	v21 =	vadd.s32 s21, v18;
	v22 =	vld [tilespmem:$0xF0]  }
0x10a: {  	v18 =	vadd.s32 s6, v18;
	v11 =	vadd.s32 v0, v11;
	v21 =	vadd.s32 v0, v21;
	v15 =	vld.idx.msk [tilespmem:v15+s13+$0x0], $0xffff  }
0x10b: {  	v20 =	vadd.s32 v0, v20;
	v18 =	vadd.s32 v0, v18;
	v13 =	vadd.s32 s14, v13;
	v17 =	vld.idx.msk [tilespmem:v17+s13+$0x0], $0xffff  }
0x10c: {  	v12 =	vadd.s32 v6, v12;
	v13 =	vadd.s32 v6, v13;
	v19 =	vadd.s32 s30, v19;
	v14 =	vld.idx.msk [tilespmem:v14+s13+$0x0], $0xffff  }
0x10d: {  	v19 =	vadd.s32 v6, v19;
	[tilespmem:s11+$0xFFFFFF70] =	vst v8;
	v8 =	vld.idx.msk [tilespmem:v9+s13+$0x0], $0xffff  }
0x10e: {  	v9 =	vadd.s32 s3, v22;
	v10 =	vld.idx.msk [tilespmem:v10+s13+$0x0], $0xffff;
	s3 =	smov.u32 s25;
	s25 =	smov.u32 s21  }
0x10f: {  	v21 =	vld.idx.msk [tilespmem:v21+s13+$0x0], $0xffff;
	[tilespmem:s22+$0xB0] =	vst v16;
	v9 =	vadd.s32 v7, v9  }
0x110: {  	[tilespmem:s22+$0xFFFFFF30] =	vst v15;
	v15 =	vld [tilespmem:$0xC0]  }
0x111: {  	v11 =	vld.idx.msk [tilespmem:v11+s13+$0x0], $0xffff;
	[tilespmem:s22+$0xFFFFFFB0] =	vst v17  }
0x112: {  	v16 =	vld.idx.msk [tilespmem:v20+s13+$0x0], $0xffff;
	[tilespmem:s22+$0x30] =	vst v14  }
0x113: {  	v14 =	vld.idx.msk [tilespmem:v18+s13+$0x0], $0xffff;
	[tilespmem:s11+$0xFFFFFFF0] =	vst v8  }
0x114: {  	v8 =	vld.idx.msk [tilespmem:v9+s13+$0x0], $0xffff;
	[tilespmem:s11+$0x70] =	vst v10;
	s11 =	smov.u32 s26;
	s26 =	smov.u32 s22;
	s22 =	sadd.s32 $0x200, s22  }
0x115: {  	[tilespmem:s22+$0x80] =	vst v21;
	v9 =	vld [tilespmem:$0xC0];
	v10 =	vadd.s32 s3, v15  }
0x116: {  	v15 =	vld [tilespmem:$0x90];
	v10 =	vadd.s32 v4, v10  }
0x117: {  	[tilespmem:s22+$0xFFFFFF00] =	vst v11;
	v11 =	vld [tilespmem:$0xC0]  }
0x118: {  	v17 =	vld [tilespmem:$0x90];
	[tilespmem:s22+$0xFFFFFF80] =	vst v16  }
0x119: {  	v16 =	vld [tilespmem:$0x90];
	[tilespmem:s22+$0x0] =	vst v14  }
0x11a: {  	v14 =	vld [tilespmem:$0x90];
	v9 =	vadd.s32 s12, v9;
	[tilespmem:s11+$0xF0] =	vst v8  }
0x11b: {  	v8 =	vadd.s32 s25, v15;
	v9 =	vadd.s32 v4, v9;
	v10 =	vld.idx.msk [tilespmem:v10+s13+$0x0], $0xffff  }
0x11c: {  	v8 =	vadd.s32 v1, v8;
	v11 =	vadd.s32 s20, v11;
	v15 =	vld [tilespmem:$0xC0]  }
0x11d: {  	v17 =	vadd.s32 s24, v17;
	v11 =	vadd.s32 v4, v11;
	v12 =	vld.idx.msk [tilespmem:v12+s13+$0x0], $0xffff  }
0x11e: {  	v17 =	vadd.s32 v1, v17;
	v16 =	vadd.s32 s2, v16;
	v13 =	vld.idx.msk [tilespmem:v13+s13+$0x0], $0xffff  }
0x11f: {  	v16 =	vadd.s32 v1, v16;
	v14 =	vadd.s32 s6, v14;
	v18 =	vld.idx.msk [tilespmem:v19+s13+$0x0], $0xffff  }
0x120: {  	v14 =	vadd.s32 v1, v14;
	v9 =	vld.idx.msk [tilespmem:v9+s13+$0x0], $0xffff  }
0x121: {  	v8 =	vld.idx.msk [tilespmem:v8+s13+$0x0], $0xffff;
	v15 =	vadd.s32 s29, v15;
	[tilespmem:s26+$0xC0] =	vst v10  }
0x122: {  	v10 =	vadd.s32 v4, v15;
	v15 =	vld [tilespmem:$0xD0]  }
0x123: {  	v17 =	vld.idx.msk [tilespmem:v17+s13+$0x0], $0xffff;
	[tilespmem:s11+$0xFFFFFF60] =	vst v12  }
0x124: {  	v12 =	vld.idx.msk [tilespmem:v16+s13+$0x0], $0xffff;
	[tilespmem:s11+$0xFFFFFFE0] =	vst v13  }
0x125: {  	v13 =	vld.idx.msk [tilespmem:v14+s13+$0x0], $0xffff;
	[tilespmem:s11+$0x60] =	vst v18  }
0x126: {  	[tilespmem:s26+$0xFFFFFF40] =	vst v9;
	v9 =	vld.idx.msk [tilespmem:v11+s13+$0x0], $0xffff  }
0x127: {  	[tilespmem:s22+$0x90] =	vst v8;
	v8 =	vld.idx.msk [tilespmem:v10+s13+$0x0], $0xffff;
	v10 =	vadd.s32 s3, v15  }
0x128: {  	v11 =	vld [tilespmem:$0xA0];
	v10 =	vadd.s32 v5, v10  }
0x129: {  	[tilespmem:s22+$0xFFFFFF10] =	vst v17;
	v14 =	vld [tilespmem:$0xD0]  }
0x12a: {  	v15 =	vld [tilespmem:$0xA0];
	[tilespmem:s22+$0xFFFFFF90] =	vst v12  }
0x12b: {  	v12 =	vld [tilespmem:$0xA0];
	[tilespmem:s22+$0x10] =	vst v13  }
0x12c: {  	v13 =	vld [tilespmem:$0xA0];
	[tilespmem:s26+$0xFFFFFFC0] =	vst v9  }
0x12d: {  	v9 =	vadd.s32 s25, v11;
	[tilespmem:s26+$0x40] =	vst v8;
	v8 =	vld.idx.msk [tilespmem:v10+s13+$0x0], $0xffff  }
0x12e: {  	v9 =	vadd.s32 v2, v9;
	v10 =	vadd.s32 s12, v14;
	v11 =	vld [tilespmem:$0xD0]  }
0x12f: {  	v14 =	vadd.s32 s24, v15;
	v10 =	vadd.s32 v5, v10;
	v15 =	vld [tilespmem:$0xD0]  }
0x130: {  	v14 =	vadd.s32 v2, v14;
	v12 =	vadd.s32 s2, v12;
	v16 =	vld [tilespmem:$0xF0]  }
0x131: {  	v12 =	vadd.s32 v2, v12;
	v13 =	vadd.s32 s6, v13;
	v17 =	vld [tilespmem:$0xF0]  }
0x132: {  	v13 =	vadd.s32 v2, v13;
	v18 =	vld [tilespmem:$0xF0]  }
0x133: {  	v19 =	vld.idx.msk [tilespmem:v9+s13+$0x0], $0xffff;
	v9 =	vadd.s32 s20, v11;
	[tilespmem:s26+$0xD0] =	vst v8  }
0x134: {  	v11 =	vadd.s32 v5, v9;
	v8 =	vadd.s32 s29, v15;
	v15 =	vld [tilespmem:$0xE0]  }
0x135: {  	v14 =	vld.idx.msk [tilespmem:v14+s13+$0x0], $0xffff;
	v20 =	vadd.s32 v5, v8;
	v8 =	vadd.s32 s16, v16;
	s16 =	smov.u32 s12;
	s12 =	smov.u32 s24;
	s24 =	smov.u32 s1  }
0x136: {  	v12 =	vld.idx.msk [tilespmem:v12+s13+$0x0], $0xffff;
	v8 =	vadd.s32 v7, v8;
	v9 =	vadd.s32 s14, v17;
	s14 =	smov.u32 s20;
	s20 =	smov.u32 s2  }
0x137: {  	v13 =	vld.idx.msk [tilespmem:v13+s13+$0x0], $0xffff;
	v9 =	vadd.s32 v7, v9;
	v16 =	vadd.s32 s30, v18;
	s30 =	smov.u32 s29;
	s29 =	smov.u32 s6  }
0x138: {  	v17 =	vld.idx.msk [tilespmem:v10+s13+$0x0], $0xffff;
	v10 =	vadd.s32 v7, v16  }
0x139: {  	[tilespmem:s22+$0xA0] =	vst v19;
	v11 =	vld.idx.msk [tilespmem:v11+s13+$0x0], $0xffff;
	v15 =	vadd.s32 s3, v15  }
0x13a: {  	v16 =	vld [tilespmem:$0xB0];
	v15 =	vadd.s32 v6, v15  }
0x13b: {  	[tilespmem:s22+$0xFFFFFF20] =	vst v14;
	v19 =	vld.idx.msk [tilespmem:v20+s13+$0x0], $0xffff  }
0x13c: {  	v20 =	vld [tilespmem:$0xB0];
	[tilespmem:s22+$0xFFFFFFA0] =	vst v12  }
0x13d: {  	v21 =	vld [tilespmem:$0xB0];
	[tilespmem:s22+$0x20] =	vst v13  }
.Ltmp5:
0x13e: {  	v14 =	vld [tilespmem:$0xB0];
	[tilespmem:s26+$0xFFFFFF50] =	vst v17;
	(pc) =	sbr.rel @p1 .LBB2_5-.Ltmp5, $4  }
0x13f: {  	v12 =	vadd.s32 s25, v16;
	[tilespmem:s26+$0xFFFFFFD0] =	vst v11;
	v11 =	vld.idx.msk [tilespmem:v15+s13+$0x0], $0xffff  }
0x140: {  	v16 =	vadd.s32 v3, v12;
	v12 =	vld [tilespmem:$0xE0]  }
0x141: {  	v18 =	vld [tilespmem:$0x80];
	v13 =	vadd.s32 s12, v20;
	[tilespmem:s26+$0x50] =	vst v19  }
0x142: {  	s1 =	sadd.s32 $0x4, s1;
	v15 =	vadd.s32 v3, v13;
	v17 =	vadd.s32 s20, v21;
	v13 =	vld [tilespmem:$0xE0]  }
0x143: {  	_ =	sdelay $0x1  }
0x144: {  	s23 =	sadd.s32 $0x3, s24  }
0x145: {  	v19 =	vadd.s32 s23, v18  }
0x146: {  	s6 =	sadd.s32 $0x1, s24;
	v20 =	vadd.s32 s24, v18;
	v19 =	vadd.s32 v0, v19  }
0x147: {  	s21 =	sadd.s32 $0x2, s24;
	v21 =	vadd.s32 s6, v18;
	v20 =	vadd.s32 v0, v20  }
0x148: {  	v30 =	vadd.s32 s21, v18;
	v21 =	vadd.s32 v0, v21  }
0x149: {  	v18 =	vadd.s32 v0, v30;
	_ =	sdelay $0x1  }
0x14a: {  	v19 =	vld.idx.msk [tilespmem:v19+s13+$0x0], $0xffff  }
0x14b: {  	v20 =	vld.idx.msk [tilespmem:v20+s13+$0x0], $0xffff  }
0x14c: {  	v21 =	vld.idx.msk [tilespmem:v21+s13+$0x0], $0xffff  }
0x14d: {  	v18 =	vld.idx.msk [tilespmem:v18+s13+$0x0], $0xffff  }
0x14e: {  	s2 =	sadd.s32 $0x200, s22  }
0x14f: {  	[tilespmem:s2+$0x80] =	vst v19  }
0x150: {  	[tilespmem:s2+$0xFFFFFF00] =	vst v20;
	v19 =	vld [tilespmem:$0x90]  }
0x151: {  	[tilespmem:s2+$0xFFFFFF80] =	vst v21;
	v20 =	vld [tilespmem:$0x90]  }
0x152: {  	[tilespmem:s2+$0x0] =	vst v18;
	v21 =	vld [tilespmem:$0x90]  }
0x153: {  	v18 =	vld [tilespmem:$0x90];
	_ =	sdelay $0x1  }
0x154: {  	v19 =	vadd.s32 s23, v19  }
0x155: {  	v20 =	vadd.s32 s24, v20;
	v19 =	vadd.s32 v1, v19  }
0x156: {  	v21 =	vadd.s32 s6, v21;
	v20 =	vadd.s32 v1, v20  }
0x157: {  	v18 =	vadd.s32 s21, v18;
	v21 =	vadd.s32 v1, v21  }
0x158: {  	v18 =	vadd.s32 v1, v18;
	_ =	sdelay $0x1  }
0x159: {  	v19 =	vld.idx.msk [tilespmem:v19+s13+$0x0], $0xffff  }
0x15a: {  	v20 =	vld.idx.msk [tilespmem:v20+s13+$0x0], $0xffff  }
0x15b: {  	v21 =	vld.idx.msk [tilespmem:v21+s13+$0x0], $0xffff  }
0x15c: {  	v18 =	vld.idx.msk [tilespmem:v18+s13+$0x0], $0xffff  }
0x15d: {  	v16 =	vld.idx.msk [tilespmem:v16+s13+$0x0], $0xffff  }
0x15e: {  	v17 =	vadd.s32 v3, v17;
	v15 =	vld.idx.msk [tilespmem:v15+s13+$0x0], $0xffff;
	[tilespmem:s2+$0x90] =	vst v19  }
0x15f: {  	[tilespmem:s2+$0xFFFFFF10] =	vst v20;
	v19 =	vld [tilespmem:$0xA0]  }
0x160: {  	[tilespmem:s2+$0xFFFFFF90] =	vst v21;
	v20 =	vld [tilespmem:$0xA0]  }
0x161: {  	[tilespmem:s2+$0x10] =	vst v18;
	v21 =	vld [tilespmem:$0xA0]  }
0x162: {  	v18 =	vld [tilespmem:$0xA0]  }
0x163: {  	v17 =	vld.idx.msk [tilespmem:v17+s13+$0x0], $0xffff;
	[tilespmem:s22+$0xB0] =	vst v16  }
0x164: {  	v32 =	vld [tilespmem:$0xC0];
	v19 =	vadd.s32 s23, v19  }
0x165: {  	v20 =	vadd.s32 s24, v20;
	v19 =	vadd.s32 v2, v19  }
0x166: {  	v21 =	vadd.s32 s6, v21;
	v20 =	vadd.s32 v2, v20  }
0x167: {  	[tilespmem:s22+$0xFFFFFF30] =	vst v15;
	v18 =	vadd.s32 s21, v18;
	v21 =	vadd.s32 v2, v21  }
0x168: {  	v14 =	vadd.s32 s29, v14;
	v15 =	vld [tilespmem:$0xC0];
	[tilespmem:s22+$0xFFFFFFB0] =	vst v17;
	v31 =	vadd.s32 v2, v18  }
0x169: {  	v14 =	vadd.s32 v3, v14;
	v36 =	vld [tilespmem:$0xC0];
	v18 =	vadd.s32 s25, v32  }
0x16a: {  	v33 =	vadd.s32 v4, v18;
	v19 =	vld.idx.msk [tilespmem:v19+s13+$0x0], $0xffff  }
0x16b: {  	v20 =	vld.idx.msk [tilespmem:v20+s13+$0x0], $0xffff  }
0x16c: {  	v21 =	vld.idx.msk [tilespmem:v21+s13+$0x0], $0xffff  }
0x16d: {  	v16 =	vld.idx.msk [tilespmem:v31+s13+$0x0], $0xffff  }
0x16e: {  	v14 =	vld.idx.msk [tilespmem:v14+s13+$0x0], $0xffff;
	v35 =	vadd.s32 s12, v15;
	v15 =	vadd.s32 s20, v36  }
0x16f: {  	v15 =	vadd.s32 v4, v15;
	v40 =	vld.idx.msk [tilespmem:v33+s13+$0x0], $0xffff;
	[tilespmem:s2+$0xA0] =	vst v19  }
0x170: {  	[tilespmem:s2+$0xFFFFFF20] =	vst v20;
	v19 =	vld [tilespmem:$0xB0]  }
0x171: {  	[tilespmem:s2+$0xFFFFFFA0] =	vst v21;
	v20 =	vld [tilespmem:$0xB0]  }
0x172: {  	[tilespmem:s2+$0x20] =	vst v16;
	v21 =	vld [tilespmem:$0xB0]  }
0x173: {  	v34 =	vld [tilespmem:$0xB0]  }
0x174: {  	v37 =	vadd.s32 v4, v35;
	v15 =	vld.idx.msk [tilespmem:v15+s13+$0x0], $0xffff;
	[tilespmem:s22+$0xC0] =	vst v40  }
0x175: {  	v45 =	vld [tilespmem:$0xD0];
	v19 =	vadd.s32 s23, v19  }
0x176: {  	[tilespmem:s26+$0xE0] =	vst v11;
	v11 =	vld.idx.msk [tilespmem:v9+s13+$0x0], $0xffff;
	v20 =	vadd.s32 s24, v20;
	v19 =	vadd.s32 v3, v19  }
0x177: {  	v9 =	vld.idx.msk [tilespmem:v10+s13+$0x0], $0xffff;
	[tilespmem:s22+$0x30] =	vst v14;
	v39 =	vadd.s32 s6, v21;
	v38 =	vadd.s32 v3, v20  }
0x178: {  	v42 =	vld [tilespmem:$0xC0];
	v18 =	vadd.s32 s21, v34;
	v41 =	vadd.s32 v3, v39  }
0x179: {  	v17 =	vld.idx.msk [tilespmem:v37+s13+$0x0], $0xffff;
	[tilespmem:s22+$0xFFFFFFC0] =	vst v15;
	v18 =	vadd.s32 v3, v18  }
0x17a: {  	v56 =	vld [tilespmem:$0xD0];
	v20 =	vadd.s32 s25, v45  }
0x17b: {  	v20 =	vadd.s32 v5, v20;
	v19 =	vld.idx.msk [tilespmem:v19+s13+$0x0], $0xffff  }
0x17c: {  	v10 =	vld.idx.msk [tilespmem:v38+s13+$0x0], $0xffff  }
0x17d: {  	v16 =	vld.idx.msk [tilespmem:v41+s13+$0x0], $0xffff  }
0x17e: {  	v43 =	vld.idx.msk [tilespmem:v18+s13+$0x0], $0xffff  }
0x17f: {  	v23 =	vld [tilespmem:$0xF0];
	[tilespmem:s22+$0xFFFFFF40] =	vst v17  }
0x180: {  	v20 =	vld.idx.msk [tilespmem:v20+s13+$0x0], $0xffff;
	[tilespmem:s2+$0xB0] =	vst v19  }
0x181: {  	[tilespmem:s2+$0xFFFFFF30] =	vst v10;
	v47 =	vld [tilespmem:$0xC0]  }
0x182: {  	v17 =	vadd.s32 s20, v56;
	[tilespmem:s2+$0xFFFFFFB0] =	vst v16;
	v48 =	vld [tilespmem:$0xC0]  }
0x183: {  	v44 =	vadd.s32 s29, v42;
	v17 =	vadd.s32 v5, v17;
	[tilespmem:s2+$0x30] =	vst v43;
	v49 =	vld [tilespmem:$0xC0]  }
0x184: {  	v18 =	vadd.s32 v4, v44;
	v50 =	vld [tilespmem:$0xC0]  }
0x185: {  	v46 =	vadd.s32 s3, v23;
	v52 =	vld [tilespmem:$0xD0]  }
0x186: {  	v22 =	vld [tilespmem:$0xE0];
	v19 =	vadd.s32 v7, v46;
	v53 =	vadd.s32 s23, v47  }
0x187: {  	v8 =	vld.idx.msk [tilespmem:v8+s13+$0x0], $0xffff;
	v16 =	vadd.s32 s24, v48;
	v54 =	vadd.s32 v4, v53  }
0x188: {  	v17 =	vld.idx.msk [tilespmem:v17+s13+$0x0], $0xffff;
	v14 =	vadd.s32 s6, v49;
	v16 =	vadd.s32 v4, v16  }
0x189: {  	v51 =	vld.idx.msk [tilespmem:v18+s13+$0x0], $0xffff;
	[tilespmem:s22+$0xD0] =	vst v20;
	v55 =	vadd.s32 s21, v50;
	v14 =	vadd.s32 v4, v14  }
0x18a: {  	v18 =	vadd.s32 s12, v52;
	v20 =	vld [tilespmem:$0xE0];
	v15 =	vadd.s32 v4, v55  }
0x18b: {  	v18 =	vadd.s32 v5, v18;
	v10 =	vld.idx.msk [tilespmem:v19+s13+$0x0], $0xffff  }
0x18c: {  	v19 =	vld.idx.msk [tilespmem:v54+s13+$0x0], $0xffff  }
0x18d: {  	v16 =	vld.idx.msk [tilespmem:v16+s13+$0x0], $0xffff  }
0x18e: {  	v14 =	vld.idx.msk [tilespmem:v14+s13+$0x0], $0xffff  }
0x18f: {  	v15 =	vld.idx.msk [tilespmem:v15+s13+$0x0], $0xffff  }
0x190: {  	[tilespmem:s22+$0x40] =	vst v51;
	v18 =	vld.idx.msk [tilespmem:v18+s13+$0x0], $0xffff  }
0x191: {  	v12 =	vadd.s32 s16, v12;
	v57 =	vld [tilespmem:$0xD0];
	[tilespmem:s2+$0xC0] =	vst v19  }
0x192: {  	v12 =	vadd.s32 v6, v12;
	v13 =	vadd.s32 s14, v13;
	[tilespmem:s2+$0xFFFFFF40] =	vst v16;
	v59 =	vld [tilespmem:$0xD0]  }
0x193: {  	v13 =	vadd.s32 v6, v13;
	[tilespmem:s2+$0xFFFFFFC0] =	vst v14;
	v61 =	vld [tilespmem:$0xD0]  }
0x194: {  	v20 =	vadd.s32 s25, v20;
	[tilespmem:s2+$0x40] =	vst v15;
	v63 =	vld [tilespmem:$0xD0]  }
0x195: {  	v58 =	vadd.s32 s30, v22;
	v20 =	vadd.s32 v6, v20;
	[tilespmem:s22+$0xFFFFFF50] =	vst v18;
	v24 =	vld [tilespmem:$0xD0]  }
0x196: {  	v60 =	vadd.s32 v6, v58;
	v62 =	vadd.s32 s29, v57;
	v28 =	vld [tilespmem:$0xE0]  }
0x197: {  	v12 =	vld.idx.msk [tilespmem:v12+s13+$0x0], $0xffff;
	v14 =	vadd.s32 v5, v62;
	v22 =	vadd.s32 s23, v59  }
0x198: {  	v13 =	vld.idx.msk [tilespmem:v13+s13+$0x0], $0xffff;
	[tilespmem:s22+$0xFFFFFFD0] =	vst v17;
	v19 =	vadd.s32 s24, v61;
	v25 =	vadd.s32 v5, v22  }
0x199: {  	v29 =	vld [tilespmem:$0xE0];
	v15 =	vadd.s32 s6, v63;
	v19 =	vadd.s32 v5, v19  }
0x19a: {  	v20 =	vld.idx.msk [tilespmem:v20+s13+$0x0], $0xffff;
	v27 =	vadd.s32 s21, v24;
	v15 =	vadd.s32 v5, v15  }
0x19b: {  	v16 =	vld.idx.msk [tilespmem:v60+s13+$0x0], $0xffff;
	v17 =	vadd.s32 s12, v28;
	v18 =	vadd.s32 v5, v27  }
0x19c: {  	v17 =	vadd.s32 v6, v17;
	v14 =	vld.idx.msk [tilespmem:v14+s13+$0x0], $0xffff  }
0x19d: {  	[tilespmem:s26+$0xFFFFFF60] =	vst v12;
	v12 =	vld.idx.msk [tilespmem:v25+s13+$0x0], $0xffff  }
0x19e: {  	v19 =	vld.idx.msk [tilespmem:v19+s13+$0x0], $0xffff  }
0x19f: {  	v15 =	vld.idx.msk [tilespmem:v15+s13+$0x0], $0xffff  }
0x1a0: {  	v30 =	vld.idx.msk [tilespmem:v18+s13+$0x0], $0xffff  }
0x1a1: {  	v17 =	vld.idx.msk [tilespmem:v17+s13+$0x0], $0xffff;
	[tilespmem:s22+$0x50] =	vst v14  }
0x1a2: {  	v31 =	vld [tilespmem:$0xE0];
	[tilespmem:s2+$0xD0] =	vst v12  }
0x1a3: {  	[tilespmem:s2+$0xFFFFFF50] =	vst v19;
	v12 =	vld [tilespmem:$0xE0]  }
0x1a4: {  	[tilespmem:s2+$0xFFFFFFD0] =	vst v15;
	v32 =	vld [tilespmem:$0xE0]  }
0x1a5: {  	[tilespmem:s2+$0x50] =	vst v30;
	v34 =	vld [tilespmem:$0xE0]  }
0x1a6: {  	v33 =	vadd.s32 s20, v29;
	v35 =	vld [tilespmem:$0xE0]  }
0x1a7: {  	v26 =	vld [tilespmem:$0xF0];
	[tilespmem:s26+$0xFFFFFFE0] =	vst v13;
	v18 =	vadd.s32 s29, v31;
	v19 =	vadd.s32 v6, v33  }
0x1a8: {  	v37 =	vld [tilespmem:$0xF0];
	[tilespmem:s22+$0xE0] =	vst v20;
	v36 =	vadd.s32 v6, v18;
	v12 =	vadd.s32 s23, v12  }
0x1a9: {  	v20 =	vld [tilespmem:$0xF0];
	[tilespmem:s26+$0x60] =	vst v16;
	v15 =	vadd.s32 s24, v32;
	v12 =	vadd.s32 v6, v12  }
0x1aa: {  	v38 =	vld [tilespmem:$0xF0];
	[tilespmem:s22+$0xFFFFFF60] =	vst v17;
	v14 =	vadd.s32 s6, v34;
	v15 =	vadd.s32 v6, v15  }
0x1ab: {  	v40 =	vld [tilespmem:$0xF0];
	v21 =	vadd.s32 s21, v35;
	v14 =	vadd.s32 v6, v14  }
0x1ac: {  	v19 =	vld.idx.msk [tilespmem:v19+s13+$0x0], $0xffff;
	v39 =	vadd.s32 v6, v21  }
0x1ad: {  	v13 =	vld.idx.msk [tilespmem:v36+s13+$0x0], $0xffff  }
0x1ae: {  	v12 =	vld.idx.msk [tilespmem:v12+s13+$0x0], $0xffff  }
0x1af: {  	v15 =	vld.idx.msk [tilespmem:v15+s13+$0x0], $0xffff  }
0x1b0: {  	v14 =	vld.idx.msk [tilespmem:v14+s13+$0x0], $0xffff  }
0x1b1: {  	[tilespmem:s22+$0xFFFFFFE0] =	vst v19;
	v17 =	vld.idx.msk [tilespmem:v39+s13+$0x0], $0xffff  }
0x1b2: {  	v16 =	vadd.s32 s14, v37;
	[tilespmem:s22+$0x60] =	vst v13;
	v42 =	vld [tilespmem:$0xF0]  }
0x1b3: {  	v44 =	vadd.s32 v7, v16;
	v48 =	vadd.s32 s25, v20;
	v43 =	vld [tilespmem:$0xF0];
	[tilespmem:s2+$0xE0] =	vst v12  }
0x1b4: {  	v16 =	vadd.s32 v7, v48;
	v45 =	vadd.s32 s30, v38;
	[tilespmem:s2+$0xFFFFFF60] =	vst v15;
	v46 =	vld [tilespmem:$0xF0]  }
0x1b5: {  	v47 =	vadd.s32 v7, v45;
	v50 =	vadd.s32 s12, v40;
	[tilespmem:s2+$0xFFFFFFE0] =	vst v14;
	v49 =	vld [tilespmem:$0xF0]  }
0x1b6: {  	v41 =	vadd.s32 s16, v26;
	v20 =	vadd.s32 v7, v50;
	[tilespmem:s2+$0x60] =	vst v17;
	v51 =	vld [tilespmem:$0xF0]  }
0x1b7: {  	v19 =	vadd.s32 v7, v41;
	v13 =	vadd.s32 s20, v42;
	v52 =	vld [tilespmem:$0xF0]  }
0x1b8: {  	[tilespmem:s11+$0xFFFFFF70] =	vst v8;
	v8 =	vld.idx.msk [tilespmem:v44+s13+$0x0], $0xffff;
	v22 =	vadd.s32 s29, v43;
	v13 =	vadd.s32 v7, v13  }
0x1b9: {  	v56 =	vld.idx.msk [tilespmem:v16+s13+$0x0], $0xffff;
	v53 =	vadd.s32 v7, v22;
	v18 =	vadd.s32 s23, v46  }
0x1ba: {  	[tilespmem:s11+$0xFFFFFFF0] =	vst v11;
	v54 =	vld.idx.msk [tilespmem:v47+s13+$0x0], $0xffff;
	v14 =	vadd.s32 s24, v49;
	v55 =	vadd.s32 v7, v18  }
0x1bb: {  	[tilespmem:s11+$0x70] =	vst v9;
	v58 =	vld.idx.msk [tilespmem:v20+s13+$0x0], $0xffff;
	v57 =	vadd.s32 s6, v51;
	v14 =	vadd.s32 v7, v14  }
0x1bc: {  	[tilespmem:s26+$0xF0] =	vst v10;
	v19 =	vld.idx.msk [tilespmem:v19+s13+$0x0], $0xffff;
	v59 =	vadd.s32 s21, v52;
	v16 =	vadd.s32 v7, v57  }
0x1bd: {  	[tilespmem:s26+$0xFFFFFFF0] =	vst v8;
	v13 =	vld.idx.msk [tilespmem:v13+s13+$0x0], $0xffff;
	v17 =	vadd.s32 v7, v59  }
0x1be: {  	[tilespmem:s22+$0xF0] =	vst v56;
	v8 =	vld.idx.msk [tilespmem:v53+s13+$0x0], $0xffff  }
0x1bf: {  	[tilespmem:s26+$0x70] =	vst v54;
	v60 =	vld.idx.msk [tilespmem:v55+s13+$0x0], $0xffff  }
0x1c0: {  	[tilespmem:s22+$0xFFFFFF70] =	vst v58;
	v61 =	vld.idx.msk [tilespmem:v14+s13+$0x0], $0xffff  }
0x1c1: {  	[tilespmem:s26+$0xFFFFFF70] =	vst v19;
	v62 =	vld.idx.msk [tilespmem:v16+s13+$0x0], $0xffff  }
0x1c2: {  	[tilespmem:s22+$0xFFFFFFF0] =	vst v13;
	v63 =	vld.idx.msk [tilespmem:v17+s13+$0x0], $0xffff  }
0x1c3: {  	[tilespmem:s22+$0x70] =	vst v8  }
0x1c4: {  	[tilespmem:s2+$0xF0] =	vst v60  }
0x1c5: {  	[tilespmem:s2+$0xFFFFFF70] =	vst v61  }
0x1c6: {  	[tilespmem:s2+$0xFFFFFFF0] =	vst v62  }
0x1c7: {  	s1 =	simm.s32 $0x1C;
	s3 =	simm.s32 $0x70F0;
	[tilespmem:s2+$0x70] =	vst v63  }
.LBB2_7:
0x1c8: {  	v8 =	vld [tilespmem:$0x80];
	_ =	sdelay $0x4  }
0x1c9: {  	v8 =	vadd.s32 s1, v8  }
0x1ca: {  	v8 =	vadd.s32 v0, v8;
	_ =	sdelay $0x4  }
0x1cb: {  	v8 =	vld.idx.msk [tilespmem:v8+s13+$0x0], $0xffff;
	_ =	sdelay $0x4  }
0x1cc: {  	[tilespmem:s3+$0xFFFFFF90] =	vst v8  }
0x1cd: {  	v8 =	vld [tilespmem:$0x90];
	_ =	sdelay $0x4  }
0x1ce: {  	v8 =	vadd.s32 s1, v8  }
0x1cf: {  	v8 =	vadd.s32 v1, v8;
	_ =	sdelay $0x4  }
0x1d0: {  	v8 =	vld.idx.msk [tilespmem:v8+s13+$0x0], $0xffff;
	_ =	sdelay $0x4  }
0x1d1: {  	[tilespmem:s3+$0xFFFFFFA0] =	vst v8  }
0x1d2: {  	v8 =	vld [tilespmem:$0xA0];
	_ =	sdelay $0x4  }
0x1d3: {  	v8 =	vadd.s32 s1, v8  }
0x1d4: {  	v8 =	vadd.s32 v2, v8;
	_ =	sdelay $0x4  }
0x1d5: {  	v8 =	vld.idx.msk [tilespmem:v8+s13+$0x0], $0xffff;
	_ =	sdelay $0x4  }
0x1d6: {  	[tilespmem:s3+$0xFFFFFFB0] =	vst v8  }
0x1d7: {  	v8 =	vld [tilespmem:$0xB0];
	_ =	sdelay $0x4  }
0x1d8: {  	v8 =	vadd.s32 s1, v8  }
0x1d9: {  	v8 =	vadd.s32 v3, v8;
	_ =	sdelay $0x4  }
0x1da: {  	v8 =	vld.idx.msk [tilespmem:v8+s13+$0x0], $0xffff;
	_ =	sdelay $0x4  }
0x1db: {  	[tilespmem:s3+$0xFFFFFFC0] =	vst v8  }
0x1dc: {  	v8 =	vld [tilespmem:$0xC0];
	_ =	sdelay $0x4  }
0x1dd: {  	v8 =	vadd.s32 s1, v8  }
0x1de: {  	v8 =	vadd.s32 v4, v8;
	_ =	sdelay $0x4  }
0x1df: {  	v8 =	vld.idx.msk [tilespmem:v8+s13+$0x0], $0xffff;
	_ =	sdelay $0x4  }
0x1e0: {  	[tilespmem:s3+$0xFFFFFFD0] =	vst v8  }
0x1e1: {  	v8 =	vld [tilespmem:$0xD0];
	_ =	sdelay $0x4  }
0x1e2: {  	v8 =	vadd.s32 s1, v8  }
0x1e3: {  	v8 =	vadd.s32 v5, v8;
	_ =	sdelay $0x4  }
0x1e4: {  	v8 =	vld.idx.msk [tilespmem:v8+s13+$0x0], $0xffff;
	_ =	sdelay $0x4  }
0x1e5: {  	[tilespmem:s3+$0xFFFFFFE0] =	vst v8  }
0x1e6: {  	v8 =	vld [tilespmem:$0xE0];
	_ =	sdelay $0x4  }
0x1e7: {  	v8 =	vadd.s32 s1, v8  }
0x1e8: {  	v8 =	vadd.s32 v6, v8;
	_ =	sdelay $0x4  }
0x1e9: {  	v8 =	vld.idx.msk [tilespmem:v8+s13+$0x0], $0xffff;
	_ =	sdelay $0x4  }
0x1ea: {  	[tilespmem:s3+$0xFFFFFFF0] =	vst v8  }
0x1eb: {  	v8 =	vld [tilespmem:$0xF0];
	_ =	sdelay $0x4  }
0x1ec: {  	v8 =	vadd.s32 s1, v8  }
0x1ed: {  	v8 =	vadd.s32 v7, v8;
	_ =	sdelay $0x4  }
0x1ee: {  	p1 =	sne.s32 s1, $0x1E;
	v8 =	vld.idx.msk [tilespmem:v8+s13+$0x0], $0xffff  }
.Ltmp6:
0x1ef: {  	_ = 	snop;
	(pc) =	sbr.rel @p1 .LBB2_7-.Ltmp6, $2  }
0x1f0: {  	_ =	sdelay $0x2  }
0x1f1: {  	s1 =	sadd.s32 $0x1, s1;
	[tilespmem:s3+$0x0] =	vst v8;
	s3 =	sadd.s32 $0x80, s3  }
0x1f2: {  	s1 =	sadd.s32 s9, s8  }
0x1f3: {  	s1 =	smul.u32 $0x26C00, s1;
	_ =	sdelay $0x1  }
0x1f4: {  	s1 =	sadd.s32 s31, s1  }
0x1f5: {  	s2 =	rddreg [dreg:$0x1];
	s1 =	sshrl.u32 s1, $0x3  }
0x1f6: {  	s23 =	simm.s32 $0x6280;
	s1 =	sadd.s32 s2, s1  }
0x1f7: {  	[hbm4b:s1+s10] =	stream.strided.scatter [tilespmem:s23], [sflag:$0x4], $0xF80, s19, s10, $0x38;
	[tilespmem:$0x9100] =	vst v63  }
0x1f8: {  	v8 =	vld [tilespmem:$0x0]  }
0x1f9: {  	v9 =	vld [tilespmem:$0x10]  }
0x1fa: {  	s11 =	smul.u32 $0x6, s7;
	v10 =	vld [tilespmem:$0x20]  }
0x1fb: {  	s24 =	rddreg [dreg:$0xb];
	v11 =	vld [tilespmem:$0x30]  }
0x1fc: {  	s1 =	sadd.s32 s11, s24;
	v12 =	vld [tilespmem:$0x40]  }
0x1fd: {  	v13 =	vld [tilespmem:$0x50];
	v8 =	vadd.s32 s1, v8  }
0x1fe: {  	[tilespmem:$0x100] =	vst v8;
	v8 =	vadd.s32 s1, v9;
	v9 =	vld [tilespmem:$0x60]  }
0x1ff: {  	[tilespmem:$0x110] =	vst v8;
	v8 =	vadd.s32 s1, v10;
	v10 =	vld [tilespmem:$0x70]  }
0x200: {  	[tilespmem:$0x120] =	vst v8;
	v8 =	vadd.s32 s1, v11  }
0x201: {  	[tilespmem:$0x130] =	vst v8;
	v8 =	vadd.s32 s1, v12  }
0x202: {  	[tilespmem:$0x140] =	vst v8;
	v8 =	vadd.s32 s1, v13  }
0x203: {  	[tilespmem:$0x150] =	vst v8;
	v8 =	vadd.s32 s1, v9  }
0x204: {  	[tilespmem:$0x160] =	vst v8;
	v8 =	vadd.s32 s1, v10  }
0x205: {  	s25 =	simm.s32 $0x100;
	s26 =	simm.s32 $0x2;
	[tilespmem:$0x170] =	vst v8  }
0x206: {  	[tilespmem:s13], [sflag:$0x1] =	stream.indirect.gather [hbm4b:s5+s10], $0x40, s25, s10, $0xb8;
	[tilespmem:$0x9100] =	vst v63  }
0x207: {  	_ =	swait.ge [sflag:s26], $0x2000  }
0x208: {  	[sflag:s26] =	ssyncset.done $0x0  }
0x209: {  	s1 =	simm.s32 @!p0 $0x5;
	[sflag:s26] =	ssyncadd.s32 $0xFFFFE000  }
0x20a: {  	_ =	swait.ge @!p0 [sflag:s1], $0xF80  }
0x20b: {  	[sflag:s1] =	ssyncset.done @!p0 $0x0  }
0x20c: {  	[sflag:s1] =	ssyncadd.s32 @!p0 $0xFFFFF080  }
0x20d: {  	v8 =	vld [tilespmem:$0x80];
	_ =	sdelay $0x3  }
0x20e: {  	s2 =	simm.s32 $0x3  }
0x20f: {  	v9 =	vadd.s32 s2, v8  }
0x210: {  	v9 =	vadd.s32 v0, v9  }
0x211: {  	s6 =	simm.s32 $0x0  }
0x212: {  	v10 =	vadd.s32 s6, v8  }
0x213: {  	s21 =	simm.s32 $0x1;
	v10 =	vadd.s32 v0, v10  }
0x214: {  	v11 =	vadd.s32 s21, v8  }
0x215: {  	s23 =	simm.s32 $0x2;
	v11 =	vadd.s32 v0, v11;
	v9 =	vld.idx.msk [tilespmem:v9+s15+$0x0], $0xffff  }
0x216: {  	v8 =	vadd.s32 s23, v8  }
0x217: {  	v8 =	vadd.s32 v0, v8  }
0x218: {  	v10 =	vld.idx.msk [tilespmem:v10+s15+$0x0], $0xffff  }
0x219: {  	s26 =	simm.s32 $0x7300  }
0x21a: {  	v11 =	vld.idx.msk [tilespmem:v11+s15+$0x0], $0xffff;
	[tilespmem:s26+$0x80] =	vst v9  }
0x21b: {  	v9 =	vld [tilespmem:$0x90]  }
0x21c: {  	v8 =	vld.idx.msk [tilespmem:v8+s15+$0x0], $0xffff  }
0x21d: {  	[tilespmem:s26+$0xFFFFFF00] =	vst v10  }
0x21e: {  	v10 =	vld [tilespmem:$0x90]  }
0x21f: {  	[tilespmem:s26+$0xFFFFFF80] =	vst v11  }
0x220: {  	v11 =	vld [tilespmem:$0x90];
	v9 =	vadd.s32 s2, v9  }
0x221: {  	[tilespmem:s26+$0x0] =	vst v8;
	v8 =	vadd.s32 v1, v9;
	_ =	sdelay $0x1  }
0x222: {  	v10 =	vadd.s32 s6, v10;
	v9 =	vld [tilespmem:$0x90]  }
0x223: {  	v10 =	vadd.s32 v1, v10  }
0x224: {  	v11 =	vadd.s32 s21, v11  }
0x225: {  	v11 =	vadd.s32 v1, v11;
	v8 =	vld.idx.msk [tilespmem:v8+s15+$0x0], $0xffff;
	_ =	sdelay $0x1  }
0x226: {  	v9 =	vadd.s32 s23, v9  }
0x227: {  	v10 =	vld.idx.msk [tilespmem:v10+s15+$0x0], $0xffff;
	v9 =	vadd.s32 v1, v9;
	_ =	sdelay $0x1  }
0x228: {  	v11 =	vld.idx.msk [tilespmem:v11+s15+$0x0], $0xffff;
	[tilespmem:s26+$0x90] =	vst v8  }
0x229: {  	v8 =	vld [tilespmem:$0xA0];
	_ =	sdelay $0x1  }
0x22a: {  	[tilespmem:s26+$0xFFFFFF10] =	vst v10;
	v9 =	vld.idx.msk [tilespmem:v9+s15+$0x0], $0xffff  }
0x22b: {  	v10 =	vld [tilespmem:$0xA0]  }
0x22c: {  	[tilespmem:s26+$0xFFFFFF90] =	vst v11  }
0x22d: {  	v11 =	vld [tilespmem:$0xA0];
	v8 =	vadd.s32 s2, v8  }
0x22e: {  	v8 =	vadd.s32 v2, v8  }
0x22f: {  	[tilespmem:s26+$0x10] =	vst v9  }
0x230: {  	v10 =	vadd.s32 s6, v10;
	v9 =	vld [tilespmem:$0xA0]  }
0x231: {  	v10 =	vadd.s32 v2, v10  }
0x232: {  	v11 =	vadd.s32 s21, v11  }
0x233: {  	v11 =	vadd.s32 v2, v11;
	v8 =	vld.idx.msk [tilespmem:v8+s15+$0x0], $0xffff;
	_ =	sdelay $0x1  }
0x234: {  	v9 =	vadd.s32 s23, v9  }
0x235: {  	v10 =	vld.idx.msk [tilespmem:v10+s15+$0x0], $0xffff;
	v9 =	vadd.s32 v2, v9;
	_ =	sdelay $0x1  }
0x236: {  	v11 =	vld.idx.msk [tilespmem:v11+s15+$0x0], $0xffff;
	[tilespmem:s26+$0xA0] =	vst v8  }
0x237: {  	v8 =	vld [tilespmem:$0xB0]  }
0x238: {  	v12 =	vld [tilespmem:$0x80]  }
0x239: {  	[tilespmem:s26+$0xFFFFFF20] =	vst v10;
	v9 =	vld.idx.msk [tilespmem:v9+s15+$0x0], $0xffff  }
0x23a: {  	v10 =	vld [tilespmem:$0xB0]  }
0x23b: {  	[tilespmem:s26+$0xFFFFFFA0] =	vst v11  }
0x23c: {  	s22 =	simm.s32 $0x4;
	v11 =	vld [tilespmem:$0xB0];
	v8 =	vadd.s32 s2, v8  }
0x23d: {  	s24 =	simm.s32 $0x7;
	v14 =	vadd.s32 s22, v12;
	v8 =	vadd.s32 v3, v8  }
0x23e: {  	v13 =	vadd.s32 s24, v12;
	v14 =	vadd.s32 v0, v14  }
0x23f: {  	s16 =	simm.s32 $0x5;
	v13 =	vadd.s32 v0, v13;
	[tilespmem:s26+$0x20] =	vst v9;
	v10 =	vadd.s32 s6, v10  }
0x240: {  	v15 =	vadd.s32 s16, v12;
	v9 =	vld [tilespmem:$0xB0];
	v10 =	vadd.s32 v3, v10  }
0x241: {  	v15 =	vadd.s32 v0, v15;
	v11 =	vadd.s32 s21, v11  }
0x242: {  	v11 =	vadd.s32 v3, v11;
	v8 =	vld.idx.msk [tilespmem:v8+s15+$0x0], $0xffff  }
0x243: {  	s14 =	simm.s32 $0x6;
	v14 =	vld.idx.msk [tilespmem:v14+s15+$0x0], $0xffff  }
0x244: {  	v12 =	vadd.s32 s14, v12;
	v13 =	vld.idx.msk [tilespmem:v13+s15+$0x0], $0xffff  }
0x245: {  	v12 =	vadd.s32 v0, v12;
	v9 =	vadd.s32 s23, v9;
	v10 =	vld.idx.msk [tilespmem:v10+s15+$0x0], $0xffff  }
0x246: {  	v15 =	vld.idx.msk [tilespmem:v15+s15+$0x0], $0xffff;
	v9 =	vadd.s32 v3, v9  }
0x247: {  	s30 =	simm.s32 $0x7500;
	v11 =	vld.idx.msk [tilespmem:v11+s15+$0x0], $0xffff;
	[tilespmem:s26+$0xB0] =	vst v8  }
0x248: {  	[tilespmem:s30+$0xFFFFFF00] =	vst v14;
	v8 =	vld [tilespmem:$0xC0]  }
0x249: {  	v14 =	vld [tilespmem:$0x90]  }
0x24a: {  	[tilespmem:s26+$0xFFFFFF30] =	vst v10;
	v10 =	vld.idx.msk [tilespmem:v12+s15+$0x0], $0xffff  }
0x24b: {  	v9 =	vld.idx.msk [tilespmem:v9+s15+$0x0], $0xffff  }
0x24c: {  	[tilespmem:s30+$0x80] =	vst v13;
	v12 =	vld [tilespmem:$0xC0]  }
0x24d: {  	[tilespmem:s26+$0xFFFFFFB0] =	vst v11;
	v11 =	vld [tilespmem:$0x90];
	v8 =	vadd.s32 s2, v8  }
0x24e: {  	[tilespmem:s30+$0xFFFFFF80] =	vst v15;
	v8 =	vadd.s32 v4, v8  }
0x24f: {  	v15 =	vld [tilespmem:$0x90]  }
0x250: {  	v14 =	vadd.s32 s22, v14  }
0x251: {  	v14 =	vadd.s32 v1, v14;
	v12 =	vadd.s32 s6, v12;
	[tilespmem:s26+$0x30] =	vst v9  }
0x252: {  	v9 =	vadd.s32 s24, v11;
	v11 =	vadd.s32 v4, v12;
	v12 =	vld [tilespmem:$0xC0]  }
0x253: {  	v9 =	vadd.s32 v1, v9;
	v8 =	vld.idx.msk [tilespmem:v8+s15+$0x0], $0xffff  }
0x254: {  	v15 =	vadd.s32 s16, v15;
	v13 =	vld [tilespmem:$0xC0]  }
0x255: {  	v15 =	vadd.s32 v1, v15  }
0x256: {  	v14 =	vld.idx.msk [tilespmem:v14+s15+$0x0], $0xffff;
	[tilespmem:s30+$0x0] =	vst v10  }
0x257: {  	v10 =	vld [tilespmem:$0x90]  }
0x258: {  	v9 =	vld.idx.msk [tilespmem:v9+s15+$0x0], $0xffff;
	v12 =	vadd.s32 s23, v12;
	[tilespmem:s26+$0xC0] =	vst v8  }
0x259: {  	v13 =	vadd.s32 s21, v13;
	v8 =	vadd.s32 v4, v12;
	v12 =	vld [tilespmem:$0xD0]  }
0x25a: {  	v15 =	vld.idx.msk [tilespmem:v15+s15+$0x0], $0xffff;
	v13 =	vadd.s32 v4, v13  }
0x25b: {  	v11 =	vld.idx.msk [tilespmem:v11+s15+$0x0], $0xffff  }
0x25c: {  	v16 =	vld [tilespmem:$0x80];
	[tilespmem:s30+$0xFFFFFF10] =	vst v14;
	v10 =	vadd.s32 s14, v10  }
0x25d: {  	v14 =	vld [tilespmem:$0xA0];
	v10 =	vadd.s32 v1, v10  }
0x25e: {  	[tilespmem:s30+$0x90] =	vst v9;
	v9 =	vadd.s32 s2, v12  }
0x25f: {  	[tilespmem:s30+$0xFFFFFF90] =	vst v15;
	v13 =	vld.idx.msk [tilespmem:v13+s15+$0x0], $0xffff;
	v9 =	vadd.s32 v5, v9  }
0x260: {  	s20 =	simm.s32 $0x8;
	[tilespmem:s26+$0xFFFFFF40] =	vst v11;
	v11 =	vld [tilespmem:$0xA0]  }
0x261: {  	v18 =	vadd.s32 s20, v16;
	v15 =	vld [tilespmem:$0xA0]  }
0x262: {  	v18 =	vadd.s32 v0, v18;
	v14 =	vadd.s32 s22, v14;
	v10 =	vld.idx.msk [tilespmem:v10+s15+$0x0], $0xffff  }
0x263: {  	v14 =	vadd.s32 v2, v14;
	v12 =	vld [tilespmem:$0xD0]  }
0x264: {  	[tilespmem:s26+$0xFFFFFFC0] =	vst v13;
	v9 =	vld.idx.msk [tilespmem:v9+s15+$0x0], $0xffff  }
0x265: {  	v13 =	vld [tilespmem:$0xD0];
	v11 =	vadd.s32 s24, v11  }
0x266: {  	v8 =	vld.idx.msk [tilespmem:v8+s15+$0x0], $0xffff;
	v11 =	vadd.s32 v2, v11  }
0x267: {  	v18 =	vld.idx.msk [tilespmem:v18+s15+$0x0], $0xffff  }
0x268: {  	v14 =	vld.idx.msk [tilespmem:v14+s15+$0x0], $0xffff;
	[tilespmem:s30+$0x10] =	vst v10  }
0x269: {  	v10 =	vld [tilespmem:$0xA0];
	v12 =	vadd.s32 s6, v12;
	[tilespmem:s26+$0xD0] =	vst v9  }
0x26a: {  	v9 =	vadd.s32 v5, v12;
	v12 =	vadd.s32 s21, v13;
	v13 =	vld [tilespmem:$0xE0]  }
0x26b: {  	v15 =	vadd.s32 s16, v15;
	[tilespmem:s26+$0x40] =	vst v8;
	v11 =	vld.idx.msk [tilespmem:v11+s15+$0x0], $0xffff;
	v12 =	vadd.s32 v5, v12  }
0x26c: {  	v8 =	vadd.s32 v2, v15;
	v15 =	vld [tilespmem:$0xD0]  }
0x26d: {  	s25 =	simm.s32 $0x7700  }
0x26e: {  	[tilespmem:s25+$0xFFFFFF00] =	vst v18  }
0x26f: {  	v18 =	vld [tilespmem:$0x90];
	v13 =	vadd.s32 s2, v13  }
0x270: {  	v10 =	vadd.s32 s14, v10;
	[tilespmem:s30+$0xA0] =	vst v11;
	v11 =	vld.idx.msk [tilespmem:v12+s15+$0x0], $0xffff;
	v12 =	vadd.s32 v6, v13  }
0x271: {  	s3 =	simm.s32 $0x9;
	[tilespmem:s30+$0xFFFFFF20] =	vst v14;
	v10 =	vadd.s32 v2, v10;
	v13 =	vadd.s32 s23, v15;
	v15 =	vld [tilespmem:$0xB0]  }
0x272: {  	v19 =	vadd.s32 s3, v16;
	v14 =	vld [tilespmem:$0xB0];
	v13 =	vadd.s32 v5, v13  }
0x273: {  	v19 =	vadd.s32 v0, v19;
	v8 =	vld.idx.msk [tilespmem:v8+s15+$0x0], $0xffff  }
0x274: {  	v9 =	vld.idx.msk [tilespmem:v9+s15+$0x0], $0xffff  }
0x275: {  	v12 =	vld.idx.msk [tilespmem:v12+s15+$0x0], $0xffff  }
0x276: {  	v10 =	vld.idx.msk [tilespmem:v10+s15+$0x0], $0xffff;
	v15 =	vadd.s32 s24, v15  }
0x277: {  	v13 =	vld.idx.msk [tilespmem:v13+s15+$0x0], $0xffff;
	v15 =	vadd.s32 v3, v15  }
0x278: {  	v19 =	vld.idx.msk [tilespmem:v19+s15+$0x0], $0xffff;
	[tilespmem:s30+$0xFFFFFFA0] =	vst v8  }
0x279: {  	v18 =	vadd.s32 s20, v18;
	v8 =	vld [tilespmem:$0xB0];
	[tilespmem:s26+$0xFFFFFF50] =	vst v9  }
0x27a: {  	s29 =	simm.s32 $0xB;
	v18 =	vadd.s32 v1, v18;
	v9 =	vadd.s32 s22, v14;
	[tilespmem:s26+$0xE0] =	vst v12  }
0x27b: {  	[tilespmem:s30+$0x20] =	vst v10;
	v9 =	vadd.s32 v3, v9;
	v12 =	vadd.s32 s29, v16;
	v17 =	vld [tilespmem:$0xF0]  }
0x27c: {  	[tilespmem:s26+$0x50] =	vst v13;
	v13 =	vld.idx.msk [tilespmem:v15+s15+$0x0], $0xffff;
	v12 =	vadd.s32 v0, v12  }
0x27d: {  	[tilespmem:s25+$0xFFFFFF80] =	vst v19;
	v10 =	vld [tilespmem:$0xB0]  }
0x27e: {  	s12 =	simm.s32 $0xA;
	v19 =	vld [tilespmem:$0x90];
	v8 =	vadd.s32 s16, v8  }
0x27f: {  	v18 =	vld.idx.msk [tilespmem:v18+s15+$0x0], $0xffff;
	v8 =	vadd.s32 v3, v8;
	v16 =	vadd.s32 s12, v16  }
0x280: {  	v9 =	vld.idx.msk [tilespmem:v9+s15+$0x0], $0xffff;
	v16 =	vadd.s32 v0, v16  }
0x281: {  	v17 =	vadd.s32 s2, v17;
	v12 =	vld.idx.msk [tilespmem:v12+s15+$0x0], $0xffff;
	[tilespmem:s30+$0xB0] =	vst v13  }
0x282: {  	v10 =	vadd.s32 s14, v10;
	v13 =	vadd.s32 v7, v17;
	v17 =	vld [tilespmem:$0xC0]  }
0x283: {  	[tilespmem:s26+$0xFFFFFFD0] =	vst v11;
	v11 =	vld [tilespmem:$0xE0];
	v10 =	vadd.s32 v3, v10  }
0x284: {  	v19 =	vadd.s32 s3, v19;
	v8 =	vld.idx.msk [tilespmem:v8+s15+$0x0], $0xffff  }
0x285: {  	v19 =	vadd.s32 v1, v19;
	[tilespmem:s30+$0xFFFFFF30] =	vst v9;
	v16 =	vld.idx.msk [tilespmem:v16+s15+$0x0], $0xffff  }
0x286: {  	[tilespmem:s25+$0x80] =	vst v12;
	v12 =	vld [tilespmem:$0xC0]  }
0x287: {  	v9 =	vld.idx.msk [tilespmem:v13+s15+$0x0], $0xffff;
	v13 =	vadd.s32 s24, v17  }
0x288: {  	v10 =	vld.idx.msk [tilespmem:v10+s15+$0x0], $0xffff;
	v13 =	vadd.s32 v4, v13  }
0x289: {  	[tilespmem:s30+$0xFFFFFFB0] =	vst v8;
	v8 =	vld [tilespmem:$0x90]  }
0x28a: {  	v19 =	vld.idx.msk [tilespmem:v19+s15+$0x0], $0xffff  }
0x28b: {  	v14 =	vld [tilespmem:$0xE0];
	v11 =	vadd.s32 s6, v11;
	[tilespmem:s25+$0x0] =	vst v16  }
0x28c: {  	v11 =	vadd.s32 v6, v11;
	v16 =	vld [tilespmem:$0x90];
	v12 =	vadd.s32 s22, v12  }
0x28d: {  	[tilespmem:s30+$0x30] =	vst v10;
	v10 =	vadd.s32 v4, v12;
	v12 =	vld.idx.msk [tilespmem:v13+s15+$0x0], $0xffff  }
0x28e: {  	[tilespmem:s25+$0xFFFFFF10] =	vst v18;
	v8 =	vadd.s32 s29, v8;
	v13 =	vld [tilespmem:$0xC0]  }
0x28f: {  	v18 =	vld [tilespmem:$0xA0];
	v8 =	vadd.s32 v1, v8  }
0x290: {  	v15 =	vld [tilespmem:$0xE0]  }
0x291: {  	v14 =	vadd.s32 s21, v14;
	v11 =	vld.idx.msk [tilespmem:v11+s15+$0x0], $0xffff  }
0x292: {  	v14 =	vadd.s32 v6, v14;
	v17 =	vld [tilespmem:$0xC0];
	v16 =	vadd.s32 s12, v16  }
0x293: {  	v16 =	vadd.s32 v1, v16;
	v10 =	vld.idx.msk [tilespmem:v10+s15+$0x0], $0xffff;
	v13 =	vadd.s32 s14, v13  }
0x294: {  	v8 =	vld.idx.msk [tilespmem:v8+s15+$0x0], $0xffff;
	[tilespmem:s30+$0xC0] =	vst v12;
	v12 =	vadd.s32 v4, v13  }
0x295: {  	[tilespmem:s25+$0xFFFFFF90] =	vst v19;
	v13 =	vld [tilespmem:$0xD0]  }
0x296: {  	v19 =	vld [tilespmem:$0xA0];
	v15 =	vadd.s32 s23, v15  }
0x297: {  	v14 =	vld.idx.msk [tilespmem:v14+s15+$0x0], $0xffff;
	v15 =	vadd.s32 v6, v15;
	v17 =	vadd.s32 s16, v17  }
0x298: {  	[tilespmem:s26+$0xFFFFFF60] =	vst v11;
	v17 =	vadd.s32 v4, v17;
	v16 =	vld.idx.msk [tilespmem:v16+s15+$0x0], $0xffff  }
0x299: {  	[tilespmem:s25+$0x90] =	vst v8;
	v8 =	vld.idx.msk [tilespmem:v12+s15+$0x0], $0xffff  }
0x29a: {  	[tilespmem:s30+$0xFFFFFF40] =	vst v10;
	v12 =	vadd.s32 s24, v13;
	v10 =	vld [tilespmem:$0xA0]  }
0x29b: {  	v11 =	vadd.s32 s20, v18;
	v18 =	vld [tilespmem:$0xF0];
	v12 =	vadd.s32 v5, v12  }
0x29c: {  	[tilespmem:s26+$0xFFFFFFE0] =	vst v14;
	v11 =	vadd.s32 v2, v11;
	v14 =	vadd.s32 s3, v19;
	v15 =	vld.idx.msk [tilespmem:v15+s15+$0x0], $0xffff  }
0x29d: {  	v14 =	vadd.s32 v2, v14;
	v17 =	vld.idx.msk [tilespmem:v17+s15+$0x0], $0xffff  }
0x29e: {  	[tilespmem:s25+$0x10] =	vst v16;
	v13 =	vld [tilespmem:$0xD0]  }
0x29f: {  	v16 =	vld [tilespmem:$0xA0];
	v10 =	vadd.s32 s29, v10  }
0x2a0: {  	[tilespmem:s30+$0x40] =	vst v8;
	v12 =	vld.idx.msk [tilespmem:v12+s15+$0x0], $0xffff;
	v8 =	vadd.s32 v2, v10  }
0x2a1: {  	v11 =	vld.idx.msk [tilespmem:v11+s15+$0x0], $0xffff  }
0x2a2: {  	v14 =	vld.idx.msk [tilespmem:v14+s15+$0x0], $0xffff;
	[tilespmem:s30+$0xFFFFFFC0] =	vst v17  }
0x2a3: {  	v10 =	vld [tilespmem:$0xD0]  }
0x2a4: {  	[tilespmem:s26+$0x60] =	vst v15;
	v15 =	vadd.s32 s12, v16;
	v17 =	vld [tilespmem:$0xD0]  }
0x2a5: {  	v13 =	vadd.s32 s22, v13;
	v15 =	vadd.s32 v2, v15;
	v8 =	vld.idx.msk [tilespmem:v8+s15+$0x0], $0xffff;
	[tilespmem:s30+$0xD0] =	vst v12  }
0x2a6: {  	v13 =	vadd.s32 v5, v13;
	v12 =	vld [tilespmem:$0xE0]  }
0x2a7: {  	v19 =	vld [tilespmem:$0xF0];
	[tilespmem:s25+$0xFFFFFF20] =	vst v11  }
0x2a8: {  	v22 =	vld [tilespmem:$0xB0];
	v10 =	vadd.s32 s16, v10  }
0x2a9: {  	v16 =	vld [tilespmem:$0xF0];
	v17 =	vadd.s32 s14, v17;
	v10 =	vadd.s32 v5, v10  }
0x2aa: {  	v15 =	vld.idx.msk [tilespmem:v15+s15+$0x0], $0xffff;
	v17 =	vadd.s32 v5, v17  }
0x2ab: {  	v13 =	vld.idx.msk [tilespmem:v13+s15+$0x0], $0xffff;
	[tilespmem:s25+$0xA0] =	vst v8;
	v8 =	vadd.s32 s24, v12  }
0x2ac: {  	[tilespmem:s25+$0xFFFFFFA0] =	vst v14;
	v21 =	vld [tilespmem:$0xB0];
	v8 =	vadd.s32 v6, v8  }
0x2ad: {  	v23 =	vld [tilespmem:$0xB0]  }
0x2ae: {  	v20 =	vld.idx.msk [tilespmem:v10+s15+$0x0], $0xffff  }
0x2af: {  	[tilespmem:s25+$0x20] =	vst v15;
	v17 =	vld.idx.msk [tilespmem:v17+s15+$0x0], $0xffff  }
0x2b0: {  	v14 =	vld [tilespmem:$0xB0];
	v10 =	vadd.s32 s6, v18  }
0x2b1: {  	[tilespmem:s30+$0xFFFFFF50] =	vst v13;
	v12 =	vadd.s32 s21, v16;
	v13 =	vadd.s32 s29, v21;
	v11 =	vld.idx.msk [tilespmem:v8+s15+$0x0], $0xffff;
	v8 =	vadd.s32 v7, v10  }
0x2b2: {  	[tilespmem:s26+$0xF0] =	vst v9;
	v9 =	vadd.s32 v7, v12;
	v12 =	vld [tilespmem:$0xE0];
	v16 =	vadd.s32 v3, v13  }
0x2b3: {  	v15 =	vadd.s32 s20, v22;
	v18 =	vld [tilespmem:$0x80];
	[tilespmem:s30+$0xFFFFFFD0] =	vst v20;
	v10 =	vadd.s32 s23, v19  }
0x2b4: {  	s1 =	simm.s32 $0x10;
	s2 =	simm.s32 $0xC;
	v15 =	vadd.s32 v3, v15;
	[tilespmem:s30+$0x50] =	vst v17;
	v17 =	vadd.s32 s3, v23;
	v13 =	vld [tilespmem:$0xE0];
	v10 =	vadd.s32 v7, v10  }
.LBB2_9:
0x2b5: {  	p1 =	slt.u32 s1, $0x18;
	v17 =	vadd.s32 v3, v17;
	v14 =	vadd.s32 s12, v14;
	v19 =	vld [tilespmem:$0xE0]  }
0x2b6: {  	v14 =	vadd.s32 v3, v14;
	v8 =	vld.idx.msk [tilespmem:v8+s15+$0x0], $0xffff  }
0x2b7: {  	s6 =	sadd.s32 $0x1, s2;
	s23 =	sadd.s32 $0x3, s2;
	v16 =	vld.idx.msk [tilespmem:v16+s15+$0x0], $0xffff;
	v12 =	vadd.s32 s22, v12;
	[tilespmem:s30+$0xE0] =	vst v11  }
0x2b8: {  	s21 =	sadd.s32 $0x2, s2;
	v11 =	vadd.s32 s2, v18;
	v20 =	vadd.s32 s6, v18;
	v21 =	vadd.s32 s23, v18;
	v22 =	vld [tilespmem:$0xF0]  }
0x2b9: {  	v18 =	vadd.s32 s21, v18;
	v11 =	vadd.s32 v0, v11;
	v21 =	vadd.s32 v0, v21;
	v15 =	vld.idx.msk [tilespmem:v15+s15+$0x0], $0xffff  }
0x2ba: {  	v20 =	vadd.s32 v0, v20;
	v18 =	vadd.s32 v0, v18;
	v13 =	vadd.s32 s16, v13;
	v17 =	vld.idx.msk [tilespmem:v17+s15+$0x0], $0xffff  }
0x2bb: {  	v12 =	vadd.s32 v6, v12;
	v13 =	vadd.s32 v6, v13;
	v19 =	vadd.s32 s14, v19;
	v14 =	vld.idx.msk [tilespmem:v14+s15+$0x0], $0xffff  }
0x2bc: {  	v19 =	vadd.s32 v6, v19;
	[tilespmem:s26+$0xFFFFFF70] =	vst v8;
	v8 =	vld.idx.msk [tilespmem:v9+s15+$0x0], $0xffff  }
0x2bd: {  	v9 =	vadd.s32 s24, v22;
	v10 =	vld.idx.msk [tilespmem:v10+s15+$0x0], $0xffff;
	s24 =	smov.u32 s29;
	s29 =	smov.u32 s23  }
0x2be: {  	v21 =	vld.idx.msk [tilespmem:v21+s15+$0x0], $0xffff;
	[tilespmem:s25+$0xB0] =	vst v16;
	v9 =	vadd.s32 v7, v9  }
0x2bf: {  	[tilespmem:s25+$0xFFFFFF30] =	vst v15;
	v15 =	vld [tilespmem:$0xC0]  }
0x2c0: {  	v11 =	vld.idx.msk [tilespmem:v11+s15+$0x0], $0xffff;
	[tilespmem:s25+$0xFFFFFFB0] =	vst v17  }
0x2c1: {  	v16 =	vld.idx.msk [tilespmem:v20+s15+$0x0], $0xffff;
	[tilespmem:s25+$0x30] =	vst v14  }
0x2c2: {  	v14 =	vld.idx.msk [tilespmem:v18+s15+$0x0], $0xffff;
	[tilespmem:s26+$0xFFFFFFF0] =	vst v8  }
0x2c3: {  	v8 =	vld.idx.msk [tilespmem:v9+s15+$0x0], $0xffff;
	[tilespmem:s26+$0x70] =	vst v10;
	s26 =	smov.u32 s30;
	s30 =	smov.u32 s25;
	s25 =	sadd.s32 $0x200, s25  }
0x2c4: {  	[tilespmem:s25+$0x80] =	vst v21;
	v9 =	vld [tilespmem:$0xC0];
	v10 =	vadd.s32 s24, v15  }
0x2c5: {  	v15 =	vld [tilespmem:$0x90];
	v10 =	vadd.s32 v4, v10  }
0x2c6: {  	[tilespmem:s25+$0xFFFFFF00] =	vst v11;
	v11 =	vld [tilespmem:$0xC0]  }
0x2c7: {  	v17 =	vld [tilespmem:$0x90];
	[tilespmem:s25+$0xFFFFFF80] =	vst v16  }
0x2c8: {  	v16 =	vld [tilespmem:$0x90];
	[tilespmem:s25+$0x0] =	vst v14  }
0x2c9: {  	v14 =	vld [tilespmem:$0x90];
	v9 =	vadd.s32 s20, v9;
	[tilespmem:s26+$0xF0] =	vst v8  }
0x2ca: {  	v8 =	vadd.s32 s29, v15;
	v9 =	vadd.s32 v4, v9;
	v10 =	vld.idx.msk [tilespmem:v10+s15+$0x0], $0xffff  }
0x2cb: {  	v8 =	vadd.s32 v1, v8;
	v11 =	vadd.s32 s3, v11;
	v15 =	vld [tilespmem:$0xC0]  }
0x2cc: {  	v17 =	vadd.s32 s2, v17;
	v11 =	vadd.s32 v4, v11;
	v12 =	vld.idx.msk [tilespmem:v12+s15+$0x0], $0xffff  }
0x2cd: {  	v17 =	vadd.s32 v1, v17;
	v16 =	vadd.s32 s6, v16;
	v13 =	vld.idx.msk [tilespmem:v13+s15+$0x0], $0xffff  }
0x2ce: {  	v16 =	vadd.s32 v1, v16;
	v14 =	vadd.s32 s21, v14;
	v18 =	vld.idx.msk [tilespmem:v19+s15+$0x0], $0xffff  }
0x2cf: {  	v14 =	vadd.s32 v1, v14;
	v9 =	vld.idx.msk [tilespmem:v9+s15+$0x0], $0xffff  }
0x2d0: {  	v8 =	vld.idx.msk [tilespmem:v8+s15+$0x0], $0xffff;
	v15 =	vadd.s32 s12, v15;
	[tilespmem:s30+$0xC0] =	vst v10  }
0x2d1: {  	v10 =	vadd.s32 v4, v15;
	v15 =	vld [tilespmem:$0xD0]  }
0x2d2: {  	v17 =	vld.idx.msk [tilespmem:v17+s15+$0x0], $0xffff;
	[tilespmem:s26+$0xFFFFFF60] =	vst v12  }
0x2d3: {  	v12 =	vld.idx.msk [tilespmem:v16+s15+$0x0], $0xffff;
	[tilespmem:s26+$0xFFFFFFE0] =	vst v13  }
0x2d4: {  	v13 =	vld.idx.msk [tilespmem:v14+s15+$0x0], $0xffff;
	[tilespmem:s26+$0x60] =	vst v18  }
0x2d5: {  	[tilespmem:s30+$0xFFFFFF40] =	vst v9;
	v9 =	vld.idx.msk [tilespmem:v11+s15+$0x0], $0xffff  }
0x2d6: {  	[tilespmem:s25+$0x90] =	vst v8;
	v8 =	vld.idx.msk [tilespmem:v10+s15+$0x0], $0xffff;
	v10 =	vadd.s32 s24, v15  }
0x2d7: {  	v11 =	vld [tilespmem:$0xA0];
	v10 =	vadd.s32 v5, v10  }
0x2d8: {  	[tilespmem:s25+$0xFFFFFF10] =	vst v17;
	v14 =	vld [tilespmem:$0xD0]  }
0x2d9: {  	v15 =	vld [tilespmem:$0xA0];
	[tilespmem:s25+$0xFFFFFF90] =	vst v12  }
0x2da: {  	v12 =	vld [tilespmem:$0xA0];
	[tilespmem:s25+$0x10] =	vst v13  }
0x2db: {  	v13 =	vld [tilespmem:$0xA0];
	[tilespmem:s30+$0xFFFFFFC0] =	vst v9  }
0x2dc: {  	v9 =	vadd.s32 s29, v11;
	[tilespmem:s30+$0x40] =	vst v8;
	v8 =	vld.idx.msk [tilespmem:v10+s15+$0x0], $0xffff  }
0x2dd: {  	v9 =	vadd.s32 v2, v9;
	v10 =	vadd.s32 s20, v14;
	v11 =	vld [tilespmem:$0xD0]  }
0x2de: {  	v14 =	vadd.s32 s2, v15;
	v10 =	vadd.s32 v5, v10;
	v15 =	vld [tilespmem:$0xD0]  }
0x2df: {  	v14 =	vadd.s32 v2, v14;
	v12 =	vadd.s32 s6, v12;
	v16 =	vld [tilespmem:$0xF0]  }
0x2e0: {  	v12 =	vadd.s32 v2, v12;
	v13 =	vadd.s32 s21, v13;
	v17 =	vld [tilespmem:$0xF0]  }
0x2e1: {  	v13 =	vadd.s32 v2, v13;
	v18 =	vld [tilespmem:$0xF0]  }
0x2e2: {  	v19 =	vld.idx.msk [tilespmem:v9+s15+$0x0], $0xffff;
	v9 =	vadd.s32 s3, v11;
	[tilespmem:s30+$0xD0] =	vst v8  }
0x2e3: {  	v11 =	vadd.s32 v5, v9;
	v8 =	vadd.s32 s12, v15;
	v15 =	vld [tilespmem:$0xE0]  }
0x2e4: {  	v14 =	vld.idx.msk [tilespmem:v14+s15+$0x0], $0xffff;
	v20 =	vadd.s32 v5, v8;
	v8 =	vadd.s32 s22, v16;
	s22 =	smov.u32 s20;
	s20 =	smov.u32 s2;
	s2 =	smov.u32 s1  }
0x2e5: {  	v12 =	vld.idx.msk [tilespmem:v12+s15+$0x0], $0xffff;
	v8 =	vadd.s32 v7, v8;
	v9 =	vadd.s32 s16, v17;
	s16 =	smov.u32 s3;
	s3 =	smov.u32 s6  }
0x2e6: {  	v13 =	vld.idx.msk [tilespmem:v13+s15+$0x0], $0xffff;
	v9 =	vadd.s32 v7, v9;
	v16 =	vadd.s32 s14, v18;
	s14 =	smov.u32 s12;
	s12 =	smov.u32 s21  }
0x2e7: {  	v17 =	vld.idx.msk [tilespmem:v10+s15+$0x0], $0xffff;
	v10 =	vadd.s32 v7, v16  }
0x2e8: {  	[tilespmem:s25+$0xA0] =	vst v19;
	v11 =	vld.idx.msk [tilespmem:v11+s15+$0x0], $0xffff;
	v15 =	vadd.s32 s24, v15  }
0x2e9: {  	v16 =	vld [tilespmem:$0xB0];
	v15 =	vadd.s32 v6, v15  }
0x2ea: {  	[tilespmem:s25+$0xFFFFFF20] =	vst v14;
	v19 =	vld.idx.msk [tilespmem:v20+s15+$0x0], $0xffff  }
0x2eb: {  	v20 =	vld [tilespmem:$0xB0];
	[tilespmem:s25+$0xFFFFFFA0] =	vst v12  }
0x2ec: {  	v21 =	vld [tilespmem:$0xB0];
	[tilespmem:s25+$0x20] =	vst v13  }
.Ltmp7:
0x2ed: {  	v14 =	vld [tilespmem:$0xB0];
	[tilespmem:s30+$0xFFFFFF50] =	vst v17;
	(pc) =	sbr.rel @p1 .LBB2_9-.Ltmp7, $4  }
0x2ee: {  	v12 =	vadd.s32 s29, v16;
	[tilespmem:s30+$0xFFFFFFD0] =	vst v11;
	v11 =	vld.idx.msk [tilespmem:v15+s15+$0x0], $0xffff  }
0x2ef: {  	v16 =	vadd.s32 v3, v12;
	v12 =	vld [tilespmem:$0xE0]  }
0x2f0: {  	v18 =	vld [tilespmem:$0x80];
	v13 =	vadd.s32 s20, v20;
	[tilespmem:s30+$0x50] =	vst v19  }
0x2f1: {  	s1 =	sadd.s32 $0x4, s1;
	v15 =	vadd.s32 v3, v13;
	v17 =	vadd.s32 s3, v21;
	v13 =	vld [tilespmem:$0xE0]  }
0x2f2: {  	_ =	sdelay $0x1  }
0x2f3: {  	s1 =	sadd.s32 $0x3, s2  }
0x2f4: {  	v19 =	vadd.s32 s1, v18  }
0x2f5: {  	s21 =	sadd.s32 $0x1, s2;
	v20 =	vadd.s32 s2, v18;
	v19 =	vadd.s32 v0, v19  }
0x2f6: {  	s23 =	sadd.s32 $0x2, s2;
	v21 =	vadd.s32 s21, v18;
	v20 =	vadd.s32 v0, v20  }
0x2f7: {  	v30 =	vadd.s32 s23, v18;
	v21 =	vadd.s32 v0, v21  }
0x2f8: {  	v18 =	vadd.s32 v0, v30;
	_ =	sdelay $0x1  }
0x2f9: {  	v19 =	vld.idx.msk [tilespmem:v19+s15+$0x0], $0xffff  }
0x2fa: {  	v20 =	vld.idx.msk [tilespmem:v20+s15+$0x0], $0xffff  }
0x2fb: {  	v21 =	vld.idx.msk [tilespmem:v21+s15+$0x0], $0xffff  }
0x2fc: {  	v18 =	vld.idx.msk [tilespmem:v18+s15+$0x0], $0xffff  }
0x2fd: {  	s6 =	sadd.s32 $0x200, s25  }
0x2fe: {  	[tilespmem:s6+$0x80] =	vst v19  }
0x2ff: {  	[tilespmem:s6+$0xFFFFFF00] =	vst v20;
	v19 =	vld [tilespmem:$0x90]  }
0x300: {  	[tilespmem:s6+$0xFFFFFF80] =	vst v21;
	v20 =	vld [tilespmem:$0x90]  }
0x301: {  	[tilespmem:s6+$0x0] =	vst v18;
	v21 =	vld [tilespmem:$0x90]  }
0x302: {  	v18 =	vld [tilespmem:$0x90];
	_ =	sdelay $0x1  }
0x303: {  	v19 =	vadd.s32 s1, v19  }
0x304: {  	v20 =	vadd.s32 s2, v20;
	v19 =	vadd.s32 v1, v19  }
0x305: {  	v21 =	vadd.s32 s21, v21;
	v20 =	vadd.s32 v1, v20  }
0x306: {  	v18 =	vadd.s32 s23, v18;
	v21 =	vadd.s32 v1, v21  }
0x307: {  	v18 =	vadd.s32 v1, v18;
	_ =	sdelay $0x1  }
0x308: {  	v19 =	vld.idx.msk [tilespmem:v19+s15+$0x0], $0xffff  }
0x309: {  	v20 =	vld.idx.msk [tilespmem:v20+s15+$0x0], $0xffff  }
0x30a: {  	v21 =	vld.idx.msk [tilespmem:v21+s15+$0x0], $0xffff  }
0x30b: {  	v18 =	vld.idx.msk [tilespmem:v18+s15+$0x0], $0xffff  }
0x30c: {  	v16 =	vld.idx.msk [tilespmem:v16+s15+$0x0], $0xffff  }
0x30d: {  	v17 =	vadd.s32 v3, v17;
	v15 =	vld.idx.msk [tilespmem:v15+s15+$0x0], $0xffff;
	[tilespmem:s6+$0x90] =	vst v19  }
0x30e: {  	[tilespmem:s6+$0xFFFFFF10] =	vst v20;
	v19 =	vld [tilespmem:$0xA0]  }
0x30f: {  	[tilespmem:s6+$0xFFFFFF90] =	vst v21;
	v20 =	vld [tilespmem:$0xA0]  }
0x310: {  	[tilespmem:s6+$0x10] =	vst v18;
	v21 =	vld [tilespmem:$0xA0]  }
0x311: {  	v18 =	vld [tilespmem:$0xA0]  }
0x312: {  	v17 =	vld.idx.msk [tilespmem:v17+s15+$0x0], $0xffff;
	[tilespmem:s25+$0xB0] =	vst v16  }
0x313: {  	v32 =	vld [tilespmem:$0xC0];
	v19 =	vadd.s32 s1, v19  }
0x314: {  	v20 =	vadd.s32 s2, v20;
	v19 =	vadd.s32 v2, v19  }
0x315: {  	v21 =	vadd.s32 s21, v21;
	v20 =	vadd.s32 v2, v20  }
0x316: {  	[tilespmem:s25+$0xFFFFFF30] =	vst v15;
	v18 =	vadd.s32 s23, v18;
	v21 =	vadd.s32 v2, v21  }
0x317: {  	v14 =	vadd.s32 s12, v14;
	v15 =	vld [tilespmem:$0xC0];
	[tilespmem:s25+$0xFFFFFFB0] =	vst v17;
	v31 =	vadd.s32 v2, v18  }
0x318: {  	v14 =	vadd.s32 v3, v14;
	v36 =	vld [tilespmem:$0xC0];
	v18 =	vadd.s32 s29, v32  }
0x319: {  	v33 =	vadd.s32 v4, v18;
	v19 =	vld.idx.msk [tilespmem:v19+s15+$0x0], $0xffff  }
0x31a: {  	v20 =	vld.idx.msk [tilespmem:v20+s15+$0x0], $0xffff  }
0x31b: {  	v21 =	vld.idx.msk [tilespmem:v21+s15+$0x0], $0xffff  }
0x31c: {  	v16 =	vld.idx.msk [tilespmem:v31+s15+$0x0], $0xffff  }
0x31d: {  	v14 =	vld.idx.msk [tilespmem:v14+s15+$0x0], $0xffff;
	v35 =	vadd.s32 s20, v15;
	v15 =	vadd.s32 s3, v36  }
0x31e: {  	v15 =	vadd.s32 v4, v15;
	v40 =	vld.idx.msk [tilespmem:v33+s15+$0x0], $0xffff;
	[tilespmem:s6+$0xA0] =	vst v19  }
0x31f: {  	[tilespmem:s6+$0xFFFFFF20] =	vst v20;
	v19 =	vld [tilespmem:$0xB0]  }
0x320: {  	[tilespmem:s6+$0xFFFFFFA0] =	vst v21;
	v20 =	vld [tilespmem:$0xB0]  }
0x321: {  	[tilespmem:s6+$0x20] =	vst v16;
	v21 =	vld [tilespmem:$0xB0]  }
0x322: {  	v34 =	vld [tilespmem:$0xB0]  }
0x323: {  	v37 =	vadd.s32 v4, v35;
	v15 =	vld.idx.msk [tilespmem:v15+s15+$0x0], $0xffff;
	[tilespmem:s25+$0xC0] =	vst v40  }
0x324: {  	v45 =	vld [tilespmem:$0xD0];
	v19 =	vadd.s32 s1, v19  }
0x325: {  	[tilespmem:s30+$0xE0] =	vst v11;
	v11 =	vld.idx.msk [tilespmem:v9+s15+$0x0], $0xffff;
	v20 =	vadd.s32 s2, v20;
	v19 =	vadd.s32 v3, v19  }
0x326: {  	v9 =	vld.idx.msk [tilespmem:v10+s15+$0x0], $0xffff;
	[tilespmem:s25+$0x30] =	vst v14;
	v39 =	vadd.s32 s21, v21;
	v38 =	vadd.s32 v3, v20  }
0x327: {  	v42 =	vld [tilespmem:$0xC0];
	v18 =	vadd.s32 s23, v34;
	v41 =	vadd.s32 v3, v39  }
0x328: {  	v17 =	vld.idx.msk [tilespmem:v37+s15+$0x0], $0xffff;
	[tilespmem:s25+$0xFFFFFFC0] =	vst v15;
	v18 =	vadd.s32 v3, v18  }
0x329: {  	v56 =	vld [tilespmem:$0xD0];
	v20 =	vadd.s32 s29, v45  }
0x32a: {  	v20 =	vadd.s32 v5, v20;
	v19 =	vld.idx.msk [tilespmem:v19+s15+$0x0], $0xffff  }
0x32b: {  	v10 =	vld.idx.msk [tilespmem:v38+s15+$0x0], $0xffff  }
0x32c: {  	v16 =	vld.idx.msk [tilespmem:v41+s15+$0x0], $0xffff  }
0x32d: {  	v43 =	vld.idx.msk [tilespmem:v18+s15+$0x0], $0xffff  }
0x32e: {  	v23 =	vld [tilespmem:$0xF0];
	[tilespmem:s25+$0xFFFFFF40] =	vst v17  }
0x32f: {  	v20 =	vld.idx.msk [tilespmem:v20+s15+$0x0], $0xffff;
	[tilespmem:s6+$0xB0] =	vst v19  }
0x330: {  	[tilespmem:s6+$0xFFFFFF30] =	vst v10;
	v47 =	vld [tilespmem:$0xC0]  }
0x331: {  	v17 =	vadd.s32 s3, v56;
	[tilespmem:s6+$0xFFFFFFB0] =	vst v16;
	v48 =	vld [tilespmem:$0xC0]  }
0x332: {  	v44 =	vadd.s32 s12, v42;
	v17 =	vadd.s32 v5, v17;
	[tilespmem:s6+$0x30] =	vst v43;
	v49 =	vld [tilespmem:$0xC0]  }
0x333: {  	v18 =	vadd.s32 v4, v44;
	v50 =	vld [tilespmem:$0xC0]  }
0x334: {  	v46 =	vadd.s32 s24, v23;
	v52 =	vld [tilespmem:$0xD0]  }
0x335: {  	v22 =	vld [tilespmem:$0xE0];
	v19 =	vadd.s32 v7, v46;
	v53 =	vadd.s32 s1, v47  }
0x336: {  	v8 =	vld.idx.msk [tilespmem:v8+s15+$0x0], $0xffff;
	v16 =	vadd.s32 s2, v48;
	v54 =	vadd.s32 v4, v53  }
0x337: {  	v17 =	vld.idx.msk [tilespmem:v17+s15+$0x0], $0xffff;
	v14 =	vadd.s32 s21, v49;
	v16 =	vadd.s32 v4, v16  }
0x338: {  	v51 =	vld.idx.msk [tilespmem:v18+s15+$0x0], $0xffff;
	[tilespmem:s25+$0xD0] =	vst v20;
	v55 =	vadd.s32 s23, v50;
	v14 =	vadd.s32 v4, v14  }
0x339: {  	v18 =	vadd.s32 s20, v52;
	v20 =	vld [tilespmem:$0xE0];
	v15 =	vadd.s32 v4, v55  }
0x33a: {  	v18 =	vadd.s32 v5, v18;
	v10 =	vld.idx.msk [tilespmem:v19+s15+$0x0], $0xffff  }
0x33b: {  	v19 =	vld.idx.msk [tilespmem:v54+s15+$0x0], $0xffff  }
0x33c: {  	v16 =	vld.idx.msk [tilespmem:v16+s15+$0x0], $0xffff  }
0x33d: {  	v14 =	vld.idx.msk [tilespmem:v14+s15+$0x0], $0xffff  }
0x33e: {  	v15 =	vld.idx.msk [tilespmem:v15+s15+$0x0], $0xffff  }
0x33f: {  	[tilespmem:s25+$0x40] =	vst v51;
	v18 =	vld.idx.msk [tilespmem:v18+s15+$0x0], $0xffff  }
0x340: {  	v12 =	vadd.s32 s22, v12;
	v57 =	vld [tilespmem:$0xD0];
	[tilespmem:s6+$0xC0] =	vst v19  }
0x341: {  	v12 =	vadd.s32 v6, v12;
	v13 =	vadd.s32 s16, v13;
	[tilespmem:s6+$0xFFFFFF40] =	vst v16;
	v59 =	vld [tilespmem:$0xD0]  }
0x342: {  	v13 =	vadd.s32 v6, v13;
	[tilespmem:s6+$0xFFFFFFC0] =	vst v14;
	v61 =	vld [tilespmem:$0xD0]  }
0x343: {  	v20 =	vadd.s32 s29, v20;
	[tilespmem:s6+$0x40] =	vst v15;
	v63 =	vld [tilespmem:$0xD0]  }
0x344: {  	v58 =	vadd.s32 s14, v22;
	v20 =	vadd.s32 v6, v20;
	[tilespmem:s25+$0xFFFFFF50] =	vst v18;
	v24 =	vld [tilespmem:$0xD0]  }
0x345: {  	v60 =	vadd.s32 v6, v58;
	v62 =	vadd.s32 s12, v57;
	v28 =	vld [tilespmem:$0xE0]  }
0x346: {  	v12 =	vld.idx.msk [tilespmem:v12+s15+$0x0], $0xffff;
	v14 =	vadd.s32 v5, v62;
	v22 =	vadd.s32 s1, v59  }
0x347: {  	v13 =	vld.idx.msk [tilespmem:v13+s15+$0x0], $0xffff;
	[tilespmem:s25+$0xFFFFFFD0] =	vst v17;
	v19 =	vadd.s32 s2, v61;
	v25 =	vadd.s32 v5, v22  }
0x348: {  	v29 =	vld [tilespmem:$0xE0];
	v15 =	vadd.s32 s21, v63;
	v19 =	vadd.s32 v5, v19  }
0x349: {  	v20 =	vld.idx.msk [tilespmem:v20+s15+$0x0], $0xffff;
	v27 =	vadd.s32 s23, v24;
	v15 =	vadd.s32 v5, v15  }
0x34a: {  	v16 =	vld.idx.msk [tilespmem:v60+s15+$0x0], $0xffff;
	v17 =	vadd.s32 s20, v28;
	v18 =	vadd.s32 v5, v27  }
0x34b: {  	v17 =	vadd.s32 v6, v17;
	v14 =	vld.idx.msk [tilespmem:v14+s15+$0x0], $0xffff  }
0x34c: {  	[tilespmem:s30+$0xFFFFFF60] =	vst v12;
	v12 =	vld.idx.msk [tilespmem:v25+s15+$0x0], $0xffff  }
0x34d: {  	v19 =	vld.idx.msk [tilespmem:v19+s15+$0x0], $0xffff  }
0x34e: {  	v15 =	vld.idx.msk [tilespmem:v15+s15+$0x0], $0xffff  }
0x34f: {  	v30 =	vld.idx.msk [tilespmem:v18+s15+$0x0], $0xffff  }
0x350: {  	v17 =	vld.idx.msk [tilespmem:v17+s15+$0x0], $0xffff;
	[tilespmem:s25+$0x50] =	vst v14  }
0x351: {  	v31 =	vld [tilespmem:$0xE0];
	[tilespmem:s6+$0xD0] =	vst v12  }
0x352: {  	[tilespmem:s6+$0xFFFFFF50] =	vst v19;
	v12 =	vld [tilespmem:$0xE0]  }
0x353: {  	[tilespmem:s6+$0xFFFFFFD0] =	vst v15;
	v32 =	vld [tilespmem:$0xE0]  }
0x354: {  	[tilespmem:s6+$0x50] =	vst v30;
	v34 =	vld [tilespmem:$0xE0]  }
0x355: {  	v33 =	vadd.s32 s3, v29;
	v35 =	vld [tilespmem:$0xE0]  }
0x356: {  	v26 =	vld [tilespmem:$0xF0];
	[tilespmem:s30+$0xFFFFFFE0] =	vst v13;
	v18 =	vadd.s32 s12, v31;
	v19 =	vadd.s32 v6, v33  }
0x357: {  	v37 =	vld [tilespmem:$0xF0];
	[tilespmem:s25+$0xE0] =	vst v20;
	v36 =	vadd.s32 v6, v18;
	v12 =	vadd.s32 s1, v12  }
0x358: {  	v20 =	vld [tilespmem:$0xF0];
	[tilespmem:s30+$0x60] =	vst v16;
	v15 =	vadd.s32 s2, v32;
	v12 =	vadd.s32 v6, v12  }
0x359: {  	v38 =	vld [tilespmem:$0xF0];
	[tilespmem:s25+$0xFFFFFF60] =	vst v17;
	v14 =	vadd.s32 s21, v34;
	v15 =	vadd.s32 v6, v15  }
0x35a: {  	v40 =	vld [tilespmem:$0xF0];
	v21 =	vadd.s32 s23, v35;
	v14 =	vadd.s32 v6, v14  }
0x35b: {  	v19 =	vld.idx.msk [tilespmem:v19+s15+$0x0], $0xffff;
	v39 =	vadd.s32 v6, v21  }
0x35c: {  	v13 =	vld.idx.msk [tilespmem:v36+s15+$0x0], $0xffff  }
0x35d: {  	v12 =	vld.idx.msk [tilespmem:v12+s15+$0x0], $0xffff  }
0x35e: {  	v15 =	vld.idx.msk [tilespmem:v15+s15+$0x0], $0xffff  }
0x35f: {  	v14 =	vld.idx.msk [tilespmem:v14+s15+$0x0], $0xffff  }
0x360: {  	[tilespmem:s25+$0xFFFFFFE0] =	vst v19;
	v17 =	vld.idx.msk [tilespmem:v39+s15+$0x0], $0xffff  }
0x361: {  	v16 =	vadd.s32 s16, v37;
	[tilespmem:s25+$0x60] =	vst v13;
	v42 =	vld [tilespmem:$0xF0]  }
0x362: {  	v44 =	vadd.s32 v7, v16;
	v48 =	vadd.s32 s29, v20;
	v43 =	vld [tilespmem:$0xF0];
	[tilespmem:s6+$0xE0] =	vst v12  }
0x363: {  	v16 =	vadd.s32 v7, v48;
	v45 =	vadd.s32 s14, v38;
	[tilespmem:s6+$0xFFFFFF60] =	vst v15;
	v46 =	vld [tilespmem:$0xF0]  }
0x364: {  	v47 =	vadd.s32 v7, v45;
	v50 =	vadd.s32 s20, v40;
	[tilespmem:s6+$0xFFFFFFE0] =	vst v14;
	v49 =	vld [tilespmem:$0xF0]  }
0x365: {  	v41 =	vadd.s32 s22, v26;
	v20 =	vadd.s32 v7, v50;
	[tilespmem:s6+$0x60] =	vst v17;
	v51 =	vld [tilespmem:$0xF0]  }
0x366: {  	v19 =	vadd.s32 v7, v41;
	v13 =	vadd.s32 s3, v42;
	v52 =	vld [tilespmem:$0xF0]  }
0x367: {  	[tilespmem:s26+$0xFFFFFF70] =	vst v8;
	v8 =	vld.idx.msk [tilespmem:v44+s15+$0x0], $0xffff;
	v22 =	vadd.s32 s12, v43;
	v13 =	vadd.s32 v7, v13  }
0x368: {  	v56 =	vld.idx.msk [tilespmem:v16+s15+$0x0], $0xffff;
	v53 =	vadd.s32 v7, v22;
	v18 =	vadd.s32 s1, v46  }
0x369: {  	[tilespmem:s26+$0xFFFFFFF0] =	vst v11;
	v54 =	vld.idx.msk [tilespmem:v47+s15+$0x0], $0xffff;
	v14 =	vadd.s32 s2, v49;
	v55 =	vadd.s32 v7, v18  }
0x36a: {  	[tilespmem:s26+$0x70] =	vst v9;
	v58 =	vld.idx.msk [tilespmem:v20+s15+$0x0], $0xffff;
	v57 =	vadd.s32 s21, v51;
	v14 =	vadd.s32 v7, v14  }
0x36b: {  	[tilespmem:s30+$0xF0] =	vst v10;
	v19 =	vld.idx.msk [tilespmem:v19+s15+$0x0], $0xffff;
	v59 =	vadd.s32 s23, v52;
	v16 =	vadd.s32 v7, v57  }
0x36c: {  	[tilespmem:s30+$0xFFFFFFF0] =	vst v8;
	v13 =	vld.idx.msk [tilespmem:v13+s15+$0x0], $0xffff;
	v17 =	vadd.s32 v7, v59  }
0x36d: {  	[tilespmem:s25+$0xF0] =	vst v56;
	v8 =	vld.idx.msk [tilespmem:v53+s15+$0x0], $0xffff  }
0x36e: {  	[tilespmem:s30+$0x70] =	vst v54;
	v60 =	vld.idx.msk [tilespmem:v55+s15+$0x0], $0xffff  }
0x36f: {  	[tilespmem:s25+$0xFFFFFF70] =	vst v58;
	v61 =	vld.idx.msk [tilespmem:v14+s15+$0x0], $0xffff  }
0x370: {  	[tilespmem:s30+$0xFFFFFF70] =	vst v19;
	v62 =	vld.idx.msk [tilespmem:v16+s15+$0x0], $0xffff  }
0x371: {  	[tilespmem:s25+$0xFFFFFFF0] =	vst v13;
	v63 =	vld.idx.msk [tilespmem:v17+s15+$0x0], $0xffff  }
0x372: {  	[tilespmem:s25+$0x70] =	vst v8  }
0x373: {  	[tilespmem:s6+$0xF0] =	vst v60  }
0x374: {  	[tilespmem:s6+$0xFFFFFF70] =	vst v61  }
0x375: {  	[tilespmem:s6+$0xFFFFFFF0] =	vst v62  }
0x376: {  	s1 =	simm.s32 $0x1C;
	s2 =	simm.s32 $0x8070;
	[tilespmem:s6+$0x70] =	vst v63  }
.LBB2_11:
0x377: {  	v8 =	vld [tilespmem:$0x80];
	_ =	sdelay $0x4  }
0x378: {  	v8 =	vadd.s32 s1, v8  }
0x379: {  	v8 =	vadd.s32 v0, v8;
	_ =	sdelay $0x4  }
0x37a: {  	v8 =	vld.idx.msk [tilespmem:v8+s15+$0x0], $0xffff;
	_ =	sdelay $0x4  }
0x37b: {  	[tilespmem:s2+$0xFFFFFF90] =	vst v8  }
0x37c: {  	v8 =	vld [tilespmem:$0x90];
	_ =	sdelay $0x4  }
0x37d: {  	v8 =	vadd.s32 s1, v8  }
0x37e: {  	v8 =	vadd.s32 v1, v8;
	_ =	sdelay $0x4  }
0x37f: {  	v8 =	vld.idx.msk [tilespmem:v8+s15+$0x0], $0xffff;
	_ =	sdelay $0x4  }
0x380: {  	[tilespmem:s2+$0xFFFFFFA0] =	vst v8  }
0x381: {  	v8 =	vld [tilespmem:$0xA0];
	_ =	sdelay $0x4  }
0x382: {  	v8 =	vadd.s32 s1, v8  }
0x383: {  	v8 =	vadd.s32 v2, v8;
	_ =	sdelay $0x4  }
0x384: {  	v8 =	vld.idx.msk [tilespmem:v8+s15+$0x0], $0xffff;
	_ =	sdelay $0x4  }
0x385: {  	[tilespmem:s2+$0xFFFFFFB0] =	vst v8  }
0x386: {  	v8 =	vld [tilespmem:$0xB0];
	_ =	sdelay $0x4  }
0x387: {  	v8 =	vadd.s32 s1, v8  }
0x388: {  	v8 =	vadd.s32 v3, v8;
	_ =	sdelay $0x4  }
0x389: {  	v8 =	vld.idx.msk [tilespmem:v8+s15+$0x0], $0xffff;
	_ =	sdelay $0x4  }
0x38a: {  	[tilespmem:s2+$0xFFFFFFC0] =	vst v8  }
0x38b: {  	v8 =	vld [tilespmem:$0xC0];
	_ =	sdelay $0x4  }
0x38c: {  	v8 =	vadd.s32 s1, v8  }
0x38d: {  	v8 =	vadd.s32 v4, v8;
	_ =	sdelay $0x4  }
0x38e: {  	v8 =	vld.idx.msk [tilespmem:v8+s15+$0x0], $0xffff;
	_ =	sdelay $0x4  }
0x38f: {  	[tilespmem:s2+$0xFFFFFFD0] =	vst v8  }
0x390: {  	v8 =	vld [tilespmem:$0xD0];
	_ =	sdelay $0x4  }
0x391: {  	v8 =	vadd.s32 s1, v8  }
0x392: {  	v8 =	vadd.s32 v5, v8;
	_ =	sdelay $0x4  }
0x393: {  	v8 =	vld.idx.msk [tilespmem:v8+s15+$0x0], $0xffff;
	_ =	sdelay $0x4  }
0x394: {  	[tilespmem:s2+$0xFFFFFFE0] =	vst v8  }
0x395: {  	v8 =	vld [tilespmem:$0xE0];
	_ =	sdelay $0x4  }
0x396: {  	v8 =	vadd.s32 s1, v8  }
0x397: {  	v8 =	vadd.s32 v6, v8;
	_ =	sdelay $0x4  }
0x398: {  	v8 =	vld.idx.msk [tilespmem:v8+s15+$0x0], $0xffff;
	_ =	sdelay $0x4  }
0x399: {  	[tilespmem:s2+$0xFFFFFFF0] =	vst v8  }
0x39a: {  	v8 =	vld [tilespmem:$0xF0];
	_ =	sdelay $0x4  }
0x39b: {  	v8 =	vadd.s32 s1, v8  }
0x39c: {  	v8 =	vadd.s32 v7, v8;
	_ =	sdelay $0x4  }
0x39d: {  	p1 =	sne.s32 s1, $0x1E;
	v8 =	vld.idx.msk [tilespmem:v8+s15+$0x0], $0xffff  }
.Ltmp8:
0x39e: {  	_ = 	snop;
	(pc) =	sbr.rel @p1 .LBB2_11-.Ltmp8, $2  }
0x39f: {  	_ =	sdelay $0x2  }
0x3a0: {  	s1 =	sadd.s32 $0x1, s1;
	[tilespmem:s2+$0x0] =	vst v8;
	s2 =	sadd.s32 $0x80, s2  }
0x3a1: {  	s1 =	rddreg [dreg:$0xc]  }
0x3a2: {  	s1 =	sadd.s32 s8, s1  }
0x3a3: {  	p1 =	sne.s32 s7, $0x9;
	s1 =	smul.u32 $0x26C00, s1  }
.Ltmp9:
0x3a4: {  	_ = 	snop;
	(pc) =	sbr.rel @p1 .LBB2_14-.Ltmp9, $4  }
0x3a5: {  	s1 =	sadd.s32 s31, s1  }
0x3a6: {  	s2 =	rddreg [dreg:$0x1];
	s1 =	sshrl.u32 s1, $0x3  }
0x3a7: {  	s30 =	simm.s32 $0x7200;
	s1 =	sadd.s32 s2, s1  }
0x3a8: {  	[hbm4b:s1+s10] =	stream.strided.scatter [tilespmem:s30], [sflag:$0x5], $0xF80, s19, s10, $0x38;
	[tilespmem:$0x9100] =	vst v63  }
.Ltmp10:
0x3a9: {  	(pc) =	sbr.rel .LBB2_15-.Ltmp10, $4  }
0x3aa: {  	s1 =	simm.s32 $0x3  }
0x3ab: {  	_ =	swait.ge [sflag:s1], $0x2000  }
0x3ac: {  	[sflag:s1] =	ssyncset.done $0x0  }
0x3ad: {  	[sflag:s1] =	ssyncadd.s32 $0xFFFFE000  }
.LBB2_14:
0x3ae: {  	v8 =	vld [tilespmem:$0x0]  }
0x3af: {  	v9 =	vld [tilespmem:$0x10]  }
0x3b0: {  	v10 =	vld [tilespmem:$0x20]  }
0x3b1: {  	v11 =	vld [tilespmem:$0x30];
	s1 =	rddreg [dreg:$0xd]  }
0x3b2: {  	v12 =	vld [tilespmem:$0x40];
	s1 =	sadd.s32 s11, s1  }
0x3b3: {  	v13 =	vld [tilespmem:$0x50];
	v8 =	vadd.s32 s1, v8  }
0x3b4: {  	v62 =	vld [tilespmem:$0x60];
	[tilespmem:$0x180] =	vst v8;
	v8 =	vadd.s32 s1, v9  }
0x3b5: {  	v63 =	vld [tilespmem:$0x70];
	[tilespmem:$0x190] =	vst v8;
	v8 =	vadd.s32 s1, v10  }
0x3b6: {  	[tilespmem:$0x1A0] =	vst v8;
	v8 =	vadd.s32 s1, v11  }
0x3b7: {  	[tilespmem:$0x1B0] =	vst v8;
	v8 =	vadd.s32 s1, v12  }
0x3b8: {  	[tilespmem:$0x1C0] =	vst v8;
	v8 =	vadd.s32 s1, v13  }
0x3b9: {  	[tilespmem:$0x1D0] =	vst v8;
	v8 =	vadd.s32 s1, v62  }
0x3ba: {  	[tilespmem:$0x1E0] =	vst v8;
	v8 =	vadd.s32 s1, v63  }
.Ltmp11:
0x3bb: {  	s29 =	simm.s32 $0x180;
	s30 =	simm.s32 $0x3;
	[tilespmem:$0x1F0] =	vst v8;
	(pc) =	sbr.rel @p0 .LBB2_16-.Ltmp11, $4  }
0x3bc: {  	[tilespmem:s15], [sflag:$0x2] =	stream.indirect.gather [hbm4b:s5+s10], $0x40, s29, s10, $0xb8;
	[tilespmem:$0x9100] =	vst v63  }
0x3bd: {  	_ =	swait.ge [sflag:s30], $0x2000  }
0x3be: {  	[sflag:s30] =	ssyncset.done $0x0  }
0x3bf: {  	[sflag:s30] =	ssyncadd.s32 $0xFFFFE000  }
.LBB2_15:
0x3c0: {  	s1 =	simm.s32 $0x6  }
0x3c1: {  	_ =	swait.ge [sflag:s1], $0xF80  }
0x3c2: {  	[sflag:s1] =	ssyncset.done $0x0  }
0x3c3: {  	[sflag:s1] =	ssyncadd.s32 $0xFFFFF080  }
.LBB2_16:
0x3c4: {  	v8 =	vld [tilespmem:$0x80];
	_ =	sdelay $0x3  }
0x3c5: {  	s1 =	simm.s32 $0x3  }
0x3c6: {  	v9 =	vadd.s32 s1, v8  }
0x3c7: {  	v9 =	vadd.s32 v0, v9  }
0x3c8: {  	s6 =	simm.s32 $0x0  }
0x3c9: {  	v10 =	vadd.s32 s6, v8  }
0x3ca: {  	s21 =	simm.s32 $0x1;
	v10 =	vadd.s32 v0, v10  }
0x3cb: {  	v11 =	vadd.s32 s21, v8  }
0x3cc: {  	s2 =	simm.s32 $0x2;
	v11 =	vadd.s32 v0, v11;
	v9 =	vld.idx.msk [tilespmem:v9+s17+$0x0], $0xffff  }
0x3cd: {  	v8 =	vadd.s32 s2, v8  }
0x3ce: {  	v8 =	vadd.s32 v0, v8  }
0x3cf: {  	v10 =	vld.idx.msk [tilespmem:v10+s17+$0x0], $0xffff  }
0x3d0: {  	s8 =	simm.s32 $0x8280  }
0x3d1: {  	v11 =	vld.idx.msk [tilespmem:v11+s17+$0x0], $0xffff;
	[tilespmem:s8+$0x80] =	vst v9  }
0x3d2: {  	v9 =	vld [tilespmem:$0x90]  }
0x3d3: {  	v8 =	vld.idx.msk [tilespmem:v8+s17+$0x0], $0xffff  }
0x3d4: {  	[tilespmem:s8+$0xFFFFFF00] =	vst v10  }
0x3d5: {  	v10 =	vld [tilespmem:$0x90]  }
0x3d6: {  	[tilespmem:s8+$0xFFFFFF80] =	vst v11  }
0x3d7: {  	v11 =	vld [tilespmem:$0x90];
	v9 =	vadd.s32 s1, v9  }
0x3d8: {  	[tilespmem:s8+$0x0] =	vst v8;
	v8 =	vadd.s32 v1, v9;
	_ =	sdelay $0x1  }
0x3d9: {  	v10 =	vadd.s32 s6, v10;
	v9 =	vld [tilespmem:$0x90]  }
0x3da: {  	v10 =	vadd.s32 v1, v10  }
0x3db: {  	v11 =	vadd.s32 s21, v11  }
0x3dc: {  	v11 =	vadd.s32 v1, v11;
	v8 =	vld.idx.msk [tilespmem:v8+s17+$0x0], $0xffff;
	_ =	sdelay $0x1  }
0x3dd: {  	v9 =	vadd.s32 s2, v9  }
0x3de: {  	v10 =	vld.idx.msk [tilespmem:v10+s17+$0x0], $0xffff;
	v9 =	vadd.s32 v1, v9;
	_ =	sdelay $0x1  }
0x3df: {  	v11 =	vld.idx.msk [tilespmem:v11+s17+$0x0], $0xffff;
	[tilespmem:s8+$0x90] =	vst v8  }
0x3e0: {  	v8 =	vld [tilespmem:$0xA0];
	_ =	sdelay $0x1  }
0x3e1: {  	[tilespmem:s8+$0xFFFFFF10] =	vst v10;
	v9 =	vld.idx.msk [tilespmem:v9+s17+$0x0], $0xffff  }
0x3e2: {  	v10 =	vld [tilespmem:$0xA0]  }
0x3e3: {  	[tilespmem:s8+$0xFFFFFF90] =	vst v11  }
0x3e4: {  	v11 =	vld [tilespmem:$0xA0];
	v8 =	vadd.s32 s1, v8  }
0x3e5: {  	v8 =	vadd.s32 v2, v8  }
0x3e6: {  	[tilespmem:s8+$0x10] =	vst v9  }
0x3e7: {  	v10 =	vadd.s32 s6, v10;
	v9 =	vld [tilespmem:$0xA0]  }
0x3e8: {  	v10 =	vadd.s32 v2, v10  }
0x3e9: {  	v11 =	vadd.s32 s21, v11  }
0x3ea: {  	v11 =	vadd.s32 v2, v11;
	v8 =	vld.idx.msk [tilespmem:v8+s17+$0x0], $0xffff;
	_ =	sdelay $0x1  }
0x3eb: {  	v9 =	vadd.s32 s2, v9  }
0x3ec: {  	v10 =	vld.idx.msk [tilespmem:v10+s17+$0x0], $0xffff;
	v9 =	vadd.s32 v2, v9;
	_ =	sdelay $0x1  }
0x3ed: {  	v11 =	vld.idx.msk [tilespmem:v11+s17+$0x0], $0xffff;
	[tilespmem:s8+$0xA0] =	vst v8  }
0x3ee: {  	v8 =	vld [tilespmem:$0xB0]  }
0x3ef: {  	v12 =	vld [tilespmem:$0x80]  }
0x3f0: {  	[tilespmem:s8+$0xFFFFFF20] =	vst v10;
	v9 =	vld.idx.msk [tilespmem:v9+s17+$0x0], $0xffff  }
0x3f1: {  	v10 =	vld [tilespmem:$0xB0]  }
0x3f2: {  	[tilespmem:s8+$0xFFFFFFA0] =	vst v11  }
0x3f3: {  	s22 =	simm.s32 $0x4;
	v11 =	vld [tilespmem:$0xB0];
	v8 =	vadd.s32 s1, v8  }
0x3f4: {  	s24 =	simm.s32 $0x7;
	v14 =	vadd.s32 s22, v12;
	v8 =	vadd.s32 v3, v8  }
0x3f5: {  	v13 =	vadd.s32 s24, v12;
	v14 =	vadd.s32 v0, v14  }
0x3f6: {  	s16 =	simm.s32 $0x5;
	v13 =	vadd.s32 v0, v13;
	[tilespmem:s8+$0x20] =	vst v9;
	v10 =	vadd.s32 s6, v10  }
0x3f7: {  	v15 =	vadd.s32 s16, v12;
	v9 =	vld [tilespmem:$0xB0];
	v10 =	vadd.s32 v3, v10  }
0x3f8: {  	v15 =	vadd.s32 v0, v15;
	v11 =	vadd.s32 s21, v11  }
0x3f9: {  	v11 =	vadd.s32 v3, v11;
	v8 =	vld.idx.msk [tilespmem:v8+s17+$0x0], $0xffff  }
0x3fa: {  	s14 =	simm.s32 $0x6;
	v14 =	vld.idx.msk [tilespmem:v14+s17+$0x0], $0xffff  }
0x3fb: {  	v12 =	vadd.s32 s14, v12;
	v13 =	vld.idx.msk [tilespmem:v13+s17+$0x0], $0xffff  }
0x3fc: {  	v12 =	vadd.s32 v0, v12;
	v9 =	vadd.s32 s2, v9;
	v10 =	vld.idx.msk [tilespmem:v10+s17+$0x0], $0xffff  }
0x3fd: {  	v15 =	vld.idx.msk [tilespmem:v15+s17+$0x0], $0xffff;
	v9 =	vadd.s32 v3, v9  }
0x3fe: {  	s11 =	simm.s32 $0x8480;
	v11 =	vld.idx.msk [tilespmem:v11+s17+$0x0], $0xffff;
	[tilespmem:s8+$0xB0] =	vst v8  }
0x3ff: {  	[tilespmem:s11+$0xFFFFFF00] =	vst v14;
	v8 =	vld [tilespmem:$0xC0]  }
0x400: {  	v14 =	vld [tilespmem:$0x90]  }
0x401: {  	[tilespmem:s8+$0xFFFFFF30] =	vst v10;
	v10 =	vld.idx.msk [tilespmem:v12+s17+$0x0], $0xffff  }
0x402: {  	v9 =	vld.idx.msk [tilespmem:v9+s17+$0x0], $0xffff  }
0x403: {  	[tilespmem:s11+$0x80] =	vst v13;
	v12 =	vld [tilespmem:$0xC0]  }
0x404: {  	[tilespmem:s8+$0xFFFFFFB0] =	vst v11;
	v11 =	vld [tilespmem:$0x90];
	v8 =	vadd.s32 s1, v8  }
0x405: {  	[tilespmem:s11+$0xFFFFFF80] =	vst v15;
	v8 =	vadd.s32 v4, v8  }
0x406: {  	v15 =	vld [tilespmem:$0x90]  }
0x407: {  	v14 =	vadd.s32 s22, v14  }
0x408: {  	v14 =	vadd.s32 v1, v14;
	v12 =	vadd.s32 s6, v12;
	[tilespmem:s8+$0x30] =	vst v9  }
0x409: {  	v9 =	vadd.s32 s24, v11;
	v11 =	vadd.s32 v4, v12;
	v12 =	vld [tilespmem:$0xC0]  }
0x40a: {  	v9 =	vadd.s32 v1, v9;
	v8 =	vld.idx.msk [tilespmem:v8+s17+$0x0], $0xffff  }
0x40b: {  	v15 =	vadd.s32 s16, v15;
	v13 =	vld [tilespmem:$0xC0]  }
0x40c: {  	v15 =	vadd.s32 v1, v15  }
0x40d: {  	v14 =	vld.idx.msk [tilespmem:v14+s17+$0x0], $0xffff;
	[tilespmem:s11+$0x0] =	vst v10  }
0x40e: {  	v10 =	vld [tilespmem:$0x90]  }
0x40f: {  	v9 =	vld.idx.msk [tilespmem:v9+s17+$0x0], $0xffff;
	v12 =	vadd.s32 s2, v12;
	[tilespmem:s8+$0xC0] =	vst v8  }
0x410: {  	v13 =	vadd.s32 s21, v13;
	v8 =	vadd.s32 v4, v12;
	v12 =	vld [tilespmem:$0xD0]  }
0x411: {  	v15 =	vld.idx.msk [tilespmem:v15+s17+$0x0], $0xffff;
	v13 =	vadd.s32 v4, v13  }
0x412: {  	v11 =	vld.idx.msk [tilespmem:v11+s17+$0x0], $0xffff  }
0x413: {  	v16 =	vld [tilespmem:$0x80];
	[tilespmem:s11+$0xFFFFFF10] =	vst v14;
	v10 =	vadd.s32 s14, v10  }
0x414: {  	v14 =	vld [tilespmem:$0xA0];
	v10 =	vadd.s32 v1, v10  }
0x415: {  	[tilespmem:s11+$0x90] =	vst v9;
	v9 =	vadd.s32 s1, v12  }
0x416: {  	[tilespmem:s11+$0xFFFFFF90] =	vst v15;
	v13 =	vld.idx.msk [tilespmem:v13+s17+$0x0], $0xffff;
	v9 =	vadd.s32 v5, v9  }
0x417: {  	s20 =	simm.s32 $0x8;
	[tilespmem:s8+$0xFFFFFF40] =	vst v11;
	v11 =	vld [tilespmem:$0xA0]  }
0x418: {  	v18 =	vadd.s32 s20, v16;
	v15 =	vld [tilespmem:$0xA0]  }
0x419: {  	v18 =	vadd.s32 v0, v18;
	v14 =	vadd.s32 s22, v14;
	v10 =	vld.idx.msk [tilespmem:v10+s17+$0x0], $0xffff  }
0x41a: {  	v14 =	vadd.s32 v2, v14;
	v12 =	vld [tilespmem:$0xD0]  }
0x41b: {  	[tilespmem:s8+$0xFFFFFFC0] =	vst v13;
	v9 =	vld.idx.msk [tilespmem:v9+s17+$0x0], $0xffff  }
0x41c: {  	v13 =	vld [tilespmem:$0xD0];
	v11 =	vadd.s32 s24, v11  }
0x41d: {  	v8 =	vld.idx.msk [tilespmem:v8+s17+$0x0], $0xffff;
	v11 =	vadd.s32 v2, v11  }
0x41e: {  	v18 =	vld.idx.msk [tilespmem:v18+s17+$0x0], $0xffff  }
0x41f: {  	v14 =	vld.idx.msk [tilespmem:v14+s17+$0x0], $0xffff;
	[tilespmem:s11+$0x10] =	vst v10  }
0x420: {  	v10 =	vld [tilespmem:$0xA0];
	v12 =	vadd.s32 s6, v12;
	[tilespmem:s8+$0xD0] =	vst v9  }
0x421: {  	v9 =	vadd.s32 v5, v12;
	v12 =	vadd.s32 s21, v13;
	v13 =	vld [tilespmem:$0xE0]  }
0x422: {  	v15 =	vadd.s32 s16, v15;
	[tilespmem:s8+$0x40] =	vst v8;
	v11 =	vld.idx.msk [tilespmem:v11+s17+$0x0], $0xffff;
	v12 =	vadd.s32 v5, v12  }
0x423: {  	v8 =	vadd.s32 v2, v15;
	v15 =	vld [tilespmem:$0xD0]  }
0x424: {  	s25 =	simm.s32 $0x8680  }
0x425: {  	[tilespmem:s25+$0xFFFFFF00] =	vst v18  }
0x426: {  	v18 =	vld [tilespmem:$0x90];
	v13 =	vadd.s32 s1, v13  }
0x427: {  	v10 =	vadd.s32 s14, v10;
	[tilespmem:s11+$0xA0] =	vst v11;
	v11 =	vld.idx.msk [tilespmem:v12+s17+$0x0], $0xffff;
	v12 =	vadd.s32 v6, v13  }
0x428: {  	s3 =	simm.s32 $0x9;
	[tilespmem:s11+$0xFFFFFF20] =	vst v14;
	v10 =	vadd.s32 v2, v10;
	v13 =	vadd.s32 s2, v15;
	v15 =	vld [tilespmem:$0xB0]  }
0x429: {  	v19 =	vadd.s32 s3, v16;
	v14 =	vld [tilespmem:$0xB0];
	v13 =	vadd.s32 v5, v13  }
0x42a: {  	v19 =	vadd.s32 v0, v19;
	v8 =	vld.idx.msk [tilespmem:v8+s17+$0x0], $0xffff  }
0x42b: {  	v9 =	vld.idx.msk [tilespmem:v9+s17+$0x0], $0xffff  }
0x42c: {  	v12 =	vld.idx.msk [tilespmem:v12+s17+$0x0], $0xffff  }
0x42d: {  	v10 =	vld.idx.msk [tilespmem:v10+s17+$0x0], $0xffff;
	v15 =	vadd.s32 s24, v15  }
0x42e: {  	v13 =	vld.idx.msk [tilespmem:v13+s17+$0x0], $0xffff;
	v15 =	vadd.s32 v3, v15  }
0x42f: {  	v19 =	vld.idx.msk [tilespmem:v19+s17+$0x0], $0xffff;
	[tilespmem:s11+$0xFFFFFFA0] =	vst v8  }
0x430: {  	v18 =	vadd.s32 s20, v18;
	v8 =	vld [tilespmem:$0xB0];
	[tilespmem:s8+$0xFFFFFF50] =	vst v9  }
0x431: {  	s26 =	simm.s32 $0xB;
	v18 =	vadd.s32 v1, v18;
	v9 =	vadd.s32 s22, v14;
	[tilespmem:s8+$0xE0] =	vst v12  }
0x432: {  	[tilespmem:s11+$0x20] =	vst v10;
	v9 =	vadd.s32 v3, v9;
	v12 =	vadd.s32 s26, v16;
	v17 =	vld [tilespmem:$0xF0]  }
0x433: {  	[tilespmem:s8+$0x50] =	vst v13;
	v13 =	vld.idx.msk [tilespmem:v15+s17+$0x0], $0xffff;
	v12 =	vadd.s32 v0, v12  }
0x434: {  	[tilespmem:s25+$0xFFFFFF80] =	vst v19;
	v10 =	vld [tilespmem:$0xB0]  }
0x435: {  	s12 =	simm.s32 $0xA;
	v19 =	vld [tilespmem:$0x90];
	v8 =	vadd.s32 s16, v8  }
0x436: {  	v18 =	vld.idx.msk [tilespmem:v18+s17+$0x0], $0xffff;
	v8 =	vadd.s32 v3, v8;
	v16 =	vadd.s32 s12, v16  }
0x437: {  	v9 =	vld.idx.msk [tilespmem:v9+s17+$0x0], $0xffff;
	v16 =	vadd.s32 v0, v16  }
0x438: {  	v17 =	vadd.s32 s1, v17;
	v12 =	vld.idx.msk [tilespmem:v12+s17+$0x0], $0xffff;
	[tilespmem:s11+$0xB0] =	vst v13  }
0x439: {  	v10 =	vadd.s32 s14, v10;
	v13 =	vadd.s32 v7, v17;
	v17 =	vld [tilespmem:$0xC0]  }
0x43a: {  	[tilespmem:s8+$0xFFFFFFD0] =	vst v11;
	v11 =	vld [tilespmem:$0xE0];
	v10 =	vadd.s32 v3, v10  }
0x43b: {  	v19 =	vadd.s32 s3, v19;
	v8 =	vld.idx.msk [tilespmem:v8+s17+$0x0], $0xffff  }
0x43c: {  	v19 =	vadd.s32 v1, v19;
	[tilespmem:s11+$0xFFFFFF30] =	vst v9;
	v16 =	vld.idx.msk [tilespmem:v16+s17+$0x0], $0xffff  }
0x43d: {  	[tilespmem:s25+$0x80] =	vst v12;
	v12 =	vld [tilespmem:$0xC0]  }
0x43e: {  	v9 =	vld.idx.msk [tilespmem:v13+s17+$0x0], $0xffff;
	v13 =	vadd.s32 s24, v17  }
0x43f: {  	v10 =	vld.idx.msk [tilespmem:v10+s17+$0x0], $0xffff;
	v13 =	vadd.s32 v4, v13  }
0x440: {  	[tilespmem:s11+$0xFFFFFFB0] =	vst v8;
	v8 =	vld [tilespmem:$0x90]  }
0x441: {  	v19 =	vld.idx.msk [tilespmem:v19+s17+$0x0], $0xffff  }
0x442: {  	v14 =	vld [tilespmem:$0xE0];
	v11 =	vadd.s32 s6, v11;
	[tilespmem:s25+$0x0] =	vst v16  }
0x443: {  	v11 =	vadd.s32 v6, v11;
	v16 =	vld [tilespmem:$0x90];
	v12 =	vadd.s32 s22, v12  }
0x444: {  	[tilespmem:s11+$0x30] =	vst v10;
	v10 =	vadd.s32 v4, v12;
	v12 =	vld.idx.msk [tilespmem:v13+s17+$0x0], $0xffff  }
0x445: {  	[tilespmem:s25+$0xFFFFFF10] =	vst v18;
	v8 =	vadd.s32 s26, v8;
	v13 =	vld [tilespmem:$0xC0]  }
0x446: {  	v18 =	vld [tilespmem:$0xA0];
	v8 =	vadd.s32 v1, v8  }
0x447: {  	v15 =	vld [tilespmem:$0xE0]  }
0x448: {  	v14 =	vadd.s32 s21, v14;
	v11 =	vld.idx.msk [tilespmem:v11+s17+$0x0], $0xffff  }
0x449: {  	v14 =	vadd.s32 v6, v14;
	v17 =	vld [tilespmem:$0xC0];
	v16 =	vadd.s32 s12, v16  }
0x44a: {  	v16 =	vadd.s32 v1, v16;
	v10 =	vld.idx.msk [tilespmem:v10+s17+$0x0], $0xffff;
	v13 =	vadd.s32 s14, v13  }
0x44b: {  	v8 =	vld.idx.msk [tilespmem:v8+s17+$0x0], $0xffff;
	[tilespmem:s11+$0xC0] =	vst v12;
	v12 =	vadd.s32 v4, v13  }
0x44c: {  	[tilespmem:s25+$0xFFFFFF90] =	vst v19;
	v13 =	vld [tilespmem:$0xD0]  }
0x44d: {  	v19 =	vld [tilespmem:$0xA0];
	v15 =	vadd.s32 s2, v15  }
0x44e: {  	v14 =	vld.idx.msk [tilespmem:v14+s17+$0x0], $0xffff;
	v15 =	vadd.s32 v6, v15;
	v17 =	vadd.s32 s16, v17  }
0x44f: {  	[tilespmem:s8+$0xFFFFFF60] =	vst v11;
	v17 =	vadd.s32 v4, v17;
	v16 =	vld.idx.msk [tilespmem:v16+s17+$0x0], $0xffff  }
0x450: {  	[tilespmem:s25+$0x90] =	vst v8;
	v8 =	vld.idx.msk [tilespmem:v12+s17+$0x0], $0xffff  }
0x451: {  	[tilespmem:s11+$0xFFFFFF40] =	vst v10;
	v12 =	vadd.s32 s24, v13;
	v10 =	vld [tilespmem:$0xA0]  }
0x452: {  	v11 =	vadd.s32 s20, v18;
	v18 =	vld [tilespmem:$0xF0];
	v12 =	vadd.s32 v5, v12  }
0x453: {  	[tilespmem:s8+$0xFFFFFFE0] =	vst v14;
	v11 =	vadd.s32 v2, v11;
	v14 =	vadd.s32 s3, v19;
	v15 =	vld.idx.msk [tilespmem:v15+s17+$0x0], $0xffff  }
0x454: {  	v14 =	vadd.s32 v2, v14;
	v17 =	vld.idx.msk [tilespmem:v17+s17+$0x0], $0xffff  }
0x455: {  	[tilespmem:s25+$0x10] =	vst v16;
	v13 =	vld [tilespmem:$0xD0]  }
0x456: {  	v16 =	vld [tilespmem:$0xA0];
	v10 =	vadd.s32 s26, v10  }
0x457: {  	[tilespmem:s11+$0x40] =	vst v8;
	v12 =	vld.idx.msk [tilespmem:v12+s17+$0x0], $0xffff;
	v8 =	vadd.s32 v2, v10  }
0x458: {  	v11 =	vld.idx.msk [tilespmem:v11+s17+$0x0], $0xffff  }
0x459: {  	v14 =	vld.idx.msk [tilespmem:v14+s17+$0x0], $0xffff;
	[tilespmem:s11+$0xFFFFFFC0] =	vst v17  }
0x45a: {  	v10 =	vld [tilespmem:$0xD0]  }
0x45b: {  	[tilespmem:s8+$0x60] =	vst v15;
	v15 =	vadd.s32 s12, v16;
	v17 =	vld [tilespmem:$0xD0]  }
0x45c: {  	v13 =	vadd.s32 s22, v13;
	v15 =	vadd.s32 v2, v15;
	v8 =	vld.idx.msk [tilespmem:v8+s17+$0x0], $0xffff;
	[tilespmem:s11+$0xD0] =	vst v12  }
0x45d: {  	v13 =	vadd.s32 v5, v13;
	v12 =	vld [tilespmem:$0xE0]  }
0x45e: {  	v19 =	vld [tilespmem:$0xF0];
	[tilespmem:s25+$0xFFFFFF20] =	vst v11  }
0x45f: {  	v22 =	vld [tilespmem:$0xB0];
	v10 =	vadd.s32 s16, v10  }
0x460: {  	v16 =	vld [tilespmem:$0xF0];
	v17 =	vadd.s32 s14, v17;
	v10 =	vadd.s32 v5, v10  }
0x461: {  	v15 =	vld.idx.msk [tilespmem:v15+s17+$0x0], $0xffff;
	v17 =	vadd.s32 v5, v17  }
0x462: {  	v13 =	vld.idx.msk [tilespmem:v13+s17+$0x0], $0xffff;
	[tilespmem:s25+$0xA0] =	vst v8;
	v8 =	vadd.s32 s24, v12  }
0x463: {  	[tilespmem:s25+$0xFFFFFFA0] =	vst v14;
	v21 =	vld [tilespmem:$0xB0];
	v8 =	vadd.s32 v6, v8  }
0x464: {  	v23 =	vld [tilespmem:$0xB0]  }
0x465: {  	v20 =	vld.idx.msk [tilespmem:v10+s17+$0x0], $0xffff  }
0x466: {  	[tilespmem:s25+$0x20] =	vst v15;
	v17 =	vld.idx.msk [tilespmem:v17+s17+$0x0], $0xffff  }
0x467: {  	v14 =	vld [tilespmem:$0xB0];
	v10 =	vadd.s32 s6, v18  }
0x468: {  	[tilespmem:s11+$0xFFFFFF50] =	vst v13;
	v12 =	vadd.s32 s21, v16;
	v13 =	vadd.s32 s26, v21;
	v11 =	vld.idx.msk [tilespmem:v8+s17+$0x0], $0xffff;
	v8 =	vadd.s32 v7, v10  }
0x469: {  	[tilespmem:s8+$0xF0] =	vst v9;
	v9 =	vadd.s32 v7, v12;
	v12 =	vld [tilespmem:$0xE0];
	v16 =	vadd.s32 v3, v13  }
0x46a: {  	v15 =	vadd.s32 s20, v22;
	v18 =	vld [tilespmem:$0x80];
	[tilespmem:s11+$0xFFFFFFD0] =	vst v20;
	v10 =	vadd.s32 s2, v19  }
0x46b: {  	s1 =	simm.s32 $0x10;
	v15 =	vadd.s32 v3, v15;
	[tilespmem:s11+$0x50] =	vst v17;
	v17 =	vadd.s32 s3, v23;
	s2 =	simm.s32 $0xC;
	v13 =	vld [tilespmem:$0xE0];
	v10 =	vadd.s32 v7, v10  }
.LBB2_17:
0x46c: {  	p0 =	slt.u32 s1, $0x18;
	v17 =	vadd.s32 v3, v17;
	v14 =	vadd.s32 s12, v14;
	v19 =	vld [tilespmem:$0xE0]  }
0x46d: {  	v14 =	vadd.s32 v3, v14;
	v8 =	vld.idx.msk [tilespmem:v8+s17+$0x0], $0xffff  }
0x46e: {  	s6 =	sadd.s32 $0x1, s2;
	s23 =	sadd.s32 $0x3, s2;
	v16 =	vld.idx.msk [tilespmem:v16+s17+$0x0], $0xffff;
	v12 =	vadd.s32 s22, v12;
	[tilespmem:s11+$0xE0] =	vst v11  }
0x46f: {  	s21 =	sadd.s32 $0x2, s2;
	v11 =	vadd.s32 s2, v18;
	v20 =	vadd.s32 s6, v18;
	v21 =	vadd.s32 s23, v18;
	v22 =	vld [tilespmem:$0xF0]  }
0x470: {  	v18 =	vadd.s32 s21, v18;
	v11 =	vadd.s32 v0, v11;
	v21 =	vadd.s32 v0, v21;
	v15 =	vld.idx.msk [tilespmem:v15+s17+$0x0], $0xffff  }
0x471: {  	v20 =	vadd.s32 v0, v20;
	v18 =	vadd.s32 v0, v18;
	v13 =	vadd.s32 s16, v13;
	v17 =	vld.idx.msk [tilespmem:v17+s17+$0x0], $0xffff  }
0x472: {  	v12 =	vadd.s32 v6, v12;
	v13 =	vadd.s32 v6, v13;
	v19 =	vadd.s32 s14, v19;
	v14 =	vld.idx.msk [tilespmem:v14+s17+$0x0], $0xffff  }
0x473: {  	v19 =	vadd.s32 v6, v19;
	[tilespmem:s8+$0xFFFFFF70] =	vst v8;
	v8 =	vld.idx.msk [tilespmem:v9+s17+$0x0], $0xffff  }
0x474: {  	v9 =	vadd.s32 s24, v22;
	v10 =	vld.idx.msk [tilespmem:v10+s17+$0x0], $0xffff;
	s24 =	smov.u32 s26;
	s26 =	smov.u32 s23  }
0x475: {  	v21 =	vld.idx.msk [tilespmem:v21+s17+$0x0], $0xffff;
	[tilespmem:s25+$0xB0] =	vst v16;
	v9 =	vadd.s32 v7, v9  }
0x476: {  	[tilespmem:s25+$0xFFFFFF30] =	vst v15;
	v15 =	vld [tilespmem:$0xC0]  }
0x477: {  	v11 =	vld.idx.msk [tilespmem:v11+s17+$0x0], $0xffff;
	[tilespmem:s25+$0xFFFFFFB0] =	vst v17  }
0x478: {  	v16 =	vld.idx.msk [tilespmem:v20+s17+$0x0], $0xffff;
	[tilespmem:s25+$0x30] =	vst v14  }
0x479: {  	v14 =	vld.idx.msk [tilespmem:v18+s17+$0x0], $0xffff;
	[tilespmem:s8+$0xFFFFFFF0] =	vst v8  }
0x47a: {  	v8 =	vld.idx.msk [tilespmem:v9+s17+$0x0], $0xffff;
	[tilespmem:s8+$0x70] =	vst v10;
	s8 =	smov.u32 s11;
	s11 =	smov.u32 s25;
	s25 =	sadd.s32 $0x200, s25  }
0x47b: {  	[tilespmem:s25+$0x80] =	vst v21;
	v9 =	vld [tilespmem:$0xC0];
	v10 =	vadd.s32 s24, v15  }
0x47c: {  	v15 =	vld [tilespmem:$0x90];
	v10 =	vadd.s32 v4, v10  }
0x47d: {  	[tilespmem:s25+$0xFFFFFF00] =	vst v11;
	v11 =	vld [tilespmem:$0xC0]  }
0x47e: {  	v17 =	vld [tilespmem:$0x90];
	[tilespmem:s25+$0xFFFFFF80] =	vst v16  }
0x47f: {  	v16 =	vld [tilespmem:$0x90];
	[tilespmem:s25+$0x0] =	vst v14  }
0x480: {  	v14 =	vld [tilespmem:$0x90];
	v9 =	vadd.s32 s20, v9;
	[tilespmem:s8+$0xF0] =	vst v8  }
0x481: {  	v8 =	vadd.s32 s26, v15;
	v9 =	vadd.s32 v4, v9;
	v10 =	vld.idx.msk [tilespmem:v10+s17+$0x0], $0xffff  }
0x482: {  	v8 =	vadd.s32 v1, v8;
	v11 =	vadd.s32 s3, v11;
	v15 =	vld [tilespmem:$0xC0]  }
0x483: {  	v17 =	vadd.s32 s2, v17;
	v11 =	vadd.s32 v4, v11;
	v12 =	vld.idx.msk [tilespmem:v12+s17+$0x0], $0xffff  }
0x484: {  	v17 =	vadd.s32 v1, v17;
	v16 =	vadd.s32 s6, v16;
	v13 =	vld.idx.msk [tilespmem:v13+s17+$0x0], $0xffff  }
0x485: {  	v16 =	vadd.s32 v1, v16;
	v14 =	vadd.s32 s21, v14;
	v18 =	vld.idx.msk [tilespmem:v19+s17+$0x0], $0xffff  }
0x486: {  	v14 =	vadd.s32 v1, v14;
	v9 =	vld.idx.msk [tilespmem:v9+s17+$0x0], $0xffff  }
0x487: {  	v8 =	vld.idx.msk [tilespmem:v8+s17+$0x0], $0xffff;
	v15 =	vadd.s32 s12, v15;
	[tilespmem:s11+$0xC0] =	vst v10  }
0x488: {  	v10 =	vadd.s32 v4, v15;
	v15 =	vld [tilespmem:$0xD0]  }
0x489: {  	v17 =	vld.idx.msk [tilespmem:v17+s17+$0x0], $0xffff;
	[tilespmem:s8+$0xFFFFFF60] =	vst v12  }
0x48a: {  	v12 =	vld.idx.msk [tilespmem:v16+s17+$0x0], $0xffff;
	[tilespmem:s8+$0xFFFFFFE0] =	vst v13  }
0x48b: {  	v13 =	vld.idx.msk [tilespmem:v14+s17+$0x0], $0xffff;
	[tilespmem:s8+$0x60] =	vst v18  }
0x48c: {  	[tilespmem:s11+$0xFFFFFF40] =	vst v9;
	v9 =	vld.idx.msk [tilespmem:v11+s17+$0x0], $0xffff  }
0x48d: {  	[tilespmem:s25+$0x90] =	vst v8;
	v8 =	vld.idx.msk [tilespmem:v10+s17+$0x0], $0xffff;
	v10 =	vadd.s32 s24, v15  }
0x48e: {  	v11 =	vld [tilespmem:$0xA0];
	v10 =	vadd.s32 v5, v10  }
0x48f: {  	[tilespmem:s25+$0xFFFFFF10] =	vst v17;
	v14 =	vld [tilespmem:$0xD0]  }
0x490: {  	v15 =	vld [tilespmem:$0xA0];
	[tilespmem:s25+$0xFFFFFF90] =	vst v12  }
0x491: {  	v12 =	vld [tilespmem:$0xA0];
	[tilespmem:s25+$0x10] =	vst v13  }
0x492: {  	v13 =	vld [tilespmem:$0xA0];
	[tilespmem:s11+$0xFFFFFFC0] =	vst v9  }
0x493: {  	v9 =	vadd.s32 s26, v11;
	[tilespmem:s11+$0x40] =	vst v8;
	v8 =	vld.idx.msk [tilespmem:v10+s17+$0x0], $0xffff  }
0x494: {  	v9 =	vadd.s32 v2, v9;
	v10 =	vadd.s32 s20, v14;
	v11 =	vld [tilespmem:$0xD0]  }
0x495: {  	v14 =	vadd.s32 s2, v15;
	v10 =	vadd.s32 v5, v10;
	v15 =	vld [tilespmem:$0xD0]  }
0x496: {  	v14 =	vadd.s32 v2, v14;
	v12 =	vadd.s32 s6, v12;
	v16 =	vld [tilespmem:$0xF0]  }
0x497: {  	v12 =	vadd.s32 v2, v12;
	v13 =	vadd.s32 s21, v13;
	v17 =	vld [tilespmem:$0xF0]  }
0x498: {  	v13 =	vadd.s32 v2, v13;
	v18 =	vld [tilespmem:$0xF0]  }
0x499: {  	v19 =	vld.idx.msk [tilespmem:v9+s17+$0x0], $0xffff;
	v9 =	vadd.s32 s3, v11;
	[tilespmem:s11+$0xD0] =	vst v8  }
0x49a: {  	v11 =	vadd.s32 v5, v9;
	v8 =	vadd.s32 s12, v15;
	v15 =	vld [tilespmem:$0xE0]  }
0x49b: {  	v14 =	vld.idx.msk [tilespmem:v14+s17+$0x0], $0xffff;
	v20 =	vadd.s32 v5, v8;
	v8 =	vadd.s32 s22, v16;
	s22 =	smov.u32 s20;
	s20 =	smov.u32 s2;
	s2 =	smov.u32 s1  }
0x49c: {  	v12 =	vld.idx.msk [tilespmem:v12+s17+$0x0], $0xffff;
	v8 =	vadd.s32 v7, v8;
	v9 =	vadd.s32 s16, v17;
	s16 =	smov.u32 s3;
	s3 =	smov.u32 s6  }
0x49d: {  	v13 =	vld.idx.msk [tilespmem:v13+s17+$0x0], $0xffff;
	v9 =	vadd.s32 v7, v9;
	v16 =	vadd.s32 s14, v18;
	s14 =	smov.u32 s12;
	s12 =	smov.u32 s21  }
0x49e: {  	v17 =	vld.idx.msk [tilespmem:v10+s17+$0x0], $0xffff;
	v10 =	vadd.s32 v7, v16  }
0x49f: {  	[tilespmem:s25+$0xA0] =	vst v19;
	v11 =	vld.idx.msk [tilespmem:v11+s17+$0x0], $0xffff;
	v15 =	vadd.s32 s24, v15  }
0x4a0: {  	v16 =	vld [tilespmem:$0xB0];
	v15 =	vadd.s32 v6, v15  }
0x4a1: {  	[tilespmem:s25+$0xFFFFFF20] =	vst v14;
	v19 =	vld.idx.msk [tilespmem:v20+s17+$0x0], $0xffff  }
0x4a2: {  	v20 =	vld [tilespmem:$0xB0];
	[tilespmem:s25+$0xFFFFFFA0] =	vst v12  }
0x4a3: {  	v21 =	vld [tilespmem:$0xB0];
	[tilespmem:s25+$0x20] =	vst v13  }
.Ltmp12:
0x4a4: {  	v14 =	vld [tilespmem:$0xB0];
	[tilespmem:s11+$0xFFFFFF50] =	vst v17;
	(pc) =	sbr.rel @p0 .LBB2_17-.Ltmp12, $4  }
0x4a5: {  	v12 =	vadd.s32 s26, v16;
	[tilespmem:s11+$0xFFFFFFD0] =	vst v11;
	v11 =	vld.idx.msk [tilespmem:v15+s17+$0x0], $0xffff  }
0x4a6: {  	v16 =	vadd.s32 v3, v12;
	v12 =	vld [tilespmem:$0xE0]  }
0x4a7: {  	v18 =	vld [tilespmem:$0x80];
	v13 =	vadd.s32 s20, v20;
	[tilespmem:s11+$0x50] =	vst v19  }
0x4a8: {  	s1 =	sadd.s32 $0x4, s1;
	v15 =	vadd.s32 v3, v13;
	v17 =	vadd.s32 s3, v21;
	v13 =	vld [tilespmem:$0xE0]  }
0x4a9: {  	_ =	sdelay $0x1  }
0x4aa: {  	s1 =	sadd.s32 $0x3, s2  }
0x4ab: {  	v19 =	vadd.s32 s1, v18  }
0x4ac: {  	s21 =	sadd.s32 $0x1, s2;
	v20 =	vadd.s32 s2, v18;
	v19 =	vadd.s32 v0, v19  }
0x4ad: {  	s23 =	sadd.s32 $0x2, s2;
	v21 =	vadd.s32 s21, v18;
	v20 =	vadd.s32 v0, v20  }
0x4ae: {  	v30 =	vadd.s32 s23, v18;
	v21 =	vadd.s32 v0, v21  }
0x4af: {  	v18 =	vadd.s32 v0, v30;
	_ =	sdelay $0x1  }
0x4b0: {  	v19 =	vld.idx.msk [tilespmem:v19+s17+$0x0], $0xffff  }
0x4b1: {  	v20 =	vld.idx.msk [tilespmem:v20+s17+$0x0], $0xffff  }
0x4b2: {  	v21 =	vld.idx.msk [tilespmem:v21+s17+$0x0], $0xffff  }
0x4b3: {  	v18 =	vld.idx.msk [tilespmem:v18+s17+$0x0], $0xffff  }
0x4b4: {  	s6 =	sadd.s32 $0x200, s25  }
0x4b5: {  	[tilespmem:s6+$0x80] =	vst v19  }
0x4b6: {  	[tilespmem:s6+$0xFFFFFF00] =	vst v20;
	v19 =	vld [tilespmem:$0x90]  }
0x4b7: {  	[tilespmem:s6+$0xFFFFFF80] =	vst v21;
	v20 =	vld [tilespmem:$0x90]  }
0x4b8: {  	[tilespmem:s6+$0x0] =	vst v18;
	v21 =	vld [tilespmem:$0x90]  }
0x4b9: {  	v18 =	vld [tilespmem:$0x90];
	_ =	sdelay $0x1  }
0x4ba: {  	v19 =	vadd.s32 s1, v19  }
0x4bb: {  	v20 =	vadd.s32 s2, v20;
	v19 =	vadd.s32 v1, v19  }
0x4bc: {  	v21 =	vadd.s32 s21, v21;
	v20 =	vadd.s32 v1, v20  }
0x4bd: {  	v18 =	vadd.s32 s23, v18;
	v21 =	vadd.s32 v1, v21  }
0x4be: {  	v18 =	vadd.s32 v1, v18;
	_ =	sdelay $0x1  }
0x4bf: {  	v19 =	vld.idx.msk [tilespmem:v19+s17+$0x0], $0xffff  }
0x4c0: {  	v20 =	vld.idx.msk [tilespmem:v20+s17+$0x0], $0xffff  }
0x4c1: {  	v21 =	vld.idx.msk [tilespmem:v21+s17+$0x0], $0xffff  }
0x4c2: {  	v18 =	vld.idx.msk [tilespmem:v18+s17+$0x0], $0xffff  }
0x4c3: {  	v16 =	vld.idx.msk [tilespmem:v16+s17+$0x0], $0xffff  }
0x4c4: {  	v17 =	vadd.s32 v3, v17;
	v15 =	vld.idx.msk [tilespmem:v15+s17+$0x0], $0xffff;
	[tilespmem:s6+$0x90] =	vst v19  }
0x4c5: {  	[tilespmem:s6+$0xFFFFFF10] =	vst v20;
	v19 =	vld [tilespmem:$0xA0]  }
0x4c6: {  	[tilespmem:s6+$0xFFFFFF90] =	vst v21;
	v20 =	vld [tilespmem:$0xA0]  }
0x4c7: {  	[tilespmem:s6+$0x10] =	vst v18;
	v21 =	vld [tilespmem:$0xA0]  }
0x4c8: {  	v18 =	vld [tilespmem:$0xA0]  }
0x4c9: {  	v17 =	vld.idx.msk [tilespmem:v17+s17+$0x0], $0xffff;
	[tilespmem:s25+$0xB0] =	vst v16  }
0x4ca: {  	v32 =	vld [tilespmem:$0xC0];
	v19 =	vadd.s32 s1, v19  }
0x4cb: {  	v20 =	vadd.s32 s2, v20;
	v19 =	vadd.s32 v2, v19  }
0x4cc: {  	v21 =	vadd.s32 s21, v21;
	v20 =	vadd.s32 v2, v20  }
0x4cd: {  	[tilespmem:s25+$0xFFFFFF30] =	vst v15;
	v18 =	vadd.s32 s23, v18;
	v21 =	vadd.s32 v2, v21  }
0x4ce: {  	v14 =	vadd.s32 s12, v14;
	v15 =	vld [tilespmem:$0xC0];
	[tilespmem:s25+$0xFFFFFFB0] =	vst v17;
	v31 =	vadd.s32 v2, v18  }
0x4cf: {  	v14 =	vadd.s32 v3, v14;
	v36 =	vld [tilespmem:$0xC0];
	v18 =	vadd.s32 s26, v32  }
0x4d0: {  	v33 =	vadd.s32 v4, v18;
	v19 =	vld.idx.msk [tilespmem:v19+s17+$0x0], $0xffff  }
0x4d1: {  	v20 =	vld.idx.msk [tilespmem:v20+s17+$0x0], $0xffff  }
0x4d2: {  	v21 =	vld.idx.msk [tilespmem:v21+s17+$0x0], $0xffff  }
0x4d3: {  	v16 =	vld.idx.msk [tilespmem:v31+s17+$0x0], $0xffff  }
0x4d4: {  	v14 =	vld.idx.msk [tilespmem:v14+s17+$0x0], $0xffff;
	v35 =	vadd.s32 s20, v15;
	v15 =	vadd.s32 s3, v36  }
0x4d5: {  	v15 =	vadd.s32 v4, v15;
	v40 =	vld.idx.msk [tilespmem:v33+s17+$0x0], $0xffff;
	[tilespmem:s6+$0xA0] =	vst v19  }
0x4d6: {  	[tilespmem:s6+$0xFFFFFF20] =	vst v20;
	v19 =	vld [tilespmem:$0xB0]  }
0x4d7: {  	[tilespmem:s6+$0xFFFFFFA0] =	vst v21;
	v20 =	vld [tilespmem:$0xB0]  }
0x4d8: {  	[tilespmem:s6+$0x20] =	vst v16;
	v21 =	vld [tilespmem:$0xB0]  }
0x4d9: {  	v34 =	vld [tilespmem:$0xB0]  }
0x4da: {  	v37 =	vadd.s32 v4, v35;
	v15 =	vld.idx.msk [tilespmem:v15+s17+$0x0], $0xffff;
	[tilespmem:s25+$0xC0] =	vst v40  }
0x4db: {  	v45 =	vld [tilespmem:$0xD0];
	v19 =	vadd.s32 s1, v19  }
0x4dc: {  	[tilespmem:s11+$0xE0] =	vst v11;
	v11 =	vld.idx.msk [tilespmem:v9+s17+$0x0], $0xffff;
	v20 =	vadd.s32 s2, v20;
	v19 =	vadd.s32 v3, v19  }
0x4dd: {  	v9 =	vld.idx.msk [tilespmem:v10+s17+$0x0], $0xffff;
	[tilespmem:s25+$0x30] =	vst v14;
	v39 =	vadd.s32 s21, v21;
	v38 =	vadd.s32 v3, v20  }
0x4de: {  	v42 =	vld [tilespmem:$0xC0];
	v18 =	vadd.s32 s23, v34;
	v41 =	vadd.s32 v3, v39  }
0x4df: {  	v17 =	vld.idx.msk [tilespmem:v37+s17+$0x0], $0xffff;
	[tilespmem:s25+$0xFFFFFFC0] =	vst v15;
	v18 =	vadd.s32 v3, v18  }
0x4e0: {  	v56 =	vld [tilespmem:$0xD0];
	v20 =	vadd.s32 s26, v45  }
0x4e1: {  	v20 =	vadd.s32 v5, v20;
	v19 =	vld.idx.msk [tilespmem:v19+s17+$0x0], $0xffff  }
0x4e2: {  	v10 =	vld.idx.msk [tilespmem:v38+s17+$0x0], $0xffff  }
0x4e3: {  	v16 =	vld.idx.msk [tilespmem:v41+s17+$0x0], $0xffff  }
0x4e4: {  	v43 =	vld.idx.msk [tilespmem:v18+s17+$0x0], $0xffff  }
0x4e5: {  	v23 =	vld [tilespmem:$0xF0];
	[tilespmem:s25+$0xFFFFFF40] =	vst v17  }
0x4e6: {  	v20 =	vld.idx.msk [tilespmem:v20+s17+$0x0], $0xffff;
	[tilespmem:s6+$0xB0] =	vst v19  }
0x4e7: {  	[tilespmem:s6+$0xFFFFFF30] =	vst v10;
	v47 =	vld [tilespmem:$0xC0]  }
0x4e8: {  	v17 =	vadd.s32 s3, v56;
	[tilespmem:s6+$0xFFFFFFB0] =	vst v16;
	v48 =	vld [tilespmem:$0xC0]  }
0x4e9: {  	v44 =	vadd.s32 s12, v42;
	v17 =	vadd.s32 v5, v17;
	[tilespmem:s6+$0x30] =	vst v43;
	v49 =	vld [tilespmem:$0xC0]  }
0x4ea: {  	v18 =	vadd.s32 v4, v44;
	v50 =	vld [tilespmem:$0xC0]  }
0x4eb: {  	v46 =	vadd.s32 s24, v23;
	v52 =	vld [tilespmem:$0xD0]  }
0x4ec: {  	v22 =	vld [tilespmem:$0xE0];
	v19 =	vadd.s32 v7, v46;
	v53 =	vadd.s32 s1, v47  }
0x4ed: {  	v8 =	vld.idx.msk [tilespmem:v8+s17+$0x0], $0xffff;
	v16 =	vadd.s32 s2, v48;
	v54 =	vadd.s32 v4, v53  }
0x4ee: {  	v17 =	vld.idx.msk [tilespmem:v17+s17+$0x0], $0xffff;
	v14 =	vadd.s32 s21, v49;
	v16 =	vadd.s32 v4, v16  }
0x4ef: {  	v51 =	vld.idx.msk [tilespmem:v18+s17+$0x0], $0xffff;
	[tilespmem:s25+$0xD0] =	vst v20;
	v55 =	vadd.s32 s23, v50;
	v14 =	vadd.s32 v4, v14  }
0x4f0: {  	v18 =	vadd.s32 s20, v52;
	v20 =	vld [tilespmem:$0xE0];
	v15 =	vadd.s32 v4, v55  }
0x4f1: {  	v18 =	vadd.s32 v5, v18;
	v10 =	vld.idx.msk [tilespmem:v19+s17+$0x0], $0xffff  }
0x4f2: {  	v19 =	vld.idx.msk [tilespmem:v54+s17+$0x0], $0xffff  }
0x4f3: {  	v16 =	vld.idx.msk [tilespmem:v16+s17+$0x0], $0xffff  }
0x4f4: {  	v14 =	vld.idx.msk [tilespmem:v14+s17+$0x0], $0xffff  }
0x4f5: {  	v15 =	vld.idx.msk [tilespmem:v15+s17+$0x0], $0xffff  }
0x4f6: {  	[tilespmem:s25+$0x40] =	vst v51;
	v18 =	vld.idx.msk [tilespmem:v18+s17+$0x0], $0xffff  }
0x4f7: {  	v12 =	vadd.s32 s22, v12;
	v57 =	vld [tilespmem:$0xD0];
	[tilespmem:s6+$0xC0] =	vst v19  }
0x4f8: {  	v12 =	vadd.s32 v6, v12;
	v13 =	vadd.s32 s16, v13;
	[tilespmem:s6+$0xFFFFFF40] =	vst v16;
	v59 =	vld [tilespmem:$0xD0]  }
0x4f9: {  	v13 =	vadd.s32 v6, v13;
	[tilespmem:s6+$0xFFFFFFC0] =	vst v14;
	v61 =	vld [tilespmem:$0xD0]  }
0x4fa: {  	v20 =	vadd.s32 s26, v20;
	[tilespmem:s6+$0x40] =	vst v15;
	v63 =	vld [tilespmem:$0xD0]  }
0x4fb: {  	v58 =	vadd.s32 s14, v22;
	v20 =	vadd.s32 v6, v20;
	[tilespmem:s25+$0xFFFFFF50] =	vst v18;
	v24 =	vld [tilespmem:$0xD0]  }
0x4fc: {  	v60 =	vadd.s32 v6, v58;
	v62 =	vadd.s32 s12, v57;
	v28 =	vld [tilespmem:$0xE0]  }
0x4fd: {  	v12 =	vld.idx.msk [tilespmem:v12+s17+$0x0], $0xffff;
	v14 =	vadd.s32 v5, v62;
	v22 =	vadd.s32 s1, v59  }
0x4fe: {  	v13 =	vld.idx.msk [tilespmem:v13+s17+$0x0], $0xffff;
	[tilespmem:s25+$0xFFFFFFD0] =	vst v17;
	v19 =	vadd.s32 s2, v61;
	v25 =	vadd.s32 v5, v22  }
0x4ff: {  	v29 =	vld [tilespmem:$0xE0];
	v15 =	vadd.s32 s21, v63;
	v19 =	vadd.s32 v5, v19  }
0x500: {  	v20 =	vld.idx.msk [tilespmem:v20+s17+$0x0], $0xffff;
	v27 =	vadd.s32 s23, v24;
	v15 =	vadd.s32 v5, v15  }
0x501: {  	v16 =	vld.idx.msk [tilespmem:v60+s17+$0x0], $0xffff;
	v17 =	vadd.s32 s20, v28;
	v18 =	vadd.s32 v5, v27  }
0x502: {  	v17 =	vadd.s32 v6, v17;
	v14 =	vld.idx.msk [tilespmem:v14+s17+$0x0], $0xffff  }
0x503: {  	[tilespmem:s11+$0xFFFFFF60] =	vst v12;
	v12 =	vld.idx.msk [tilespmem:v25+s17+$0x0], $0xffff  }
0x504: {  	v19 =	vld.idx.msk [tilespmem:v19+s17+$0x0], $0xffff  }
0x505: {  	v15 =	vld.idx.msk [tilespmem:v15+s17+$0x0], $0xffff  }
0x506: {  	v30 =	vld.idx.msk [tilespmem:v18+s17+$0x0], $0xffff  }
0x507: {  	v17 =	vld.idx.msk [tilespmem:v17+s17+$0x0], $0xffff;
	[tilespmem:s25+$0x50] =	vst v14  }
0x508: {  	v31 =	vld [tilespmem:$0xE0];
	[tilespmem:s6+$0xD0] =	vst v12  }
0x509: {  	[tilespmem:s6+$0xFFFFFF50] =	vst v19;
	v12 =	vld [tilespmem:$0xE0]  }
0x50a: {  	[tilespmem:s6+$0xFFFFFFD0] =	vst v15;
	v32 =	vld [tilespmem:$0xE0]  }
0x50b: {  	[tilespmem:s6+$0x50] =	vst v30;
	v34 =	vld [tilespmem:$0xE0]  }
0x50c: {  	v33 =	vadd.s32 s3, v29;
	v35 =	vld [tilespmem:$0xE0]  }
0x50d: {  	v26 =	vld [tilespmem:$0xF0];
	[tilespmem:s11+$0xFFFFFFE0] =	vst v13;
	v18 =	vadd.s32 s12, v31;
	v19 =	vadd.s32 v6, v33  }
0x50e: {  	v37 =	vld [tilespmem:$0xF0];
	[tilespmem:s25+$0xE0] =	vst v20;
	v36 =	vadd.s32 v6, v18;
	v12 =	vadd.s32 s1, v12  }
0x50f: {  	v20 =	vld [tilespmem:$0xF0];
	[tilespmem:s11+$0x60] =	vst v16;
	v15 =	vadd.s32 s2, v32;
	v12 =	vadd.s32 v6, v12  }
0x510: {  	v38 =	vld [tilespmem:$0xF0];
	[tilespmem:s25+$0xFFFFFF60] =	vst v17;
	v14 =	vadd.s32 s21, v34;
	v15 =	vadd.s32 v6, v15  }
0x511: {  	v40 =	vld [tilespmem:$0xF0];
	v21 =	vadd.s32 s23, v35;
	v14 =	vadd.s32 v6, v14  }
0x512: {  	v19 =	vld.idx.msk [tilespmem:v19+s17+$0x0], $0xffff;
	v39 =	vadd.s32 v6, v21  }
0x513: {  	v13 =	vld.idx.msk [tilespmem:v36+s17+$0x0], $0xffff  }
0x514: {  	v12 =	vld.idx.msk [tilespmem:v12+s17+$0x0], $0xffff  }
0x515: {  	v15 =	vld.idx.msk [tilespmem:v15+s17+$0x0], $0xffff  }
0x516: {  	v14 =	vld.idx.msk [tilespmem:v14+s17+$0x0], $0xffff  }
0x517: {  	[tilespmem:s25+$0xFFFFFFE0] =	vst v19;
	v17 =	vld.idx.msk [tilespmem:v39+s17+$0x0], $0xffff  }
0x518: {  	v16 =	vadd.s32 s16, v37;
	[tilespmem:s25+$0x60] =	vst v13;
	v42 =	vld [tilespmem:$0xF0]  }
0x519: {  	v44 =	vadd.s32 v7, v16;
	v48 =	vadd.s32 s26, v20;
	v43 =	vld [tilespmem:$0xF0];
	[tilespmem:s6+$0xE0] =	vst v12  }
0x51a: {  	v16 =	vadd.s32 v7, v48;
	v45 =	vadd.s32 s14, v38;
	[tilespmem:s6+$0xFFFFFF60] =	vst v15;
	v46 =	vld [tilespmem:$0xF0]  }
0x51b: {  	v47 =	vadd.s32 v7, v45;
	v50 =	vadd.s32 s20, v40;
	[tilespmem:s6+$0xFFFFFFE0] =	vst v14;
	v49 =	vld [tilespmem:$0xF0]  }
0x51c: {  	v41 =	vadd.s32 s22, v26;
	v20 =	vadd.s32 v7, v50;
	[tilespmem:s6+$0x60] =	vst v17;
	v51 =	vld [tilespmem:$0xF0]  }
0x51d: {  	v19 =	vadd.s32 v7, v41;
	v13 =	vadd.s32 s3, v42;
	v52 =	vld [tilespmem:$0xF0]  }
0x51e: {  	[tilespmem:s8+$0xFFFFFF70] =	vst v8;
	v8 =	vld.idx.msk [tilespmem:v44+s17+$0x0], $0xffff;
	v22 =	vadd.s32 s12, v43;
	v13 =	vadd.s32 v7, v13  }
0x51f: {  	v56 =	vld.idx.msk [tilespmem:v16+s17+$0x0], $0xffff;
	v53 =	vadd.s32 v7, v22;
	v18 =	vadd.s32 s1, v46  }
0x520: {  	[tilespmem:s8+$0xFFFFFFF0] =	vst v11;
	v54 =	vld.idx.msk [tilespmem:v47+s17+$0x0], $0xffff;
	v14 =	vadd.s32 s2, v49;
	v55 =	vadd.s32 v7, v18  }
0x521: {  	[tilespmem:s8+$0x70] =	vst v9;
	v58 =	vld.idx.msk [tilespmem:v20+s17+$0x0], $0xffff;
	v57 =	vadd.s32 s21, v51;
	v14 =	vadd.s32 v7, v14  }
0x522: {  	[tilespmem:s11+$0xF0] =	vst v10;
	v19 =	vld.idx.msk [tilespmem:v19+s17+$0x0], $0xffff;
	v59 =	vadd.s32 s23, v52;
	v16 =	vadd.s32 v7, v57  }
0x523: {  	[tilespmem:s11+$0xFFFFFFF0] =	vst v8;
	v13 =	vld.idx.msk [tilespmem:v13+s17+$0x0], $0xffff;
	v17 =	vadd.s32 v7, v59  }
0x524: {  	[tilespmem:s25+$0xF0] =	vst v56;
	v8 =	vld.idx.msk [tilespmem:v53+s17+$0x0], $0xffff  }
0x525: {  	[tilespmem:s11+$0x70] =	vst v54;
	v60 =	vld.idx.msk [tilespmem:v55+s17+$0x0], $0xffff  }
0x526: {  	[tilespmem:s25+$0xFFFFFF70] =	vst v58;
	v61 =	vld.idx.msk [tilespmem:v14+s17+$0x0], $0xffff  }
0x527: {  	[tilespmem:s11+$0xFFFFFF70] =	vst v19;
	v62 =	vld.idx.msk [tilespmem:v16+s17+$0x0], $0xffff  }
0x528: {  	[tilespmem:s25+$0xFFFFFFF0] =	vst v13;
	v63 =	vld.idx.msk [tilespmem:v17+s17+$0x0], $0xffff  }
0x529: {  	[tilespmem:s25+$0x70] =	vst v8  }
0x52a: {  	[tilespmem:s6+$0xF0] =	vst v60  }
0x52b: {  	[tilespmem:s6+$0xFFFFFF70] =	vst v61  }
0x52c: {  	[tilespmem:s6+$0xFFFFFFF0] =	vst v62  }
0x52d: {  	s1 =	simm.s32 $0x1C;
	s2 =	simm.s32 $0x8FF0;
	[tilespmem:s6+$0x70] =	vst v63  }
.LBB2_19:
0x52e: {  	v8 =	vld [tilespmem:$0x80];
	_ =	sdelay $0x4  }
0x52f: {  	v8 =	vadd.s32 s1, v8  }
0x530: {  	v8 =	vadd.s32 v0, v8;
	_ =	sdelay $0x4  }
0x531: {  	v8 =	vld.idx.msk [tilespmem:v8+s17+$0x0], $0xffff;
	_ =	sdelay $0x4  }
0x532: {  	[tilespmem:s2+$0xFFFFFF90] =	vst v8  }
0x533: {  	v8 =	vld [tilespmem:$0x90];
	_ =	sdelay $0x4  }
0x534: {  	v8 =	vadd.s32 s1, v8  }
0x535: {  	v8 =	vadd.s32 v1, v8;
	_ =	sdelay $0x4  }
0x536: {  	v8 =	vld.idx.msk [tilespmem:v8+s17+$0x0], $0xffff;
	_ =	sdelay $0x4  }
0x537: {  	[tilespmem:s2+$0xFFFFFFA0] =	vst v8  }
0x538: {  	v8 =	vld [tilespmem:$0xA0];
	_ =	sdelay $0x4  }
0x539: {  	v8 =	vadd.s32 s1, v8  }
0x53a: {  	v8 =	vadd.s32 v2, v8;
	_ =	sdelay $0x4  }
0x53b: {  	v8 =	vld.idx.msk [tilespmem:v8+s17+$0x0], $0xffff;
	_ =	sdelay $0x4  }
0x53c: {  	[tilespmem:s2+$0xFFFFFFB0] =	vst v8  }
0x53d: {  	v8 =	vld [tilespmem:$0xB0];
	_ =	sdelay $0x4  }
0x53e: {  	v8 =	vadd.s32 s1, v8  }
0x53f: {  	v8 =	vadd.s32 v3, v8;
	_ =	sdelay $0x4  }
0x540: {  	v8 =	vld.idx.msk [tilespmem:v8+s17+$0x0], $0xffff;
	_ =	sdelay $0x4  }
0x541: {  	[tilespmem:s2+$0xFFFFFFC0] =	vst v8  }
0x542: {  	v8 =	vld [tilespmem:$0xC0];
	_ =	sdelay $0x4  }
0x543: {  	v8 =	vadd.s32 s1, v8  }
0x544: {  	v8 =	vadd.s32 v4, v8;
	_ =	sdelay $0x4  }
0x545: {  	v8 =	vld.idx.msk [tilespmem:v8+s17+$0x0], $0xffff;
	_ =	sdelay $0x4  }
0x546: {  	[tilespmem:s2+$0xFFFFFFD0] =	vst v8  }
0x547: {  	v8 =	vld [tilespmem:$0xD0];
	_ =	sdelay $0x4  }
0x548: {  	v8 =	vadd.s32 s1, v8  }
0x549: {  	v8 =	vadd.s32 v5, v8;
	_ =	sdelay $0x4  }
0x54a: {  	v8 =	vld.idx.msk [tilespmem:v8+s17+$0x0], $0xffff;
	_ =	sdelay $0x4  }
0x54b: {  	[tilespmem:s2+$0xFFFFFFE0] =	vst v8  }
0x54c: {  	v8 =	vld [tilespmem:$0xE0];
	_ =	sdelay $0x4  }
0x54d: {  	v8 =	vadd.s32 s1, v8  }
0x54e: {  	v8 =	vadd.s32 v6, v8;
	_ =	sdelay $0x4  }
0x54f: {  	v8 =	vld.idx.msk [tilespmem:v8+s17+$0x0], $0xffff;
	_ =	sdelay $0x4  }
0x550: {  	[tilespmem:s2+$0xFFFFFFF0] =	vst v8  }
0x551: {  	v8 =	vld [tilespmem:$0xF0];
	_ =	sdelay $0x4  }
0x552: {  	v8 =	vadd.s32 s1, v8  }
0x553: {  	v8 =	vadd.s32 v7, v8;
	_ =	sdelay $0x4  }
0x554: {  	p0 =	sne.s32 s1, $0x1E;
	v8 =	vld.idx.msk [tilespmem:v8+s17+$0x0], $0xffff  }
.Ltmp13:
0x555: {  	_ = 	snop;
	(pc) =	sbr.rel @p0 .LBB2_19-.Ltmp13, $2  }
0x556: {  	_ =	sdelay $0x2  }
0x557: {  	s1 =	sadd.s32 $0x1, s1;
	[tilespmem:s2+$0x0] =	vst v8;
	s2 =	sadd.s32 $0x80, s2  }
0x558: {  	s1 =	sadd.s32 s9, s28;
	s7 =	sadd.s32 $0x1, s7  }
0x559: {  	s1 =	smul.u32 $0x26C00, s1;
	p0 =	sne.s32 s7, $0xA  }
.Ltmp14:
0x55a: {  	_ = 	snop;
	(pc) =	sbr.rel @p0 .LBB2_4-.Ltmp14, $4  }
0x55b: {  	s1 =	sadd.s32 s31, s1  }
0x55c: {  	s2 =	rddreg [dreg:$0x1];
	s1 =	sshrl.u32 s1, $0x3  }
0x55d: {  	s30 =	simm.s32 $0x8180;
	s1 =	sadd.s32 s2, s1  }
0x55e: {  	[hbm4b:s1+s10] =	stream.strided.scatter [tilespmem:s30], [sflag:$0x6], $0xF80, s19, s10, $0x38;
	[tilespmem:$0x9100] =	vst v63  }
0x55f: {  	_ =	swait.ge [sflag:s18], $0x2000  }
0x560: {  	[sflag:s18] =	ssyncset.done $0x0  }
0x561: {  	s23 =	simm.s32 $0x4;
	[sflag:s18] =	ssyncadd.s32 $0xFFFFE000  }
0x562: {  	_ =	swait.ge [sflag:s23], $0xF80  }
0x563: {  	[sflag:s23] =	ssyncset.done $0x0  }
0x564: {  	[sflag:s23] =	ssyncadd.s32 $0xFFFFF080  }
0x565: {  	v8 =	vld [tilespmem:$0x80];
	_ =	sdelay $0x3  }
0x566: {  	s1 =	simm.s32 $0x3  }
0x567: {  	v9 =	vadd.s32 s1, v8  }
0x568: {  	v9 =	vadd.s32 v0, v9  }
0x569: {  	s20 =	simm.s32 $0x0  }
0x56a: {  	v10 =	vadd.s32 s20, v8  }
0x56b: {  	s21 =	simm.s32 $0x1;
	v10 =	vadd.s32 v0, v10  }
0x56c: {  	v11 =	vadd.s32 s21, v8  }
0x56d: {  	s16 =	simm.s32 $0x2;
	v11 =	vadd.s32 v0, v11;
	v9 =	vld.idx.msk [tilespmem:v9+s13+$0x0], $0xffff  }
0x56e: {  	v8 =	vadd.s32 s16, v8  }
0x56f: {  	v8 =	vadd.s32 v0, v8  }
0x570: {  	v10 =	vld.idx.msk [tilespmem:v10+s13+$0x0], $0xffff  }
0x571: {  	s0 =	simm.s32 $0x6380  }
0x572: {  	v11 =	vld.idx.msk [tilespmem:v11+s13+$0x0], $0xffff;
	[tilespmem:s0+$0x80] =	vst v9  }
0x573: {  	v9 =	vld [tilespmem:$0x90]  }
0x574: {  	v8 =	vld.idx.msk [tilespmem:v8+s13+$0x0], $0xffff  }
0x575: {  	[tilespmem:s0+$0xFFFFFF00] =	vst v10  }
0x576: {  	v10 =	vld [tilespmem:$0x90]  }
0x577: {  	[tilespmem:s0+$0xFFFFFF80] =	vst v11  }
0x578: {  	v11 =	vld [tilespmem:$0x90];
	v9 =	vadd.s32 s1, v9  }
0x579: {  	[tilespmem:s0+$0x0] =	vst v8;
	v8 =	vadd.s32 v1, v9;
	_ =	sdelay $0x1  }
0x57a: {  	v10 =	vadd.s32 s20, v10;
	v9 =	vld [tilespmem:$0x90]  }
0x57b: {  	v10 =	vadd.s32 v1, v10  }
0x57c: {  	v11 =	vadd.s32 s21, v11  }
0x57d: {  	v11 =	vadd.s32 v1, v11;
	v8 =	vld.idx.msk [tilespmem:v8+s13+$0x0], $0xffff;
	_ =	sdelay $0x1  }
0x57e: {  	v9 =	vadd.s32 s16, v9  }
0x57f: {  	v10 =	vld.idx.msk [tilespmem:v10+s13+$0x0], $0xffff;
	v9 =	vadd.s32 v1, v9;
	_ =	sdelay $0x1  }
0x580: {  	v11 =	vld.idx.msk [tilespmem:v11+s13+$0x0], $0xffff;
	[tilespmem:s0+$0x90] =	vst v8  }
0x581: {  	v8 =	vld [tilespmem:$0xA0];
	_ =	sdelay $0x1  }
0x582: {  	[tilespmem:s0+$0xFFFFFF10] =	vst v10;
	v9 =	vld.idx.msk [tilespmem:v9+s13+$0x0], $0xffff  }
0x583: {  	v10 =	vld [tilespmem:$0xA0]  }
0x584: {  	[tilespmem:s0+$0xFFFFFF90] =	vst v11  }
0x585: {  	v11 =	vld [tilespmem:$0xA0];
	v8 =	vadd.s32 s1, v8  }
0x586: {  	v8 =	vadd.s32 v2, v8  }
0x587: {  	[tilespmem:s0+$0x10] =	vst v9  }
0x588: {  	v10 =	vadd.s32 s20, v10;
	v9 =	vld [tilespmem:$0xA0]  }
0x589: {  	v10 =	vadd.s32 v2, v10  }
0x58a: {  	v11 =	vadd.s32 s21, v11  }
0x58b: {  	v11 =	vadd.s32 v2, v11;
	v8 =	vld.idx.msk [tilespmem:v8+s13+$0x0], $0xffff;
	_ =	sdelay $0x1  }
0x58c: {  	v9 =	vadd.s32 s16, v9  }
0x58d: {  	v10 =	vld.idx.msk [tilespmem:v10+s13+$0x0], $0xffff;
	v9 =	vadd.s32 v2, v9;
	_ =	sdelay $0x1  }
0x58e: {  	v11 =	vld.idx.msk [tilespmem:v11+s13+$0x0], $0xffff;
	[tilespmem:s0+$0xA0] =	vst v8  }
0x58f: {  	v8 =	vld [tilespmem:$0xB0]  }
0x590: {  	v12 =	vld [tilespmem:$0x80]  }
0x591: {  	[tilespmem:s0+$0xFFFFFF20] =	vst v10;
	v9 =	vld.idx.msk [tilespmem:v9+s13+$0x0], $0xffff  }
0x592: {  	v10 =	vld [tilespmem:$0xB0]  }
0x593: {  	[tilespmem:s0+$0xFFFFFFA0] =	vst v11  }
0x594: {  	s6 =	simm.s32 $0x4;
	v11 =	vld [tilespmem:$0xB0];
	v8 =	vadd.s32 s1, v8  }
0x595: {  	s14 =	simm.s32 $0x7;
	v14 =	vadd.s32 s6, v12;
	v8 =	vadd.s32 v3, v8  }
0x596: {  	v13 =	vadd.s32 s14, v12;
	v14 =	vadd.s32 v0, v14  }
0x597: {  	s4 =	simm.s32 $0x5;
	v13 =	vadd.s32 v0, v13;
	[tilespmem:s0+$0x20] =	vst v9;
	v10 =	vadd.s32 s20, v10  }
0x598: {  	v15 =	vadd.s32 s4, v12;
	v9 =	vld [tilespmem:$0xB0];
	v10 =	vadd.s32 v3, v10  }
0x599: {  	v15 =	vadd.s32 v0, v15;
	v11 =	vadd.s32 s21, v11  }
0x59a: {  	v11 =	vadd.s32 v3, v11;
	v8 =	vld.idx.msk [tilespmem:v8+s13+$0x0], $0xffff  }
0x59b: {  	s3 =	simm.s32 $0x6;
	v14 =	vld.idx.msk [tilespmem:v14+s13+$0x0], $0xffff  }
0x59c: {  	v12 =	vadd.s32 s3, v12;
	v13 =	vld.idx.msk [tilespmem:v13+s13+$0x0], $0xffff  }
0x59d: {  	v12 =	vadd.s32 v0, v12;
	v9 =	vadd.s32 s16, v9;
	v10 =	vld.idx.msk [tilespmem:v10+s13+$0x0], $0xffff  }
0x59e: {  	v15 =	vld.idx.msk [tilespmem:v15+s13+$0x0], $0xffff;
	v9 =	vadd.s32 v3, v9  }
0x59f: {  	s2 =	simm.s32 $0x6580;
	v11 =	vld.idx.msk [tilespmem:v11+s13+$0x0], $0xffff;
	[tilespmem:s0+$0xB0] =	vst v8  }
0x5a0: {  	[tilespmem:s2+$0xFFFFFF00] =	vst v14;
	v8 =	vld [tilespmem:$0xC0]  }
0x5a1: {  	v14 =	vld [tilespmem:$0x90]  }
0x5a2: {  	[tilespmem:s0+$0xFFFFFF30] =	vst v10;
	v10 =	vld.idx.msk [tilespmem:v12+s13+$0x0], $0xffff  }
0x5a3: {  	v9 =	vld.idx.msk [tilespmem:v9+s13+$0x0], $0xffff  }
0x5a4: {  	[tilespmem:s2+$0x80] =	vst v13;
	v12 =	vld [tilespmem:$0xC0]  }
0x5a5: {  	[tilespmem:s0+$0xFFFFFFB0] =	vst v11;
	v11 =	vld [tilespmem:$0x90];
	v8 =	vadd.s32 s1, v8  }
0x5a6: {  	[tilespmem:s2+$0xFFFFFF80] =	vst v15;
	v8 =	vadd.s32 v4, v8  }
0x5a7: {  	v15 =	vld [tilespmem:$0x90]  }
0x5a8: {  	v14 =	vadd.s32 s6, v14  }
0x5a9: {  	v14 =	vadd.s32 v1, v14;
	v12 =	vadd.s32 s20, v12;
	[tilespmem:s0+$0x30] =	vst v9  }
0x5aa: {  	v9 =	vadd.s32 s14, v11;
	v11 =	vadd.s32 v4, v12;
	v12 =	vld [tilespmem:$0xC0]  }
0x5ab: {  	v9 =	vadd.s32 v1, v9;
	v8 =	vld.idx.msk [tilespmem:v8+s13+$0x0], $0xffff  }
0x5ac: {  	v15 =	vadd.s32 s4, v15;
	v13 =	vld [tilespmem:$0xC0]  }
0x5ad: {  	v15 =	vadd.s32 v1, v15  }
0x5ae: {  	v14 =	vld.idx.msk [tilespmem:v14+s13+$0x0], $0xffff;
	[tilespmem:s2+$0x0] =	vst v10  }
0x5af: {  	v10 =	vld [tilespmem:$0x90]  }
0x5b0: {  	v9 =	vld.idx.msk [tilespmem:v9+s13+$0x0], $0xffff;
	v12 =	vadd.s32 s16, v12;
	[tilespmem:s0+$0xC0] =	vst v8  }
0x5b1: {  	v13 =	vadd.s32 s21, v13;
	v8 =	vadd.s32 v4, v12;
	v12 =	vld [tilespmem:$0xD0]  }
0x5b2: {  	v15 =	vld.idx.msk [tilespmem:v15+s13+$0x0], $0xffff;
	v13 =	vadd.s32 v4, v13  }
0x5b3: {  	v11 =	vld.idx.msk [tilespmem:v11+s13+$0x0], $0xffff  }
0x5b4: {  	v16 =	vld [tilespmem:$0x80];
	[tilespmem:s2+$0xFFFFFF10] =	vst v14;
	v10 =	vadd.s32 s3, v10  }
0x5b5: {  	v14 =	vld [tilespmem:$0xA0];
	v10 =	vadd.s32 v1, v10  }
0x5b6: {  	[tilespmem:s2+$0x90] =	vst v9;
	v9 =	vadd.s32 s1, v12  }
0x5b7: {  	[tilespmem:s2+$0xFFFFFF90] =	vst v15;
	v13 =	vld.idx.msk [tilespmem:v13+s13+$0x0], $0xffff;
	v9 =	vadd.s32 v5, v9  }
0x5b8: {  	s11 =	simm.s32 $0x8;
	[tilespmem:s0+$0xFFFFFF40] =	vst v11;
	v11 =	vld [tilespmem:$0xA0]  }
0x5b9: {  	v18 =	vadd.s32 s11, v16;
	v15 =	vld [tilespmem:$0xA0]  }
0x5ba: {  	v18 =	vadd.s32 v0, v18;
	v14 =	vadd.s32 s6, v14;
	v10 =	vld.idx.msk [tilespmem:v10+s13+$0x0], $0xffff  }
0x5bb: {  	v14 =	vadd.s32 v2, v14;
	v12 =	vld [tilespmem:$0xD0]  }
0x5bc: {  	[tilespmem:s0+$0xFFFFFFC0] =	vst v13;
	v9 =	vld.idx.msk [tilespmem:v9+s13+$0x0], $0xffff  }
0x5bd: {  	v13 =	vld [tilespmem:$0xD0];
	v11 =	vadd.s32 s14, v11  }
0x5be: {  	v8 =	vld.idx.msk [tilespmem:v8+s13+$0x0], $0xffff;
	v11 =	vadd.s32 v2, v11  }
0x5bf: {  	v18 =	vld.idx.msk [tilespmem:v18+s13+$0x0], $0xffff  }
0x5c0: {  	v14 =	vld.idx.msk [tilespmem:v14+s13+$0x0], $0xffff;
	[tilespmem:s2+$0x10] =	vst v10  }
0x5c1: {  	v10 =	vld [tilespmem:$0xA0];
	v12 =	vadd.s32 s20, v12;
	[tilespmem:s0+$0xD0] =	vst v9  }
0x5c2: {  	v9 =	vadd.s32 v5, v12;
	v12 =	vadd.s32 s21, v13;
	v13 =	vld [tilespmem:$0xE0]  }
0x5c3: {  	v15 =	vadd.s32 s4, v15;
	[tilespmem:s0+$0x40] =	vst v8;
	v11 =	vld.idx.msk [tilespmem:v11+s13+$0x0], $0xffff;
	v12 =	vadd.s32 v5, v12  }
0x5c4: {  	v8 =	vadd.s32 v2, v15;
	v15 =	vld [tilespmem:$0xD0]  }
0x5c5: {  	s7 =	simm.s32 $0x6780  }
0x5c6: {  	[tilespmem:s7+$0xFFFFFF00] =	vst v18  }
0x5c7: {  	v18 =	vld [tilespmem:$0x90];
	v13 =	vadd.s32 s1, v13  }
0x5c8: {  	v10 =	vadd.s32 s3, v10;
	[tilespmem:s2+$0xA0] =	vst v11;
	v11 =	vld.idx.msk [tilespmem:v12+s13+$0x0], $0xffff;
	v12 =	vadd.s32 v6, v13  }
0x5c9: {  	s12 =	simm.s32 $0x9;
	[tilespmem:s2+$0xFFFFFF20] =	vst v14;
	v10 =	vadd.s32 v2, v10;
	v13 =	vadd.s32 s16, v15;
	v15 =	vld [tilespmem:$0xB0]  }
0x5ca: {  	v19 =	vadd.s32 s12, v16;
	v14 =	vld [tilespmem:$0xB0];
	v13 =	vadd.s32 v5, v13  }
0x5cb: {  	v19 =	vadd.s32 v0, v19;
	v8 =	vld.idx.msk [tilespmem:v8+s13+$0x0], $0xffff  }
0x5cc: {  	v9 =	vld.idx.msk [tilespmem:v9+s13+$0x0], $0xffff  }
0x5cd: {  	v12 =	vld.idx.msk [tilespmem:v12+s13+$0x0], $0xffff  }
0x5ce: {  	v10 =	vld.idx.msk [tilespmem:v10+s13+$0x0], $0xffff;
	v15 =	vadd.s32 s14, v15  }
0x5cf: {  	v13 =	vld.idx.msk [tilespmem:v13+s13+$0x0], $0xffff;
	v15 =	vadd.s32 v3, v15  }
0x5d0: {  	v19 =	vld.idx.msk [tilespmem:v19+s13+$0x0], $0xffff;
	[tilespmem:s2+$0xFFFFFFA0] =	vst v8  }
0x5d1: {  	v18 =	vadd.s32 s11, v18;
	v8 =	vld [tilespmem:$0xB0];
	[tilespmem:s0+$0xFFFFFF50] =	vst v9  }
0x5d2: {  	s8 =	simm.s32 $0xB;
	v18 =	vadd.s32 v1, v18;
	v9 =	vadd.s32 s6, v14;
	[tilespmem:s0+$0xE0] =	vst v12  }
0x5d3: {  	[tilespmem:s2+$0x20] =	vst v10;
	v9 =	vadd.s32 v3, v9;
	v12 =	vadd.s32 s8, v16;
	v17 =	vld [tilespmem:$0xF0]  }
0x5d4: {  	[tilespmem:s0+$0x50] =	vst v13;
	v13 =	vld.idx.msk [tilespmem:v15+s13+$0x0], $0xffff;
	v12 =	vadd.s32 v0, v12  }
0x5d5: {  	[tilespmem:s7+$0xFFFFFF80] =	vst v19;
	v10 =	vld [tilespmem:$0xB0]  }
0x5d6: {  	s9 =	simm.s32 $0xA;
	v19 =	vld [tilespmem:$0x90];
	v8 =	vadd.s32 s4, v8  }
0x5d7: {  	v18 =	vld.idx.msk [tilespmem:v18+s13+$0x0], $0xffff;
	v8 =	vadd.s32 v3, v8;
	v16 =	vadd.s32 s9, v16  }
0x5d8: {  	v9 =	vld.idx.msk [tilespmem:v9+s13+$0x0], $0xffff;
	v16 =	vadd.s32 v0, v16  }
0x5d9: {  	v17 =	vadd.s32 s1, v17;
	v12 =	vld.idx.msk [tilespmem:v12+s13+$0x0], $0xffff;
	[tilespmem:s2+$0xB0] =	vst v13  }
0x5da: {  	v10 =	vadd.s32 s3, v10;
	v13 =	vadd.s32 v7, v17;
	v17 =	vld [tilespmem:$0xC0]  }
0x5db: {  	[tilespmem:s0+$0xFFFFFFD0] =	vst v11;
	v11 =	vld [tilespmem:$0xE0];
	v10 =	vadd.s32 v3, v10  }
0x5dc: {  	v19 =	vadd.s32 s12, v19;
	v8 =	vld.idx.msk [tilespmem:v8+s13+$0x0], $0xffff  }
0x5dd: {  	v19 =	vadd.s32 v1, v19;
	[tilespmem:s2+$0xFFFFFF30] =	vst v9;
	v16 =	vld.idx.msk [tilespmem:v16+s13+$0x0], $0xffff  }
0x5de: {  	[tilespmem:s7+$0x80] =	vst v12;
	v12 =	vld [tilespmem:$0xC0]  }
0x5df: {  	v9 =	vld.idx.msk [tilespmem:v13+s13+$0x0], $0xffff;
	v13 =	vadd.s32 s14, v17  }
0x5e0: {  	v10 =	vld.idx.msk [tilespmem:v10+s13+$0x0], $0xffff;
	v13 =	vadd.s32 v4, v13  }
0x5e1: {  	[tilespmem:s2+$0xFFFFFFB0] =	vst v8;
	v8 =	vld [tilespmem:$0x90]  }
0x5e2: {  	v19 =	vld.idx.msk [tilespmem:v19+s13+$0x0], $0xffff  }
0x5e3: {  	v14 =	vld [tilespmem:$0xE0];
	v11 =	vadd.s32 s20, v11;
	[tilespmem:s7+$0x0] =	vst v16  }
0x5e4: {  	v11 =	vadd.s32 v6, v11;
	v16 =	vld [tilespmem:$0x90];
	v12 =	vadd.s32 s6, v12  }
0x5e5: {  	[tilespmem:s2+$0x30] =	vst v10;
	v10 =	vadd.s32 v4, v12;
	v12 =	vld.idx.msk [tilespmem:v13+s13+$0x0], $0xffff  }
0x5e6: {  	[tilespmem:s7+$0xFFFFFF10] =	vst v18;
	v8 =	vadd.s32 s8, v8;
	v13 =	vld [tilespmem:$0xC0]  }
0x5e7: {  	v18 =	vld [tilespmem:$0xA0];
	v8 =	vadd.s32 v1, v8  }
0x5e8: {  	v15 =	vld [tilespmem:$0xE0]  }
0x5e9: {  	v14 =	vadd.s32 s21, v14;
	v11 =	vld.idx.msk [tilespmem:v11+s13+$0x0], $0xffff  }
0x5ea: {  	v14 =	vadd.s32 v6, v14;
	v17 =	vld [tilespmem:$0xC0];
	v16 =	vadd.s32 s9, v16  }
0x5eb: {  	v16 =	vadd.s32 v1, v16;
	v10 =	vld.idx.msk [tilespmem:v10+s13+$0x0], $0xffff;
	v13 =	vadd.s32 s3, v13  }
0x5ec: {  	v8 =	vld.idx.msk [tilespmem:v8+s13+$0x0], $0xffff;
	[tilespmem:s2+$0xC0] =	vst v12;
	v12 =	vadd.s32 v4, v13  }
0x5ed: {  	[tilespmem:s7+$0xFFFFFF90] =	vst v19;
	v13 =	vld [tilespmem:$0xD0]  }
0x5ee: {  	v19 =	vld [tilespmem:$0xA0];
	v15 =	vadd.s32 s16, v15  }
0x5ef: {  	v14 =	vld.idx.msk [tilespmem:v14+s13+$0x0], $0xffff;
	v15 =	vadd.s32 v6, v15;
	v17 =	vadd.s32 s4, v17  }
0x5f0: {  	[tilespmem:s0+$0xFFFFFF60] =	vst v11;
	v17 =	vadd.s32 v4, v17;
	v16 =	vld.idx.msk [tilespmem:v16+s13+$0x0], $0xffff  }
0x5f1: {  	[tilespmem:s7+$0x90] =	vst v8;
	v8 =	vld.idx.msk [tilespmem:v12+s13+$0x0], $0xffff  }
0x5f2: {  	[tilespmem:s2+$0xFFFFFF40] =	vst v10;
	v12 =	vadd.s32 s14, v13;
	v10 =	vld [tilespmem:$0xA0]  }
0x5f3: {  	v11 =	vadd.s32 s11, v18;
	v18 =	vld [tilespmem:$0xF0];
	v12 =	vadd.s32 v5, v12  }
0x5f4: {  	[tilespmem:s0+$0xFFFFFFE0] =	vst v14;
	v11 =	vadd.s32 v2, v11;
	v14 =	vadd.s32 s12, v19;
	v15 =	vld.idx.msk [tilespmem:v15+s13+$0x0], $0xffff  }
0x5f5: {  	v14 =	vadd.s32 v2, v14;
	v17 =	vld.idx.msk [tilespmem:v17+s13+$0x0], $0xffff  }
0x5f6: {  	[tilespmem:s7+$0x10] =	vst v16;
	v13 =	vld [tilespmem:$0xD0]  }
0x5f7: {  	v16 =	vld [tilespmem:$0xA0];
	v10 =	vadd.s32 s8, v10  }
0x5f8: {  	[tilespmem:s2+$0x40] =	vst v8;
	v12 =	vld.idx.msk [tilespmem:v12+s13+$0x0], $0xffff;
	v8 =	vadd.s32 v2, v10  }
0x5f9: {  	v11 =	vld.idx.msk [tilespmem:v11+s13+$0x0], $0xffff  }
0x5fa: {  	v14 =	vld.idx.msk [tilespmem:v14+s13+$0x0], $0xffff;
	[tilespmem:s2+$0xFFFFFFC0] =	vst v17  }
0x5fb: {  	v10 =	vld [tilespmem:$0xD0]  }
0x5fc: {  	[tilespmem:s0+$0x60] =	vst v15;
	v15 =	vadd.s32 s9, v16;
	v17 =	vld [tilespmem:$0xD0]  }
0x5fd: {  	v13 =	vadd.s32 s6, v13;
	v15 =	vadd.s32 v2, v15;
	v8 =	vld.idx.msk [tilespmem:v8+s13+$0x0], $0xffff;
	[tilespmem:s2+$0xD0] =	vst v12  }
0x5fe: {  	v13 =	vadd.s32 v5, v13;
	v12 =	vld [tilespmem:$0xE0]  }
0x5ff: {  	v19 =	vld [tilespmem:$0xF0];
	[tilespmem:s7+$0xFFFFFF20] =	vst v11  }
0x600: {  	v22 =	vld [tilespmem:$0xB0];
	v10 =	vadd.s32 s4, v10  }
0x601: {  	v16 =	vld [tilespmem:$0xF0];
	v17 =	vadd.s32 s3, v17;
	v10 =	vadd.s32 v5, v10  }
0x602: {  	v15 =	vld.idx.msk [tilespmem:v15+s13+$0x0], $0xffff;
	v17 =	vadd.s32 v5, v17  }
0x603: {  	v13 =	vld.idx.msk [tilespmem:v13+s13+$0x0], $0xffff;
	[tilespmem:s7+$0xA0] =	vst v8;
	v8 =	vadd.s32 s14, v12  }
0x604: {  	[tilespmem:s7+$0xFFFFFFA0] =	vst v14;
	v21 =	vld [tilespmem:$0xB0];
	v8 =	vadd.s32 v6, v8  }
0x605: {  	v23 =	vld [tilespmem:$0xB0]  }
0x606: {  	v20 =	vld.idx.msk [tilespmem:v10+s13+$0x0], $0xffff  }
0x607: {  	[tilespmem:s7+$0x20] =	vst v15;
	v17 =	vld.idx.msk [tilespmem:v17+s13+$0x0], $0xffff  }
0x608: {  	v14 =	vld [tilespmem:$0xB0];
	v10 =	vadd.s32 s20, v18  }
0x609: {  	[tilespmem:s2+$0xFFFFFF50] =	vst v13;
	v12 =	vadd.s32 s21, v16;
	v13 =	vadd.s32 s8, v21;
	v11 =	vld.idx.msk [tilespmem:v8+s13+$0x0], $0xffff;
	v8 =	vadd.s32 v7, v10  }
0x60a: {  	[tilespmem:s0+$0xF0] =	vst v9;
	v9 =	vadd.s32 v7, v12;
	v12 =	vld [tilespmem:$0xE0];
	v16 =	vadd.s32 v3, v13  }
0x60b: {  	v15 =	vadd.s32 s11, v22;
	v18 =	vld [tilespmem:$0x80];
	[tilespmem:s2+$0xFFFFFFD0] =	vst v20;
	v10 =	vadd.s32 s16, v19  }
0x60c: {  	s1 =	simm.s32 $0x10;
	v15 =	vadd.s32 v3, v15;
	[tilespmem:s2+$0x50] =	vst v17;
	v17 =	vadd.s32 s12, v23;
	s16 =	simm.s32 $0xC;
	v13 =	vld [tilespmem:$0xE0];
	v10 =	vadd.s32 v7, v10  }
.LBB2_22:
0x60d: {  	p0 =	slt.u32 s1, $0x18;
	v17 =	vadd.s32 v3, v17;
	v14 =	vadd.s32 s9, v14;
	v19 =	vld [tilespmem:$0xE0]  }
0x60e: {  	v14 =	vadd.s32 v3, v14;
	v8 =	vld.idx.msk [tilespmem:v8+s13+$0x0], $0xffff  }
0x60f: {  	s20 =	sadd.s32 $0x1, s16;
	s22 =	sadd.s32 $0x3, s16;
	v16 =	vld.idx.msk [tilespmem:v16+s13+$0x0], $0xffff;
	v12 =	vadd.s32 s6, v12;
	[tilespmem:s2+$0xE0] =	vst v11  }
0x610: {  	s21 =	sadd.s32 $0x2, s16;
	v11 =	vadd.s32 s16, v18;
	v20 =	vadd.s32 s20, v18;
	v21 =	vadd.s32 s22, v18;
	v22 =	vld [tilespmem:$0xF0]  }
0x611: {  	v18 =	vadd.s32 s21, v18;
	v11 =	vadd.s32 v0, v11;
	v21 =	vadd.s32 v0, v21;
	v15 =	vld.idx.msk [tilespmem:v15+s13+$0x0], $0xffff  }
0x612: {  	v20 =	vadd.s32 v0, v20;
	v18 =	vadd.s32 v0, v18;
	v13 =	vadd.s32 s4, v13;
	v17 =	vld.idx.msk [tilespmem:v17+s13+$0x0], $0xffff  }
0x613: {  	v12 =	vadd.s32 v6, v12;
	v13 =	vadd.s32 v6, v13;
	v19 =	vadd.s32 s3, v19;
	v14 =	vld.idx.msk [tilespmem:v14+s13+$0x0], $0xffff  }
0x614: {  	v19 =	vadd.s32 v6, v19;
	[tilespmem:s0+$0xFFFFFF70] =	vst v8;
	v8 =	vld.idx.msk [tilespmem:v9+s13+$0x0], $0xffff  }
0x615: {  	v9 =	vadd.s32 s14, v22;
	v10 =	vld.idx.msk [tilespmem:v10+s13+$0x0], $0xffff;
	s14 =	smov.u32 s8;
	s8 =	smov.u32 s22  }
0x616: {  	v21 =	vld.idx.msk [tilespmem:v21+s13+$0x0], $0xffff;
	[tilespmem:s7+$0xB0] =	vst v16;
	v9 =	vadd.s32 v7, v9  }
0x617: {  	[tilespmem:s7+$0xFFFFFF30] =	vst v15;
	v15 =	vld [tilespmem:$0xC0]  }
0x618: {  	v11 =	vld.idx.msk [tilespmem:v11+s13+$0x0], $0xffff;
	[tilespmem:s7+$0xFFFFFFB0] =	vst v17  }
0x619: {  	v16 =	vld.idx.msk [tilespmem:v20+s13+$0x0], $0xffff;
	[tilespmem:s7+$0x30] =	vst v14  }
0x61a: {  	v14 =	vld.idx.msk [tilespmem:v18+s13+$0x0], $0xffff;
	[tilespmem:s0+$0xFFFFFFF0] =	vst v8  }
0x61b: {  	v8 =	vld.idx.msk [tilespmem:v9+s13+$0x0], $0xffff;
	[tilespmem:s0+$0x70] =	vst v10;
	s0 =	smov.u32 s2;
	s2 =	smov.u32 s7;
	s7 =	sadd.s32 $0x200, s7  }
0x61c: {  	[tilespmem:s7+$0x80] =	vst v21;
	v9 =	vld [tilespmem:$0xC0];
	v10 =	vadd.s32 s14, v15  }
0x61d: {  	v15 =	vld [tilespmem:$0x90];
	v10 =	vadd.s32 v4, v10  }
0x61e: {  	[tilespmem:s7+$0xFFFFFF00] =	vst v11;
	v11 =	vld [tilespmem:$0xC0]  }
0x61f: {  	v17 =	vld [tilespmem:$0x90];
	[tilespmem:s7+$0xFFFFFF80] =	vst v16  }
0x620: {  	v16 =	vld [tilespmem:$0x90];
	[tilespmem:s7+$0x0] =	vst v14  }
0x621: {  	v14 =	vld [tilespmem:$0x90];
	v9 =	vadd.s32 s11, v9;
	[tilespmem:s0+$0xF0] =	vst v8  }
0x622: {  	v8 =	vadd.s32 s8, v15;
	v9 =	vadd.s32 v4, v9;
	v10 =	vld.idx.msk [tilespmem:v10+s13+$0x0], $0xffff  }
0x623: {  	v8 =	vadd.s32 v1, v8;
	v11 =	vadd.s32 s12, v11;
	v15 =	vld [tilespmem:$0xC0]  }
0x624: {  	v17 =	vadd.s32 s16, v17;
	v11 =	vadd.s32 v4, v11;
	v12 =	vld.idx.msk [tilespmem:v12+s13+$0x0], $0xffff  }
0x625: {  	v17 =	vadd.s32 v1, v17;
	v16 =	vadd.s32 s20, v16;
	v13 =	vld.idx.msk [tilespmem:v13+s13+$0x0], $0xffff  }
0x626: {  	v16 =	vadd.s32 v1, v16;
	v14 =	vadd.s32 s21, v14;
	v18 =	vld.idx.msk [tilespmem:v19+s13+$0x0], $0xffff  }
0x627: {  	v14 =	vadd.s32 v1, v14;
	v9 =	vld.idx.msk [tilespmem:v9+s13+$0x0], $0xffff  }
0x628: {  	v8 =	vld.idx.msk [tilespmem:v8+s13+$0x0], $0xffff;
	v15 =	vadd.s32 s9, v15;
	[tilespmem:s2+$0xC0] =	vst v10  }
0x629: {  	v10 =	vadd.s32 v4, v15;
	v15 =	vld [tilespmem:$0xD0]  }
0x62a: {  	v17 =	vld.idx.msk [tilespmem:v17+s13+$0x0], $0xffff;
	[tilespmem:s0+$0xFFFFFF60] =	vst v12  }
0x62b: {  	v12 =	vld.idx.msk [tilespmem:v16+s13+$0x0], $0xffff;
	[tilespmem:s0+$0xFFFFFFE0] =	vst v13  }
0x62c: {  	v13 =	vld.idx.msk [tilespmem:v14+s13+$0x0], $0xffff;
	[tilespmem:s0+$0x60] =	vst v18  }
0x62d: {  	[tilespmem:s2+$0xFFFFFF40] =	vst v9;
	v9 =	vld.idx.msk [tilespmem:v11+s13+$0x0], $0xffff  }
0x62e: {  	[tilespmem:s7+$0x90] =	vst v8;
	v8 =	vld.idx.msk [tilespmem:v10+s13+$0x0], $0xffff;
	v10 =	vadd.s32 s14, v15  }
0x62f: {  	v11 =	vld [tilespmem:$0xA0];
	v10 =	vadd.s32 v5, v10  }
0x630: {  	[tilespmem:s7+$0xFFFFFF10] =	vst v17;
	v14 =	vld [tilespmem:$0xD0]  }
0x631: {  	v15 =	vld [tilespmem:$0xA0];
	[tilespmem:s7+$0xFFFFFF90] =	vst v12  }
0x632: {  	v12 =	vld [tilespmem:$0xA0];
	[tilespmem:s7+$0x10] =	vst v13  }
0x633: {  	v13 =	vld [tilespmem:$0xA0];
	[tilespmem:s2+$0xFFFFFFC0] =	vst v9  }
0x634: {  	v9 =	vadd.s32 s8, v11;
	[tilespmem:s2+$0x40] =	vst v8;
	v8 =	vld.idx.msk [tilespmem:v10+s13+$0x0], $0xffff  }
0x635: {  	v9 =	vadd.s32 v2, v9;
	v10 =	vadd.s32 s11, v14;
	v11 =	vld [tilespmem:$0xD0]  }
0x636: {  	v14 =	vadd.s32 s16, v15;
	v10 =	vadd.s32 v5, v10;
	v15 =	vld [tilespmem:$0xD0]  }
0x637: {  	v14 =	vadd.s32 v2, v14;
	v12 =	vadd.s32 s20, v12;
	v16 =	vld [tilespmem:$0xF0]  }
0x638: {  	v12 =	vadd.s32 v2, v12;
	v13 =	vadd.s32 s21, v13;
	v17 =	vld [tilespmem:$0xF0]  }
0x639: {  	v13 =	vadd.s32 v2, v13;
	v18 =	vld [tilespmem:$0xF0]  }
0x63a: {  	v19 =	vld.idx.msk [tilespmem:v9+s13+$0x0], $0xffff;
	v9 =	vadd.s32 s12, v11;
	[tilespmem:s2+$0xD0] =	vst v8  }
0x63b: {  	v11 =	vadd.s32 v5, v9;
	v8 =	vadd.s32 s9, v15;
	v15 =	vld [tilespmem:$0xE0]  }
0x63c: {  	v14 =	vld.idx.msk [tilespmem:v14+s13+$0x0], $0xffff;
	v20 =	vadd.s32 v5, v8;
	v8 =	vadd.s32 s6, v16;
	s6 =	smov.u32 s11;
	s11 =	smov.u32 s16;
	s16 =	smov.u32 s1  }
0x63d: {  	v12 =	vld.idx.msk [tilespmem:v12+s13+$0x0], $0xffff;
	v8 =	vadd.s32 v7, v8;
	v9 =	vadd.s32 s4, v17;
	s4 =	smov.u32 s12;
	s12 =	smov.u32 s20  }
0x63e: {  	v13 =	vld.idx.msk [tilespmem:v13+s13+$0x0], $0xffff;
	v9 =	vadd.s32 v7, v9;
	v16 =	vadd.s32 s3, v18;
	s3 =	smov.u32 s9;
	s9 =	smov.u32 s21  }
0x63f: {  	v17 =	vld.idx.msk [tilespmem:v10+s13+$0x0], $0xffff;
	v10 =	vadd.s32 v7, v16  }
0x640: {  	[tilespmem:s7+$0xA0] =	vst v19;
	v11 =	vld.idx.msk [tilespmem:v11+s13+$0x0], $0xffff;
	v15 =	vadd.s32 s14, v15  }
0x641: {  	v16 =	vld [tilespmem:$0xB0];
	v15 =	vadd.s32 v6, v15  }
0x642: {  	[tilespmem:s7+$0xFFFFFF20] =	vst v14;
	v19 =	vld.idx.msk [tilespmem:v20+s13+$0x0], $0xffff  }
0x643: {  	v20 =	vld [tilespmem:$0xB0];
	[tilespmem:s7+$0xFFFFFFA0] =	vst v12  }
0x644: {  	v21 =	vld [tilespmem:$0xB0];
	[tilespmem:s7+$0x20] =	vst v13  }
.Ltmp15:
0x645: {  	v14 =	vld [tilespmem:$0xB0];
	[tilespmem:s2+$0xFFFFFF50] =	vst v17;
	(pc) =	sbr.rel @p0 .LBB2_22-.Ltmp15, $4  }
0x646: {  	v12 =	vadd.s32 s8, v16;
	[tilespmem:s2+$0xFFFFFFD0] =	vst v11;
	v11 =	vld.idx.msk [tilespmem:v15+s13+$0x0], $0xffff  }
0x647: {  	v16 =	vadd.s32 v3, v12;
	v12 =	vld [tilespmem:$0xE0]  }
0x648: {  	v18 =	vld [tilespmem:$0x80];
	v13 =	vadd.s32 s11, v20;
	[tilespmem:s2+$0x50] =	vst v19  }
0x649: {  	s1 =	sadd.s32 $0x4, s1;
	v15 =	vadd.s32 v3, v13;
	v17 =	vadd.s32 s12, v21;
	v13 =	vld [tilespmem:$0xE0]  }
0x64a: {  	_ =	sdelay $0x1  }
0x64b: {  	s1 =	sadd.s32 $0x3, s16  }
0x64c: {  	v19 =	vadd.s32 s1, v18  }
0x64d: {  	s21 =	sadd.s32 $0x1, s16;
	v20 =	vadd.s32 s16, v18;
	v19 =	vadd.s32 v0, v19  }
0x64e: {  	s22 =	sadd.s32 $0x2, s16;
	v21 =	vadd.s32 s21, v18;
	v20 =	vadd.s32 v0, v20  }
0x64f: {  	v30 =	vadd.s32 s22, v18;
	v21 =	vadd.s32 v0, v21  }
0x650: {  	v18 =	vadd.s32 v0, v30;
	_ =	sdelay $0x1  }
0x651: {  	v19 =	vld.idx.msk [tilespmem:v19+s13+$0x0], $0xffff  }
0x652: {  	v20 =	vld.idx.msk [tilespmem:v20+s13+$0x0], $0xffff  }
0x653: {  	v21 =	vld.idx.msk [tilespmem:v21+s13+$0x0], $0xffff  }
0x654: {  	v18 =	vld.idx.msk [tilespmem:v18+s13+$0x0], $0xffff  }
0x655: {  	s20 =	sadd.s32 $0x200, s7  }
0x656: {  	[tilespmem:s20+$0x80] =	vst v19  }
0x657: {  	[tilespmem:s20+$0xFFFFFF00] =	vst v20;
	v19 =	vld [tilespmem:$0x90]  }
0x658: {  	[tilespmem:s20+$0xFFFFFF80] =	vst v21;
	v20 =	vld [tilespmem:$0x90]  }
0x659: {  	[tilespmem:s20+$0x0] =	vst v18;
	v21 =	vld [tilespmem:$0x90]  }
0x65a: {  	v18 =	vld [tilespmem:$0x90];
	_ =	sdelay $0x1  }
0x65b: {  	v19 =	vadd.s32 s1, v19  }
0x65c: {  	v20 =	vadd.s32 s16, v20;
	v19 =	vadd.s32 v1, v19  }
0x65d: {  	v21 =	vadd.s32 s21, v21;
	v20 =	vadd.s32 v1, v20  }
0x65e: {  	v18 =	vadd.s32 s22, v18;
	v21 =	vadd.s32 v1, v21  }
0x65f: {  	v18 =	vadd.s32 v1, v18;
	_ =	sdelay $0x1  }
0x660: {  	v19 =	vld.idx.msk [tilespmem:v19+s13+$0x0], $0xffff  }
0x661: {  	v20 =	vld.idx.msk [tilespmem:v20+s13+$0x0], $0xffff  }
0x662: {  	v21 =	vld.idx.msk [tilespmem:v21+s13+$0x0], $0xffff  }
0x663: {  	v18 =	vld.idx.msk [tilespmem:v18+s13+$0x0], $0xffff  }
0x664: {  	v16 =	vld.idx.msk [tilespmem:v16+s13+$0x0], $0xffff  }
0x665: {  	v17 =	vadd.s32 v3, v17;
	v15 =	vld.idx.msk [tilespmem:v15+s13+$0x0], $0xffff;
	[tilespmem:s20+$0x90] =	vst v19  }
0x666: {  	[tilespmem:s20+$0xFFFFFF10] =	vst v20;
	v19 =	vld [tilespmem:$0xA0]  }
0x667: {  	[tilespmem:s20+$0xFFFFFF90] =	vst v21;
	v20 =	vld [tilespmem:$0xA0]  }
0x668: {  	[tilespmem:s20+$0x10] =	vst v18;
	v21 =	vld [tilespmem:$0xA0]  }
0x669: {  	v18 =	vld [tilespmem:$0xA0]  }
0x66a: {  	v17 =	vld.idx.msk [tilespmem:v17+s13+$0x0], $0xffff;
	[tilespmem:s7+$0xB0] =	vst v16  }
0x66b: {  	v32 =	vld [tilespmem:$0xC0];
	v19 =	vadd.s32 s1, v19  }
0x66c: {  	v20 =	vadd.s32 s16, v20;
	v19 =	vadd.s32 v2, v19  }
0x66d: {  	v21 =	vadd.s32 s21, v21;
	v20 =	vadd.s32 v2, v20  }
0x66e: {  	[tilespmem:s7+$0xFFFFFF30] =	vst v15;
	v18 =	vadd.s32 s22, v18;
	v21 =	vadd.s32 v2, v21  }
0x66f: {  	v14 =	vadd.s32 s9, v14;
	v15 =	vld [tilespmem:$0xC0];
	[tilespmem:s7+$0xFFFFFFB0] =	vst v17;
	v31 =	vadd.s32 v2, v18  }
0x670: {  	v14 =	vadd.s32 v3, v14;
	v36 =	vld [tilespmem:$0xC0];
	v18 =	vadd.s32 s8, v32  }
0x671: {  	v33 =	vadd.s32 v4, v18;
	v19 =	vld.idx.msk [tilespmem:v19+s13+$0x0], $0xffff  }
0x672: {  	v20 =	vld.idx.msk [tilespmem:v20+s13+$0x0], $0xffff  }
0x673: {  	v21 =	vld.idx.msk [tilespmem:v21+s13+$0x0], $0xffff  }
0x674: {  	v16 =	vld.idx.msk [tilespmem:v31+s13+$0x0], $0xffff  }
0x675: {  	v14 =	vld.idx.msk [tilespmem:v14+s13+$0x0], $0xffff;
	v35 =	vadd.s32 s11, v15;
	v15 =	vadd.s32 s12, v36  }
0x676: {  	v15 =	vadd.s32 v4, v15;
	v40 =	vld.idx.msk [tilespmem:v33+s13+$0x0], $0xffff;
	[tilespmem:s20+$0xA0] =	vst v19  }
0x677: {  	[tilespmem:s20+$0xFFFFFF20] =	vst v20;
	v19 =	vld [tilespmem:$0xB0]  }
0x678: {  	[tilespmem:s20+$0xFFFFFFA0] =	vst v21;
	v20 =	vld [tilespmem:$0xB0]  }
0x679: {  	[tilespmem:s20+$0x20] =	vst v16;
	v21 =	vld [tilespmem:$0xB0]  }
0x67a: {  	v34 =	vld [tilespmem:$0xB0]  }
0x67b: {  	v37 =	vadd.s32 v4, v35;
	v15 =	vld.idx.msk [tilespmem:v15+s13+$0x0], $0xffff;
	[tilespmem:s7+$0xC0] =	vst v40  }
0x67c: {  	v45 =	vld [tilespmem:$0xD0];
	v19 =	vadd.s32 s1, v19  }
0x67d: {  	[tilespmem:s2+$0xE0] =	vst v11;
	v11 =	vld.idx.msk [tilespmem:v9+s13+$0x0], $0xffff;
	v20 =	vadd.s32 s16, v20;
	v19 =	vadd.s32 v3, v19  }
0x67e: {  	v9 =	vld.idx.msk [tilespmem:v10+s13+$0x0], $0xffff;
	[tilespmem:s7+$0x30] =	vst v14;
	v39 =	vadd.s32 s21, v21;
	v38 =	vadd.s32 v3, v20  }
0x67f: {  	v42 =	vld [tilespmem:$0xC0];
	v18 =	vadd.s32 s22, v34;
	v41 =	vadd.s32 v3, v39  }
0x680: {  	v17 =	vld.idx.msk [tilespmem:v37+s13+$0x0], $0xffff;
	[tilespmem:s7+$0xFFFFFFC0] =	vst v15;
	v18 =	vadd.s32 v3, v18  }
0x681: {  	v56 =	vld [tilespmem:$0xD0];
	v20 =	vadd.s32 s8, v45  }
0x682: {  	v20 =	vadd.s32 v5, v20;
	v19 =	vld.idx.msk [tilespmem:v19+s13+$0x0], $0xffff  }
0x683: {  	v10 =	vld.idx.msk [tilespmem:v38+s13+$0x0], $0xffff  }
0x684: {  	v16 =	vld.idx.msk [tilespmem:v41+s13+$0x0], $0xffff  }
0x685: {  	v43 =	vld.idx.msk [tilespmem:v18+s13+$0x0], $0xffff  }
0x686: {  	v23 =	vld [tilespmem:$0xF0];
	[tilespmem:s7+$0xFFFFFF40] =	vst v17  }
0x687: {  	v20 =	vld.idx.msk [tilespmem:v20+s13+$0x0], $0xffff;
	[tilespmem:s20+$0xB0] =	vst v19  }
0x688: {  	[tilespmem:s20+$0xFFFFFF30] =	vst v10;
	v47 =	vld [tilespmem:$0xC0]  }
0x689: {  	v17 =	vadd.s32 s12, v56;
	[tilespmem:s20+$0xFFFFFFB0] =	vst v16;
	v48 =	vld [tilespmem:$0xC0]  }
0x68a: {  	v44 =	vadd.s32 s9, v42;
	v17 =	vadd.s32 v5, v17;
	[tilespmem:s20+$0x30] =	vst v43;
	v49 =	vld [tilespmem:$0xC0]  }
0x68b: {  	v18 =	vadd.s32 v4, v44;
	v50 =	vld [tilespmem:$0xC0]  }
0x68c: {  	v46 =	vadd.s32 s14, v23;
	v52 =	vld [tilespmem:$0xD0]  }
0x68d: {  	v22 =	vld [tilespmem:$0xE0];
	v19 =	vadd.s32 v7, v46;
	v53 =	vadd.s32 s1, v47  }
0x68e: {  	v8 =	vld.idx.msk [tilespmem:v8+s13+$0x0], $0xffff;
	v16 =	vadd.s32 s16, v48;
	v54 =	vadd.s32 v4, v53  }
0x68f: {  	v17 =	vld.idx.msk [tilespmem:v17+s13+$0x0], $0xffff;
	v14 =	vadd.s32 s21, v49;
	v16 =	vadd.s32 v4, v16  }
0x690: {  	v51 =	vld.idx.msk [tilespmem:v18+s13+$0x0], $0xffff;
	[tilespmem:s7+$0xD0] =	vst v20;
	v55 =	vadd.s32 s22, v50;
	v14 =	vadd.s32 v4, v14  }
0x691: {  	v18 =	vadd.s32 s11, v52;
	v20 =	vld [tilespmem:$0xE0];
	v15 =	vadd.s32 v4, v55  }
0x692: {  	v18 =	vadd.s32 v5, v18;
	v10 =	vld.idx.msk [tilespmem:v19+s13+$0x0], $0xffff  }
0x693: {  	v19 =	vld.idx.msk [tilespmem:v54+s13+$0x0], $0xffff  }
0x694: {  	v16 =	vld.idx.msk [tilespmem:v16+s13+$0x0], $0xffff  }
0x695: {  	v14 =	vld.idx.msk [tilespmem:v14+s13+$0x0], $0xffff  }
0x696: {  	v15 =	vld.idx.msk [tilespmem:v15+s13+$0x0], $0xffff  }
0x697: {  	[tilespmem:s7+$0x40] =	vst v51;
	v18 =	vld.idx.msk [tilespmem:v18+s13+$0x0], $0xffff  }
0x698: {  	v12 =	vadd.s32 s6, v12;
	v57 =	vld [tilespmem:$0xD0];
	[tilespmem:s20+$0xC0] =	vst v19  }
0x699: {  	v12 =	vadd.s32 v6, v12;
	v13 =	vadd.s32 s4, v13;
	[tilespmem:s20+$0xFFFFFF40] =	vst v16;
	v59 =	vld [tilespmem:$0xD0]  }
0x69a: {  	v13 =	vadd.s32 v6, v13;
	[tilespmem:s20+$0xFFFFFFC0] =	vst v14;
	v61 =	vld [tilespmem:$0xD0]  }
0x69b: {  	v20 =	vadd.s32 s8, v20;
	[tilespmem:s20+$0x40] =	vst v15;
	v63 =	vld [tilespmem:$0xD0]  }
0x69c: {  	v58 =	vadd.s32 s3, v22;
	v20 =	vadd.s32 v6, v20;
	[tilespmem:s7+$0xFFFFFF50] =	vst v18;
	v24 =	vld [tilespmem:$0xD0]  }
0x69d: {  	v60 =	vadd.s32 v6, v58;
	v62 =	vadd.s32 s9, v57;
	v28 =	vld [tilespmem:$0xE0]  }
0x69e: {  	v12 =	vld.idx.msk [tilespmem:v12+s13+$0x0], $0xffff;
	v14 =	vadd.s32 v5, v62;
	v22 =	vadd.s32 s1, v59  }
0x69f: {  	v13 =	vld.idx.msk [tilespmem:v13+s13+$0x0], $0xffff;
	[tilespmem:s7+$0xFFFFFFD0] =	vst v17;
	v19 =	vadd.s32 s16, v61;
	v25 =	vadd.s32 v5, v22  }
0x6a0: {  	v29 =	vld [tilespmem:$0xE0];
	v15 =	vadd.s32 s21, v63;
	v19 =	vadd.s32 v5, v19  }
0x6a1: {  	v20 =	vld.idx.msk [tilespmem:v20+s13+$0x0], $0xffff;
	v27 =	vadd.s32 s22, v24;
	v15 =	vadd.s32 v5, v15  }
0x6a2: {  	v16 =	vld.idx.msk [tilespmem:v60+s13+$0x0], $0xffff;
	v17 =	vadd.s32 s11, v28;
	v18 =	vadd.s32 v5, v27  }
0x6a3: {  	v17 =	vadd.s32 v6, v17;
	v14 =	vld.idx.msk [tilespmem:v14+s13+$0x0], $0xffff  }
0x6a4: {  	[tilespmem:s2+$0xFFFFFF60] =	vst v12;
	v12 =	vld.idx.msk [tilespmem:v25+s13+$0x0], $0xffff  }
0x6a5: {  	v19 =	vld.idx.msk [tilespmem:v19+s13+$0x0], $0xffff  }
0x6a6: {  	v15 =	vld.idx.msk [tilespmem:v15+s13+$0x0], $0xffff  }
0x6a7: {  	v30 =	vld.idx.msk [tilespmem:v18+s13+$0x0], $0xffff  }
0x6a8: {  	v17 =	vld.idx.msk [tilespmem:v17+s13+$0x0], $0xffff;
	[tilespmem:s7+$0x50] =	vst v14  }
0x6a9: {  	v31 =	vld [tilespmem:$0xE0];
	[tilespmem:s20+$0xD0] =	vst v12  }
0x6aa: {  	[tilespmem:s20+$0xFFFFFF50] =	vst v19;
	v12 =	vld [tilespmem:$0xE0]  }
0x6ab: {  	[tilespmem:s20+$0xFFFFFFD0] =	vst v15;
	v32 =	vld [tilespmem:$0xE0]  }
0x6ac: {  	[tilespmem:s20+$0x50] =	vst v30;
	v34 =	vld [tilespmem:$0xE0]  }
0x6ad: {  	v33 =	vadd.s32 s12, v29;
	v35 =	vld [tilespmem:$0xE0]  }
0x6ae: {  	v26 =	vld [tilespmem:$0xF0];
	[tilespmem:s2+$0xFFFFFFE0] =	vst v13;
	v18 =	vadd.s32 s9, v31;
	v19 =	vadd.s32 v6, v33  }
0x6af: {  	v37 =	vld [tilespmem:$0xF0];
	[tilespmem:s7+$0xE0] =	vst v20;
	v36 =	vadd.s32 v6, v18;
	v12 =	vadd.s32 s1, v12  }
0x6b0: {  	v20 =	vld [tilespmem:$0xF0];
	[tilespmem:s2+$0x60] =	vst v16;
	v15 =	vadd.s32 s16, v32;
	v12 =	vadd.s32 v6, v12  }
0x6b1: {  	v38 =	vld [tilespmem:$0xF0];
	[tilespmem:s7+$0xFFFFFF60] =	vst v17;
	v14 =	vadd.s32 s21, v34;
	v15 =	vadd.s32 v6, v15  }
0x6b2: {  	v40 =	vld [tilespmem:$0xF0];
	v21 =	vadd.s32 s22, v35;
	v14 =	vadd.s32 v6, v14  }
0x6b3: {  	v19 =	vld.idx.msk [tilespmem:v19+s13+$0x0], $0xffff;
	v39 =	vadd.s32 v6, v21  }
0x6b4: {  	v13 =	vld.idx.msk [tilespmem:v36+s13+$0x0], $0xffff  }
0x6b5: {  	v12 =	vld.idx.msk [tilespmem:v12+s13+$0x0], $0xffff  }
0x6b6: {  	v15 =	vld.idx.msk [tilespmem:v15+s13+$0x0], $0xffff  }
0x6b7: {  	v14 =	vld.idx.msk [tilespmem:v14+s13+$0x0], $0xffff  }
0x6b8: {  	[tilespmem:s7+$0xFFFFFFE0] =	vst v19;
	v17 =	vld.idx.msk [tilespmem:v39+s13+$0x0], $0xffff  }
0x6b9: {  	v16 =	vadd.s32 s4, v37;
	[tilespmem:s7+$0x60] =	vst v13;
	v42 =	vld [tilespmem:$0xF0]  }
0x6ba: {  	v44 =	vadd.s32 v7, v16;
	v48 =	vadd.s32 s8, v20;
	v43 =	vld [tilespmem:$0xF0];
	[tilespmem:s20+$0xE0] =	vst v12  }
0x6bb: {  	v16 =	vadd.s32 v7, v48;
	v45 =	vadd.s32 s3, v38;
	[tilespmem:s20+$0xFFFFFF60] =	vst v15;
	v46 =	vld [tilespmem:$0xF0]  }
0x6bc: {  	v47 =	vadd.s32 v7, v45;
	v50 =	vadd.s32 s11, v40;
	[tilespmem:s20+$0xFFFFFFE0] =	vst v14;
	v49 =	vld [tilespmem:$0xF0]  }
0x6bd: {  	v41 =	vadd.s32 s6, v26;
	v20 =	vadd.s32 v7, v50;
	[tilespmem:s20+$0x60] =	vst v17;
	v51 =	vld [tilespmem:$0xF0]  }
0x6be: {  	v19 =	vadd.s32 v7, v41;
	v13 =	vadd.s32 s12, v42;
	v52 =	vld [tilespmem:$0xF0]  }
0x6bf: {  	[tilespmem:s0+$0xFFFFFF70] =	vst v8;
	v8 =	vld.idx.msk [tilespmem:v44+s13+$0x0], $0xffff;
	v22 =	vadd.s32 s9, v43;
	v13 =	vadd.s32 v7, v13  }
0x6c0: {  	v56 =	vld.idx.msk [tilespmem:v16+s13+$0x0], $0xffff;
	v53 =	vadd.s32 v7, v22;
	v18 =	vadd.s32 s1, v46  }
0x6c1: {  	[tilespmem:s0+$0xFFFFFFF0] =	vst v11;
	v54 =	vld.idx.msk [tilespmem:v47+s13+$0x0], $0xffff;
	v14 =	vadd.s32 s16, v49;
	v55 =	vadd.s32 v7, v18  }
0x6c2: {  	[tilespmem:s0+$0x70] =	vst v9;
	v58 =	vld.idx.msk [tilespmem:v20+s13+$0x0], $0xffff;
	v57 =	vadd.s32 s21, v51;
	v14 =	vadd.s32 v7, v14  }
0x6c3: {  	[tilespmem:s2+$0xF0] =	vst v10;
	v19 =	vld.idx.msk [tilespmem:v19+s13+$0x0], $0xffff;
	v59 =	vadd.s32 s22, v52;
	v16 =	vadd.s32 v7, v57  }
0x6c4: {  	[tilespmem:s2+$0xFFFFFFF0] =	vst v8;
	v13 =	vld.idx.msk [tilespmem:v13+s13+$0x0], $0xffff;
	v17 =	vadd.s32 v7, v59  }
0x6c5: {  	[tilespmem:s7+$0xF0] =	vst v56;
	v8 =	vld.idx.msk [tilespmem:v53+s13+$0x0], $0xffff  }
0x6c6: {  	[tilespmem:s2+$0x70] =	vst v54;
	v60 =	vld.idx.msk [tilespmem:v55+s13+$0x0], $0xffff  }
0x6c7: {  	[tilespmem:s7+$0xFFFFFF70] =	vst v58;
	v61 =	vld.idx.msk [tilespmem:v14+s13+$0x0], $0xffff  }
0x6c8: {  	[tilespmem:s2+$0xFFFFFF70] =	vst v19;
	v62 =	vld.idx.msk [tilespmem:v16+s13+$0x0], $0xffff  }
0x6c9: {  	[tilespmem:s7+$0xFFFFFFF0] =	vst v13;
	v63 =	vld.idx.msk [tilespmem:v17+s13+$0x0], $0xffff  }
0x6ca: {  	[tilespmem:s7+$0x70] =	vst v8  }
0x6cb: {  	[tilespmem:s20+$0xF0] =	vst v60  }
0x6cc: {  	[tilespmem:s20+$0xFFFFFF70] =	vst v61  }
0x6cd: {  	[tilespmem:s20+$0xFFFFFFF0] =	vst v62  }
0x6ce: {  	s0 =	simm.s32 $0x1C;
	s1 =	simm.s32 $0x70F0;
	[tilespmem:s20+$0x70] =	vst v63  }
.LBB2_24:
0x6cf: {  	v8 =	vld [tilespmem:$0x80];
	_ =	sdelay $0x4  }
0x6d0: {  	v8 =	vadd.s32 s0, v8  }
0x6d1: {  	v8 =	vadd.s32 v0, v8;
	_ =	sdelay $0x4  }
0x6d2: {  	v8 =	vld.idx.msk [tilespmem:v8+s13+$0x0], $0xffff;
	_ =	sdelay $0x4  }
0x6d3: {  	[tilespmem:s1+$0xFFFFFF90] =	vst v8  }
0x6d4: {  	v8 =	vld [tilespmem:$0x90];
	_ =	sdelay $0x4  }
0x6d5: {  	v8 =	vadd.s32 s0, v8  }
0x6d6: {  	v8 =	vadd.s32 v1, v8;
	_ =	sdelay $0x4  }
0x6d7: {  	v8 =	vld.idx.msk [tilespmem:v8+s13+$0x0], $0xffff;
	_ =	sdelay $0x4  }
0x6d8: {  	[tilespmem:s1+$0xFFFFFFA0] =	vst v8  }
0x6d9: {  	v8 =	vld [tilespmem:$0xA0];
	_ =	sdelay $0x4  }
0x6da: {  	v8 =	vadd.s32 s0, v8  }
0x6db: {  	v8 =	vadd.s32 v2, v8;
	_ =	sdelay $0x4  }
0x6dc: {  	v8 =	vld.idx.msk [tilespmem:v8+s13+$0x0], $0xffff;
	_ =	sdelay $0x4  }
0x6dd: {  	[tilespmem:s1+$0xFFFFFFB0] =	vst v8  }
0x6de: {  	v8 =	vld [tilespmem:$0xB0];
	_ =	sdelay $0x4  }
0x6df: {  	v8 =	vadd.s32 s0, v8  }
0x6e0: {  	v8 =	vadd.s32 v3, v8;
	_ =	sdelay $0x4  }
0x6e1: {  	v8 =	vld.idx.msk [tilespmem:v8+s13+$0x0], $0xffff;
	_ =	sdelay $0x4  }
0x6e2: {  	[tilespmem:s1+$0xFFFFFFC0] =	vst v8  }
0x6e3: {  	v8 =	vld [tilespmem:$0xC0];
	_ =	sdelay $0x4  }
0x6e4: {  	v8 =	vadd.s32 s0, v8  }
0x6e5: {  	v8 =	vadd.s32 v4, v8;
	_ =	sdelay $0x4  }
0x6e6: {  	v8 =	vld.idx.msk [tilespmem:v8+s13+$0x0], $0xffff;
	_ =	sdelay $0x4  }
0x6e7: {  	[tilespmem:s1+$0xFFFFFFD0] =	vst v8  }
0x6e8: {  	v8 =	vld [tilespmem:$0xD0];
	_ =	sdelay $0x4  }
0x6e9: {  	v8 =	vadd.s32 s0, v8  }
0x6ea: {  	v8 =	vadd.s32 v5, v8;
	_ =	sdelay $0x4  }
0x6eb: {  	v8 =	vld.idx.msk [tilespmem:v8+s13+$0x0], $0xffff;
	_ =	sdelay $0x4  }
0x6ec: {  	[tilespmem:s1+$0xFFFFFFE0] =	vst v8  }
0x6ed: {  	v8 =	vld [tilespmem:$0xE0];
	_ =	sdelay $0x4  }
0x6ee: {  	v8 =	vadd.s32 s0, v8  }
0x6ef: {  	v8 =	vadd.s32 v6, v8;
	_ =	sdelay $0x4  }
0x6f0: {  	v8 =	vld.idx.msk [tilespmem:v8+s13+$0x0], $0xffff;
	_ =	sdelay $0x4  }
0x6f1: {  	[tilespmem:s1+$0xFFFFFFF0] =	vst v8  }
0x6f2: {  	v8 =	vld [tilespmem:$0xF0];
	_ =	sdelay $0x4  }
0x6f3: {  	v8 =	vadd.s32 s0, v8  }
0x6f4: {  	v8 =	vadd.s32 v7, v8;
	_ =	sdelay $0x4  }
0x6f5: {  	p0 =	sne.s32 s0, $0x1E;
	v8 =	vld.idx.msk [tilespmem:v8+s13+$0x0], $0xffff  }
.Ltmp16:
0x6f6: {  	_ = 	snop;
	(pc) =	sbr.rel @p0 .LBB2_24-.Ltmp16, $2  }
0x6f7: {  	_ =	sdelay $0x2  }
0x6f8: {  	s0 =	sadd.s32 $0x1, s0;
	[tilespmem:s1+$0x0] =	vst v8;
	s1 =	sadd.s32 $0x80, s1  }
0x6f9: {  	s0 =	rddreg [dreg:$0xa]  }
0x6fa: {  	s0 =	smul.u32 $0x4B1400, s0;
	_ =	sdelay $0x1  }
0x6fb: {  	s0 =	sadd.s32 s0, s31  }
0x6fc: {  	s0 =	sadd.s32 $0x48A800, s0  }
0x6fd: {  	s1 =	rddreg [dreg:$0x1];
	s0 =	sshrl.u32 s0, $0x3  }
0x6fe: {  	s29 =	simm.s32 $0x6280;
	s30 =	simm.s32 $0x5;
	s0 =	sadd.s32 s1, s0  }
0x6ff: {  	[hbm4b:s0+s10] =	stream.strided.scatter [tilespmem:s29], [sflag:$0x4], $0xF80, s19, s10, $0x38;
	[tilespmem:$0x9100] =	vst v63  }
0x700: {  	_ =	swait.ge [sflag:s30], $0xF80  }
0x701: {  	[sflag:s30] =	ssyncset.done $0x0  }
0x702: {  	s31 =	simm.s32 $0x6;
	[sflag:s30] =	ssyncadd.s32 $0xFFFFF080  }
0x703: {  	_ =	swait.ge [sflag:s31], $0xF80  }
.Ltmp17:
0x704: {  	[sflag:s31] =	ssyncset.done $0x0;
	(pc) =	sbr.rel .LBB2_26-.Ltmp17, $4  }
0x705: {  	[sflag:s31] =	ssyncadd.s32 $0xFFFFF080  }
0x706: {  	_ =	swait.ge [sflag:s23], $0xF80  }
0x707: {  	[sflag:s23] =	ssyncset.done $0x0;
	s2 =	rddreg [dreg:$0x7]  }
0x708: {  	s1 =	rddreg [dreg:$0x9];
	[sflag:s23] =	ssyncadd.s32 $0xFFFFF080  }
.LBB2_28:
0x709: {  	_ =	sfence.sel $0x180000  }
0x70a: {  	[bflag:$0x0] =	sbarrier.arrive $0xFFFF  }
0x70b: {  	_ =	strace $0x90000047  }
0x70c: {  	s0 =	stileid.u32;
	[bflag:$0x2] =	sbarrier.arrive $0xFFFF  }
0x70d: {  	p0 =	sne.s32 s0, $0x0;
	s0 =	rddreg [dreg:$0x2]  }
0x70e: {  	s0 =	sadd.s32 @!p0 $0x100000, s0  }
0x70f: {  	[sflag:s0] =	ssyncadd.tile.s32 @!p0 $0x1;
	_ =	shalt  }
.Lfunc_end2:
_tile_overlayer_lowered:
.L_overlay_start_2:
0x710: {  	(tag) =	ssettag $0x2  }
0x711: {  	s0 =	rddreg [dreg:$0x0];
	s2 =	stileid.u32  }
0x712: {  	s1 =	rddreg [dreg:$0x1];
	p0 =	sne.s32 s2, $0x0  }
0x713: {  	s3 =	rddreg [dreg:$0x2];
	[bflag:$0x3] =	sbarrier.arrive $0xFFFF;
	s2 =	simm.s32 @!p0 $0x1C08  }
0x714: {  	[timem:s3], [sflag:s2] =	dma.local @!p0 [hbm:s0], s1  }
0x715: {  	s0 =	simm.s32 @!p0 $0x8  }
0x716: {  	_ =	swait.ge @!p0 [sflag:s0], s1  }
0x717: {  	s1 =	ssub.s32 @!p0 $0x0, s1;
	[sflag:s0] =	ssyncset.done @!p0 $0x0  }
0x718: {  	[sflag:s0] =	ssyncadd.s32 @!p0 s1  }
0x719: {  	[bflag:$0x3] =	sbarrier.arrive $0xFFFF  }
0x71a: {  	_ =	shalt  }

</sc_bundles>
